<compile_context>
chip_gen: v7x
topology: tpu7x:2x2x1
jax: 0.10.2.dev20260603
libtpu: 0.0.44.dev20260713+nightly
codegen_flags: <defaults>
</compile_context>

<pallas_src>
import functools

import jax
import jax.numpy as jnp
from jax import lax
from jax.experimental import pallas as pl
from jax.experimental.pallas import tpu as pltpu
from jax.experimental.pallas import tpu_sc as plsc

LANES = 16
N_TILES = 16
N_CORES = 2
CHUNK = 128



def _mm_body(x_ref, w_ref, lo_ref, hi_ref):
    s = jnp.dot(x_ref[...], w_ref[...], preferred_element_type=jnp.float32)
    h = s.shape[1] // 2
    lo_ref[...] = s[:, :h]
    hi_ref[...] = s[:, h:]


def _matmul_halves(x, W):
    n, f = x.shape
    o = W.shape[1]
    h = o // 2
    blk = 1000
    grid = (n // blk,)
    return pl.pallas_call(
        _mm_body,
        grid=grid,
        in_specs=[
            pl.BlockSpec((blk, f), lambda i: (i, 0)),
            pl.BlockSpec((f, o), lambda i: (0, 0)),
        ],
        out_specs=[
            pl.BlockSpec((blk, h), lambda i: (i, 0)),
            pl.BlockSpec((blk, h), lambda i: (i, 0)),
        ],
        out_shape=[
            jax.ShapeDtypeStruct((n, h), jnp.float32),
            jax.ShapeDtypeStruct((n, h), jnp.float32),
        ],
    )(x, W)



def _make_sc_agg(n_nodes, half, n_chunks):
    rows_per_tile = n_nodes // N_TILES
    wb_chunk = CHUNK
    n_wb = rows_per_tile // wb_chunk
    mesh = plsc.VectorSubcoreMesh(core_axis_name="c", subcore_axis_name="s",
                                  num_cores=N_CORES, num_subcores=N_TILES)

    @functools.partial(
        pl.kernel,
        out_type=[
            jax.ShapeDtypeStruct((n_nodes, half), jnp.float32),
            jax.ShapeDtypeStruct((n_nodes, half), jnp.float32),
        ],
        mesh=mesh,
        scratch_types=[
            pltpu.VMEM((n_chunks, CHUNK), jnp.int32),
            pltpu.VMEM((n_chunks, CHUNK), jnp.int32),
            pltpu.VMEM((n_chunks, CHUNK), jnp.float32),
            pltpu.VMEM((CHUNK, half), jnp.float32),
            pltpu.VMEM_SHARED((n_nodes, half), jnp.float32),
            pltpu.SemaphoreType.DMA,
        ],
    )
    def sc_agg(src_hbm, dst_hbm, w_hbm, lo_hbm, hi_hbm, out_lo, out_hi,
               src_v, dst_v, w_v, rows, acc, sem):
        c = lax.axis_index("c")
        t = lax.axis_index("s")

        pltpu.sync_copy(src_hbm.at[t], src_v)
        pltpu.sync_copy(dst_hbm.at[t], dst_v)
        pltpu.sync_copy(w_hbm.at[t], w_v)

        def _zero_row(r, carry):
            for j in range(half // LANES):
                rows[r, pl.ds(j * LANES, LANES)] = jnp.zeros(
                    (LANES,), jnp.float32)
            return carry
        lax.fori_loop(0, wb_chunk, _zero_row, 0)
        for q in range(n_wb):
            pltpu.sync_copy(
                rows.at[pl.ds(0, wb_chunk)],
                acc.at[pl.ds(t * rows_per_tile + q * wb_chunk, wb_chunk)])
        plsc.subcore_barrier()

        def _pipeline(sup_hbm):
            def _chunk(ci, carry):
                pltpu.async_copy(sup_hbm.at[src_v.at[ci]], rows, sem).wait()

                def _scale16(g, inner):
                    base = g * LANES
                    wvec = w_v[ci, pl.ds(base, LANES)]
                    for lane in range(LANES):
                        wv = wvec[lane]
                        for j in range(half // LANES):
                            sl = pl.ds(j * LANES, LANES)
                            rows[base + lane, sl] = rows[base + lane, sl] * wv
                    return inner
                lax.fori_loop(0, CHUNK // LANES, _scale16, 0)
                pltpu.sync_copy(rows, acc.at[dst_v.at[ci]], add=True)
                return carry
            lax.fori_loop(0, n_chunks, _chunk, 0)

        pl.when(c == 0)(lambda: _pipeline(lo_hbm))
        pl.when(c == 1)(lambda: _pipeline(hi_hbm))
        plsc.subcore_barrier()

        def _writeback(out_hbm):
            for q in range(n_wb):
                row0 = t * rows_per_tile + q * wb_chunk
                pltpu.sync_copy(acc.at[pl.ds(row0, wb_chunk)],
                                rows.at[pl.ds(0, wb_chunk)])
                pltpu.sync_copy(rows.at[pl.ds(0, wb_chunk)],
                                out_hbm.at[pl.ds(row0, wb_chunk)])

        pl.when(c == 0)(lambda: _writeback(out_lo))
        pl.when(c == 1)(lambda: _writeback(out_hi))

    return sc_agg



def kernel(x, edge_index, edge_weight, W, b):
    n_nodes = x.shape[0]
    n_edges = edge_weight.shape[0]
    half = W.shape[1] // 2

    lo, hi = _matmul_halves(x, W)

    per_tile = -(-n_edges // (N_TILES * CHUNK)) * CHUNK
    e_pad = per_tile * N_TILES
    pad = e_pad - n_edges
    src = jnp.pad(edge_index[0].astype(jnp.int32), (0, pad))
    dst = jnp.pad(edge_index[1].astype(jnp.int32), (0, pad))
    ew = jnp.pad(edge_weight.astype(jnp.float32), (0, pad))
    n_chunks = per_tile // CHUNK
    src3 = src.reshape(N_TILES, n_chunks, CHUNK)
    dst3 = dst.reshape(N_TILES, n_chunks, CHUNK)
    ew3 = ew.reshape(N_TILES, n_chunks, CHUNK)

    n_pad = -(-n_nodes // (N_TILES * CHUNK)) * (N_TILES * CHUNK)
    sc_agg = _make_sc_agg(n_pad, half, n_chunks)
    out_lo, out_hi = sc_agg(src3, dst3, ew3, lo, hi)
    return jnp.concatenate([out_lo[:n_nodes], out_hi[:n_nodes]], axis=1) + b

# --- scband reference (transcript-rebuilt; emitter-appended) ---
"""Pipeline reference for scband-graph-convolution-4801773437395 (READ-ONLY COPY).

The authoritative reference and input builder live on the scoring server;
editing this copy changes nothing except your own understanding.
"""

import jax, jax.numpy as jnp
import numpy as np

N_NODES = 10000
N_EDGES = 160000
IN_F = 256
OUT_F = 256


def setup_inputs(seed: int = 0) -> dict:
    key = jax.random.key(seed)
    k_x, k_ei, k_ew, k_w = jax.random.split(key, 4)
    x = jax.random.normal(k_x, (N_NODES, IN_F), dtype=jnp.float32)
    edge_index = jax.random.randint(k_ei, (2, N_EDGES), 0, N_NODES, dtype=jnp.int64)
    edge_weight = jax.random.uniform(k_ew, (N_EDGES,), dtype=jnp.float32)
    # xavier_normal_ init for weight [in_feature, out_feature]
    std = float(np.sqrt(2.0 / (IN_F + OUT_F)))
    W = jax.random.normal(k_w, (IN_F, OUT_F), dtype=jnp.float32) * std
    b = jnp.zeros((OUT_F,), dtype=jnp.float32)
    return {"x": x, "edge_index": edge_index, "edge_weight": edge_weight, "W": W, "b": b}


def reference(x, edge_index, edge_weight, W, b):
    # support = x @ weight  (dense matmul)
    support = jnp.dot(x, W)
    # output = sparse.mm(adj, support): adj in COO form (edge_index, edge_weight)
    # adj[dst, src] = edge_weight -> out[dst] = sum_e w_e * support[src_e]
    src = edge_index[0]
    dst = edge_index[1]
    msgs = jnp.take(support, src, axis=0) * edge_weight[:, None]
    output = jax.ops.segment_sum(msgs, dst, num_segments=x.shape[0])
    return output + b

if __name__ == "__main__":
    import jax
    _d = setup_inputs()
    print(jax.jit(kernel)(*tuple(_d.values())))

</pallas_src>

<mosaic_0001>
#map = affine_map<(d0, d1) -> (0, 0, 0)>
#map1 = affine_map<(d0, d1) -> (0, 0)>
module attributes {stable_mosaic.version = 14 : i64} {
  func.func @sc_agg(%arg0: i32, %arg1: i32, %arg2: memref<16x79x128xi32, #tpu.memory_space<hbm>>, %arg3: memref<16x79x128xi32, #tpu.memory_space<hbm>>, %arg4: memref<16x79x128xf32, #tpu.memory_space<hbm>>, %arg5: memref<10000x128xf32, #tpu.memory_space<hbm>>, %arg6: memref<10000x128xf32, #tpu.memory_space<hbm>>, %arg7: memref<10240x128xf32, #tpu.memory_space<hbm>>, %arg8: memref<10240x128xf32, #tpu.memory_space<hbm>>, %arg9: memref<79x128xi32, #tpu.memory_space<vmem>>, %arg10: memref<79x128xi32, #tpu.memory_space<vmem>>, %arg11: memref<79x128xf32, #tpu.memory_space<vmem>>, %arg12: memref<128x128xf32, #tpu.memory_space<vmem>>, %arg13: memref<10240x128xf32, #tpu.memory_space<vmem_shared>>, %arg14: memref<!tpu.dma_semaphore, #tpu.memory_space<semaphore_mem>>) attributes {dimension_semantics = [#tpu.dimension_semantics<core_parallel>, #tpu.dimension_semantics<subcore_parallel>], iteration_bounds = array<i64: 2, 16>, scalar_prefetch = 0 : i64, scratch_operands = 6 : i64, tpu.core_type = #tpu.core_type<sc_vector_subcore>, window_params = [{transform_indices = #map}, {transform_indices = #map}, {transform_indices = #map}, {transform_indices = #map1}, {transform_indices = #map1}, {transform_indices = #map1}, {transform_indices = #map1}]} {
    "tpu.region"() ({
      %run_scoped3A = tpu.sem_alloc : memref<!tpu.dma_semaphore, #tpu.memory_space<semaphore_mem>>
      %dma_start3A = arith.constant 0 : i32
      %dma_start3A_41 = arith.constant 0 : i32
      %dma_start3A_42 = tpu.memref_slice %arg2[%arg1, %dma_start3A, %dma_start3A_41] : memref<16x79x128xi32, #tpu.memory_space<hbm>> -> memref<1x79x128xi32, #tpu.memory_space<hbm>>
      %dma_start3A_43 = tpu.memref_squeeze %dma_start3A_42 : memref<1x79x128xi32, #tpu.memory_space<hbm>> -> memref<79x128xi32, #tpu.memory_space<hbm>>
      %dma_start3A_44 = arith.constant 0 : i32
      %dma_start3A_45 = arith.constant 0 : i32
      %dma_start3A_46 = tpu.memref_slice %arg2[%arg1, %dma_start3A_44, %dma_start3A_45] : memref<16x79x128xi32, #tpu.memory_space<hbm>> -> memref<1x79x128xi32, #tpu.memory_space<hbm>>
      %dma_start3A_47 = tpu.memref_squeeze %dma_start3A_46 : memref<1x79x128xi32, #tpu.memory_space<hbm>> -> memref<79x128xi32, #tpu.memory_space<hbm>>
      tpu.enqueue_dma source(%dma_start3A_47 : memref<79x128xi32, #tpu.memory_space<hbm>>) target(%arg9 : memref<79x128xi32, #tpu.memory_space<vmem>>) target_semaphore(%run_scoped3A : memref<!tpu.dma_semaphore, #tpu.memory_space<semaphore_mem>>)
      %dma_wait3A = arith.constant 0 : i32
      %dma_wait3A_48 = arith.constant 0 : i32
      %dma_wait3A_49 = tpu.memref_slice %arg2[%arg1, %dma_wait3A, %dma_wait3A_48] : memref<16x79x128xi32, #tpu.memory_space<hbm>> -> memref<1x79x128xi32, #tpu.memory_space<hbm>>
      %dma_wait3A_50 = tpu.memref_squeeze %dma_wait3A_49 : memref<1x79x128xi32, #tpu.memory_space<hbm>> -> memref<79x128xi32, #tpu.memory_space<hbm>>
      %dma_wait3A_51 = arith.constant 0 : i32
      %dma_wait3A_52 = arith.constant 0 : i32
      %dma_wait3A_53 = tpu.memref_slice %arg2[%arg1, %dma_wait3A_51, %dma_wait3A_52] : memref<16x79x128xi32, #tpu.memory_space<hbm>> -> memref<1x79x128xi32, #tpu.memory_space<hbm>>
      %dma_wait3A_54 = tpu.memref_squeeze %dma_wait3A_53 : memref<1x79x128xi32, #tpu.memory_space<hbm>> -> memref<79x128xi32, #tpu.memory_space<hbm>>
      tpu.wait_dma2 semaphore(%run_scoped3A : memref<!tpu.dma_semaphore, #tpu.memory_space<semaphore_mem>>) src(%dma_wait3A_54 : memref<79x128xi32, #tpu.memory_space<hbm>>) dst(%arg9 : memref<79x128xi32, #tpu.memory_space<vmem>>)
      tpu.yield
    }) : () -> ()
    "tpu.region"() ({
      %run_scoped3A = tpu.sem_alloc : memref<!tpu.dma_semaphore, #tpu.memory_space<semaphore_mem>>
      %dma_start3A = arith.constant 0 : i32
      %dma_start3A_41 = arith.constant 0 : i32
      %dma_start3A_42 = tpu.memref_slice %arg3[%arg1, %dma_start3A, %dma_start3A_41] : memref<16x79x128xi32, #tpu.memory_space<hbm>> -> memref<1x79x128xi32, #tpu.memory_space<hbm>>
      %dma_start3A_43 = tpu.memref_squeeze %dma_start3A_42 : memref<1x79x128xi32, #tpu.memory_space<hbm>> -> memref<79x128xi32, #tpu.memory_space<hbm>>
      %dma_start3A_44 = arith.constant 0 : i32
      %dma_start3A_45 = arith.constant 0 : i32
      %dma_start3A_46 = tpu.memref_slice %arg3[%arg1, %dma_start3A_44, %dma_start3A_45] : memref<16x79x128xi32, #tpu.memory_space<hbm>> -> memref<1x79x128xi32, #tpu.memory_space<hbm>>
      %dma_start3A_47 = tpu.memref_squeeze %dma_start3A_46 : memref<1x79x128xi32, #tpu.memory_space<hbm>> -> memref<79x128xi32, #tpu.memory_space<hbm>>
      tpu.enqueue_dma source(%dma_start3A_47 : memref<79x128xi32, #tpu.memory_space<hbm>>) target(%arg10 : memref<79x128xi32, #tpu.memory_space<vmem>>) target_semaphore(%run_scoped3A : memref<!tpu.dma_semaphore, #tpu.memory_space<semaphore_mem>>)
      %dma_wait3A = arith.constant 0 : i32
      %dma_wait3A_48 = arith.constant 0 : i32
      %dma_wait3A_49 = tpu.memref_slice %arg3[%arg1, %dma_wait3A, %dma_wait3A_48] : memref<16x79x128xi32, #tpu.memory_space<hbm>> -> memref<1x79x128xi32, #tpu.memory_space<hbm>>
      %dma_wait3A_50 = tpu.memref_squeeze %dma_wait3A_49 : memref<1x79x128xi32, #tpu.memory_space<hbm>> -> memref<79x128xi32, #tpu.memory_space<hbm>>
      %dma_wait3A_51 = arith.constant 0 : i32
      %dma_wait3A_52 = arith.constant 0 : i32
      %dma_wait3A_53 = tpu.memref_slice %arg3[%arg1, %dma_wait3A_51, %dma_wait3A_52] : memref<16x79x128xi32, #tpu.memory_space<hbm>> -> memref<1x79x128xi32, #tpu.memory_space<hbm>>
      %dma_wait3A_54 = tpu.memref_squeeze %dma_wait3A_53 : memref<1x79x128xi32, #tpu.memory_space<hbm>> -> memref<79x128xi32, #tpu.memory_space<hbm>>
      tpu.wait_dma2 semaphore(%run_scoped3A : memref<!tpu.dma_semaphore, #tpu.memory_space<semaphore_mem>>) src(%dma_wait3A_54 : memref<79x128xi32, #tpu.memory_space<hbm>>) dst(%arg10 : memref<79x128xi32, #tpu.memory_space<vmem>>)
      tpu.yield
    }) : () -> ()
    "tpu.region"() ({
      %run_scoped3A = tpu.sem_alloc : memref<!tpu.dma_semaphore, #tpu.memory_space<semaphore_mem>>
      %dma_start3A = arith.constant 0 : i32
      %dma_start3A_41 = arith.constant 0 : i32
      %dma_start3A_42 = tpu.memref_slice %arg4[%arg1, %dma_start3A, %dma_start3A_41] : memref<16x79x128xf32, #tpu.memory_space<hbm>> -> memref<1x79x128xf32, #tpu.memory_space<hbm>>
      %dma_start3A_43 = tpu.memref_squeeze %dma_start3A_42 : memref<1x79x128xf32, #tpu.memory_space<hbm>> -> memref<79x128xf32, #tpu.memory_space<hbm>>
      %dma_start3A_44 = arith.constant 0 : i32
      %dma_start3A_45 = arith.constant 0 : i32
      %dma_start3A_46 = tpu.memref_slice %arg4[%arg1, %dma_start3A_44, %dma_start3A_45] : memref<16x79x128xf32, #tpu.memory_space<hbm>> -> memref<1x79x128xf32, #tpu.memory_space<hbm>>
      %dma_start3A_47 = tpu.memref_squeeze %dma_start3A_46 : memref<1x79x128xf32, #tpu.memory_space<hbm>> -> memref<79x128xf32, #tpu.memory_space<hbm>>
      tpu.enqueue_dma source(%dma_start3A_47 : memref<79x128xf32, #tpu.memory_space<hbm>>) target(%arg11 : memref<79x128xf32, #tpu.memory_space<vmem>>) target_semaphore(%run_scoped3A : memref<!tpu.dma_semaphore, #tpu.memory_space<semaphore_mem>>)
      %dma_wait3A = arith.constant 0 : i32
      %dma_wait3A_48 = arith.constant 0 : i32
      %dma_wait3A_49 = tpu.memref_slice %arg4[%arg1, %dma_wait3A, %dma_wait3A_48] : memref<16x79x128xf32, #tpu.memory_space<hbm>> -> memref<1x79x128xf32, #tpu.memory_space<hbm>>
      %dma_wait3A_50 = tpu.memref_squeeze %dma_wait3A_49 : memref<1x79x128xf32, #tpu.memory_space<hbm>> -> memref<79x128xf32, #tpu.memory_space<hbm>>
      %dma_wait3A_51 = arith.constant 0 : i32
      %dma_wait3A_52 = arith.constant 0 : i32
      %dma_wait3A_53 = tpu.memref_slice %arg4[%arg1, %dma_wait3A_51, %dma_wait3A_52] : memref<16x79x128xf32, #tpu.memory_space<hbm>> -> memref<1x79x128xf32, #tpu.memory_space<hbm>>
      %dma_wait3A_54 = tpu.memref_squeeze %dma_wait3A_53 : memref<1x79x128xf32, #tpu.memory_space<hbm>> -> memref<79x128xf32, #tpu.memory_space<hbm>>
      tpu.wait_dma2 semaphore(%run_scoped3A : memref<!tpu.dma_semaphore, #tpu.memory_space<semaphore_mem>>) src(%dma_wait3A_54 : memref<79x128xf32, #tpu.memory_space<hbm>>) dst(%arg11 : memref<79x128xf32, #tpu.memory_space<vmem>>)
      tpu.yield
    }) : () -> ()
    %scan3A = arith.constant 0 : i32
    %scan3A_0 = arith.constant 0 : i32
    %scan3A_1 = arith.constant 128 : i32
    %scan3A_2 = arith.addi %scan3A_0, %scan3A_1 : i32
    %scan3A_3 = arith.constant 1 : i32
    scf.for %scan3A_41 = %scan3A_0 to %scan3A_2 step %scan3A_3  : i32 {
      %broadcast_in_dim3A = arith.constant 0.000000e+00 : f32
      %broadcast_in_dim3A_42 = vector.broadcast %broadcast_in_dim3A : f32 to vector<16xf32>
      %swap3A = arith.index_cast %scan3A_41 : i32 to index
      %swap3A_43 = arith.constant 0 : index
      %swap3A_44 = tpu.vector_load %arg12[%swap3A, %swap3A_43] {strides = array<i32>} : memref<128x128xf32, #tpu.memory_space<vmem>>, vector<1x16xf32>,
      %swap3A_45 = vector.shape_cast %swap3A_44 : vector<1x16xf32> to vector<16xf32>
      %swap3A_46 = vector.shape_cast %broadcast_in_dim3A_42 : vector<16xf32> to vector<1x16xf32>
      tpu.vector_store %arg12[%swap3A, %swap3A_43], %swap3A_46 {strides = array<i32>} : memref<128x128xf32, #tpu.memory_space<vmem>>, vector<1x16xf32>,
      %broadcast_in_dim3A_47 = arith.constant 0.000000e+00 : f32
      %broadcast_in_dim3A_48 = vector.broadcast %broadcast_in_dim3A_47 : f32 to vector<16xf32>
      %swap3A_49 = arith.index_cast %scan3A_41 : i32 to index
      %swap3A_50 = arith.constant 16 : index
      %swap3A_51 = tpu.vector_load %arg12[%swap3A_49, %swap3A_50] {strides = array<i32>} : memref<128x128xf32, #tpu.memory_space<vmem>>, vector<1x16xf32>,
      %swap3A_52 = vector.shape_cast %swap3A_51 : vector<1x16xf32> to vector<16xf32>
      %swap3A_53 = vector.shape_cast %broadcast_in_dim3A_48 : vector<16xf32> to vector<1x16xf32>
      tpu.vector_store %arg12[%swap3A_49, %swap3A_50], %swap3A_53 {strides = array<i32>} : memref<128x128xf32, #tpu.memory_space<vmem>>, vector<1x16xf32>,
      %broadcast_in_dim3A_54 = arith.constant 0.000000e+00 : f32
      %broadcast_in_dim3A_55 = vector.broadcast %broadcast_in_dim3A_54 : f32 to vector<16xf32>
      %swap3A_56 = arith.index_cast %scan3A_41 : i32 to index
      %swap3A_57 = arith.constant 32 : index
      %swap3A_58 = tpu.vector_load %arg12[%swap3A_56, %swap3A_57] {strides = array<i32>} : memref<128x128xf32, #tpu.memory_space<vmem>>, vector<1x16xf32>,
      %swap3A_59 = vector.shape_cast %swap3A_58 : vector<1x16xf32> to vector<16xf32>
      %swap3A_60 = vector.shape_cast %broadcast_in_dim3A_55 : vector<16xf32> to vector<1x16xf32>
      tpu.vector_store %arg12[%swap3A_56, %swap3A_57], %swap3A_60 {strides = array<i32>} : memref<128x128xf32, #tpu.memory_space<vmem>>, vector<1x16xf32>,
      %broadcast_in_dim3A_61 = arith.constant 0.000000e+00 : f32
      %broadcast_in_dim3A_62 = vector.broadcast %broadcast_in_dim3A_61 : f32 to vector<16xf32>
      %swap3A_63 = arith.index_cast %scan3A_41 : i32 to index
      %swap3A_64 = arith.constant 48 : index
      %swap3A_65 = tpu.vector_load %arg12[%swap3A_63, %swap3A_64] {strides = array<i32>} : memref<128x128xf32, #tpu.memory_space<vmem>>, vector<1x16xf32>,
      %swap3A_66 = vector.shape_cast %swap3A_65 : vector<1x16xf32> to vector<16xf32>
      %swap3A_67 = vector.shape_cast %broadcast_in_dim3A_62 : vector<16xf32> to vector<1x16xf32>
      tpu.vector_store %arg12[%swap3A_63, %swap3A_64], %swap3A_67 {strides = array<i32>} : memref<128x128xf32, #tpu.memory_space<vmem>>, vector<1x16xf32>,
      %broadcast_in_dim3A_68 = arith.constant 0.000000e+00 : f32
      %broadcast_in_dim3A_69 = vector.broadcast %broadcast_in_dim3A_68 : f32 to vector<16xf32>
      %swap3A_70 = arith.index_cast %scan3A_41 : i32 to index
      %swap3A_71 = arith.constant 64 : index
      %swap3A_72 = tpu.vector_load %arg12[%swap3A_70, %swap3A_71] {strides = array<i32>} : memref<128x128xf32, #tpu.memory_space<vmem>>, vector<1x16xf32>,
      %swap3A_73 = vector.shape_cast %swap3A_72 : vector<1x16xf32> to vector<16xf32>
      %swap3A_74 = vector.shape_cast %broadcast_in_dim3A_69 : vector<16xf32> to vector<1x16xf32>
      tpu.vector_store %arg12[%swap3A_70, %swap3A_71], %swap3A_74 {strides = array<i32>} : memref<128x128xf32, #tpu.memory_space<vmem>>, vector<1x16xf32>,
      %broadcast_in_dim3A_75 = arith.constant 0.000000e+00 : f32
      %broadcast_in_dim3A_76 = vector.broadcast %broadcast_in_dim3A_75 : f32 to vector<16xf32>
      %swap3A_77 = arith.index_cast %scan3A_41 : i32 to index
      %swap3A_78 = arith.constant 80 : index
      %swap3A_79 = tpu.vector_load %arg12[%swap3A_77, %swap3A_78] {strides = array<i32>} : memref<128x128xf32, #tpu.memory_space<vmem>>, vector<1x16xf32>,
      %swap3A_80 = vector.shape_cast %swap3A_79 : vector<1x16xf32> to vector<16xf32>
      %swap3A_81 = vector.shape_cast %broadcast_in_dim3A_76 : vector<16xf32> to vector<1x16xf32>
      tpu.vector_store %arg12[%swap3A_77, %swap3A_78], %swap3A_81 {strides = array<i32>} : memref<128x128xf32, #tpu.memory_space<vmem>>, vector<1x16xf32>,
      %broadcast_in_dim3A_82 = arith.constant 0.000000e+00 : f32
      %broadcast_in_dim3A_83 = vector.broadcast %broadcast_in_dim3A_82 : f32 to vector<16xf32>
      %swap3A_84 = arith.index_cast %scan3A_41 : i32 to index
      %swap3A_85 = arith.constant 96 : index
      %swap3A_86 = tpu.vector_load %arg12[%swap3A_84, %swap3A_85] {strides = array<i32>} : memref<128x128xf32, #tpu.memory_space<vmem>>, vector<1x16xf32>,
      %swap3A_87 = vector.shape_cast %swap3A_86 : vector<1x16xf32> to vector<16xf32>
      %swap3A_88 = vector.shape_cast %broadcast_in_dim3A_83 : vector<16xf32> to vector<1x16xf32>
      tpu.vector_store %arg12[%swap3A_84, %swap3A_85], %swap3A_88 {strides = array<i32>} : memref<128x128xf32, #tpu.memory_space<vmem>>, vector<1x16xf32>,
      %broadcast_in_dim3A_89 = arith.constant 0.000000e+00 : f32
      %broadcast_in_dim3A_90 = vector.broadcast %broadcast_in_dim3A_89 : f32 to vector<16xf32>
      %swap3A_91 = arith.index_cast %scan3A_41 : i32 to index
      %swap3A_92 = arith.constant 112 : index
      %swap3A_93 = tpu.vector_load %arg12[%swap3A_91, %swap3A_92] {strides = array<i32>} : memref<128x128xf32, #tpu.memory_space<vmem>>, vector<1x16xf32>,
      %swap3A_94 = vector.shape_cast %swap3A_93 : vector<1x16xf32> to vector<16xf32>
      %swap3A_95 = vector.shape_cast %broadcast_in_dim3A_90 : vector<16xf32> to vector<1x16xf32>
      tpu.vector_store %arg12[%swap3A_91, %swap3A_92], %swap3A_95 {strides = array<i32>} : memref<128x128xf32, #tpu.memory_space<vmem>>, vector<1x16xf32>,
    }
    %scan3A_4 = arith.constant 128 : i32
    %mul3A = arith.constant 640 : i32
    %mul3A_5 = arith.muli %arg1, %mul3A : i32
    %add3A = arith.constant 0 : i32
    %add3A_6 = arith.addi %mul3A_5, %add3A : i32
    "tpu.region"() ({
      %run_scoped3A = tpu.sem_alloc : memref<!tpu.dma_semaphore, #tpu.memory_space<semaphore_mem>>
      %dma_start3A = arith.constant 0 : i32
      %dma_start3A_41 = arith.constant 0 : i32
      %dma_start3A_42 = tpu.memref_slice %arg12[%dma_start3A, %dma_start3A_41] : memref<128x128xf32, #tpu.memory_space<vmem>> -> memref<128x128xf32, #tpu.memory_space<vmem>>
      %dma_start3A_43 = arith.constant 0 : i32
      %dma_start3A_44 = tpu.memref_slice %arg13[%add3A_6, %dma_start3A_43] : memref<10240x128xf32, #tpu.memory_space<vmem_shared>> -> memref<128x128xf32, #tpu.memory_space<vmem_shared>>
      %dma_start3A_45 = arith.constant 0 : i32
      %dma_start3A_46 = tpu.memref_slice %arg13[%add3A_6, %dma_start3A_45] : memref<10240x128xf32, #tpu.memory_space<vmem_shared>> -> memref<128x128xf32, #tpu.memory_space<vmem_shared>>
      %dma_start3A_47 = arith.constant 0 : i32
      %dma_start3A_48 = arith.constant 0 : i32
      %dma_start3A_49 = tpu.memref_slice %arg12[%dma_start3A_47, %dma_start3A_48] : memref<128x128xf32, #tpu.memory_space<vmem>> -> memref<128x128xf32, #tpu.memory_space<vmem>>
      tpu.enqueue_dma source(%dma_start3A_49 : memref<128x128xf32, #tpu.memory_space<vmem>>) target(%dma_start3A_46 : memref<128x128xf32, #tpu.memory_space<vmem_shared>>) target_semaphore(%run_scoped3A : memref<!tpu.dma_semaphore, #tpu.memory_space<semaphore_mem>>)
      %dma_wait3A = arith.constant 0 : i32
      %dma_wait3A_50 = arith.constant 0 : i32
      %dma_wait3A_51 = tpu.memref_slice %arg12[%dma_wait3A, %dma_wait3A_50] : memref<128x128xf32, #tpu.memory_space<vmem>> -> memref<128x128xf32, #tpu.memory_space<vmem>>
      %dma_wait3A_52 = arith.constant 0 : i32
      %dma_wait3A_53 = tpu.memref_slice %arg13[%add3A_6, %dma_wait3A_52] : memref<10240x128xf32, #tpu.memory_space<vmem_shared>> -> memref<128x128xf32, #tpu.memory_space<vmem_shared>>
      %dma_wait3A_54 = arith.constant 0 : i32
      %dma_wait3A_55 = tpu.memref_slice %arg13[%add3A_6, %dma_wait3A_54] : memref<10240x128xf32, #tpu.memory_space<vmem_shared>> -> memref<128x128xf32, #tpu.memory_space<vmem_shared>>
      %dma_wait3A_56 = arith.constant 0 : i32
      %dma_wait3A_57 = arith.constant 0 : i32
      %dma_wait3A_58 = tpu.memref_slice %arg12[%dma_wait3A_56, %dma_wait3A_57] : memref<128x128xf32, #tpu.memory_space<vmem>> -> memref<128x128xf32, #tpu.memory_space<vmem>>
      tpu.wait_dma2 semaphore(%run_scoped3A : memref<!tpu.dma_semaphore, #tpu.memory_space<semaphore_mem>>) src(%dma_wait3A_58 : memref<128x128xf32, #tpu.memory_space<vmem>>) dst(%dma_wait3A_55 : memref<128x128xf32, #tpu.memory_space<vmem_shared>>)
      tpu.yield
    }) : () -> ()
    %mul3A_7 = arith.constant 640 : i32
    %mul3A_8 = arith.muli %arg1, %mul3A_7 : i32
    %add3A_9 = arith.constant 128 : i32
    %add3A_10 = arith.addi %mul3A_8, %add3A_9 : i32
    "tpu.region"() ({
      %run_scoped3A = tpu.sem_alloc : memref<!tpu.dma_semaphore, #tpu.memory_space<semaphore_mem>>
      %dma_start3A = arith.constant 0 : i32
      %dma_start3A_41 = arith.constant 0 : i32
      %dma_start3A_42 = tpu.memref_slice %arg12[%dma_start3A, %dma_start3A_41] : memref<128x128xf32, #tpu.memory_space<vmem>> -> memref<128x128xf32, #tpu.memory_space<vmem>>
      %dma_start3A_43 = arith.constant 0 : i32
      %dma_start3A_44 = tpu.memref_slice %arg13[%add3A_10, %dma_start3A_43] : memref<10240x128xf32, #tpu.memory_space<vmem_shared>> -> memref<128x128xf32, #tpu.memory_space<vmem_shared>>
      %dma_start3A_45 = arith.constant 0 : i32
      %dma_start3A_46 = tpu.memref_slice %arg13[%add3A_10, %dma_start3A_45] : memref<10240x128xf32, #tpu.memory_space<vmem_shared>> -> memref<128x128xf32, #tpu.memory_space<vmem_shared>>
      %dma_start3A_47 = arith.constant 0 : i32
      %dma_start3A_48 = arith.constant 0 : i32
      %dma_start3A_49 = tpu.memref_slice %arg12[%dma_start3A_47, %dma_start3A_48] : memref<128x128xf32, #tpu.memory_space<vmem>> -> memref<128x128xf32, #tpu.memory_space<vmem>>
      tpu.enqueue_dma source(%dma_start3A_49 : memref<128x128xf32, #tpu.memory_space<vmem>>) target(%dma_start3A_46 : memref<128x128xf32, #tpu.memory_space<vmem_shared>>) target_semaphore(%run_scoped3A : memref<!tpu.dma_semaphore, #tpu.memory_space<semaphore_mem>>)
      %dma_wait3A = arith.constant 0 : i32
      %dma_wait3A_50 = arith.constant 0 : i32
      %dma_wait3A_51 = tpu.memref_slice %arg12[%dma_wait3A, %dma_wait3A_50] : memref<128x128xf32, #tpu.memory_space<vmem>> -> memref<128x128xf32, #tpu.memory_space<vmem>>
      %dma_wait3A_52 = arith.constant 0 : i32
      %dma_wait3A_53 = tpu.memref_slice %arg13[%add3A_10, %dma_wait3A_52] : memref<10240x128xf32, #tpu.memory_space<vmem_shared>> -> memref<128x128xf32, #tpu.memory_space<vmem_shared>>
      %dma_wait3A_54 = arith.constant 0 : i32
      %dma_wait3A_55 = tpu.memref_slice %arg13[%add3A_10, %dma_wait3A_54] : memref<10240x128xf32, #tpu.memory_space<vmem_shared>> -> memref<128x128xf32, #tpu.memory_space<vmem_shared>>
      %dma_wait3A_56 = arith.constant 0 : i32
      %dma_wait3A_57 = arith.constant 0 : i32
      %dma_wait3A_58 = tpu.memref_slice %arg12[%dma_wait3A_56, %dma_wait3A_57] : memref<128x128xf32, #tpu.memory_space<vmem>> -> memref<128x128xf32, #tpu.memory_space<vmem>>
      tpu.wait_dma2 semaphore(%run_scoped3A : memref<!tpu.dma_semaphore, #tpu.memory_space<semaphore_mem>>) src(%dma_wait3A_58 : memref<128x128xf32, #tpu.memory_space<vmem>>) dst(%dma_wait3A_55 : memref<128x128xf32, #tpu.memory_space<vmem_shared>>)
      tpu.yield
    }) : () -> ()
    %mul3A_11 = arith.constant 640 : i32
    %mul3A_12 = arith.muli %arg1, %mul3A_11 : i32
    %add3A_13 = arith.constant 256 : i32
    %add3A_14 = arith.addi %mul3A_12, %add3A_13 : i32
    "tpu.region"() ({
      %run_scoped3A = tpu.sem_alloc : memref<!tpu.dma_semaphore, #tpu.memory_space<semaphore_mem>>
      %dma_start3A = arith.constant 0 : i32
      %dma_start3A_41 = arith.constant 0 : i32
      %dma_start3A_42 = tpu.memref_slice %arg12[%dma_start3A, %dma_start3A_41] : memref<128x128xf32, #tpu.memory_space<vmem>> -> memref<128x128xf32, #tpu.memory_space<vmem>>
      %dma_start3A_43 = arith.constant 0 : i32
      %dma_start3A_44 = tpu.memref_slice %arg13[%add3A_14, %dma_start3A_43] : memref<10240x128xf32, #tpu.memory_space<vmem_shared>> -> memref<128x128xf32, #tpu.memory_space<vmem_shared>>
      %dma_start3A_45 = arith.constant 0 : i32
      %dma_start3A_46 = tpu.memref_slice %arg13[%add3A_14, %dma_start3A_45] : memref<10240x128xf32, #tpu.memory_space<vmem_shared>> -> memref<128x128xf32, #tpu.memory_space<vmem_shared>>
      %dma_start3A_47 = arith.constant 0 : i32
      %dma_start3A_48 = arith.constant 0 : i32
      %dma_start3A_49 = tpu.memref_slice %arg12[%dma_start3A_47, %dma_start3A_48] : memref<128x128xf32, #tpu.memory_space<vmem>> -> memref<128x128xf32, #tpu.memory_space<vmem>>
      tpu.enqueue_dma source(%dma_start3A_49 : memref<128x128xf32, #tpu.memory_space<vmem>>) target(%dma_start3A_46 : memref<128x128xf32, #tpu.memory_space<vmem_shared>>) target_semaphore(%run_scoped3A : memref<!tpu.dma_semaphore, #tpu.memory_space<semaphore_mem>>)
      %dma_wait3A = arith.constant 0 : i32
      %dma_wait3A_50 = arith.constant 0 : i32
      %dma_wait3A_51 = tpu.memref_slice %arg12[%dma_wait3A, %dma_wait3A_50] : memref<128x128xf32, #tpu.memory_space<vmem>> -> memref<128x128xf32, #tpu.memory_space<vmem>>
      %dma_wait3A_52 = arith.constant 0 : i32
      %dma_wait3A_53 = tpu.memref_slice %arg13[%add3A_14, %dma_wait3A_52] : memref<10240x128xf32, #tpu.memory_space<vmem_shared>> -> memref<128x128xf32, #tpu.memory_space<vmem_shared>>
      %dma_wait3A_54 = arith.constant 0 : i32
      %dma_wait3A_55 = tpu.memref_slice %arg13[%add3A_14, %dma_wait3A_54] : memref<10240x128xf32, #tpu.memory_space<vmem_shared>> -> memref<128x128xf32, #tpu.memory_space<vmem_shared>>
      %dma_wait3A_56 = arith.constant 0 : i32
      %dma_wait3A_57 = arith.constant 0 : i32
      %dma_wait3A_58 = tpu.memref_slice %arg12[%dma_wait3A_56, %dma_wait3A_57] : memref<128x128xf32, #tpu.memory_space<vmem>> -> memref<128x128xf32, #tpu.memory_space<vmem>>
      tpu.wait_dma2 semaphore(%run_scoped3A : memref<!tpu.dma_semaphore, #tpu.memory_space<semaphore_mem>>) src(%dma_wait3A_58 : memref<128x128xf32, #tpu.memory_space<vmem>>) dst(%dma_wait3A_55 : memref<128x128xf32, #tpu.memory_space<vmem_shared>>)
      tpu.yield
    }) : () -> ()
    %mul3A_15 = arith.constant 640 : i32
    %mul3A_16 = arith.muli %arg1, %mul3A_15 : i32
    %add3A_17 = arith.constant 384 : i32
    %add3A_18 = arith.addi %mul3A_16, %add3A_17 : i32
    "tpu.region"() ({
      %run_scoped3A = tpu.sem_alloc : memref<!tpu.dma_semaphore, #tpu.memory_space<semaphore_mem>>
      %dma_start3A = arith.constant 0 : i32
      %dma_start3A_41 = arith.constant 0 : i32
      %dma_start3A_42 = tpu.memref_slice %arg12[%dma_start3A, %dma_start3A_41] : memref<128x128xf32, #tpu.memory_space<vmem>> -> memref<128x128xf32, #tpu.memory_space<vmem>>
      %dma_start3A_43 = arith.constant 0 : i32
      %dma_start3A_44 = tpu.memref_slice %arg13[%add3A_18, %dma_start3A_43] : memref<10240x128xf32, #tpu.memory_space<vmem_shared>> -> memref<128x128xf32, #tpu.memory_space<vmem_shared>>
      %dma_start3A_45 = arith.constant 0 : i32
      %dma_start3A_46 = tpu.memref_slice %arg13[%add3A_18, %dma_start3A_45] : memref<10240x128xf32, #tpu.memory_space<vmem_shared>> -> memref<128x128xf32, #tpu.memory_space<vmem_shared>>
      %dma_start3A_47 = arith.constant 0 : i32
      %dma_start3A_48 = arith.constant 0 : i32
      %dma_start3A_49 = tpu.memref_slice %arg12[%dma_start3A_47, %dma_start3A_48] : memref<128x128xf32, #tpu.memory_space<vmem>> -> memref<128x128xf32, #tpu.memory_space<vmem>>
      tpu.enqueue_dma source(%dma_start3A_49 : memref<128x128xf32, #tpu.memory_space<vmem>>) target(%dma_start3A_46 : memref<128x128xf32, #tpu.memory_space<vmem_shared>>) target_semaphore(%run_scoped3A : memref<!tpu.dma_semaphore, #tpu.memory_space<semaphore_mem>>)
      %dma_wait3A = arith.constant 0 : i32
      %dma_wait3A_50 = arith.constant 0 : i32
      %dma_wait3A_51 = tpu.memref_slice %arg12[%dma_wait3A, %dma_wait3A_50] : memref<128x128xf32, #tpu.memory_space<vmem>> -> memref<128x128xf32, #tpu.memory_space<vmem>>
      %dma_wait3A_52 = arith.constant 0 : i32
      %dma_wait3A_53 = tpu.memref_slice %arg13[%add3A_18, %dma_wait3A_52] : memref<10240x128xf32, #tpu.memory_space<vmem_shared>> -> memref<128x128xf32, #tpu.memory_space<vmem_shared>>
      %dma_wait3A_54 = arith.constant 0 : i32
      %dma_wait3A_55 = tpu.memref_slice %arg13[%add3A_18, %dma_wait3A_54] : memref<10240x128xf32, #tpu.memory_space<vmem_shared>> -> memref<128x128xf32, #tpu.memory_space<vmem_shared>>
      %dma_wait3A_56 = arith.constant 0 : i32
      %dma_wait3A_57 = arith.constant 0 : i32
      %dma_wait3A_58 = tpu.memref_slice %arg12[%dma_wait3A_56, %dma_wait3A_57] : memref<128x128xf32, #tpu.memory_space<vmem>> -> memref<128x128xf32, #tpu.memory_space<vmem>>
      tpu.wait_dma2 semaphore(%run_scoped3A : memref<!tpu.dma_semaphore, #tpu.memory_space<semaphore_mem>>) src(%dma_wait3A_58 : memref<128x128xf32, #tpu.memory_space<vmem>>) dst(%dma_wait3A_55 : memref<128x128xf32, #tpu.memory_space<vmem_shared>>)
      tpu.yield
    }) : () -> ()
    %mul3A_19 = arith.constant 640 : i32
    %mul3A_20 = arith.muli %arg1, %mul3A_19 : i32
    %add3A_21 = arith.constant 512 : i32
    %add3A_22 = arith.addi %mul3A_20, %add3A_21 : i32
    "tpu.region"() ({
      %run_scoped3A = tpu.sem_alloc : memref<!tpu.dma_semaphore, #tpu.memory_space<semaphore_mem>>
      %dma_start3A = arith.constant 0 : i32
      %dma_start3A_41 = arith.constant 0 : i32
      %dma_start3A_42 = tpu.memref_slice %arg12[%dma_start3A, %dma_start3A_41] : memref<128x128xf32, #tpu.memory_space<vmem>> -> memref<128x128xf32, #tpu.memory_space<vmem>>
      %dma_start3A_43 = arith.constant 0 : i32
      %dma_start3A_44 = tpu.memref_slice %arg13[%add3A_22, %dma_start3A_43] : memref<10240x128xf32, #tpu.memory_space<vmem_shared>> -> memref<128x128xf32, #tpu.memory_space<vmem_shared>>
      %dma_start3A_45 = arith.constant 0 : i32
      %dma_start3A_46 = tpu.memref_slice %arg13[%add3A_22, %dma_start3A_45] : memref<10240x128xf32, #tpu.memory_space<vmem_shared>> -> memref<128x128xf32, #tpu.memory_space<vmem_shared>>
      %dma_start3A_47 = arith.constant 0 : i32
      %dma_start3A_48 = arith.constant 0 : i32
      %dma_start3A_49 = tpu.memref_slice %arg12[%dma_start3A_47, %dma_start3A_48] : memref<128x128xf32, #tpu.memory_space<vmem>> -> memref<128x128xf32, #tpu.memory_space<vmem>>
      tpu.enqueue_dma source(%dma_start3A_49 : memref<128x128xf32, #tpu.memory_space<vmem>>) target(%dma_start3A_46 : memref<128x128xf32, #tpu.memory_space<vmem_shared>>) target_semaphore(%run_scoped3A : memref<!tpu.dma_semaphore, #tpu.memory_space<semaphore_mem>>)
      %dma_wait3A = arith.constant 0 : i32
      %dma_wait3A_50 = arith.constant 0 : i32
      %dma_wait3A_51 = tpu.memref_slice %arg12[%dma_wait3A, %dma_wait3A_50] : memref<128x128xf32, #tpu.memory_space<vmem>> -> memref<128x128xf32, #tpu.memory_space<vmem>>
      %dma_wait3A_52 = arith.constant 0 : i32
      %dma_wait3A_53 = tpu.memref_slice %arg13[%add3A_22, %dma_wait3A_52] : memref<10240x128xf32, #tpu.memory_space<vmem_shared>> -> memref<128x128xf32, #tpu.memory_space<vmem_shared>>
      %dma_wait3A_54 = arith.constant 0 : i32
      %dma_wait3A_55 = tpu.memref_slice %arg13[%add3A_22, %dma_wait3A_54] : memref<10240x128xf32, #tpu.memory_space<vmem_shared>> -> memref<128x128xf32, #tpu.memory_space<vmem_shared>>
      %dma_wait3A_56 = arith.constant 0 : i32
      %dma_wait3A_57 = arith.constant 0 : i32
      %dma_wait3A_58 = tpu.memref_slice %arg12[%dma_wait3A_56, %dma_wait3A_57] : memref<128x128xf32, #tpu.memory_space<vmem>> -> memref<128x128xf32, #tpu.memory_space<vmem>>
      tpu.wait_dma2 semaphore(%run_scoped3A : memref<!tpu.dma_semaphore, #tpu.memory_space<semaphore_mem>>) src(%dma_wait3A_58 : memref<128x128xf32, #tpu.memory_space<vmem>>) dst(%dma_wait3A_55 : memref<128x128xf32, #tpu.memory_space<vmem_shared>>)
      tpu.yield
    }) : () -> ()
    %barrier3A = arith.constant 0 : index
    tpu.barrier barrier_id(%barrier3A)
    %eq3A = arith.constant 0 : i32
    %eq3A_23 = arith.cmpi eq, %arg0, %eq3A : i32
    %convert_element_type3A = arith.extui %eq3A_23 : i1 to i32
    %cond3A = arith.constant 0 : i32
    %cond3A_24 = arith.cmpi ne, %convert_element_type3A, %cond3A : i32
    scf.if %cond3A_24 {
      %scan3A_41 = arith.constant 0 : i32
      %scan3A_42 = arith.constant 0 : i32
      %scan3A_43 = arith.constant 79 : i32
      %scan3A_44 = arith.addi %scan3A_42, %scan3A_43 : i32
      %scan3A_45 = arith.constant 1 : i32
      scf.for %scan3A_47 = %scan3A_42 to %scan3A_44 step %scan3A_45  : i32 {
        %dma_start3A = arith.constant 0 : i32
        %dma_start3A_48 = tpu.memref_slice %arg9[%scan3A_47, %dma_start3A] : memref<79x128xi32, #tpu.memory_space<vmem>> -> memref<1x128xi32, #tpu.memory_space<vmem>>
        %dma_start3A_49 = tpu.memref_squeeze %dma_start3A_48 : memref<1x128xi32, #tpu.memory_space<vmem>> -> memref<128xi32, #tpu.memory_space<vmem>>
        %dma_start3A_50 = arith.constant 0 : i32
        %dma_start3A_51 = arith.constant 0 : i32
        %dma_start3A_52 = tpu.memref_slice %arg5[%dma_start3A_50, %dma_start3A_51] : memref<10000x128xf32, #tpu.memory_space<hbm>> -> memref<10000x128xf32, #tpu.memory_space<hbm>>
        tpu.enqueue_indirect_dma source(%dma_start3A_52 : memref<10000x128xf32, #tpu.memory_space<hbm>>) target(%arg12 : memref<128x128xf32, #tpu.memory_space<vmem>>) offsets(%dma_start3A_49 : memref<128xi32, #tpu.memory_space<vmem>>) semaphore(%arg14 : memref<!tpu.dma_semaphore, #tpu.memory_space<semaphore_mem>>)
        %dma_wait3A = arith.constant 0 : i32
        %dma_wait3A_53 = tpu.memref_slice %arg9[%scan3A_47, %dma_wait3A] : memref<79x128xi32, #tpu.memory_space<vmem>> -> memref<1x128xi32, #tpu.memory_space<vmem>>
        %dma_wait3A_54 = tpu.memref_squeeze %dma_wait3A_53 : memref<1x128xi32, #tpu.memory_space<vmem>> -> memref<128xi32, #tpu.memory_space<vmem>>
        %dma_wait3A_55 = arith.constant 0 : i32
        %dma_wait3A_56 = arith.constant 0 : i32
        %dma_wait3A_57 = tpu.memref_slice %arg5[%dma_wait3A_55, %dma_wait3A_56] : memref<10000x128xf32, #tpu.memory_space<hbm>> -> memref<10000x128xf32, #tpu.memory_space<hbm>>
        tpu.wait_indirect_dma semaphore(%arg14 : memref<!tpu.dma_semaphore, #tpu.memory_space<semaphore_mem>>) src(%dma_wait3A_57 : memref<10000x128xf32, #tpu.memory_space<hbm>>) dst(%arg12 : memref<128x128xf32, #tpu.memory_space<vmem>>)
        %scan3A_58 = arith.constant 0 : i32
        %scan3A_59 = arith.constant 0 : i32
        %scan3A_60 = arith.constant 8 : i32
        %scan3A_61 = arith.addi %scan3A_59, %scan3A_60 : i32
        %scan3A_62 = arith.constant 1 : i32
        scf.for %scan3A_64 = %scan3A_59 to %scan3A_61 step %scan3A_62  : i32 {
          %mul3A_65 = arith.constant 16 : i32
          %mul3A_66 = arith.muli %scan3A_64, %mul3A_65 : i32
          %get3A = arith.index_cast %scan3A_47 : i32 to index
          %get3A_67 = arith.index_cast %mul3A_66 : i32 to index
          %get3A_68 = tpu.vector_load %arg11[%get3A, %get3A_67] {strides = array<i32>} : memref<79x128xf32, #tpu.memory_space<vmem>>, vector<1x16xf32>,
          %get3A_69 = vector.shape_cast %get3A_68 : vector<1x16xf32> to vector<16xf32>
          %slice3A = vector.extract_strided_slice %get3A_69 {offsets = [0], sizes = [1], strides = [1]} : vector<16xf32> to vector<1xf32>
          %squeeze3A = vector.extract %slice3A[0] : f32 from vector<1xf32>
          %add3A_70 = arith.constant 0 : i32
          %add3A_71 = arith.addi %mul3A_66, %add3A_70 : i32
          %get3A_72 = arith.index_cast %add3A_71 : i32 to index
          %get3A_73 = arith.constant 0 : index
          %get3A_74 = tpu.vector_load %arg12[%get3A_72, %get3A_73] {strides = array<i32>} : memref<128x128xf32, #tpu.memory_space<vmem>>, vector<1x16xf32>,
          %get3A_75 = vector.shape_cast %get3A_74 : vector<1x16xf32> to vector<16xf32>
          %mul3A_76 = vector.broadcast %squeeze3A : f32 to vector<16xf32>
          %mul3A_77 = arith.mulf %get3A_75, %mul3A_76 : vector<16xf32>
          %add3A_78 = arith.constant 0 : i32
          %add3A_79 = arith.addi %mul3A_66, %add3A_78 : i32
          %swap3A = arith.index_cast %add3A_79 : i32 to index
          %swap3A_80 = arith.constant 0 : index
          %swap3A_81 = tpu.vector_load %arg12[%swap3A, %swap3A_80] {strides = array<i32>} : memref<128x128xf32, #tpu.memory_space<vmem>>, vector<1x16xf32>,
          %swap3A_82 = vector.shape_cast %swap3A_81 : vector<1x16xf32> to vector<16xf32>
          %swap3A_83 = vector.shape_cast %mul3A_77 : vector<16xf32> to vector<1x16xf32>
          tpu.vector_store %arg12[%swap3A, %swap3A_80], %swap3A_83 {strides = array<i32>} : memref<128x128xf32, #tpu.memory_space<vmem>>, vector<1x16xf32>,
          %add3A_84 = arith.constant 0 : i32
          %add3A_85 = arith.addi %mul3A_66, %add3A_84 : i32
          %get3A_86 = arith.index_cast %add3A_85 : i32 to index
          %get3A_87 = arith.constant 16 : index
          %get3A_88 = tpu.vector_load %arg12[%get3A_86, %get3A_87] {strides = array<i32>} : memref<128x128xf32, #tpu.memory_space<vmem>>, vector<1x16xf32>,
          %get3A_89 = vector.shape_cast %get3A_88 : vector<1x16xf32> to vector<16xf32>
          %mul3A_90 = vector.broadcast %squeeze3A : f32 to vector<16xf32>
          %mul3A_91 = arith.mulf %get3A_89, %mul3A_90 : vector<16xf32>
          %add3A_92 = arith.constant 0 : i32
          %add3A_93 = arith.addi %mul3A_66, %add3A_92 : i32
          %swap3A_94 = arith.index_cast %add3A_93 : i32 to index
          %swap3A_95 = arith.constant 16 : index
          %swap3A_96 = tpu.vector_load %arg12[%swap3A_94, %swap3A_95] {strides = array<i32>} : memref<128x128xf32, #tpu.memory_space<vmem>>, vector<1x16xf32>,
          %swap3A_97 = vector.shape_cast %swap3A_96 : vector<1x16xf32> to vector<16xf32>
          %swap3A_98 = vector.shape_cast %mul3A_91 : vector<16xf32> to vector<1x16xf32>
          tpu.vector_store %arg12[%swap3A_94, %swap3A_95], %swap3A_98 {strides = array<i32>} : memref<128x128xf32, #tpu.memory_space<vmem>>, vector<1x16xf32>,
          %add3A_99 = arith.constant 0 : i32
          %add3A_100 = arith.addi %mul3A_66, %add3A_99 : i32
          %get3A_101 = arith.index_cast %add3A_100 : i32 to index
          %get3A_102 = arith.constant 32 : index
          %get3A_103 = tpu.vector_load %arg12[%get3A_101, %get3A_102] {strides = array<i32>} : memref<128x128xf32, #tpu.memory_space<vmem>>, vector<1x16xf32>,
          %get3A_104 = vector.shape_cast %get3A_103 : vector<1x16xf32> to vector<16xf32>
          %mul3A_105 = vector.broadcast %squeeze3A : f32 to vector<16xf32>
          %mul3A_106 = arith.mulf %get3A_104, %mul3A_105 : vector<16xf32>
          %add3A_107 = arith.constant 0 : i32
          %add3A_108 = arith.addi %mul3A_66, %add3A_107 : i32
          %swap3A_109 = arith.index_cast %add3A_108 : i32 to index
          %swap3A_110 = arith.constant 32 : index
          %swap3A_111 = tpu.vector_load %arg12[%swap3A_109, %swap3A_110] {strides = array<i32>} : memref<128x128xf32, #tpu.memory_space<vmem>>, vector<1x16xf32>,
          %swap3A_112 = vector.shape_cast %swap3A_111 : vector<1x16xf32> to vector<16xf32>
          %swap3A_113 = vector.shape_cast %mul3A_106 : vector<16xf32> to vector<1x16xf32>
          tpu.vector_store %arg12[%swap3A_109, %swap3A_110], %swap3A_113 {strides = array<i32>} : memref<128x128xf32, #tpu.memory_space<vmem>>, vector<1x16xf32>,
          %add3A_114 = arith.constant 0 : i32
          %add3A_115 = arith.addi %mul3A_66, %add3A_114 : i32
          %get3A_116 = arith.index_cast %add3A_115 : i32 to index
          %get3A_117 = arith.constant 48 : index
          %get3A_118 = tpu.vector_load %arg12[%get3A_116, %get3A_117] {strides = array<i32>} : memref<128x128xf32, #tpu.memory_space<vmem>>, vector<1x16xf32>,
          %get3A_119 = vector.shape_cast %get3A_118 : vector<1x16xf32> to vector<16xf32>
          %mul3A_120 = vector.broadcast %squeeze3A : f32 to vector<16xf32>
          %mul3A_121 = arith.mulf %get3A_119, %mul3A_120 : vector<16xf32>
          %add3A_122 = arith.constant 0 : i32
          %add3A_123 = arith.addi %mul3A_66, %add3A_122 : i32
          %swap3A_124 = arith.index_cast %add3A_123 : i32 to index
          %swap3A_125 = arith.constant 48 : index
          %swap3A_126 = tpu.vector_load %arg12[%swap3A_124, %swap3A_125] {strides = array<i32>} : memref<128x128xf32, #tpu.memory_space<vmem>>, vector<1x16xf32>,
          %swap3A_127 = vector.shape_cast %swap3A_126 : vector<1x16xf32> to vector<16xf32>
          %swap3A_128 = vector.shape_cast %mul3A_121 : vector<16xf32> to vector<1x16xf32>
          tpu.vector_store %arg12[%swap3A_124, %swap3A_125], %swap3A_128 {strides = array<i32>} : memref<128x128xf32, #tpu.memory_space<vmem>>, vector<1x16xf32>,
          %add3A_129 = arith.constant 0 : i32
          %add3A_130 = arith.addi %mul3A_66, %add3A_129 : i32
          %get3A_131 = arith.index_cast %add3A_130 : i32 to index
          %get3A_132 = arith.constant 64 : index
          %get3A_133 = tpu.vector_load %arg12[%get3A_131, %get3A_132] {strides = array<i32>} : memref<128x128xf32, #tpu.memory_space<vmem>>, vector<1x16xf32>,
          %get3A_134 = vector.shape_cast %get3A_133 : vector<1x16xf32> to vector<16xf32>
          %mul3A_135 = vector.broadcast %squeeze3A : f32 to vector<16xf32>
          %mul3A_136 = arith.mulf %get3A_134, %mul3A_135 : vector<16xf32>
          %add3A_137 = arith.constant 0 : i32
          %add3A_138 = arith.addi %mul3A_66, %add3A_137 : i32
          %swap3A_139 = arith.index_cast %add3A_138 : i32 to index
          %swap3A_140 = arith.constant 64 : index
          %swap3A_141 = tpu.vector_load %arg12[%swap3A_139, %swap3A_140] {strides = array<i32>} : memref<128x128xf32, #tpu.memory_space<vmem>>, vector<1x16xf32>,
          %swap3A_142 = vector.shape_cast %swap3A_141 : vector<1x16xf32> to vector<16xf32>
          %swap3A_143 = vector.shape_cast %mul3A_136 : vector<16xf32> to vector<1x16xf32>
          tpu.vector_store %arg12[%swap3A_139, %swap3A_140], %swap3A_143 {strides = array<i32>} : memref<128x128xf32, #tpu.memory_space<vmem>>, vector<1x16xf32>,
          %add3A_144 = arith.constant 0 : i32
          %add3A_145 = arith.addi %mul3A_66, %add3A_144 : i32
          %get3A_146 = arith.index_cast %add3A_145 : i32 to index
          %get3A_147 = arith.constant 80 : index
          %get3A_148 = tpu.vector_load %arg12[%get3A_146, %get3A_147] {strides = array<i32>} : memref<128x128xf32, #tpu.memory_space<vmem>>, vector<1x16xf32>,
          %get3A_149 = vector.shape_cast %get3A_148 : vector<1x16xf32> to vector<16xf32>
          %mul3A_150 = vector.broadcast %squeeze3A : f32 to vector<16xf32>
          %mul3A_151 = arith.mulf %get3A_149, %mul3A_150 : vector<16xf32>
          %add3A_152 = arith.constant 0 : i32
          %add3A_153 = arith.addi %mul3A_66, %add3A_152 : i32
          %swap3A_154 = arith.index_cast %add3A_153 : i32 to index
          %swap3A_155 = arith.constant 80 : index
          %swap3A_156 = tpu.vector_load %arg12[%swap3A_154, %swap3A_155] {strides = array<i32>} : memref<128x128xf32, #tpu.memory_space<vmem>>, vector<1x16xf32>,
          %swap3A_157 = vector.shape_cast %swap3A_156 : vector<1x16xf32> to vector<16xf32>
          %swap3A_158 = vector.shape_cast %mul3A_151 : vector<16xf32> to vector<1x16xf32>
          tpu.vector_store %arg12[%swap3A_154, %swap3A_155], %swap3A_158 {strides = array<i32>} : memref<128x128xf32, #tpu.memory_space<vmem>>, vector<1x16xf32>,
          %add3A_159 = arith.constant 0 : i32
          %add3A_160 = arith.addi %mul3A_66, %add3A_159 : i32
          %get3A_161 = arith.index_cast %add3A_160 : i32 to index
          %get3A_162 = arith.constant 96 : index
          %get3A_163 = tpu.vector_load %arg12[%get3A_161, %get3A_162] {strides = array<i32>} : memref<128x128xf32, #tpu.memory_space<vmem>>, vector<1x16xf32>,
          %get3A_164 = vector.shape_cast %get3A_163 : vector<1x16xf32> to vector<16xf32>
          %mul3A_165 = vector.broadcast %squeeze3A : f32 to vector<16xf32>
          %mul3A_166 = arith.mulf %get3A_164, %mul3A_165 : vector<16xf32>
          %add3A_167 = arith.constant 0 : i32
          %add3A_168 = arith.addi %mul3A_66, %add3A_167 : i32
          %swap3A_169 = arith.index_cast %add3A_168 : i32 to index
          %swap3A_170 = arith.constant 96 : index
          %swap3A_171 = tpu.vector_load %arg12[%swap3A_169, %swap3A_170] {strides = array<i32>} : memref<128x128xf32, #tpu.memory_space<vmem>>, vector<1x16xf32>,
          %swap3A_172 = vector.shape_cast %swap3A_171 : vector<1x16xf32> to vector<16xf32>
          %swap3A_173 = vector.shape_cast %mul3A_166 : vector<16xf32> to vector<1x16xf32>
          tpu.vector_store %arg12[%swap3A_169, %swap3A_170], %swap3A_173 {strides = array<i32>} : memref<128x128xf32, #tpu.memory_space<vmem>>, vector<1x16xf32>,
          %add3A_174 = arith.constant 0 : i32
          %add3A_175 = arith.addi %mul3A_66, %add3A_174 : i32
          %get3A_176 = arith.index_cast %add3A_175 : i32 to index
          %get3A_177 = arith.constant 112 : index
          %get3A_178 = tpu.vector_load %arg12[%get3A_176, %get3A_177] {strides = array<i32>} : memref<128x128xf32, #tpu.memory_space<vmem>>, vector<1x16xf32>,
          %get3A_179 = vector.shape_cast %get3A_178 : vector<1x16xf32> to vector<16xf32>
          %mul3A_180 = vector.broadcast %squeeze3A : f32 to vector<16xf32>
          %mul3A_181 = arith.mulf %get3A_179, %mul3A_180 : vector<16xf32>
          %add3A_182 = arith.constant 0 : i32
          %add3A_183 = arith.addi %mul3A_66, %add3A_182 : i32
          %swap3A_184 = arith.index_cast %add3A_183 : i32 to index
          %swap3A_185 = arith.constant 112 : index
          %swap3A_186 = tpu.vector_load %arg12[%swap3A_184, %swap3A_185] {strides = array<i32>} : memref<128x128xf32, #tpu.memory_space<vmem>>, vector<1x16xf32>,
          %swap3A_187 = vector.shape_cast %swap3A_186 : vector<1x16xf32> to vector<16xf32>
          %swap3A_188 = vector.shape_cast %mul3A_181 : vector<16xf32> to vector<1x16xf32>
          tpu.vector_store %arg12[%swap3A_184, %swap3A_185], %swap3A_188 {strides = array<i32>} : memref<128x128xf32, #tpu.memory_space<vmem>>, vector<1x16xf32>,
          %slice3A_189 = vector.extract_strided_slice %get3A_69 {offsets = [1], sizes = [1], strides = [1]} : vector<16xf32> to vector<1xf32>
          %squeeze3A_190 = vector.extract %slice3A_189[0] : f32 from vector<1xf32>
          %add3A_191 = arith.constant 1 : i32
          %add3A_192 = arith.addi %mul3A_66, %add3A_191 : i32
          %get3A_193 = arith.index_cast %add3A_192 : i32 to index
          %get3A_194 = arith.constant 0 : index
          %get3A_195 = tpu.vector_load %arg12[%get3A_193, %get3A_194] {strides = array<i32>} : memref<128x128xf32, #tpu.memory_space<vmem>>, vector<1x16xf32>,
          %get3A_196 = vector.shape_cast %get3A_195 : vector<1x16xf32> to vector<16xf32>
          %mul3A_197 = vector.broadcast %squeeze3A_190 : f32 to vector<16xf32>
          %mul3A_198 = arith.mulf %get3A_196, %mul3A_197 : vector<16xf32>
          %add3A_199 = arith.constant 1 : i32
          %add3A_200 = arith.addi %mul3A_66, %add3A_199 : i32
          %swap3A_201 = arith.index_cast %add3A_200 : i32 to index
          %swap3A_202 = arith.constant 0 : index
          %swap3A_203 = tpu.vector_load %arg12[%swap3A_201, %swap3A_202] {strides = array<i32>} : memref<128x128xf32, #tpu.memory_space<vmem>>, vector<1x16xf32>,
          %swap3A_204 = vector.shape_cast %swap3A_203 : vector<1x16xf32> to vector<16xf32>
          %swap3A_205 = vector.shape_cast %mul3A_198 : vector<16xf32> to vector<1x16xf32>
          tpu.vector_store %arg12[%swap3A_201, %swap3A_202], %swap3A_205 {strides = array<i32>} : memref<128x128xf32, #tpu.memory_space<vmem>>, vector<1x16xf32>,
          %add3A_206 = arith.constant 1 : i32
          %add3A_207 = arith.addi %mul3A_66, %add3A_206 : i32
          %get3A_208 = arith.index_cast %add3A_207 : i32 to index
          %get3A_209 = arith.constant 16 : index
          %get3A_210 = tpu.vector_load %arg12[%get3A_208, %get3A_209] {strides = array<i32>} : memref<128x128xf32, #tpu.memory_space<vmem>>, vector<1x16xf32>,
          %get3A_211 = vector.shape_cast %get3A_210 : vector<1x16xf32> to vector<16xf32>
          %mul3A_212 = vector.broadcast %squeeze3A_190 : f32 to vector<16xf32>
          %mul3A_213 = arith.mulf %get3A_211, %mul3A_212 : vector<16xf32>
          %add3A_214 = arith.constant 1 : i32
          %add3A_215 = arith.addi %mul3A_66, %add3A_214 : i32
          %swap3A_216 = arith.index_cast %add3A_215 : i32 to index
          %swap3A_217 = arith.constant 16 : index
          %swap3A_218 = tpu.vector_load %arg12[%swap3A_216, %swap3A_217] {strides = array<i32>} : memref<128x128xf32, #tpu.memory_space<vmem>>, vector<1x16xf32>,
          %swap3A_219 = vector.shape_cast %swap3A_218 : vector<1x16xf32> to vector<16xf32>
          %swap3A_220 = vector.shape_cast %mul3A_213 : vector<16xf32> to vector<1x16xf32>
          tpu.vector_store %arg12[%swap3A_216, %swap3A_217], %swap3A_220 {strides = array<i32>} : memref<128x128xf32, #tpu.memory_space<vmem>>, vector<1x16xf32>,
          %add3A_221 = arith.constant 1 : i32
          %add3A_222 = arith.addi %mul3A_66, %add3A_221 : i32
          %get3A_223 = arith.index_cast %add3A_222 : i32 to index
          %get3A_224 = arith.constant 32 : index
          %get3A_225 = tpu.vector_load %arg12[%get3A_223, %get3A_224] {strides = array<i32>} : memref<128x128xf32, #tpu.memory_space<vmem>>, vector<1x16xf32>,
          %get3A_226 = vector.shape_cast %get3A_225 : vector<1x16xf32> to vector<16xf32>
          %mul3A_227 = vector.broadcast %squeeze3A_190 : f32 to vector<16xf32>
          %mul3A_228 = arith.mulf %get3A_226, %mul3A_227 : vector<16xf32>
          %add3A_229 = arith.constant 1 : i32
          %add3A_230 = arith.addi %mul3A_66, %add3A_229 : i32
          %swap3A_231 = arith.index_cast %add3A_230 : i32 to index
          %swap3A_232 = arith.constant 32 : index
          %swap3A_233 = tpu.vector_load %arg12[%swap3A_231, %swap3A_232] {strides = array<i32>} : memref<128x128xf32, #tpu.memory_space<vmem>>, vector<1x16xf32>,
          %swap3A_234 = vector.shape_cast %swap3A_233 : vector<1x16xf32> to vector<16xf32>
          %swap3A_235 = vector.shape_cast %mul3A_228 : vector<16xf32> to vector<1x16xf32>
          tpu.vector_store %arg12[%swap3A_231, %swap3A_232], %swap3A_235 {strides = array<i32>} : memref<128x128xf32, #tpu.memory_space<vmem>>, vector<1x16xf32>,
          %add3A_236 = arith.constant 1 : i32
          %add3A_237 = arith.addi %mul3A_66, %add3A_236 : i32
          %get3A_238 = arith.index_cast %add3A_237 : i32 to index
          %get3A_239 = arith.constant 48 : index
          %get3A_240 = tpu.vector_load %arg12[%get3A_238, %get3A_239] {strides = array<i32>} : memref<128x128xf32, #tpu.memory_space<vmem>>, vector<1x16xf32>,
          %get3A_241 = vector.shape_cast %get3A_240 : vector<1x16xf32> to vector<16xf32>
          %mul3A_242 = vector.broadcast %squeeze3A_190 : f32 to vector<16xf32>
          %mul3A_243 = arith.mulf %get3A_241, %mul3A_242 : vector<16xf32>
          %add3A_244 = arith.constant 1 : i32
          %add3A_245 = arith.addi %mul3A_66, %add3A_244 : i32
          %swap3A_246 = arith.index_cast %add3A_245 : i32 to index
          %swap3A_247 = arith.constant 48 : index
          %swap3A_248 = tpu.vector_load %arg12[%swap3A_246, %swap3A_247] {strides = array<i32>} : memref<128x128xf32, #tpu.memory_space<vmem>>, vector<1x16xf32>,
          %swap3A_249 = vector.shape_cast %swap3A_248 : vector<1x16xf32> to vector<16xf32>
          %swap3A_250 = vector.shape_cast %mul3A_243 : vector<16xf32> to vector<1x16xf32>
          tpu.vector_store %arg12[%swap3A_246, %swap3A_247], %swap3A_250 {strides = array<i32>} : memref<128x128xf32, #tpu.memory_space<vmem>>, vector<1x16xf32>,
          %add3A_251 = arith.constant 1 : i32
          %add3A_252 = arith.addi %mul3A_66, %add3A_251 : i32
          %get3A_253 = arith.index_cast %add3A_252 : i32 to index
          %get3A_254 = arith.constant 64 : index
          %get3A_255 = tpu.vector_load %arg12[%get3A_253, %get3A_254] {strides = array<i32>} : memref<128x128xf32, #tpu.memory_space<vmem>>, vector<1x16xf32>,
          %get3A_256 = vector.shape_cast %get3A_255 : vector<1x16xf32> to vector<16xf32>
          %mul3A_257 = vector.broadcast %squeeze3A_190 : f32 to vector<16xf32>
          %mul3A_258 = arith.mulf %get3A_256, %mul3A_257 : vector<16xf32>
          %add3A_259 = arith.constant 1 : i32
          %add3A_260 = arith.addi %mul3A_66, %add3A_259 : i32
          %swap3A_261 = arith.index_cast %add3A_260 : i32 to index
          %swap3A_262 = arith.constant 64 : index
          %swap3A_263 = tpu.vector_load %arg12[%swap3A_261, %swap3A_262] {strides = array<i32>} : memref<128x128xf32, #tpu.memory_space<vmem>>, vector<1x16xf32>,
          %swap3A_264 = vector.shape_cast %swap3A_263 : vector<1x16xf32> to vector<16xf32>
          %swap3A_265 = vector.shape_cast %mul3A_258 : vector<16xf32> to vector<1x16xf32>
          tpu.vector_store %arg12[%swap3A_261, %swap3A_262], %swap3A_265 {strides = array<i32>} : memref<128x128xf32, #tpu.memory_space<vmem>>, vector<1x16xf32>,
          %add3A_266 = arith.constant 1 : i32
          %add3A_267 = arith.addi %mul3A_66, %add3A_266 : i32
          %get3A_268 = arith.index_cast %add3A_267 : i32 to index
          %get3A_269 = arith.constant 80 : index
          %get3A_270 = tpu.vector_load %arg12[%get3A_268, %get3A_269] {strides = array<i32>} : memref<128x128xf32, #tpu.memory_space<vmem>>, vector<1x16xf32>,
          %get3A_271 = vector.shape_cast %get3A_270 : vector<1x16xf32> to vector<16xf32>
          %mul3A_272 = vector.broadcast %squeeze3A_190 : f32 to vector<16xf32>
          %mul3A_273 = arith.mulf %get3A_271, %mul3A_272 : vector<16xf32>
          %add3A_274 = arith.constant 1 : i32
          %add3A_275 = arith.addi %mul3A_66, %add3A_274 : i32
          %swap3A_276 = arith.index_cast %add3A_275 : i32 to index
          %swap3A_277 = arith.constant 80 : index
          %swap3A_278 = tpu.vector_load %arg12[%swap3A_276, %swap3A_277] {strides = array<i32>} : memref<128x128xf32, #tpu.memory_space<vmem>>, vector<1x16xf32>,
          %swap3A_279 = vector.shape_cast %swap3A_278 : vector<1x16xf32> to vector<16xf32>
          %swap3A_280 = vector.shape_cast %mul3A_273 : vector<16xf32> to vector<1x16xf32>
          tpu.vector_store %arg12[%swap3A_276, %swap3A_277], %swap3A_280 {strides = array<i32>} : memref<128x128xf32, #tpu.memory_space<vmem>>, vector<1x16xf32>,
          %add3A_281 = arith.constant 1 : i32
          %add3A_282 = arith.addi %mul3A_66, %add3A_281 : i32
          %get3A_283 = arith.index_cast %add3A_282 : i32 to index
          %get3A_284 = arith.constant 96 : index
          %get3A_285 = tpu.vector_load %arg12[%get3A_283, %get3A_284] {strides = array<i32>} : memref<128x128xf32, #tpu.memory_space<vmem>>, vector<1x16xf32>,
          %get3A_286 = vector.shape_cast %get3A_285 : vector<1x16xf32> to vector<16xf32>
          %mul3A_287 = vector.broadcast %squeeze3A_190 : f32 to vector<16xf32>
          %mul3A_288 = arith.mulf %get3A_286, %mul3A_287 : vector<16xf32>
          %add3A_289 = arith.constant 1 : i32
          %add3A_290 = arith.addi %mul3A_66, %add3A_289 : i32
          %swap3A_291 = arith.index_cast %add3A_290 : i32 to index
          %swap3A_292 = arith.constant 96 : index
          %swap3A_293 = tpu.vector_load %arg12[%swap3A_291, %swap3A_292] {strides = array<i32>} : memref<128x128xf32, #tpu.memory_space<vmem>>, vector<1x16xf32>,
          %swap3A_294 = vector.shape_cast %swap3A_293 : vector<1x16xf32> to vector<16xf32>
          %swap3A_295 = vector.shape_cast %mul3A_288 : vector<16xf32> to vector<1x16xf32>
          tpu.vector_store %arg12[%swap3A_291, %swap3A_292], %swap3A_295 {strides = array<i32>} : memref<128x128xf32, #tpu.memory_space<vmem>>, vector<1x16xf32>,
          %add3A_296 = arith.constant 1 : i32
          %add3A_297 = arith.addi %mul3A_66, %add3A_296 : i32
          %get3A_298 = arith.index_cast %add3A_297 : i32 to index
          %get3A_299 = arith.constant 112 : index
          %get3A_300 = tpu.vector_load %arg12[%get3A_298, %get3A_299] {strides = array<i32>} : memref<128x128xf32, #tpu.memory_space<vmem>>, vector<1x16xf32>,
          %get3A_301 = vector.shape_cast %get3A_300 : vector<1x16xf32> to vector<16xf32>
          %mul3A_302 = vector.broadcast %squeeze3A_190 : f32 to vector<16xf32>
          %mul3A_303 = arith.mulf %get3A_301, %mul3A_302 : vector<16xf32>
          %add3A_304 = arith.constant 1 : i32
          %add3A_305 = arith.addi %mul3A_66, %add3A_304 : i32
          %swap3A_306 = arith.index_cast %add3A_305 : i32 to index
          %swap3A_307 = arith.constant 112 : index
          %swap3A_308 = tpu.vector_load %arg12[%swap3A_306, %swap3A_307] {strides = array<i32>} : memref<128x128xf32, #tpu.memory_space<vmem>>, vector<1x16xf32>,
          %swap3A_309 = vector.shape_cast %swap3A_308 : vector<1x16xf32> to vector<16xf32>
          %swap3A_310 = vector.shape_cast %mul3A_303 : vector<16xf32> to vector<1x16xf32>
          tpu.vector_store %arg12[%swap3A_306, %swap3A_307], %swap3A_310 {strides = array<i32>} : memref<128x128xf32, #tpu.memory_space<vmem>>, vector<1x16xf32>,
          %slice3A_311 = vector.extract_strided_slice %get3A_69 {offsets = [2], sizes = [1], strides = [1]} : vector<16xf32> to vector<1xf32>
          %squeeze3A_312 = vector.extract %slice3A_311[0] : f32 from vector<1xf32>
          %add3A_313 = arith.constant 2 : i32
          %add3A_314 = arith.addi %mul3A_66, %add3A_313 : i32
          %get3A_315 = arith.index_cast %add3A_314 : i32 to index
          %get3A_316 = arith.constant 0 : index
          %get3A_317 = tpu.vector_load %arg12[%get3A_315, %get3A_316] {strides = array<i32>} : memref<128x128xf32, #tpu.memory_space<vmem>>, vector<1x16xf32>,
          %get3A_318 = vector.shape_cast %get3A_317 : vector<1x16xf32> to vector<16xf32>
          %mul3A_319 = vector.broadcast %squeeze3A_312 : f32 to vector<16xf32>
          %mul3A_320 = arith.mulf %get3A_318, %mul3A_319 : vector<16xf32>
          %add3A_321 = arith.constant 2 : i32
          %add3A_322 = arith.addi %mul3A_66, %add3A_321 : i32
          %swap3A_323 = arith.index_cast %add3A_322 : i32 to index
          %swap3A_324 = arith.constant 0 : index
          %swap3A_325 = tpu.vector_load %arg12[%swap3A_323, %swap3A_324] {strides = array<i32>} : memref<128x128xf32, #tpu.memory_space<vmem>>, vector<1x16xf32>,
          %swap3A_326 = vector.shape_cast %swap3A_325 : vector<1x16xf32> to vector<16xf32>
          %swap3A_327 = vector.shape_cast %mul3A_320 : vector<16xf32> to vector<1x16xf32>
          tpu.vector_store %arg12[%swap3A_323, %swap3A_324], %swap3A_327 {strides = array<i32>} : memref<128x128xf32, #tpu.memory_space<vmem>>, vector<1x16xf32>,
          %add3A_328 = arith.constant 2 : i32
          %add3A_329 = arith.addi %mul3A_66, %add3A_328 : i32
          %get3A_330 = arith.index_cast %add3A_329 : i32 to index
          %get3A_331 = arith.constant 16 : index
          %get3A_332 = tpu.vector_load %arg12[%get3A_330, %get3A_331] {strides = array<i32>} : memref<128x128xf32, #tpu.memory_space<vmem>>, vector<1x16xf32>,
          %get3A_333 = vector.shape_cast %get3A_332 : vector<1x16xf32> to vector<16xf32>
          %mul3A_334 = vector.broadcast %squeeze3A_312 : f32 to vector<16xf32>
          %mul3A_335 = arith.mulf %get3A_333, %mul3A_334 : vector<16xf32>
          %add3A_336 = arith.constant 2 : i32
          %add3A_337 = arith.addi %mul3A_66, %add3A_336 : i32
          %swap3A_338 = arith.index_cast %add3A_337 : i32 to index
          %swap3A_339 = arith.constant 16 : index
          %swap3A_340 = tpu.vector_load %arg12[%swap3A_338, %swap3A_339] {strides = array<i32>} : memref<128x128xf32, #tpu.memory_space<vmem>>, vector<1x16xf32>,
          %swap3A_341 = vector.shape_cast %swap3A_340 : vector<1x16xf32> to vector<16xf32>
          %swap3A_342 = vector.shape_cast %mul3A_335 : vector<16xf32> to vector<1x16xf32>
          tpu.vector_store %arg12[%swap3A_338, %swap3A_339], %swap3A_342 {strides = array<i32>} : memref<128x128xf32, #tpu.memory_space<vmem>>, vector<1x16xf32>,
          %add3A_343 = arith.constant 2 : i32
          %add3A_344 = arith.addi %mul3A_66, %add3A_343 : i32
          %get3A_345 = arith.index_cast %add3A_344 : i32 to index
          %get3A_346 = arith.constant 32 : index
          %get3A_347 = tpu.vector_load %arg12[%get3A_345, %get3A_346] {strides = array<i32>} : memref<128x128xf32, #tpu.memory_space<vmem>>, vector<1x16xf32>,
          %get3A_348 = vector.shape_cast %get3A_347 : vector<1x16xf32> to vector<16xf32>
          %mul3A_349 = vector.broadcast %squeeze3A_312 : f32 to vector<16xf32>
          %mul3A_350 = arith.mulf %get3A_348, %mul3A_349 : vector<16xf32>
          %add3A_351 = arith.constant 2 : i32
          %add3A_352 = arith.addi %mul3A_66, %add3A_351 : i32
          %swap3A_353 = arith.index_cast %add3A_352 : i32 to index
          %swap3A_354 = arith.constant 32 : index
          %swap3A_355 = tpu.vector_load %arg12[%swap3A_353, %swap3A_354] {strides = array<i32>} : memref<128x128xf32, #tpu.memory_space<vmem>>, vector<1x16xf32>,
          %swap3A_356 = vector.shape_cast %swap3A_355 : vector<1x16xf32> to vector<16xf32>
          %swap3A_357 = vector.shape_cast %mul3A_350 : vector<16xf32> to vector<1x16xf32>
          tpu.vector_store %arg12[%swap3A_353, %swap3A_354], %swap3A_357 {strides = array<i32>} : memref<128x128xf32, #tpu.memory_space<vmem>>, vector<1x16xf32>,
          %add3A_358 = arith.constant 2 : i32
          %add3A_359 = arith.addi %mul3A_66, %add3A_358 : i32
          %get3A_360 = arith.index_cast %add3A_359 : i32 to index
          %get3A_361 = arith.constant 48 : index
          %get3A_362 = tpu.vector_load %arg12[%get3A_360, %get3A_361] {strides = array<i32>} : memref<128x128xf32, #tpu.memory_space<vmem>>, vector<1x16xf32>,
          %get3A_363 = vector.shape_cast %get3A_362 : vector<1x16xf32> to vector<16xf32>
          %mul3A_364 = vector.broadcast %squeeze3A_312 : f32 to vector<16xf32>
          %mul3A_365 = arith.mulf %get3A_363, %mul3A_364 : vector<16xf32>
          %add3A_366 = arith.constant 2 : i32
          %add3A_367 = arith.addi %mul3A_66, %add3A_366 : i32
          %swap3A_368 = arith.index_cast %add3A_367 : i32 to index
          %swap3A_369 = arith.constant 48 : index
          %swap3A_370 = tpu.vector_load %arg12[%swap3A_368, %swap3A_369] {strides = array<i32>} : memref<128x128xf32, #tpu.memory_space<vmem>>, vector<1x16xf32>,
          %swap3A_371 = vector.shape_cast %swap3A_370 : vector<1x16xf32> to vector<16xf32>
          %swap3A_372 = vector.shape_cast %mul3A_365 : vector<16xf32> to vector<1x16xf32>
          tpu.vector_store %arg12[%swap3A_368, %swap3A_369], %swap3A_372 {strides = array<i32>} : memref<128x128xf32, #tpu.memory_space<vmem>>, vector<1x16xf32>,
          %add3A_373 = arith.constant 2 : i32
          %add3A_374 = arith.addi %mul3A_66, %add3A_373 : i32
          %get3A_375 = arith.index_cast %add3A_374 : i32 to index
          %get3A_376 = arith.constant 64 : index
          %get3A_377 = tpu.vector_load %arg12[%get3A_375, %get3A_376] {strides = array<i32>} : memref<128x128xf32, #tpu.memory_space<vmem>>, vector<1x16xf32>,
          %get3A_378 = vector.shape_cast %get3A_377 : vector<1x16xf32> to vector<16xf32>
          %mul3A_379 = vector.broadcast %squeeze3A_312 : f32 to vector<16xf32>
          %mul3A_380 = arith.mulf %get3A_378, %mul3A_379 : vector<16xf32>
          %add3A_381 = arith.constant 2 : i32
          %add3A_382 = arith.addi %mul3A_66, %add3A_381 : i32
          %swap3A_383 = arith.index_cast %add3A_382 : i32 to index
          %swap3A_384 = arith.constant 64 : index
          %swap3A_385 = tpu.vector_load %arg12[%swap3A_383, %swap3A_384] {strides = array<i32>} : memref<128x128xf32, #tpu.memory_space<vmem>>, vector<1x16xf32>,
          %swap3A_386 = vector.shape_cast %swap3A_385 : vector<1x16xf32> to vector<16xf32>
          %swap3A_387 = vector.shape_cast %mul3A_380 : vector<16xf32> to vector<1x16xf32>
          tpu.vector_store %arg12[%swap3A_383, %swap3A_384], %swap3A_387 {strides = array<i32>} : memref<128x128xf32, #tpu.memory_space<vmem>>, vector<1x16xf32>,
          %add3A_388 = arith.constant 2 : i32
          %add3A_389 = arith.addi %mul3A_66, %add3A_388 : i32
          %get3A_390 = arith.index_cast %add3A_389 : i32 to index
          %get3A_391 = arith.constant 80 : index
          %get3A_392 = tpu.vector_load %arg12[%get3A_390, %get3A_391] {strides = array<i32>} : memref<128x128xf32, #tpu.memory_space<vmem>>, vector<1x16xf32>,
          %get3A_393 = vector.shape_cast %get3A_392 : vector<1x16xf32> to vector<16xf32>
          %mul3A_394 = vector.broadcast %squeeze3A_312 : f32 to vector<16xf32>
          %mul3A_395 = arith.mulf %get3A_393, %mul3A_394 : vector<16xf32>
          %add3A_396 = arith.constant 2 : i32
          %add3A_397 = arith.addi %mul3A_66, %add3A_396 : i32
          %swap3A_398 = arith.index_cast %add3A_397 : i32 to index
          %swap3A_399 = arith.constant 80 : index
          %swap3A_400 = tpu.vector_load %arg12[%swap3A_398, %swap3A_399] {strides = array<i32>} : memref<128x128xf32, #tpu.memory_space<vmem>>, vector<1x16xf32>,
          %swap3A_401 = vector.shape_cast %swap3A_400 : vector<1x16xf32> to vector<16xf32>
          %swap3A_402 = vector.shape_cast %mul3A_395 : vector<16xf32> to vector<1x16xf32>
          tpu.vector_store %arg12[%swap3A_398, %swap3A_399], %swap3A_402 {strides = array<i32>} : memref<128x128xf32, #tpu.memory_space<vmem>>, vector<1x16xf32>,
          %add3A_403 = arith.constant 2 : i32
          %add3A_404 = arith.addi %mul3A_66, %add3A_403 : i32
          %get3A_405 = arith.index_cast %add3A_404 : i32 to index
          %get3A_406 = arith.constant 96 : index
          %get3A_407 = tpu.vector_load %arg12[%get3A_405, %get3A_406] {strides = array<i32>} : memref<128x128xf32, #tpu.memory_space<vmem>>, vector<1x16xf32>,
          %get3A_408 = vector.shape_cast %get3A_407 : vector<1x16xf32> to vector<16xf32>
          %mul3A_409 = vector.broadcast %squeeze3A_312 : f32 to vector<16xf32>
          %mul3A_410 = arith.mulf %get3A_408, %mul3A_409 : vector<16xf32>
          %add3A_411 = arith.constant 2 : i32
          %add3A_412 = arith.addi %mul3A_66, %add3A_411 : i32
          %swap3A_413 = arith.index_cast %add3A_412 : i32 to index
          %swap3A_414 = arith.constant 96 : index
          %swap3A_415 = tpu.vector_load %arg12[%swap3A_413, %swap3A_414] {strides = array<i32>} : memref<128x128xf32, #tpu.memory_space<vmem>>, vector<1x16xf32>,
          %swap3A_416 = vector.shape_cast %swap3A_415 : vector<1x16xf32> to vector<16xf32>
          %swap3A_417 = vector.shape_cast %mul3A_410 : vector<16xf32> to vector<1x16xf32>
          tpu.vector_store %arg12[%swap3A_413, %swap3A_414], %swap3A_417 {strides = array<i32>} : memref<128x128xf32, #tpu.memory_space<vmem>>, vector<1x16xf32>,
          %add3A_418 = arith.constant 2 : i32
          %add3A_419 = arith.addi %mul3A_66, %add3A_418 : i32
          %get3A_420 = arith.index_cast %add3A_419 : i32 to index
          %get3A_421 = arith.constant 112 : index
          %get3A_422 = tpu.vector_load %arg12[%get3A_420, %get3A_421] {strides = array<i32>} : memref<128x128xf32, #tpu.memory_space<vmem>>, vector<1x16xf32>,
          %get3A_423 = vector.shape_cast %get3A_422 : vector<1x16xf32> to vector<16xf32>
          %mul3A_424 = vector.broadcast %squeeze3A_312 : f32 to vector<16xf32>
          %mul3A_425 = arith.mulf %get3A_423, %mul3A_424 : vector<16xf32>
          %add3A_426 = arith.constant 2 : i32
          %add3A_427 = arith.addi %mul3A_66, %add3A_426 : i32
          %swap3A_428 = arith.index_cast %add3A_427 : i32 to index
          %swap3A_429 = arith.constant 112 : index
          %swap3A_430 = tpu.vector_load %arg12[%swap3A_428, %swap3A_429] {strides = array<i32>} : memref<128x128xf32, #tpu.memory_space<vmem>>, vector<1x16xf32>,
          %swap3A_431 = vector.shape_cast %swap3A_430 : vector<1x16xf32> to vector<16xf32>
          %swap3A_432 = vector.shape_cast %mul3A_425 : vector<16xf32> to vector<1x16xf32>
          tpu.vector_store %arg12[%swap3A_428, %swap3A_429], %swap3A_432 {strides = array<i32>} : memref<128x128xf32, #tpu.memory_space<vmem>>, vector<1x16xf32>,
          %slice3A_433 = vector.extract_strided_slice %get3A_69 {offsets = [3], sizes = [1], strides = [1]} : vector<16xf32> to vector<1xf32>
          %squeeze3A_434 = vector.extract %slice3A_433[0] : f32 from vector<1xf32>
          %add3A_435 = arith.constant 3 : i32
          %add3A_436 = arith.addi %mul3A_66, %add3A_435 : i32
          %get3A_437 = arith.index_cast %add3A_436 : i32 to index
          %get3A_438 = arith.constant 0 : index
          %get3A_439 = tpu.vector_load %arg12[%get3A_437, %get3A_438] {strides = array<i32>} : memref<128x128xf32, #tpu.memory_space<vmem>>, vector<1x16xf32>,
          %get3A_440 = vector.shape_cast %get3A_439 : vector<1x16xf32> to vector<16xf32>
          %mul3A_441 = vector.broadcast %squeeze3A_434 : f32 to vector<16xf32>
          %mul3A_442 = arith.mulf %get3A_440, %mul3A_441 : vector<16xf32>
          %add3A_443 = arith.constant 3 : i32
          %add3A_444 = arith.addi %mul3A_66, %add3A_443 : i32
          %swap3A_445 = arith.index_cast %add3A_444 : i32 to index
          %swap3A_446 = arith.constant 0 : index
          %swap3A_447 = tpu.vector_load %arg12[%swap3A_445, %swap3A_446] {strides = array<i32>} : memref<128x128xf32, #tpu.memory_space<vmem>>, vector<1x16xf32>,
          %swap3A_448 = vector.shape_cast %swap3A_447 : vector<1x16xf32> to vector<16xf32>
          %swap3A_449 = vector.shape_cast %mul3A_442 : vector<16xf32> to vector<1x16xf32>
          tpu.vector_store %arg12[%swap3A_445, %swap3A_446], %swap3A_449 {strides = array<i32>} : memref<128x128xf32, #tpu.memory_space<vmem>>, vector<1x16xf32>,
          %add3A_450 = arith.constant 3 : i32
          %add3A_451 = arith.addi %mul3A_66, %add3A_450 : i32
          %get3A_452 = arith.index_cast %add3A_451 : i32 to index
          %get3A_453 = arith.constant 16 : index
          %get3A_454 = tpu.vector_load %arg12[%get3A_452, %get3A_453] {strides = array<i32>} : memref<128x128xf32, #tpu.memory_space<vmem>>, vector<1x16xf32>,
          %get3A_455 = vector.shape_cast %get3A_454 : vector<1x16xf32> to vector<16xf32>
          %mul3A_456 = vector.broadcast %squeeze3A_434 : f32 to vector<16xf32>
          %mul3A_457 = arith.mulf %get3A_455, %mul3A_456 : vector<16xf32>
          %add3A_458 = arith.constant 3 : i32
          %add3A_459 = arith.addi %mul3A_66, %add3A_458 : i32
          %swap3A_460 = arith.index_cast %add3A_459 : i32 to index
          %swap3A_461 = arith.constant 16 : index
          %swap3A_462 = tpu.vector_load %arg12[%swap3A_460, %swap3A_461] {strides = array<i32>} : memref<128x128xf32, #tpu.memory_space<vmem>>, vector<1x16xf32>,
          %swap3A_463 = vector.shape_cast %swap3A_462 : vector<1x16xf32> to vector<16xf32>
          %swap3A_464 = vector.shape_cast %mul3A_457 : vector<16xf32> to vector<1x16xf32>
          tpu.vector_store %arg12[%swap3A_460, %swap3A_461], %swap3A_464 {strides = array<i32>} : memref<128x128xf32, #tpu.memory_space<vmem>>, vector<1x16xf32>,
          %add3A_465 = arith.constant 3 : i32
          %add3A_466 = arith.addi %mul3A_66, %add3A_465 : i32
          %get3A_467 = arith.index_cast %add3A_466 : i32 to index
          %get3A_468 = arith.constant 32 : index
          %get3A_469 = tpu.vector_load %arg12[%get3A_467, %get3A_468] {strides = array<i32>} : memref<128x128xf32, #tpu.memory_space<vmem>>, vector<1x16xf32>,
          %get3A_470 = vector.shape_cast %get3A_469 : vector<1x16xf32> to vector<16xf32>
          %mul3A_471 = vector.broadcast %squeeze3A_434 : f32 to vector<16xf32>
          %mul3A_472 = arith.mulf %get3A_470, %mul3A_471 : vector<16xf32>
          %add3A_473 = arith.constant 3 : i32
          %add3A_474 = arith.addi %mul3A_66, %add3A_473 : i32
          %swap3A_475 = arith.index_cast %add3A_474 : i32 to index
          %swap3A_476 = arith.constant 32 : index
          %swap3A_477 = tpu.vector_load %arg12[%swap3A_475, %swap3A_476] {strides = array<i32>} : memref<128x128xf32, #tpu.memory_space<vmem>>, vector<1x16xf32>,
          %swap3A_478 = vector.shape_cast %swap3A_477 : vector<1x16xf32> to vector<16xf32>
          %swap3A_479 = vector.shape_cast %mul3A_472 : vector<16xf32> to vector<1x16xf32>
          tpu.vector_store %arg12[%swap3A_475, %swap3A_476], %swap3A_479 {strides = array<i32>} : memref<128x128xf32, #tpu.memory_space<vmem>>, vector<1x16xf32>,
          %add3A_480 = arith.constant 3 : i32
          %add3A_481 = arith.addi %mul3A_66, %add3A_480 : i32
          %get3A_482 = arith.index_cast %add3A_481 : i32 to index
          %get3A_483 = arith.constant 48 : index
          %get3A_484 = tpu.vector_load %arg12[%get3A_482, %get3A_483] {strides = array<i32>} : memref<128x128xf32, #tpu.memory_space<vmem>>, vector<1x16xf32>,
          %get3A_485 = vector.shape_cast %get3A_484 : vector<1x16xf32> to vector<16xf32>
          %mul3A_486 = vector.broadcast %squeeze3A_434 : f32 to vector<16xf32>
          %mul3A_487 = arith.mulf %get3A_485, %mul3A_486 : vector<16xf32>
          %add3A_488 = arith.constant 3 : i32
          %add3A_489 = arith.addi %mul3A_66, %add3A_488 : i32
          %swap3A_490 = arith.index_cast %add3A_489 : i32 to index
          %swap3A_491 = arith.constant 48 : index
          %swap3A_492 = tpu.vector_load %arg12[%swap3A_490, %swap3A_491] {strides = array<i32>} : memref<128x128xf32, #tpu.memory_space<vmem>>, vector<1x16xf32>,
          %swap3A_493 = vector.shape_cast %swap3A_492 : vector<1x16xf32> to vector<16xf32>
          %swap3A_494 = vector.shape_cast %mul3A_487 : vector<16xf32> to vector<1x16xf32>
          tpu.vector_store %arg12[%swap3A_490, %swap3A_491], %swap3A_494 {strides = array<i32>} : memref<128x128xf32, #tpu.memory_space<vmem>>, vector<1x16xf32>,
          %add3A_495 = arith.constant 3 : i32
          %add3A_496 = arith.addi %mul3A_66, %add3A_495 : i32
          %get3A_497 = arith.index_cast %add3A_496 : i32 to index
          %get3A_498 = arith.constant 64 : index
          %get3A_499 = tpu.vector_load %arg12[%get3A_497, %get3A_498] {strides = array<i32>} : memref<128x128xf32, #tpu.memory_space<vmem>>, vector<1x16xf32>,
          %get3A_500 = vector.shape_cast %get3A_499 : vector<1x16xf32> to vector<16xf32>
          %mul3A_501 = vector.broadcast %squeeze3A_434 : f32 to vector<16xf32>
          %mul3A_502 = arith.mulf %get3A_500, %mul3A_501 : vector<16xf32>
          %add3A_503 = arith.constant 3 : i32
          %add3A_504 = arith.addi %mul3A_66, %add3A_503 : i32
          %swap3A_505 = arith.index_cast %add3A_504 : i32 to index
          %swap3A_506 = arith.constant 64 : index
          %swap3A_507 = tpu.vector_load %arg12[%swap3A_505, %swap3A_506] {strides = array<i32>} : memref<128x128xf32, #tpu.memory_space<vmem>>, vector<1x16xf32>,
          %swap3A_508 = vector.shape_cast %swap3A_507 : vector<1x16xf32> to vector<16xf32>
          %swap3A_509 = vector.shape_cast %mul3A_502 : vector<16xf32> to vector<1x16xf32>
          tpu.vector_store %arg12[%swap3A_505, %swap3A_506], %swap3A_509 {strides = array<i32>} : memref<128x128xf32, #tpu.memory_space<vmem>>, vector<1x16xf32>,
          %add3A_510 = arith.constant 3 : i32
          %add3A_511 = arith.addi %mul3A_66, %add3A_510 : i32
          %get3A_512 = arith.index_cast %add3A_511 : i32 to index
          %get3A_513 = arith.constant 80 : index
          %get3A_514 = tpu.vector_load %arg12[%get3A_512, %get3A_513] {strides = array<i32>} : memref<128x128xf32, #tpu.memory_space<vmem>>, vector<1x16xf32>,
          %get3A_515 = vector.shape_cast %get3A_514 : vector<1x16xf32> to vector<16xf32>
          %mul3A_516 = vector.broadcast %squeeze3A_434 : f32 to vector<16xf32>
          %mul3A_517 = arith.mulf %get3A_515, %mul3A_516 : vector<16xf32>
          %add3A_518 = arith.constant 3 : i32
          %add3A_519 = arith.addi %mul3A_66, %add3A_518 : i32
          %swap3A_520 = arith.index_cast %add3A_519 : i32 to index
          %swap3A_521 = arith.constant 80 : index
          %swap3A_522 = tpu.vector_load %arg12[%swap3A_520, %swap3A_521] {strides = array<i32>} : memref<128x128xf32, #tpu.memory_space<vmem>>, vector<1x16xf32>,
          %swap3A_523 = vector.shape_cast %swap3A_522 : vector<1x16xf32> to vector<16xf32>
          %swap3A_524 = vector.shape_cast %mul3A_517 : vector<16xf32> to vector<1x16xf32>
          tpu.vector_store %arg12[%swap3A_520, %swap3A_521], %swap3A_524 {strides = array<i32>} : memref<128x128xf32, #tpu.memory_space<vmem>>, vector<1x16xf32>,
          %add3A_525 = arith.constant 3 : i32
          %add3A_526 = arith.addi %mul3A_66, %add3A_525 : i32
          %get3A_527 = arith.index_cast %add3A_526 : i32 to index
          %get3A_528 = arith.constant 96 : index
          %get3A_529 = tpu.vector_load %arg12[%get3A_527, %get3A_528] {strides = array<i32>} : memref<128x128xf32, #tpu.memory_space<vmem>>, vector<1x16xf32>,
          %get3A_530 = vector.shape_cast %get3A_529 : vector<1x16xf32> to vector<16xf32>
          %mul3A_531 = vector.broadcast %squeeze3A_434 : f32 to vector<16xf32>
          %mul3A_532 = arith.mulf %get3A_530, %mul3A_531 : vector<16xf32>
          %add3A_533 = arith.constant 3 : i32
          %add3A_534 = arith.addi %mul3A_66, %add3A_533 : i32
          %swap3A_535 = arith.index_cast %add3A_534 : i32 to index
          %swap3A_536 = arith.constant 96 : index
          %swap3A_537 = tpu.vector_load %arg12[%swap3A_535, %swap3A_536] {strides = array<i32>} : memref<128x128xf32, #tpu.memory_space<vmem>>, vector<1x16xf32>,
          %swap3A_538 = vector.shape_cast %swap3A_537 : vector<1x16xf32> to vector<16xf32>
          %swap3A_539 = vector.shape_cast %mul3A_532 : vector<16xf32> to vector<1x16xf32>
          tpu.vector_store %arg12[%swap3A_535, %swap3A_536], %swap3A_539 {strides = array<i32>} : memref<128x128xf32, #tpu.memory_space<vmem>>, vector<1x16xf32>,
          %add3A_540 = arith.constant 3 : i32
          %add3A_541 = arith.addi %mul3A_66, %add3A_540 : i32
          %get3A_542 = arith.index_cast %add3A_541 : i32 to index
          %get3A_543 = arith.constant 112 : index
          %get3A_544 = tpu.vector_load %arg12[%get3A_542, %get3A_543] {strides = array<i32>} : memref<128x128xf32, #tpu.memory_space<vmem>>, vector<1x16xf32>,
          %get3A_545 = vector.shape_cast %get3A_544 : vector<1x16xf32> to vector<16xf32>
          %mul3A_546 = vector.broadcast %squeeze3A_434 : f32 to vector<16xf32>
          %mul3A_547 = arith.mulf %get3A_545, %mul3A_546 : vector<16xf32>
          %add3A_548 = arith.constant 3 : i32
          %add3A_549 = arith.addi %mul3A_66, %add3A_548 : i32
          %swap3A_550 = arith.index_cast %add3A_549 : i32 to index
          %swap3A_551 = arith.constant 112 : index
          %swap3A_552 = tpu.vector_load %arg12[%swap3A_550, %swap3A_551] {strides = array<i32>} : memref<128x128xf32, #tpu.memory_space<vmem>>, vector<1x16xf32>,
          %swap3A_553 = vector.shape_cast %swap3A_552 : vector<1x16xf32> to vector<16xf32>
          %swap3A_554 = vector.shape_cast %mul3A_547 : vector<16xf32> to vector<1x16xf32>
          tpu.vector_store %arg12[%swap3A_550, %swap3A_551], %swap3A_554 {strides = array<i32>} : memref<128x128xf32, #tpu.memory_space<vmem>>, vector<1x16xf32>,
          %slice3A_555 = vector.extract_strided_slice %get3A_69 {offsets = [4], sizes = [1], strides = [1]} : vector<16xf32> to vector<1xf32>
          %squeeze3A_556 = vector.extract %slice3A_555[0] : f32 from vector<1xf32>
          %add3A_557 = arith.constant 4 : i32
          %add3A_558 = arith.addi %mul3A_66, %add3A_557 : i32
          %get3A_559 = arith.index_cast %add3A_558 : i32 to index
          %get3A_560 = arith.constant 0 : index
          %get3A_561 = tpu.vector_load %arg12[%get3A_559, %get3A_560] {strides = array<i32>} : memref<128x128xf32, #tpu.memory_space<vmem>>, vector<1x16xf32>,
          %get3A_562 = vector.shape_cast %get3A_561 : vector<1x16xf32> to vector<16xf32>
          %mul3A_563 = vector.broadcast %squeeze3A_556 : f32 to vector<16xf32>
          %mul3A_564 = arith.mulf %get3A_562, %mul3A_563 : vector<16xf32>
          %add3A_565 = arith.constant 4 : i32
          %add3A_566 = arith.addi %mul3A_66, %add3A_565 : i32
          %swap3A_567 = arith.index_cast %add3A_566 : i32 to index
          %swap3A_568 = arith.constant 0 : index
          %swap3A_569 = tpu.vector_load %arg12[%swap3A_567, %swap3A_568] {strides = array<i32>} : memref<128x128xf32, #tpu.memory_space<vmem>>, vector<1x16xf32>,
          %swap3A_570 = vector.shape_cast %swap3A_569 : vector<1x16xf32> to vector<16xf32>
          %swap3A_571 = vector.shape_cast %mul3A_564 : vector<16xf32> to vector<1x16xf32>
          tpu.vector_store %arg12[%swap3A_567, %swap3A_568], %swap3A_571 {strides = array<i32>} : memref<128x128xf32, #tpu.memory_space<vmem>>, vector<1x16xf32>,
          %add3A_572 = arith.constant 4 : i32
          %add3A_573 = arith.addi %mul3A_66, %add3A_572 : i32
          %get3A_574 = arith.index_cast %add3A_573 : i32 to index
          %get3A_575 = arith.constant 16 : index
          %get3A_576 = tpu.vector_load %arg12[%get3A_574, %get3A_575] {strides = array<i32>} : memref<128x128xf32, #tpu.memory_space<vmem>>, vector<1x16xf32>,
          %get3A_577 = vector.shape_cast %get3A_576 : vector<1x16xf32> to vector<16xf32>
          %mul3A_578 = vector.broadcast %squeeze3A_556 : f32 to vector<16xf32>
          %mul3A_579 = arith.mulf %get3A_577, %mul3A_578 : vector<16xf32>
          %add3A_580 = arith.constant 4 : i32
          %add3A_581 = arith.addi %mul3A_66, %add3A_580 : i32
          %swap3A_582 = arith.index_cast %add3A_581 : i32 to index
          %swap3A_583 = arith.constant 16 : index
          %swap3A_584 = tpu.vector_load %arg12[%swap3A_582, %swap3A_583] {strides = array<i32>} : memref<128x128xf32, #tpu.memory_space<vmem>>, vector<1x16xf32>,
          %swap3A_585 = vector.shape_cast %swap3A_584 : vector<1x16xf32> to vector<16xf32>
          %swap3A_586 = vector.shape_cast %mul3A_579 : vector<16xf32> to vector<1x16xf32>
          tpu.vector_store %arg12[%swap3A_582, %swap3A_583], %swap3A_586 {strides = array<i32>} : memref<128x128xf32, #tpu.memory_space<vmem>>, vector<1x16xf32>,
          %add3A_587 = arith.constant 4 : i32
          %add3A_588 = arith.addi %mul3A_66, %add3A_587 : i32
          %get3A_589 = arith.index_cast %add3A_588 : i32 to index
          %get3A_590 = arith.constant 32 : index
          %get3A_591 = tpu.vector_load %arg12[%get3A_589, %get3A_590] {strides = array<i32>} : memref<128x128xf32, #tpu.memory_space<vmem>>, vector<1x16xf32>,
          %get3A_592 = vector.shape_cast %get3A_591 : vector<1x16xf32> to vector<16xf32>
          %mul3A_593 = vector.broadcast %squeeze3A_556 : f32 to vector<16xf32>
          %mul3A_594 = arith.mulf %get3A_592, %mul3A_593 : vector<16xf32>
          %add3A_595 = arith.constant 4 : i32
          %add3A_596 = arith.addi %mul3A_66, %add3A_595 : i32
          %swap3A_597 = arith.index_cast %add3A_596 : i32 to index
          %swap3A_598 = arith.constant 32 : index
          %swap3A_599 = tpu.vector_load %arg12[%swap3A_597, %swap3A_598] {strides = array<i32>} : memref<128x128xf32, #tpu.memory_space<vmem>>, vector<1x16xf32>,
          %swap3A_600 = vector.shape_cast %swap3A_599 : vector<1x16xf32> to vector<16xf32>
          %swap3A_601 = vector.shape_cast %mul3A_594 : vector<16xf32> to vector<1x16xf32>
          tpu.vector_store %arg12[%swap3A_597, %swap3A_598], %swap3A_601 {strides = array<i32>} : memref<128x128xf32, #tpu.memory_space<vmem>>, vector<1x16xf32>,
          %add3A_602 = arith.constant 4 : i32
          %add3A_603 = arith.addi %mul3A_66, %add3A_602 : i32
          %get3A_604 = arith.index_cast %add3A_603 : i32 to index
          %get3A_605 = arith.constant 48 : index
          %get3A_606 = tpu.vector_load %arg12[%get3A_604, %get3A_605] {strides = array<i32>} : memref<128x128xf32, #tpu.memory_space<vmem>>, vector<1x16xf32>,
          %get3A_607 = vector.shape_cast %get3A_606 : vector<1x16xf32> to vector<16xf32>
          %mul3A_608 = vector.broadcast %squeeze3A_556 : f32 to vector<16xf32>
          %mul3A_609 = arith.mulf %get3A_607, %mul3A_608 : vector<16xf32>
          %add3A_610 = arith.constant 4 : i32
          %add3A_611 = arith.addi %mul3A_66, %add3A_610 : i32
          %swap3A_612 = arith.index_cast %add3A_611 : i32 to index
          %swap3A_613 = arith.constant 48 : index
          %swap3A_614 = tpu.vector_load %arg12[%swap3A_612, %swap3A_613] {strides = array<i32>} : memref<128x128xf32, #tpu.memory_space<vmem>>, vector<1x16xf32>,
          %swap3A_615 = vector.shape_cast %swap3A_614 : vector<1x16xf32> to vector<16xf32>
          %swap3A_616 = vector.shape_cast %mul3A_609 : vector<16xf32> to vector<1x16xf32>
          tpu.vector_store %arg12[%swap3A_612, %swap3A_613], %swap3A_616 {strides = array<i32>} : memref<128x128xf32, #tpu.memory_space<vmem>>, vector<1x16xf32>,
          %add3A_617 = arith.constant 4 : i32
          %add3A_618 = arith.addi %mul3A_66, %add3A_617 : i32
          %get3A_619 = arith.index_cast %add3A_618 : i32 to index
          %get3A_620 = arith.constant 64 : index
          %get3A_621 = tpu.vector_load %arg12[%get3A_619, %get3A_620] {strides = array<i32>} : memref<128x128xf32, #tpu.memory_space<vmem>>, vector<1x16xf32>,
          %get3A_622 = vector.shape_cast %get3A_621 : vector<1x16xf32> to vector<16xf32>
          %mul3A_623 = vector.broadcast %squeeze3A_556 : f32 to vector<16xf32>
          %mul3A_624 = arith.mulf %get3A_622, %mul3A_623 : vector<16xf32>
          %add3A_625 = arith.constant 4 : i32
          %add3A_626 = arith.addi %mul3A_66, %add3A_625 : i32
          %swap3A_627 = arith.index_cast %add3A_626 : i32 to index
          %swap3A_628 = arith.constant 64 : index
          %swap3A_629 = tpu.vector_load %arg12[%swap3A_627, %swap3A_628] {strides = array<i32>} : memref<128x128xf32, #tpu.memory_space<vmem>>, vector<1x16xf32>,
          %swap3A_630 = vector.shape_cast %swap3A_629 : vector<1x16xf32> to vector<16xf32>
          %swap3A_631 = vector.shape_cast %mul3A_624 : vector<16xf32> to vector<1x16xf32>
          tpu.vector_store %arg12[%swap3A_627, %swap3A_628], %swap3A_631 {strides = array<i32>} : memref<128x128xf32, #tpu.memory_space<vmem>>, vector<1x16xf32>,
          %add3A_632 = arith.constant 4 : i32
          %add3A_633 = arith.addi %mul3A_66, %add3A_632 : i32
          %get3A_634 = arith.index_cast %add3A_633 : i32 to index
          %get3A_635 = arith.constant 80 : index
          %get3A_636 = tpu.vector_load %arg12[%get3A_634, %get3A_635] {strides = array<i32>} : memref<128x128xf32, #tpu.memory_space<vmem>>, vector<1x16xf32>,
          %get3A_637 = vector.shape_cast %get3A_636 : vector<1x16xf32> to vector<16xf32>
          %mul3A_638 = vector.broadcast %squeeze3A_556 : f32 to vector<16xf32>
          %mul3A_639 = arith.mulf %get3A_637, %mul3A_638 : vector<16xf32>
          %add3A_640 = arith.constant 4 : i32
          %add3A_641 = arith.addi %mul3A_66, %add3A_640 : i32
          %swap3A_642 = arith.index_cast %add3A_641 : i32 to index
          %swap3A_643 = arith.constant 80 : index
          %swap3A_644 = tpu.vector_load %arg12[%swap3A_642, %swap3A_643] {strides = array<i32>} : memref<128x128xf32, #tpu.memory_space<vmem>>, vector<1x16xf32>,
          %swap3A_645 = vector.shape_cast %swap3A_644 : vector<1x16xf32> to vector<16xf32>
          %swap3A_646 = vector.shape_cast %mul3A_639 : vector<16xf32> to vector<1x16xf32>
          tpu.vector_store %arg12[%swap3A_642, %swap3A_643], %swap3A_646 {strides = array<i32>} : memref<128x128xf32, #tpu.memory_space<vmem>>, vector<1x16xf32>,
          %add3A_647 = arith.constant 4 : i32
          %add3A_648 = arith.addi %mul3A_66, %add3A_647 : i32
          %get3A_649 = arith.index_cast %add3A_648 : i32 to index
          %get3A_650 = arith.constant 96 : index
          %get3A_651 = tpu.vector_load %arg12[%get3A_649, %get3A_650] {strides = array<i32>} : memref<128x128xf32, #tpu.memory_space<vmem>>, vector<1x16xf32>,
          %get3A_652 = vector.shape_cast %get3A_651 : vector<1x16xf32> to vector<16xf32>
          %mul3A_653 = vector.broadcast %squeeze3A_556 : f32 to vector<16xf32>
          %mul3A_654 = arith.mulf %get3A_652, %mul3A_653 : vector<16xf32>
          %add3A_655 = arith.constant 4 : i32
          %add3A_656 = arith.addi %mul3A_66, %add3A_655 : i32
          %swap3A_657 = arith.index_cast %add3A_656 : i32 to index
          %swap3A_658 = arith.constant 96 : index
          %swap3A_659 = tpu.vector_load %arg12[%swap3A_657, %swap3A_658] {strides = array<i32>} : memref<128x128xf32, #tpu.memory_space<vmem>>, vector<1x16xf32>,
          %swap3A_660 = vector.shape_cast %swap3A_659 : vector<1x16xf32> to vector<16xf32>
          %swap3A_661 = vector.shape_cast %mul3A_654 : vector<16xf32> to vector<1x16xf32>
          tpu.vector_store %arg12[%swap3A_657, %swap3A_658], %swap3A_661 {strides = array<i32>} : memref<128x128xf32, #tpu.memory_space<vmem>>, vector<1x16xf32>,
          %add3A_662 = arith.constant 4 : i32
          %add3A_663 = arith.addi %mul3A_66, %add3A_662 : i32
          %get3A_664 = arith.index_cast %add3A_663 : i32 to index
          %get3A_665 = arith.constant 112 : index
          %get3A_666 = tpu.vector_load %arg12[%get3A_664, %get3A_665] {strides = array<i32>} : memref<128x128xf32, #tpu.memory_space<vmem>>, vector<1x16xf32>,
          %get3A_667 = vector.shape_cast %get3A_666 : vector<1x16xf32> to vector<16xf32>
          %mul3A_668 = vector.broadcast %squeeze3A_556 : f32 to vector<16xf32>
          %mul3A_669 = arith.mulf %get3A_667, %mul3A_668 : vector<16xf32>
          %add3A_670 = arith.constant 4 : i32
          %add3A_671 = arith.addi %mul3A_66, %add3A_670 : i32
          %swap3A_672 = arith.index_cast %add3A_671 : i32 to index
          %swap3A_673 = arith.constant 112 : index
          %swap3A_674 = tpu.vector_load %arg12[%swap3A_672, %swap3A_673] {strides = array<i32>} : memref<128x128xf32, #tpu.memory_space<vmem>>, vector<1x16xf32>,
          %swap3A_675 = vector.shape_cast %swap3A_674 : vector<1x16xf32> to vector<16xf32>
          %swap3A_676 = vector.shape_cast %mul3A_669 : vector<16xf32> to vector<1x16xf32>
          tpu.vector_store %arg12[%swap3A_672, %swap3A_673], %swap3A_676 {strides = array<i32>} : memref<128x128xf32, #tpu.memory_space<vmem>>, vector<1x16xf32>,
          %slice3A_677 = vector.extract_strided_slice %get3A_69 {offsets = [5], sizes = [1], strides = [1]} : vector<16xf32> to vector<1xf32>
          %squeeze3A_678 = vector.extract %slice3A_677[0] : f32 from vector<1xf32>
          %add3A_679 = arith.constant 5 : i32
          %add3A_680 = arith.addi %mul3A_66, %add3A_679 : i32
          %get3A_681 = arith.index_cast %add3A_680 : i32 to index
          %get3A_682 = arith.constant 0 : index
          %get3A_683 = tpu.vector_load %arg12[%get3A_681, %get3A_682] {strides = array<i32>} : memref<128x128xf32, #tpu.memory_space<vmem>>, vector<1x16xf32>,
          %get3A_684 = vector.shape_cast %get3A_683 : vector<1x16xf32> to vector<16xf32>
          %mul3A_685 = vector.broadcast %squeeze3A_678 : f32 to vector<16xf32>
          %mul3A_686 = arith.mulf %get3A_684, %mul3A_685 : vector<16xf32>
          %add3A_687 = arith.constant 5 : i32
          %add3A_688 = arith.addi %mul3A_66, %add3A_687 : i32
          %swap3A_689 = arith.index_cast %add3A_688 : i32 to index
          %swap3A_690 = arith.constant 0 : index
          %swap3A_691 = tpu.vector_load %arg12[%swap3A_689, %swap3A_690] {strides = array<i32>} : memref<128x128xf32, #tpu.memory_space<vmem>>, vector<1x16xf32>,
          %swap3A_692 = vector.shape_cast %swap3A_691 : vector<1x16xf32> to vector<16xf32>
          %swap3A_693 = vector.shape_cast %mul3A_686 : vector<16xf32> to vector<1x16xf32>
          tpu.vector_store %arg12[%swap3A_689, %swap3A_690], %swap3A_693 {strides = array<i32>} : memref<128x128xf32, #tpu.memory_space<vmem>>, vector<1x16xf32>,
          %add3A_694 = arith.constant 5 : i32
          %add3A_695 = arith.addi %mul3A_66, %add3A_694 : i32
          %get3A_696 = arith.index_cast %add3A_695 : i32 to index
          %get3A_697 = arith.constant 16 : index
          %get3A_698 = tpu.vector_load %arg12[%get3A_696, %get3A_697] {strides = array<i32>} : memref<128x128xf32, #tpu.memory_space<vmem>>, vector<1x16xf32>,
          %get3A_699 = vector.shape_cast %get3A_698 : vector<1x16xf32> to vector<16xf32>
          %mul3A_700 = vector.broadcast %squeeze3A_678 : f32 to vector<16xf32>
          %mul3A_701 = arith.mulf %get3A_699, %mul3A_700 : vector<16xf32>
          %add3A_702 = arith.constant 5 : i32
          %add3A_703 = arith.addi %mul3A_66, %add3A_702 : i32
          %swap3A_704 = arith.index_cast %add3A_703 : i32 to index
          %swap3A_705 = arith.constant 16 : index
          %swap3A_706 = tpu.vector_load %arg12[%swap3A_704, %swap3A_705] {strides = array<i32>} : memref<128x128xf32, #tpu.memory_space<vmem>>, vector<1x16xf32>,
          %swap3A_707 = vector.shape_cast %swap3A_706 : vector<1x16xf32> to vector<16xf32>
          %swap3A_708 = vector.shape_cast %mul3A_701 : vector<16xf32> to vector<1x16xf32>
          tpu.vector_store %arg12[%swap3A_704, %swap3A_705], %swap3A_708 {strides = array<i32>} : memref<128x128xf32, #tpu.memory_space<vmem>>, vector<1x16xf32>,
          %add3A_709 = arith.constant 5 : i32
          %add3A_710 = arith.addi %mul3A_66, %add3A_709 : i32
          %get3A_711 = arith.index_cast %add3A_710 : i32 to index
          %get3A_712 = arith.constant 32 : index
          %get3A_713 = tpu.vector_load %arg12[%get3A_711, %get3A_712] {strides = array<i32>} : memref<128x128xf32, #tpu.memory_space<vmem>>, vector<1x16xf32>,
          %get3A_714 = vector.shape_cast %get3A_713 : vector<1x16xf32> to vector<16xf32>
          %mul3A_715 = vector.broadcast %squeeze3A_678 : f32 to vector<16xf32>
          %mul3A_716 = arith.mulf %get3A_714, %mul3A_715 : vector<16xf32>
          %add3A_717 = arith.constant 5 : i32
          %add3A_718 = arith.addi %mul3A_66, %add3A_717 : i32
          %swap3A_719 = arith.index_cast %add3A_718 : i32 to index
          %swap3A_720 = arith.constant 32 : index
          %swap3A_721 = tpu.vector_load %arg12[%swap3A_719, %swap3A_720] {strides = array<i32>} : memref<128x128xf32, #tpu.memory_space<vmem>>, vector<1x16xf32>,
          %swap3A_722 = vector.shape_cast %swap3A_721 : vector<1x16xf32> to vector<16xf32>
          %swap3A_723 = vector.shape_cast %mul3A_716 : vector<16xf32> to vector<1x16xf32>
          tpu.vector_store %arg12[%swap3A_719, %swap3A_720], %swap3A_723 {strides = array<i32>} : memref<128x128xf32, #tpu.memory_space<vmem>>, vector<1x16xf32>,
          %add3A_724 = arith.constant 5 : i32
          %add3A_725 = arith.addi %mul3A_66, %add3A_724 : i32
          %get3A_726 = arith.index_cast %add3A_725 : i32 to index
          %get3A_727 = arith.constant 48 : index
          %get3A_728 = tpu.vector_load %arg12[%get3A_726, %get3A_727] {strides = array<i32>} : memref<128x128xf32, #tpu.memory_space<vmem>>, vector<1x16xf32>,
          %get3A_729 = vector.shape_cast %get3A_728 : vector<1x16xf32> to vector<16xf32>
          %mul3A_730 = vector.broadcast %squeeze3A_678 : f32 to vector<16xf32>
          %mul3A_731 = arith.mulf %get3A_729, %mul3A_730 : vector<16xf32>
          %add3A_732 = arith.constant 5 : i32
          %add3A_733 = arith.addi %mul3A_66, %add3A_732 : i32
          %swap3A_734 = arith.index_cast %add3A_733 : i32 to index
          %swap3A_735 = arith.constant 48 : index
          %swap3A_736 = tpu.vector_load %arg12[%swap3A_734, %swap3A_735] {strides = array<i32>} : memref<128x128xf32, #tpu.memory_space<vmem>>, vector<1x16xf32>,
          %swap3A_737 = vector.shape_cast %swap3A_736 : vector<1x16xf32> to vector<16xf32>
          %swap3A_738 = vector.shape_cast %mul3A_731 : vector<16xf32> to vector<1x16xf32>
          tpu.vector_store %arg12[%swap3A_734, %swap3A_735], %swap3A_738 {strides = array<i32>} : memref<128x128xf32, #tpu.memory_space<vmem>>, vector<1x16xf32>,
          %add3A_739 = arith.constant 5 : i32
          %add3A_740 = arith.addi %mul3A_66, %add3A_739 : i32
          %get3A_741 = arith.index_cast %add3A_740 : i32 to index
          %get3A_742 = arith.constant 64 : index
          %get3A_743 = tpu.vector_load %arg12[%get3A_741, %get3A_742] {strides = array<i32>} : memref<128x128xf32, #tpu.memory_space<vmem>>, vector<1x16xf32>,
          %get3A_744 = vector.shape_cast %get3A_743 : vector<1x16xf32> to vector<16xf32>
          %mul3A_745 = vector.broadcast %squeeze3A_678 : f32 to vector<16xf32>
          %mul3A_746 = arith.mulf %get3A_744, %mul3A_745 : vector<16xf32>
          %add3A_747 = arith.constant 5 : i32
          %add3A_748 = arith.addi %mul3A_66, %add3A_747 : i32
          %swap3A_749 = arith.index_cast %add3A_748 : i32 to index
          %swap3A_750 = arith.constant 64 : index
          %swap3A_751 = tpu.vector_load %arg12[%swap3A_749, %swap3A_750] {strides = array<i32>} : memref<128x128xf32, #tpu.memory_space<vmem>>, vector<1x16xf32>,
          %swap3A_752 = vector.shape_cast %swap3A_751 : vector<1x16xf32> to vector<16xf32>
          %swap3A_753 = vector.shape_cast %mul3A_746 : vector<16xf32> to vector<1x16xf32>
          tpu.vector_store %arg12[%swap3A_749, %swap3A_750], %swap3A_753 {strides = array<i32>} : memref<128x128xf32, #tpu.memory_space<vmem>>, vector<1x16xf32>,
          %add3A_754 = arith.constant 5 : i32
          %add3A_755 = arith.addi %mul3A_66, %add3A_754 : i32
          %get3A_756 = arith.index_cast %add3A_755 : i32 to index
          %get3A_757 = arith.constant 80 : index
          %get3A_758 = tpu.vector_load %arg12[%get3A_756, %get3A_757] {strides = array<i32>} : memref<128x128xf32, #tpu.memory_space<vmem>>, vector<1x16xf32>,
          %get3A_759 = vector.shape_cast %get3A_758 : vector<1x16xf32> to vector<16xf32>
          %mul3A_760 = vector.broadcast %squeeze3A_678 : f32 to vector<16xf32>
          %mul3A_761 = arith.mulf %get3A_759, %mul3A_760 : vector<16xf32>
          %add3A_762 = arith.constant 5 : i32
          %add3A_763 = arith.addi %mul3A_66, %add3A_762 : i32
          %swap3A_764 = arith.index_cast %add3A_763 : i32 to index
          %swap3A_765 = arith.constant 80 : index
          %swap3A_766 = tpu.vector_load %arg12[%swap3A_764, %swap3A_765] {strides = array<i32>} : memref<128x128xf32, #tpu.memory_space<vmem>>, vector<1x16xf32>,
          %swap3A_767 = vector.shape_cast %swap3A_766 : vector<1x16xf32> to vector<16xf32>
          %swap3A_768 = vector.shape_cast %mul3A_761 : vector<16xf32> to vector<1x16xf32>
          tpu.vector_store %arg12[%swap3A_764, %swap3A_765], %swap3A_768 {strides = array<i32>} : memref<128x128xf32, #tpu.memory_space<vmem>>, vector<1x16xf32>,
          %add3A_769 = arith.constant 5 : i32
          %add3A_770 = arith.addi %mul3A_66, %add3A_769 : i32
          %get3A_771 = arith.index_cast %add3A_770 : i32 to index
          %get3A_772 = arith.constant 96 : index
          %get3A_773 = tpu.vector_load %arg12[%get3A_771, %get3A_772] {strides = array<i32>} : memref<128x128xf32, #tpu.memory_space<vmem>>, vector<1x16xf32>,
          %get3A_774 = vector.shape_cast %get3A_773 : vector<1x16xf32> to vector<16xf32>
          %mul3A_775 = vector.broadcast %squeeze3A_678 : f32 to vector<16xf32>
          %mul3A_776 = arith.mulf %get3A_774, %mul3A_775 : vector<16xf32>
          %add3A_777 = arith.constant 5 : i32
          %add3A_778 = arith.addi %mul3A_66, %add3A_777 : i32
          %swap3A_779 = arith.index_cast %add3A_778 : i32 to index
          %swap3A_780 = arith.constant 96 : index
          %swap3A_781 = tpu.vector_load %arg12[%swap3A_779, %swap3A_780] {strides = array<i32>} : memref<128x128xf32, #tpu.memory_space<vmem>>, vector<1x16xf32>,
          %swap3A_782 = vector.shape_cast %swap3A_781 : vector<1x16xf32> to vector<16xf32>
          %swap3A_783 = vector.shape_cast %mul3A_776 : vector<16xf32> to vector<1x16xf32>
          tpu.vector_store %arg12[%swap3A_779, %swap3A_780], %swap3A_783 {strides = array<i32>} : memref<128x128xf32, #tpu.memory_space<vmem>>, vector<1x16xf32>,
          %add3A_784 = arith.constant 5 : i32
          %add3A_785 = arith.addi %mul3A_66, %add3A_784 : i32
          %get3A_786 = arith.index_cast %add3A_785 : i32 to index
          %get3A_787 = arith.constant 112 : index
          %get3A_788 = tpu.vector_load %arg12[%get3A_786, %get3A_787] {strides = array<i32>} : memref<128x128xf32, #tpu.memory_space<vmem>>, vector<1x16xf32>,
          %get3A_789 = vector.shape_cast %get3A_788 : vector<1x16xf32> to vector<16xf32>
          %mul3A_790 = vector.broadcast %squeeze3A_678 : f32 to vector<16xf32>
          %mul3A_791 = arith.mulf %get3A_789, %mul3A_790 : vector<16xf32>
          %add3A_792 = arith.constant 5 : i32
          %add3A_793 = arith.addi %mul3A_66, %add3A_792 : i32
          %swap3A_794 = arith.index_cast %add3A_793 : i32 to index
          %swap3A_795 = arith.constant 112 : index
          %swap3A_796 = tpu.vector_load %arg12[%swap3A_794, %swap3A_795] {strides = array<i32>} : memref<128x128xf32, #tpu.memory_space<vmem>>, vector<1x16xf32>,
          %swap3A_797 = vector.shape_cast %swap3A_796 : vector<1x16xf32> to vector<16xf32>
          %swap3A_798 = vector.shape_cast %mul3A_791 : vector<16xf32> to vector<1x16xf32>
          tpu.vector_store %arg12[%swap3A_794, %swap3A_795], %swap3A_798 {strides = array<i32>} : memref<128x128xf32, #tpu.memory_space<vmem>>, vector<1x16xf32>,
          %slice3A_799 = vector.extract_strided_slice %get3A_69 {offsets = [6], sizes = [1], strides = [1]} : vector<16xf32> to vector<1xf32>
          %squeeze3A_800 = vector.extract %slice3A_799[0] : f32 from vector<1xf32>
          %add3A_801 = arith.constant 6 : i32
          %add3A_802 = arith.addi %mul3A_66, %add3A_801 : i32
          %get3A_803 = arith.index_cast %add3A_802 : i32 to index
          %get3A_804 = arith.constant 0 : index
          %get3A_805 = tpu.vector_load %arg12[%get3A_803, %get3A_804] {strides = array<i32>} : memref<128x128xf32, #tpu.memory_space<vmem>>, vector<1x16xf32>,
          %get3A_806 = vector.shape_cast %get3A_805 : vector<1x16xf32> to vector<16xf32>
          %mul3A_807 = vector.broadcast %squeeze3A_800 : f32 to vector<16xf32>
          %mul3A_808 = arith.mulf %get3A_806, %mul3A_807 : vector<16xf32>
          %add3A_809 = arith.constant 6 : i32
          %add3A_810 = arith.addi %mul3A_66, %add3A_809 : i32
          %swap3A_811 = arith.index_cast %add3A_810 : i32 to index
          %swap3A_812 = arith.constant 0 : index
          %swap3A_813 = tpu.vector_load %arg12[%swap3A_811, %swap3A_812] {strides = array<i32>} : memref<128x128xf32, #tpu.memory_space<vmem>>, vector<1x16xf32>,
          %swap3A_814 = vector.shape_cast %swap3A_813 : vector<1x16xf32> to vector<16xf32>
          %swap3A_815 = vector.shape_cast %mul3A_808 : vector<16xf32> to vector<1x16xf32>
          tpu.vector_store %arg12[%swap3A_811, %swap3A_812], %swap3A_815 {strides = array<i32>} : memref<128x128xf32, #tpu.memory_space<vmem>>, vector<1x16xf32>,
          %add3A_816 = arith.constant 6 : i32
          %add3A_817 = arith.addi %mul3A_66, %add3A_816 : i32
          %get3A_818 = arith.index_cast %add3A_817 : i32 to index
          %get3A_819 = arith.constant 16 : index
          %get3A_820 = tpu.vector_load %arg12[%get3A_818, %get3A_819] {strides = array<i32>} : memref<128x128xf32, #tpu.memory_space<vmem>>, vector<1x16xf32>,
          %get3A_821 = vector.shape_cast %get3A_820 : vector<1x16xf32> to vector<16xf32>
          %mul3A_822 = vector.broadcast %squeeze3A_800 : f32 to vector<16xf32>
          %mul3A_823 = arith.mulf %get3A_821, %mul3A_822 : vector<16xf32>
          %add3A_824 = arith.constant 6 : i32
          %add3A_825 = arith.addi %mul3A_66, %add3A_824 : i32
          %swap3A_826 = arith.index_cast %add3A_825 : i32 to index
          %swap3A_827 = arith.constant 16 : index
          %swap3A_828 = tpu.vector_load %arg12[%swap3A_826, %swap3A_827] {strides = array<i32>} : memref<128x128xf32, #tpu.memory_space<vmem>>, vector<1x16xf32>,
          %swap3A_829 = vector.shape_cast %swap3A_828 : vector<1x16xf32> to vector<16xf32>
          %swap3A_830 = vector.shape_cast %mul3A_823 : vector<16xf32> to vector<1x16xf32>
          tpu.vector_store %arg12[%swap3A_826, %swap3A_827], %swap3A_830 {strides = array<i32>} : memref<128x128xf32, #tpu.memory_space<vmem>>, vector<1x16xf32>,
          %add3A_831 = arith.constant 6 : i32
          %add3A_832 = arith.addi %mul3A_66, %add3A_831 : i32
          %get3A_833 = arith.index_cast %add3A_832 : i32 to index
          %get3A_834 = arith.constant 32 : index
          %get3A_835 = tpu.vector_load %arg12[%get3A_833, %get3A_834] {strides = array<i32>} : memref<128x128xf32, #tpu.memory_space<vmem>>, vector<1x16xf32>,
          %get3A_836 = vector.shape_cast %get3A_835 : vector<1x16xf32> to vector<16xf32>
          %mul3A_837 = vector.broadcast %squeeze3A_800 : f32 to vector<16xf32>
          %mul3A_838 = arith.mulf %get3A_836, %mul3A_837 : vector<16xf32>
          %add3A_839 = arith.constant 6 : i32
          %add3A_840 = arith.addi %mul3A_66, %add3A_839 : i32
          %swap3A_841 = arith.index_cast %add3A_840 : i32 to index
          %swap3A_842 = arith.constant 32 : index
          %swap3A_843 = tpu.vector_load %arg12[%swap3A_841, %swap3A_842] {strides = array<i32>} : memref<128x128xf32, #tpu.memory_space<vmem>>, vector<1x16xf32>,
          %swap3A_844 = vector.shape_cast %swap3A_843 : vector<1x16xf32> to vector<16xf32>
          %swap3A_845 = vector.shape_cast %mul3A_838 : vector<16xf32> to vector<1x16xf32>
          tpu.vector_store %arg12[%swap3A_841, %swap3A_842], %swap3A_845 {strides = array<i32>} : memref<128x128xf32, #tpu.memory_space<vmem>>, vector<1x16xf32>,
          %add3A_846 = arith.constant 6 : i32
          %add3A_847 = arith.addi %mul3A_66, %add3A_846 : i32
          %get3A_848 = arith.index_cast %add3A_847 : i32 to index
          %get3A_849 = arith.constant 48 : index
          %get3A_850 = tpu.vector_load %arg12[%get3A_848, %get3A_849] {strides = array<i32>} : memref<128x128xf32, #tpu.memory_space<vmem>>, vector<1x16xf32>,
          %get3A_851 = vector.shape_cast %get3A_850 : vector<1x16xf32> to vector<16xf32>
          %mul3A_852 = vector.broadcast %squeeze3A_800 : f32 to vector<16xf32>
          %mul3A_853 = arith.mulf %get3A_851, %mul3A_852 : vector<16xf32>
          %add3A_854 = arith.constant 6 : i32
          %add3A_855 = arith.addi %mul3A_66, %add3A_854 : i32
          %swap3A_856 = arith.index_cast %add3A_855 : i32 to index
          %swap3A_857 = arith.constant 48 : index
          %swap3A_858 = tpu.vector_load %arg12[%swap3A_856, %swap3A_857] {strides = array<i32>} : memref<128x128xf32, #tpu.memory_space<vmem>>, vector<1x16xf32>,
          %swap3A_859 = vector.shape_cast %swap3A_858 : vector<1x16xf32> to vector<16xf32>
          %swap3A_860 = vector.shape_cast %mul3A_853 : vector<16xf32> to vector<1x16xf32>
          tpu.vector_store %arg12[%swap3A_856, %swap3A_857], %swap3A_860 {strides = array<i32>} : memref<128x128xf32, #tpu.memory_space<vmem>>, vector<1x16xf32>,
          %add3A_861 = arith.constant 6 : i32
          %add3A_862 = arith.addi %mul3A_66, %add3A_861 : i32
          %get3A_863 = arith.index_cast %add3A_862 : i32 to index
          %get3A_864 = arith.constant 64 : index
          %get3A_865 = tpu.vector_load %arg12[%get3A_863, %get3A_864] {strides = array<i32>} : memref<128x128xf32, #tpu.memory_space<vmem>>, vector<1x16xf32>,
          %get3A_866 = vector.shape_cast %get3A_865 : vector<1x16xf32> to vector<16xf32>
          %mul3A_867 = vector.broadcast %squeeze3A_800 : f32 to vector<16xf32>
          %mul3A_868 = arith.mulf %get3A_866, %mul3A_867 : vector<16xf32>
          %add3A_869 = arith.constant 6 : i32
          %add3A_870 = arith.addi %mul3A_66, %add3A_869 : i32
          %swap3A_871 = arith.index_cast %add3A_870 : i32 to index
          %swap3A_872 = arith.constant 64 : index
          %swap3A_873 = tpu.vector_load %arg12[%swap3A_871, %swap3A_872] {strides = array<i32>} : memref<128x128xf32, #tpu.memory_space<vmem>>, vector<1x16xf32>,
          %swap3A_874 = vector.shape_cast %swap3A_873 : vector<1x16xf32> to vector<16xf32>
          %swap3A_875 = vector.shape_cast %mul3A_868 : vector<16xf32> to vector<1x16xf32>
          tpu.vector_store %arg12[%swap3A_871, %swap3A_872], %swap3A_875 {strides = array<i32>} : memref<128x128xf32, #tpu.memory_space<vmem>>, vector<1x16xf32>,
          %add3A_876 = arith.constant 6 : i32
          %add3A_877 = arith.addi %mul3A_66, %add3A_876 : i32
          %get3A_878 = arith.index_cast %add3A_877 : i32 to index
          %get3A_879 = arith.constant 80 : index
          %get3A_880 = tpu.vector_load %arg12[%get3A_878, %get3A_879] {strides = array<i32>} : memref<128x128xf32, #tpu.memory_space<vmem>>, vector<1x16xf32>,
          %get3A_881 = vector.shape_cast %get3A_880 : vector<1x16xf32> to vector<16xf32>
          %mul3A_882 = vector.broadcast %squeeze3A_800 : f32 to vector<16xf32>
          %mul3A_883 = arith.mulf %get3A_881, %mul3A_882 : vector<16xf32>
          %add3A_884 = arith.constant 6 : i32
          %add3A_885 = arith.addi %mul3A_66, %add3A_884 : i32
          %swap3A_886 = arith.index_cast %add3A_885 : i32 to index
          %swap3A_887 = arith.constant 80 : index
          %swap3A_888 = tpu.vector_load %arg12[%swap3A_886, %swap3A_887] {strides = array<i32>} : memref<128x128xf32, #tpu.memory_space<vmem>>, vector<1x16xf32>,
          %swap3A_889 = vector.shape_cast %swap3A_888 : vector<1x16xf32> to vector<16xf32>
          %swap3A_890 = vector.shape_cast %mul3A_883 : vector<16xf32> to vector<1x16xf32>
          tpu.vector_store %arg12[%swap3A_886, %swap3A_887], %swap3A_890 {strides = array<i32>} : memref<128x128xf32, #tpu.memory_space<vmem>>, vector<1x16xf32>,
          %add3A_891 = arith.constant 6 : i32
          %add3A_892 = arith.addi %mul3A_66, %add3A_891 : i32
          %get3A_893 = arith.index_cast %add3A_892 : i32 to index
          %get3A_894 = arith.constant 96 : index
          %get3A_895 = tpu.vector_load %arg12[%get3A_893, %get3A_894] {strides = array<i32>} : memref<128x128xf32, #tpu.memory_space<vmem>>, vector<1x16xf32>,
          %get3A_896 = vector.shape_cast %get3A_895 : vector<1x16xf32> to vector<16xf32>
          %mul3A_897 = vector.broadcast %squeeze3A_800 : f32 to vector<16xf32>
          %mul3A_898 = arith.mulf %get3A_896, %mul3A_897 : vector<16xf32>
          %add3A_899 = arith.constant 6 : i32
          %add3A_900 = arith.addi %mul3A_66, %add3A_899 : i32
          %swap3A_901 = arith.index_cast %add3A_900 : i32 to index
          %swap3A_902 = arith.constant 96 : index
          %swap3A_903 = tpu.vector_load %arg12[%swap3A_901, %swap3A_902] {strides = array<i32>} : memref<128x128xf32, #tpu.memory_space<vmem>>, vector<1x16xf32>,
          %swap3A_904 = vector.shape_cast %swap3A_903 : vector<1x16xf32> to vector<16xf32>
          %swap3A_905 = vector.shape_cast %mul3A_898 : vector<16xf32> to vector<1x16xf32>
          tpu.vector_store %arg12[%swap3A_901, %swap3A_902], %swap3A_905 {strides = array<i32>} : memref<128x128xf32, #tpu.memory_space<vmem>>, vector<1x16xf32>,
          %add3A_906 = arith.constant 6 : i32
          %add3A_907 = arith.addi %mul3A_66, %add3A_906 : i32
          %get3A_908 = arith.index_cast %add3A_907 : i32 to index
          %get3A_909 = arith.constant 112 : index
          %get3A_910 = tpu.vector_load %arg12[%get3A_908, %get3A_909] {strides = array<i32>} : memref<128x128xf32, #tpu.memory_space<vmem>>, vector<1x16xf32>,
          %get3A_911 = vector.shape_cast %get3A_910 : vector<1x16xf32> to vector<16xf32>
          %mul3A_912 = vector.broadcast %squeeze3A_800 : f32 to vector<16xf32>
          %mul3A_913 = arith.mulf %get3A_911, %mul3A_912 : vector<16xf32>
          %add3A_914 = arith.constant 6 : i32
          %add3A_915 = arith.addi %mul3A_66, %add3A_914 : i32
          %swap3A_916 = arith.index_cast %add3A_915 : i32 to index
          %swap3A_917 = arith.constant 112 : index
          %swap3A_918 = tpu.vector_load %arg12[%swap3A_916, %swap3A_917] {strides = array<i32>} : memref<128x128xf32, #tpu.memory_space<vmem>>, vector<1x16xf32>,
          %swap3A_919 = vector.shape_cast %swap3A_918 : vector<1x16xf32> to vector<16xf32>
          %swap3A_920 = vector.shape_cast %mul3A_913 : vector<16xf32> to vector<1x16xf32>
          tpu.vector_store %arg12[%swap3A_916, %swap3A_917], %swap3A_920 {strides = array<i32>} : memref<128x128xf32, #tpu.memory_space<vmem>>, vector<1x16xf32>,
          %slice3A_921 = vector.extract_strided_slice %get3A_69 {offsets = [7], sizes = [1], strides = [1]} : vector<16xf32> to vector<1xf32>
          %squeeze3A_922 = vector.extract %slice3A_921[0] : f32 from vector<1xf32>
          %add3A_923 = arith.constant 7 : i32
          %add3A_924 = arith.addi %mul3A_66, %add3A_923 : i32
          %get3A_925 = arith.index_cast %add3A_924 : i32 to index
          %get3A_926 = arith.constant 0 : index
          %get3A_927 = tpu.vector_load %arg12[%get3A_925, %get3A_926] {strides = array<i32>} : memref<128x128xf32, #tpu.memory_space<vmem>>, vector<1x16xf32>,
          %get3A_928 = vector.shape_cast %get3A_927 : vector<1x16xf32> to vector<16xf32>
          %mul3A_929 = vector.broadcast %squeeze3A_922 : f32 to vector<16xf32>
          %mul3A_930 = arith.mulf %get3A_928, %mul3A_929 : vector<16xf32>
          %add3A_931 = arith.constant 7 : i32
          %add3A_932 = arith.addi %mul3A_66, %add3A_931 : i32
          %swap3A_933 = arith.index_cast %add3A_932 : i32 to index
          %swap3A_934 = arith.constant 0 : index
          %swap3A_935 = tpu.vector_load %arg12[%swap3A_933, %swap3A_934] {strides = array<i32>} : memref<128x128xf32, #tpu.memory_space<vmem>>, vector<1x16xf32>,
          %swap3A_936 = vector.shape_cast %swap3A_935 : vector<1x16xf32> to vector<16xf32>
          %swap3A_937 = vector.shape_cast %mul3A_930 : vector<16xf32> to vector<1x16xf32>
          tpu.vector_store %arg12[%swap3A_933, %swap3A_934], %swap3A_937 {strides = array<i32>} : memref<128x128xf32, #tpu.memory_space<vmem>>, vector<1x16xf32>,
          %add3A_938 = arith.constant 7 : i32
          %add3A_939 = arith.addi %mul3A_66, %add3A_938 : i32
          %get3A_940 = arith.index_cast %add3A_939 : i32 to index
          %get3A_941 = arith.constant 16 : index
          %get3A_942 = tpu.vector_load %arg12[%get3A_940, %get3A_941] {strides = array<i32>} : memref<128x128xf32, #tpu.memory_space<vmem>>, vector<1x16xf32>,
          %get3A_943 = vector.shape_cast %get3A_942 : vector<1x16xf32> to vector<16xf32>
          %mul3A_944 = vector.broadcast %squeeze3A_922 : f32 to vector<16xf32>
          %mul3A_945 = arith.mulf %get3A_943, %mul3A_944 : vector<16xf32>
          %add3A_946 = arith.constant 7 : i32
          %add3A_947 = arith.addi %mul3A_66, %add3A_946 : i32
          %swap3A_948 = arith.index_cast %add3A_947 : i32 to index
          %swap3A_949 = arith.constant 16 : index
          %swap3A_950 = tpu.vector_load %arg12[%swap3A_948, %swap3A_949] {strides = array<i32>} : memref<128x128xf32, #tpu.memory_space<vmem>>, vector<1x16xf32>,
          %swap3A_951 = vector.shape_cast %swap3A_950 : vector<1x16xf32> to vector<16xf32>
          %swap3A_952 = vector.shape_cast %mul3A_945 : vector<16xf32> to vector<1x16xf32>
          tpu.vector_store %arg12[%swap3A_948, %swap3A_949], %swap3A_952 {strides = array<i32>} : memref<128x128xf32, #tpu.memory_space<vmem>>, vector<1x16xf32>,
          %add3A_953 = arith.constant 7 : i32
          %add3A_954 = arith.addi %mul3A_66, %add3A_953 : i32
          %get3A_955 = arith.index_cast %add3A_954 : i32 to index
          %get3A_956 = arith.constant 32 : index
          %get3A_957 = tpu.vector_load %arg12[%get3A_955, %get3A_956] {strides = array<i32>} : memref<128x128xf32, #tpu.memory_space<vmem>>, vector<1x16xf32>,
          %get3A_958 = vector.shape_cast %get3A_957 : vector<1x16xf32> to vector<16xf32>
          %mul3A_959 = vector.broadcast %squeeze3A_922 : f32 to vector<16xf32>
          %mul3A_960 = arith.mulf %get3A_958, %mul3A_959 : vector<16xf32>
          %add3A_961 = arith.constant 7 : i32
          %add3A_962 = arith.addi %mul3A_66, %add3A_961 : i32
          %swap3A_963 = arith.index_cast %add3A_962 : i32 to index
          %swap3A_964 = arith.constant 32 : index
          %swap3A_965 = tpu.vector_load %arg12[%swap3A_963, %swap3A_964] {strides = array<i32>} : memref<128x128xf32, #tpu.memory_space<vmem>>, vector<1x16xf32>,
          %swap3A_966 = vector.shape_cast %swap3A_965 : vector<1x16xf32> to vector<16xf32>
          %swap3A_967 = vector.shape_cast %mul3A_960 : vector<16xf32> to vector<1x16xf32>
          tpu.vector_store %arg12[%swap3A_963, %swap3A_964], %swap3A_967 {strides = array<i32>} : memref<128x128xf32, #tpu.memory_space<vmem>>, vector<1x16xf32>,
          %add3A_968 = arith.constant 7 : i32
          %add3A_969 = arith.addi %mul3A_66, %add3A_968 : i32
          %get3A_970 = arith.index_cast %add3A_969 : i32 to index
          %get3A_971 = arith.constant 48 : index
          %get3A_972 = tpu.vector_load %arg12[%get3A_970, %get3A_971] {strides = array<i32>} : memref<128x128xf32, #tpu.memory_space<vmem>>, vector<1x16xf32>,
          %get3A_973 = vector.shape_cast %get3A_972 : vector<1x16xf32> to vector<16xf32>
          %mul3A_974 = vector.broadcast %squeeze3A_922 : f32 to vector<16xf32>
          %mul3A_975 = arith.mulf %get3A_973, %mul3A_974 : vector<16xf32>
          %add3A_976 = arith.constant 7 : i32
          %add3A_977 = arith.addi %mul3A_66, %add3A_976 : i32
          %swap3A_978 = arith.index_cast %add3A_977 : i32 to index
          %swap3A_979 = arith.constant 48 : index
          %swap3A_980 = tpu.vector_load %arg12[%swap3A_978, %swap3A_979] {strides = array<i32>} : memref<128x128xf32, #tpu.memory_space<vmem>>, vector<1x16xf32>,
          %swap3A_981 = vector.shape_cast %swap3A_980 : vector<1x16xf32> to vector<16xf32>
          %swap3A_982 = vector.shape_cast %mul3A_975 : vector<16xf32> to vector<1x16xf32>
          tpu.vector_store %arg12[%swap3A_978, %swap3A_979], %swap3A_982 {strides = array<i32>} : memref<128x128xf32, #tpu.memory_space<vmem>>, vector<1x16xf32>,
          %add3A_983 = arith.constant 7 : i32
          %add3A_984 = arith.addi %mul3A_66, %add3A_983 : i32
          %get3A_985 = arith.index_cast %add3A_984 : i32 to index
          %get3A_986 = arith.constant 64 : index
          %get3A_987 = tpu.vector_load %arg12[%get3A_985, %get3A_986] {strides = array<i32>} : memref<128x128xf32, #tpu.memory_space<vmem>>, vector<1x16xf32>,
          %get3A_988 = vector.shape_cast %get3A_987 : vector<1x16xf32> to vector<16xf32>
          %mul3A_989 = vector.broadcast %squeeze3A_922 : f32 to vector<16xf32>
          %mul3A_990 = arith.mulf %get3A_988, %mul3A_989 : vector<16xf32>
          %add3A_991 = arith.constant 7 : i32
          %add3A_992 = arith.addi %mul3A_66, %add3A_991 : i32
          %swap3A_993 = arith.index_cast %add3A_992 : i32 to index
          %swap3A_994 = arith.constant 64 : index
          %swap3A_995 = tpu.vector_load %arg12[%swap3A_993, %swap3A_994] {strides = array<i32>} : memref<128x128xf32, #tpu.memory_space<vmem>>, vector<1x16xf32>,
          %swap3A_996 = vector.shape_cast %swap3A_995 : vector<1x16xf32> to vector<16xf32>
          %swap3A_997 = vector.shape_cast %mul3A_990 : vector<16xf32> to vector<1x16xf32>
          tpu.vector_store %arg12[%swap3A_993, %swap3A_994], %swap3A_997 {strides = array<i32>} : memref<128x128xf32, #tpu.memory_space<vmem>>, vector<1x16xf32>,
          %add3A_998 = arith.constant 7 : i32
          %add3A_999 = arith.addi %mul3A_66, %add3A_998 : i32
          %get3A_1000 = arith.index_cast %add3A_999 : i32 to index
          %get3A_1001 = arith.constant 80 : index
          %get3A_1002 = tpu.vector_load %arg12[%get3A_1000, %get3A_1001] {strides = array<i32>} : memref<128x128xf32, #tpu.memory_space<vmem>>, vector<1x16xf32>,
          %get3A_1003 = vector.shape_cast %get3A_1002 : vector<1x16xf32> to vector<16xf32>
          %mul3A_1004 = vector.broadcast %squeeze3A_922 : f32 to vector<16xf32>
          %mul3A_1005 = arith.mulf %get3A_1003, %mul3A_1004 : vector<16xf32>
          %add3A_1006 = arith.constant 7 : i32
          %add3A_1007 = arith.addi %mul3A_66, %add3A_1006 : i32
          %swap3A_1008 = arith.index_cast %add3A_1007 : i32 to index
          %swap3A_1009 = arith.constant 80 : index
          %swap3A_1010 = tpu.vector_load %arg12[%swap3A_1008, %swap3A_1009] {strides = array<i32>} : memref<128x128xf32, #tpu.memory_space<vmem>>, vector<1x16xf32>,
          %swap3A_1011 = vector.shape_cast %swap3A_1010 : vector<1x16xf32> to vector<16xf32>
          %swap3A_1012 = vector.shape_cast %mul3A_1005 : vector<16xf32> to vector<1x16xf32>
          tpu.vector_store %arg12[%swap3A_1008, %swap3A_1009], %swap3A_1012 {strides = array<i32>} : memref<128x128xf32, #tpu.memory_space<vmem>>, vector<1x16xf32>,
          %add3A_1013 = arith.constant 7 : i32
          %add3A_1014 = arith.addi %mul3A_66, %add3A_1013 : i32
          %get3A_1015 = arith.index_cast %add3A_1014 : i32 to index
          %get3A_1016 = arith.constant 96 : index
          %get3A_1017 = tpu.vector_load %arg12[%get3A_1015, %get3A_1016] {strides = array<i32>} : memref<128x128xf32, #tpu.memory_space<vmem>>, vector<1x16xf32>,
          %get3A_1018 = vector.shape_cast %get3A_1017 : vector<1x16xf32> to vector<16xf32>
          %mul3A_1019 = vector.broadcast %squeeze3A_922 : f32 to vector<16xf32>
          %mul3A_1020 = arith.mulf %get3A_1018, %mul3A_1019 : vector<16xf32>
          %add3A_1021 = arith.constant 7 : i32
          %add3A_1022 = arith.addi %mul3A_66, %add3A_1021 : i32
          %swap3A_1023 = arith.index_cast %add3A_1022 : i32 to index
          %swap3A_1024 = arith.constant 96 : index
          %swap3A_1025 = tpu.vector_load %arg12[%swap3A_1023, %swap3A_1024] {strides = array<i32>} : memref<128x128xf32, #tpu.memory_space<vmem>>, vector<1x16xf32>,
          %swap3A_1026 = vector.shape_cast %swap3A_1025 : vector<1x16xf32> to vector<16xf32>
          %swap3A_1027 = vector.shape_cast %mul3A_1020 : vector<16xf32> to vector<1x16xf32>
          tpu.vector_store %arg12[%swap3A_1023, %swap3A_1024], %swap3A_1027 {strides = array<i32>} : memref<128x128xf32, #tpu.memory_space<vmem>>, vector<1x16xf32>,
          %add3A_1028 = arith.constant 7 : i32
          %add3A_1029 = arith.addi %mul3A_66, %add3A_1028 : i32
          %get3A_1030 = arith.index_cast %add3A_1029 : i32 to index
          %get3A_1031 = arith.constant 112 : index
          %get3A_1032 = tpu.vector_load %arg12[%get3A_1030, %get3A_1031] {strides = array<i32>} : memref<128x128xf32, #tpu.memory_space<vmem>>, vector<1x16xf32>,
          %get3A_1033 = vector.shape_cast %get3A_1032 : vector<1x16xf32> to vector<16xf32>
          %mul3A_1034 = vector.broadcast %squeeze3A_922 : f32 to vector<16xf32>
          %mul3A_1035 = arith.mulf %get3A_1033, %mul3A_1034 : vector<16xf32>
          %add3A_1036 = arith.constant 7 : i32
          %add3A_1037 = arith.addi %mul3A_66, %add3A_1036 : i32
          %swap3A_1038 = arith.index_cast %add3A_1037 : i32 to index
          %swap3A_1039 = arith.constant 112 : index
          %swap3A_1040 = tpu.vector_load %arg12[%swap3A_1038, %swap3A_1039] {strides = array<i32>} : memref<128x128xf32, #tpu.memory_space<vmem>>, vector<1x16xf32>,
          %swap3A_1041 = vector.shape_cast %swap3A_1040 : vector<1x16xf32> to vector<16xf32>
          %swap3A_1042 = vector.shape_cast %mul3A_1035 : vector<16xf32> to vector<1x16xf32>
          tpu.vector_store %arg12[%swap3A_1038, %swap3A_1039], %swap3A_1042 {strides = array<i32>} : memref<128x128xf32, #tpu.memory_space<vmem>>, vector<1x16xf32>,
          %slice3A_1043 = vector.extract_strided_slice %get3A_69 {offsets = [8], sizes = [1], strides = [1]} : vector<16xf32> to vector<1xf32>
          %squeeze3A_1044 = vector.extract %slice3A_1043[0] : f32 from vector<1xf32>
          %add3A_1045 = arith.constant 8 : i32
          %add3A_1046 = arith.addi %mul3A_66, %add3A_1045 : i32
          %get3A_1047 = arith.index_cast %add3A_1046 : i32 to index
          %get3A_1048 = arith.constant 0 : index
          %get3A_1049 = tpu.vector_load %arg12[%get3A_1047, %get3A_1048] {strides = array<i32>} : memref<128x128xf32, #tpu.memory_space<vmem>>, vector<1x16xf32>,
          %get3A_1050 = vector.shape_cast %get3A_1049 : vector<1x16xf32> to vector<16xf32>
          %mul3A_1051 = vector.broadcast %squeeze3A_1044 : f32 to vector<16xf32>
          %mul3A_1052 = arith.mulf %get3A_1050, %mul3A_1051 : vector<16xf32>
          %add3A_1053 = arith.constant 8 : i32
          %add3A_1054 = arith.addi %mul3A_66, %add3A_1053 : i32
          %swap3A_1055 = arith.index_cast %add3A_1054 : i32 to index
          %swap3A_1056 = arith.constant 0 : index
          %swap3A_1057 = tpu.vector_load %arg12[%swap3A_1055, %swap3A_1056] {strides = array<i32>} : memref<128x128xf32, #tpu.memory_space<vmem>>, vector<1x16xf32>,
          %swap3A_1058 = vector.shape_cast %swap3A_1057 : vector<1x16xf32> to vector<16xf32>
          %swap3A_1059 = vector.shape_cast %mul3A_1052 : vector<16xf32> to vector<1x16xf32>
          tpu.vector_store %arg12[%swap3A_1055, %swap3A_1056], %swap3A_1059 {strides = array<i32>} : memref<128x128xf32, #tpu.memory_space<vmem>>, vector<1x16xf32>,
          %add3A_1060 = arith.constant 8 : i32
          %add3A_1061 = arith.addi %mul3A_66, %add3A_1060 : i32
          %get3A_1062 = arith.index_cast %add3A_1061 : i32 to index
          %get3A_1063 = arith.constant 16 : index
          %get3A_1064 = tpu.vector_load %arg12[%get3A_1062, %get3A_1063] {strides = array<i32>} : memref<128x128xf32, #tpu.memory_space<vmem>>, vector<1x16xf32>,
          %get3A_1065 = vector.shape_cast %get3A_1064 : vector<1x16xf32> to vector<16xf32>
          %mul3A_1066 = vector.broadcast %squeeze3A_1044 : f32 to vector<16xf32>
          %mul3A_1067 = arith.mulf %get3A_1065, %mul3A_1066 : vector<16xf32>
          %add3A_1068 = arith.constant 8 : i32
          %add3A_1069 = arith.addi %mul3A_66, %add3A_1068 : i32
          %swap3A_1070 = arith.index_cast %add3A_1069 : i32 to index
          %swap3A_1071 = arith.constant 16 : index
          %swap3A_1072 = tpu.vector_load %arg12[%swap3A_1070, %swap3A_1071] {strides = array<i32>} : memref<128x128xf32, #tpu.memory_space<vmem>>, vector<1x16xf32>,
          %swap3A_1073 = vector.shape_cast %swap3A_1072 : vector<1x16xf32> to vector<16xf32>
          %swap3A_1074 = vector.shape_cast %mul3A_1067 : vector<16xf32> to vector<1x16xf32>
          tpu.vector_store %arg12[%swap3A_1070, %swap3A_1071], %swap3A_1074 {strides = array<i32>} : memref<128x128xf32, #tpu.memory_space<vmem>>, vector<1x16xf32>,
          %add3A_1075 = arith.constant 8 : i32
          %add3A_1076 = arith.addi %mul3A_66, %add3A_1075 : i32
          %get3A_1077 = arith.index_cast %add3A_1076 : i32 to index
          %get3A_1078 = arith.constant 32 : index
          %get3A_1079 = tpu.vector_load %arg12[%get3A_1077, %get3A_1078] {strides = array<i32>} : memref<128x128xf32, #tpu.memory_space<vmem>>, vector<1x16xf32>,
          %get3A_1080 = vector.shape_cast %get3A_1079 : vector<1x16xf32> to vector<16xf32>
          %mul3A_1081 = vector.broadcast %squeeze3A_1044 : f32 to vector<16xf32>
          %mul3A_1082 = arith.mulf %get3A_1080, %mul3A_1081 : vector<16xf32>
          %add3A_1083 = arith.constant 8 : i32
          %add3A_1084 = arith.addi %mul3A_66, %add3A_1083 : i32
          %swap3A_1085 = arith.index_cast %add3A_1084 : i32 to index
          %swap3A_1086 = arith.constant 32 : index
          %swap3A_1087 = tpu.vector_load %arg12[%swap3A_1085, %swap3A_1086] {strides = array<i32>} : memref<128x128xf32, #tpu.memory_space<vmem>>, vector<1x16xf32>,
          %swap3A_1088 = vector.shape_cast %swap3A_1087 : vector<1x16xf32> to vector<16xf32>
          %swap3A_1089 = vector.shape_cast %mul3A_1082 : vector<16xf32> to vector<1x16xf32>
          tpu.vector_store %arg12[%swap3A_1085, %swap3A_1086], %swap3A_1089 {strides = array<i32>} : memref<128x128xf32, #tpu.memory_space<vmem>>, vector<1x16xf32>,
          %add3A_1090 = arith.constant 8 : i32
          %add3A_1091 = arith.addi %mul3A_66, %add3A_1090 : i32
          %get3A_1092 = arith.index_cast %add3A_1091 : i32 to index
          %get3A_1093 = arith.constant 48 : index
          %get3A_1094 = tpu.vector_load %arg12[%get3A_1092, %get3A_1093] {strides = array<i32>} : memref<128x128xf32, #tpu.memory_space<vmem>>, vector<1x16xf32>,
          %get3A_1095 = vector.shape_cast %get3A_1094 : vector<1x16xf32> to vector<16xf32>
          %mul3A_1096 = vector.broadcast %squeeze3A_1044 : f32 to vector<16xf32>
          %mul3A_1097 = arith.mulf %get3A_1095, %mul3A_1096 : vector<16xf32>
          %add3A_1098 = arith.constant 8 : i32
          %add3A_1099 = arith.addi %mul3A_66, %add3A_1098 : i32
          %swap3A_1100 = arith.index_cast %add3A_1099 : i32 to index
          %swap3A_1101 = arith.constant 48 : index
          %swap3A_1102 = tpu.vector_load %arg12[%swap3A_1100, %swap3A_1101] {strides = array<i32>} : memref<128x128xf32, #tpu.memory_space<vmem>>, vector<1x16xf32>,
          %swap3A_1103 = vector.shape_cast %swap3A_1102 : vector<1x16xf32> to vector<16xf32>
          %swap3A_1104 = vector.shape_cast %mul3A_1097 : vector<16xf32> to vector<1x16xf32>
          tpu.vector_store %arg12[%swap3A_1100, %swap3A_1101], %swap3A_1104 {strides = array<i32>} : memref<128x128xf32, #tpu.memory_space<vmem>>, vector<1x16xf32>,
          %add3A_1105 = arith.constant 8 : i32
          %add3A_1106 = arith.addi %mul3A_66, %add3A_1105 : i32
          %get3A_1107 = arith.index_cast %add3A_1106 : i32 to index
          %get3A_1108 = arith.constant 64 : index
          %get3A_1109 = tpu.vector_load %arg12[%get3A_1107, %get3A_1108] {strides = array<i32>} : memref<128x128xf32, #tpu.memory_space<vmem>>, vector<1x16xf32>,
          %get3A_1110 = vector.shape_cast %get3A_1109 : vector<1x16xf32> to vector<16xf32>
          %mul3A_1111 = vector.broadcast %squeeze3A_1044 : f32 to vector<16xf32>
          %mul3A_1112 = arith.mulf %get3A_1110, %mul3A_1111 : vector<16xf32>
          %add3A_1113 = arith.constant 8 : i32
          %add3A_1114 = arith.addi %mul3A_66, %add3A_1113 : i32
          %swap3A_1115 = arith.index_cast %add3A_1114 : i32 to index
          %swap3A_1116 = arith.constant 64 : index
          %swap3A_1117 = tpu.vector_load %arg12[%swap3A_1115, %swap3A_1116] {strides = array<i32>} : memref<128x128xf32, #tpu.memory_space<vmem>>, vector<1x16xf32>,
          %swap3A_1118 = vector.shape_cast %swap3A_1117 : vector<1x16xf32> to vector<16xf32>
          %swap3A_1119 = vector.shape_cast %mul3A_1112 : vector<16xf32> to vector<1x16xf32>
          tpu.vector_store %arg12[%swap3A_1115, %swap3A_1116], %swap3A_1119 {strides = array<i32>} : memref<128x128xf32, #tpu.memory_space<vmem>>, vector<1x16xf32>,
          %add3A_1120 = arith.constant 8 : i32
          %add3A_1121 = arith.addi %mul3A_66, %add3A_1120 : i32
          %get3A_1122 = arith.index_cast %add3A_1121 : i32 to index
          %get3A_1123 = arith.constant 80 : index
          %get3A_1124 = tpu.vector_load %arg12[%get3A_1122, %get3A_1123] {strides = array<i32>} : memref<128x128xf32, #tpu.memory_space<vmem>>, vector<1x16xf32>,
          %get3A_1125 = vector.shape_cast %get3A_1124 : vector<1x16xf32> to vector<16xf32>
          %mul3A_1126 = vector.broadcast %squeeze3A_1044 : f32 to vector<16xf32>
          %mul3A_1127 = arith.mulf %get3A_1125, %mul3A_1126 : vector<16xf32>
          %add3A_1128 = arith.constant 8 : i32
          %add3A_1129 = arith.addi %mul3A_66, %add3A_1128 : i32
          %swap3A_1130 = arith.index_cast %add3A_1129 : i32 to index
          %swap3A_1131 = arith.constant 80 : index
          %swap3A_1132 = tpu.vector_load %arg12[%swap3A_1130, %swap3A_1131] {strides = array<i32>} : memref<128x128xf32, #tpu.memory_space<vmem>>, vector<1x16xf32>,
          %swap3A_1133 = vector.shape_cast %swap3A_1132 : vector<1x16xf32> to vector<16xf32>
          %swap3A_1134 = vector.shape_cast %mul3A_1127 : vector<16xf32> to vector<1x16xf32>
          tpu.vector_store %arg12[%swap3A_1130, %swap3A_1131], %swap3A_1134 {strides = array<i32>} : memref<128x128xf32, #tpu.memory_space<vmem>>, vector<1x16xf32>,
          %add3A_1135 = arith.constant 8 : i32
          %add3A_1136 = arith.addi %mul3A_66, %add3A_1135 : i32
          %get3A_1137 = arith.index_cast %add3A_1136 : i32 to index
          %get3A_1138 = arith.constant 96 : index
          %get3A_1139 = tpu.vector_load %arg12[%get3A_1137, %get3A_1138] {strides = array<i32>} : memref<128x128xf32, #tpu.memory_space<vmem>>, vector<1x16xf32>,
          %get3A_1140 = vector.shape_cast %get3A_1139 : vector<1x16xf32> to vector<16xf32>
          %mul3A_1141 = vector.broadcast %squeeze3A_1044 : f32 to vector<16xf32>
          %mul3A_1142 = arith.mulf %get3A_1140, %mul3A_1141 : vector<16xf32>
          %add3A_1143 = arith.constant 8 : i32
          %add3A_1144 = arith.addi %mul3A_66, %add3A_1143 : i32
          %swap3A_1145 = arith.index_cast %add3A_1144 : i32 to index
          %swap3A_1146 = arith.constant 96 : index
          %swap3A_1147 = tpu.vector_load %arg12[%swap3A_1145, %swap3A_1146] {strides = array<i32>} : memref<128x128xf32, #tpu.memory_space<vmem>>, vector<1x16xf32>,
          %swap3A_1148 = vector.shape_cast %swap3A_1147 : vector<1x16xf32> to vector<16xf32>
          %swap3A_1149 = vector.shape_cast %mul3A_1142 : vector<16xf32> to vector<1x16xf32>
          tpu.vector_store %arg12[%swap3A_1145, %swap3A_1146], %swap3A_1149 {strides = array<i32>} : memref<128x128xf32, #tpu.memory_space<vmem>>, vector<1x16xf32>,
          %add3A_1150 = arith.constant 8 : i32
          %add3A_1151 = arith.addi %mul3A_66, %add3A_1150 : i32
          %get3A_1152 = arith.index_cast %add3A_1151 : i32 to index
          %get3A_1153 = arith.constant 112 : index
          %get3A_1154 = tpu.vector_load %arg12[%get3A_1152, %get3A_1153] {strides = array<i32>} : memref<128x128xf32, #tpu.memory_space<vmem>>, vector<1x16xf32>,
          %get3A_1155 = vector.shape_cast %get3A_1154 : vector<1x16xf32> to vector<16xf32>
          %mul3A_1156 = vector.broadcast %squeeze3A_1044 : f32 to vector<16xf32>
          %mul3A_1157 = arith.mulf %get3A_1155, %mul3A_1156 : vector<16xf32>
          %add3A_1158 = arith.constant 8 : i32
          %add3A_1159 = arith.addi %mul3A_66, %add3A_1158 : i32
          %swap3A_1160 = arith.index_cast %add3A_1159 : i32 to index
          %swap3A_1161 = arith.constant 112 : index
          %swap3A_1162 = tpu.vector_load %arg12[%swap3A_1160, %swap3A_1161] {strides = array<i32>} : memref<128x128xf32, #tpu.memory_space<vmem>>, vector<1x16xf32>,
          %swap3A_1163 = vector.shape_cast %swap3A_1162 : vector<1x16xf32> to vector<16xf32>
          %swap3A_1164 = vector.shape_cast %mul3A_1157 : vector<16xf32> to vector<1x16xf32>
          tpu.vector_store %arg12[%swap3A_1160, %swap3A_1161], %swap3A_1164 {strides = array<i32>} : memref<128x128xf32, #tpu.memory_space<vmem>>, vector<1x16xf32>,
          %slice3A_1165 = vector.extract_strided_slice %get3A_69 {offsets = [9], sizes = [1], strides = [1]} : vector<16xf32> to vector<1xf32>
          %squeeze3A_1166 = vector.extract %slice3A_1165[0] : f32 from vector<1xf32>
          %add3A_1167 = arith.constant 9 : i32
          %add3A_1168 = arith.addi %mul3A_66, %add3A_1167 : i32
          %get3A_1169 = arith.index_cast %add3A_1168 : i32 to index
          %get3A_1170 = arith.constant 0 : index
          %get3A_1171 = tpu.vector_load %arg12[%get3A_1169, %get3A_1170] {strides = array<i32>} : memref<128x128xf32, #tpu.memory_space<vmem>>, vector<1x16xf32>,
          %get3A_1172 = vector.shape_cast %get3A_1171 : vector<1x16xf32> to vector<16xf32>
          %mul3A_1173 = vector.broadcast %squeeze3A_1166 : f32 to vector<16xf32>
          %mul3A_1174 = arith.mulf %get3A_1172, %mul3A_1173 : vector<16xf32>
          %add3A_1175 = arith.constant 9 : i32
          %add3A_1176 = arith.addi %mul3A_66, %add3A_1175 : i32
          %swap3A_1177 = arith.index_cast %add3A_1176 : i32 to index
          %swap3A_1178 = arith.constant 0 : index
          %swap3A_1179 = tpu.vector_load %arg12[%swap3A_1177, %swap3A_1178] {strides = array<i32>} : memref<128x128xf32, #tpu.memory_space<vmem>>, vector<1x16xf32>,
          %swap3A_1180 = vector.shape_cast %swap3A_1179 : vector<1x16xf32> to vector<16xf32>
          %swap3A_1181 = vector.shape_cast %mul3A_1174 : vector<16xf32> to vector<1x16xf32>
          tpu.vector_store %arg12[%swap3A_1177, %swap3A_1178], %swap3A_1181 {strides = array<i32>} : memref<128x128xf32, #tpu.memory_space<vmem>>, vector<1x16xf32>,
          %add3A_1182 = arith.constant 9 : i32
          %add3A_1183 = arith.addi %mul3A_66, %add3A_1182 : i32
          %get3A_1184 = arith.index_cast %add3A_1183 : i32 to index
          %get3A_1185 = arith.constant 16 : index
          %get3A_1186 = tpu.vector_load %arg12[%get3A_1184, %get3A_1185] {strides = array<i32>} : memref<128x128xf32, #tpu.memory_space<vmem>>, vector<1x16xf32>,
          %get3A_1187 = vector.shape_cast %get3A_1186 : vector<1x16xf32> to vector<16xf32>
          %mul3A_1188 = vector.broadcast %squeeze3A_1166 : f32 to vector<16xf32>
          %mul3A_1189 = arith.mulf %get3A_1187, %mul3A_1188 : vector<16xf32>
          %add3A_1190 = arith.constant 9 : i32
          %add3A_1191 = arith.addi %mul3A_66, %add3A_1190 : i32
          %swap3A_1192 = arith.index_cast %add3A_1191 : i32 to index
          %swap3A_1193 = arith.constant 16 : index
          %swap3A_1194 = tpu.vector_load %arg12[%swap3A_1192, %swap3A_1193] {strides = array<i32>} : memref<128x128xf32, #tpu.memory_space<vmem>>, vector<1x16xf32>,
          %swap3A_1195 = vector.shape_cast %swap3A_1194 : vector<1x16xf32> to vector<16xf32>
          %swap3A_1196 = vector.shape_cast %mul3A_1189 : vector<16xf32> to vector<1x16xf32>
          tpu.vector_store %arg12[%swap3A_1192, %swap3A_1193], %swap3A_1196 {strides = array<i32>} : memref<128x128xf32, #tpu.memory_space<vmem>>, vector<1x16xf32>,
          %add3A_1197 = arith.constant 9 : i32
          %add3A_1198 = arith.addi %mul3A_66, %add3A_1197 : i32
          %get3A_1199 = arith.index_cast %add3A_1198 : i32 to index
          %get3A_1200 = arith.constant 32 : index
          %get3A_1201 = tpu.vector_load %arg12[%get3A_1199, %get3A_1200] {strides = array<i32>} : memref<128x128xf32, #tpu.memory_space<vmem>>, vector<1x16xf32>,
          %get3A_1202 = vector.shape_cast %get3A_1201 : vector<1x16xf32> to vector<16xf32>
          %mul3A_1203 = vector.broadcast %squeeze3A_1166 : f32 to vector<16xf32>
          %mul3A_1204 = arith.mulf %get3A_1202, %mul3A_1203 : vector<16xf32>
          %add3A_1205 = arith.constant 9 : i32
          %add3A_1206 = arith.addi %mul3A_66, %add3A_1205 : i32
          %swap3A_1207 = arith.index_cast %add3A_1206 : i32 to index
          %swap3A_1208 = arith.constant 32 : index
          %swap3A_1209 = tpu.vector_load %arg12[%swap3A_1207, %swap3A_1208] {strides = array<i32>} : memref<128x128xf32, #tpu.memory_space<vmem>>, vector<1x16xf32>,
          %swap3A_1210 = vector.shape_cast %swap3A_1209 : vector<1x16xf32> to vector<16xf32>
          %swap3A_1211 = vector.shape_cast %mul3A_1204 : vector<16xf32> to vector<1x16xf32>
          tpu.vector_store %arg12[%swap3A_1207, %swap3A_1208], %swap3A_1211 {strides = array<i32>} : memref<128x128xf32, #tpu.memory_space<vmem>>, vector<1x16xf32>,
          %add3A_1212 = arith.constant 9 : i32
          %add3A_1213 = arith.addi %mul3A_66, %add3A_1212 : i32
          %get3A_1214 = arith.index_cast %add3A_1213 : i32 to index
          %get3A_1215 = arith.constant 48 : index
          %get3A_1216 = tpu.vector_load %arg12[%get3A_1214, %get3A_1215] {strides = array<i32>} : memref<128x128xf32, #tpu.memory_space<vmem>>, vector<1x16xf32>,
          %get3A_1217 = vector.shape_cast %get3A_1216 : vector<1x16xf32> to vector<16xf32>
          %mul3A_1218 = vector.broadcast %squeeze3A_1166 : f32 to vector<16xf32>
          %mul3A_1219 = arith.mulf %get3A_1217, %mul3A_1218 : vector<16xf32>
          %add3A_1220 = arith.constant 9 : i32
          %add3A_1221 = arith.addi %mul3A_66, %add3A_1220 : i32
          %swap3A_1222 = arith.index_cast %add3A_1221 : i32 to index
          %swap3A_1223 = arith.constant 48 : index
          %swap3A_1224 = tpu.vector_load %arg12[%swap3A_1222, %swap3A_1223] {strides = array<i32>} : memref<128x128xf32, #tpu.memory_space<vmem>>, vector<1x16xf32>,
          %swap3A_1225 = vector.shape_cast %swap3A_1224 : vector<1x16xf32> to vector<16xf32>
          %swap3A_1226 = vector.shape_cast %mul3A_1219 : vector<16xf32> to vector<1x16xf32>
          tpu.vector_store %arg12[%swap3A_1222, %swap3A_1223], %swap3A_1226 {strides = array<i32>} : memref<128x128xf32, #tpu.memory_space<vmem>>, vector<1x16xf32>,
          %add3A_1227 = arith.constant 9 : i32
          %add3A_1228 = arith.addi %mul3A_66, %add3A_1227 : i32
          %get3A_1229 = arith.index_cast %add3A_1228 : i32 to index
          %get3A_1230 = arith.constant 64 : index
          %get3A_1231 = tpu.vector_load %arg12[%get3A_1229, %get3A_1230] {strides = array<i32>} : memref<128x128xf32, #tpu.memory_space<vmem>>, vector<1x16xf32>,
          %get3A_1232 = vector.shape_cast %get3A_1231 : vector<1x16xf32> to vector<16xf32>
          %mul3A_1233 = vector.broadcast %squeeze3A_1166 : f32 to vector<16xf32>
          %mul3A_1234 = arith.mulf %get3A_1232, %mul3A_1233 : vector<16xf32>
          %add3A_1235 = arith.constant 9 : i32
          %add3A_1236 = arith.addi %mul3A_66, %add3A_1235 : i32
          %swap3A_1237 = arith.index_cast %add3A_1236 : i32 to index
          %swap3A_1238 = arith.constant 64 : index
          %swap3A_1239 = tpu.vector_load %arg12[%swap3A_1237, %swap3A_1238] {strides = array<i32>} : memref<128x128xf32, #tpu.memory_space<vmem>>, vector<1x16xf32>,
          %swap3A_1240 = vector.shape_cast %swap3A_1239 : vector<1x16xf32> to vector<16xf32>
          %swap3A_1241 = vector.shape_cast %mul3A_1234 : vector<16xf32> to vector<1x16xf32>
          tpu.vector_store %arg12[%swap3A_1237, %swap3A_1238], %swap3A_1241 {strides = array<i32>} : memref<128x128xf32, #tpu.memory_space<vmem>>, vector<1x16xf32>,
          %add3A_1242 = arith.constant 9 : i32
          %add3A_1243 = arith.addi %mul3A_66, %add3A_1242 : i32
          %get3A_1244 = arith.index_cast %add3A_1243 : i32 to index
          %get3A_1245 = arith.constant 80 : index
          %get3A_1246 = tpu.vector_load %arg12[%get3A_1244, %get3A_1245] {strides = array<i32>} : memref<128x128xf32, #tpu.memory_space<vmem>>, vector<1x16xf32>,
          %get3A_1247 = vector.shape_cast %get3A_1246 : vector<1x16xf32> to vector<16xf32>
          %mul3A_1248 = vector.broadcast %squeeze3A_1166 : f32 to vector<16xf32>
          %mul3A_1249 = arith.mulf %get3A_1247, %mul3A_1248 : vector<16xf32>
          %add3A_1250 = arith.constant 9 : i32
          %add3A_1251 = arith.addi %mul3A_66, %add3A_1250 : i32
          %swap3A_1252 = arith.index_cast %add3A_1251 : i32 to index
          %swap3A_1253 = arith.constant 80 : index
          %swap3A_1254 = tpu.vector_load %arg12[%swap3A_1252, %swap3A_1253] {strides = array<i32>} : memref<128x128xf32, #tpu.memory_space<vmem>>, vector<1x16xf32>,
          %swap3A_1255 = vector.shape_cast %swap3A_1254 : vector<1x16xf32> to vector<16xf32>
          %swap3A_1256 = vector.shape_cast %mul3A_1249 : vector<16xf32> to vector<1x16xf32>
          tpu.vector_store %arg12[%swap3A_1252, %swap3A_1253], %swap3A_1256 {strides = array<i32>} : memref<128x128xf32, #tpu.memory_space<vmem>>, vector<1x16xf32>,
          %add3A_1257 = arith.constant 9 : i32
          %add3A_1258 = arith.addi %mul3A_66, %add3A_1257 : i32
          %get3A_1259 = arith.index_cast %add3A_1258 : i32 to index
          %get3A_1260 = arith.constant 96 : index
          %get3A_1261 = tpu.vector_load %arg12[%get3A_1259, %get3A_1260] {strides = array<i32>} : memref<128x128xf32, #tpu.memory_space<vmem>>, vector<1x16xf32>,
          %get3A_1262 = vector.shape_cast %get3A_1261 : vector<1x16xf32> to vector<16xf32>
          %mul3A_1263 = vector.broadcast %squeeze3A_1166 : f32 to vector<16xf32>
          %mul3A_1264 = arith.mulf %get3A_1262, %mul3A_1263 : vector<16xf32>
          %add3A_1265 = arith.constant 9 : i32
          %add3A_1266 = arith.addi %mul3A_66, %add3A_1265 : i32
          %swap3A_1267 = arith.index_cast %add3A_1266 : i32 to index
          %swap3A_1268 = arith.constant 96 : index
          %swap3A_1269 = tpu.vector_load %arg12[%swap3A_1267, %swap3A_1268] {strides = array<i32>} : memref<128x128xf32, #tpu.memory_space<vmem>>, vector<1x16xf32>,
          %swap3A_1270 = vector.shape_cast %swap3A_1269 : vector<1x16xf32> to vector<16xf32>
          %swap3A_1271 = vector.shape_cast %mul3A_1264 : vector<16xf32> to vector<1x16xf32>
          tpu.vector_store %arg12[%swap3A_1267, %swap3A_1268], %swap3A_1271 {strides = array<i32>} : memref<128x128xf32, #tpu.memory_space<vmem>>, vector<1x16xf32>,
          %add3A_1272 = arith.constant 9 : i32
          %add3A_1273 = arith.addi %mul3A_66, %add3A_1272 : i32
          %get3A_1274 = arith.index_cast %add3A_1273 : i32 to index
          %get3A_1275 = arith.constant 112 : index
          %get3A_1276 = tpu.vector_load %arg12[%get3A_1274, %get3A_1275] {strides = array<i32>} : memref<128x128xf32, #tpu.memory_space<vmem>>, vector<1x16xf32>,
          %get3A_1277 = vector.shape_cast %get3A_1276 : vector<1x16xf32> to vector<16xf32>
          %mul3A_1278 = vector.broadcast %squeeze3A_1166 : f32 to vector<16xf32>
          %mul3A_1279 = arith.mulf %get3A_1277, %mul3A_1278 : vector<16xf32>
          %add3A_1280 = arith.constant 9 : i32
          %add3A_1281 = arith.addi %mul3A_66, %add3A_1280 : i32
          %swap3A_1282 = arith.index_cast %add3A_1281 : i32 to index
          %swap3A_1283 = arith.constant 112 : index
          %swap3A_1284 = tpu.vector_load %arg12[%swap3A_1282, %swap3A_1283] {strides = array<i32>} : memref<128x128xf32, #tpu.memory_space<vmem>>, vector<1x16xf32>,
          %swap3A_1285 = vector.shape_cast %swap3A_1284 : vector<1x16xf32> to vector<16xf32>
          %swap3A_1286 = vector.shape_cast %mul3A_1279 : vector<16xf32> to vector<1x16xf32>
          tpu.vector_store %arg12[%swap3A_1282, %swap3A_1283], %swap3A_1286 {strides = array<i32>} : memref<128x128xf32, #tpu.memory_space<vmem>>, vector<1x16xf32>,
          %slice3A_1287 = vector.extract_strided_slice %get3A_69 {offsets = [10], sizes = [1], strides = [1]} : vector<16xf32> to vector<1xf32>
          %squeeze3A_1288 = vector.extract %slice3A_1287[0] : f32 from vector<1xf32>
          %add3A_1289 = arith.constant 10 : i32
          %add3A_1290 = arith.addi %mul3A_66, %add3A_1289 : i32
          %get3A_1291 = arith.index_cast %add3A_1290 : i32 to index
          %get3A_1292 = arith.constant 0 : index
          %get3A_1293 = tpu.vector_load %arg12[%get3A_1291, %get3A_1292] {strides = array<i32>} : memref<128x128xf32, #tpu.memory_space<vmem>>, vector<1x16xf32>,
          %get3A_1294 = vector.shape_cast %get3A_1293 : vector<1x16xf32> to vector<16xf32>
          %mul3A_1295 = vector.broadcast %squeeze3A_1288 : f32 to vector<16xf32>
          %mul3A_1296 = arith.mulf %get3A_1294, %mul3A_1295 : vector<16xf32>
          %add3A_1297 = arith.constant 10 : i32
          %add3A_1298 = arith.addi %mul3A_66, %add3A_1297 : i32
          %swap3A_1299 = arith.index_cast %add3A_1298 : i32 to index
          %swap3A_1300 = arith.constant 0 : index
          %swap3A_1301 = tpu.vector_load %arg12[%swap3A_1299, %swap3A_1300] {strides = array<i32>} : memref<128x128xf32, #tpu.memory_space<vmem>>, vector<1x16xf32>,
          %swap3A_1302 = vector.shape_cast %swap3A_1301 : vector<1x16xf32> to vector<16xf32>
          %swap3A_1303 = vector.shape_cast %mul3A_1296 : vector<16xf32> to vector<1x16xf32>
          tpu.vector_store %arg12[%swap3A_1299, %swap3A_1300], %swap3A_1303 {strides = array<i32>} : memref<128x128xf32, #tpu.memory_space<vmem>>, vector<1x16xf32>,
          %add3A_1304 = arith.constant 10 : i32
          %add3A_1305 = arith.addi %mul3A_66, %add3A_1304 : i32
          %get3A_1306 = arith.index_cast %add3A_1305 : i32 to index
          %get3A_1307 = arith.constant 16 : index
          %get3A_1308 = tpu.vector_load %arg12[%get3A_1306, %get3A_1307] {strides = array<i32>} : memref<128x128xf32, #tpu.memory_space<vmem>>, vector<1x16xf32>,
          %get3A_1309 = vector.shape_cast %get3A_1308 : vector<1x16xf32> to vector<16xf32>
          %mul3A_1310 = vector.broadcast %squeeze3A_1288 : f32 to vector<16xf32>
          %mul3A_1311 = arith.mulf %get3A_1309, %mul3A_1310 : vector<16xf32>
          %add3A_1312 = arith.constant 10 : i32
          %add3A_1313 = arith.addi %mul3A_66, %add3A_1312 : i32
          %swap3A_1314 = arith.index_cast %add3A_1313 : i32 to index
          %swap3A_1315 = arith.constant 16 : index
          %swap3A_1316 = tpu.vector_load %arg12[%swap3A_1314, %swap3A_1315] {strides = array<i32>} : memref<128x128xf32, #tpu.memory_space<vmem>>, vector<1x16xf32>,
          %swap3A_1317 = vector.shape_cast %swap3A_1316 : vector<1x16xf32> to vector<16xf32>
          %swap3A_1318 = vector.shape_cast %mul3A_1311 : vector<16xf32> to vector<1x16xf32>
          tpu.vector_store %arg12[%swap3A_1314, %swap3A_1315], %swap3A_1318 {strides = array<i32>} : memref<128x128xf32, #tpu.memory_space<vmem>>, vector<1x16xf32>,
          %add3A_1319 = arith.constant 10 : i32
          %add3A_1320 = arith.addi %mul3A_66, %add3A_1319 : i32
          %get3A_1321 = arith.index_cast %add3A_1320 : i32 to index
          %get3A_1322 = arith.constant 32 : index
          %get3A_1323 = tpu.vector_load %arg12[%get3A_1321, %get3A_1322] {strides = array<i32>} : memref<128x128xf32, #tpu.memory_space<vmem>>, vector<1x16xf32>,
          %get3A_1324 = vector.shape_cast %get3A_1323 : vector<1x16xf32> to vector<16xf32>
          %mul3A_1325 = vector.broadcast %squeeze3A_1288 : f32 to vector<16xf32>
          %mul3A_1326 = arith.mulf %get3A_1324, %mul3A_1325 : vector<16xf32>
          %add3A_1327 = arith.constant 10 : i32
          %add3A_1328 = arith.addi %mul3A_66, %add3A_1327 : i32
          %swap3A_1329 = arith.index_cast %add3A_1328 : i32 to index
          %swap3A_1330 = arith.constant 32 : index
          %swap3A_1331 = tpu.vector_load %arg12[%swap3A_1329, %swap3A_1330] {strides = array<i32>} : memref<128x128xf32, #tpu.memory_space<vmem>>, vector<1x16xf32>,
          %swap3A_1332 = vector.shape_cast %swap3A_1331 : vector<1x16xf32> to vector<16xf32>
          %swap3A_1333 = vector.shape_cast %mul3A_1326 : vector<16xf32> to vector<1x16xf32>
          tpu.vector_store %arg12[%swap3A_1329, %swap3A_1330], %swap3A_1333 {strides = array<i32>} : memref<128x128xf32, #tpu.memory_space<vmem>>, vector<1x16xf32>,
          %add3A_1334 = arith.constant 10 : i32
          %add3A_1335 = arith.addi %mul3A_66, %add3A_1334 : i32
          %get3A_1336 = arith.index_cast %add3A_1335 : i32 to index
          %get3A_1337 = arith.constant 48 : index
          %get3A_1338 = tpu.vector_load %arg12[%get3A_1336, %get3A_1337] {strides = array<i32>} : memref<128x128xf32, #tpu.memory_space<vmem>>, vector<1x16xf32>,
          %get3A_1339 = vector.shape_cast %get3A_1338 : vector<1x16xf32> to vector<16xf32>
          %mul3A_1340 = vector.broadcast %squeeze3A_1288 : f32 to vector<16xf32>
          %mul3A_1341 = arith.mulf %get3A_1339, %mul3A_1340 : vector<16xf32>
          %add3A_1342 = arith.constant 10 : i32
          %add3A_1343 = arith.addi %mul3A_66, %add3A_1342 : i32
          %swap3A_1344 = arith.index_cast %add3A_1343 : i32 to index
          %swap3A_1345 = arith.constant 48 : index
          %swap3A_1346 = tpu.vector_load %arg12[%swap3A_1344, %swap3A_1345] {strides = array<i32>} : memref<128x128xf32, #tpu.memory_space<vmem>>, vector<1x16xf32>,
          %swap3A_1347 = vector.shape_cast %swap3A_1346 : vector<1x16xf32> to vector<16xf32>
          %swap3A_1348 = vector.shape_cast %mul3A_1341 : vector<16xf32> to vector<1x16xf32>
          tpu.vector_store %arg12[%swap3A_1344, %swap3A_1345], %swap3A_1348 {strides = array<i32>} : memref<128x128xf32, #tpu.memory_space<vmem>>, vector<1x16xf32>,
          %add3A_1349 = arith.constant 10 : i32
          %add3A_1350 = arith.addi %mul3A_66, %add3A_1349 : i32
          %get3A_1351 = arith.index_cast %add3A_1350 : i32 to index
          %get3A_1352 = arith.constant 64 : index
          %get3A_1353 = tpu.vector_load %arg12[%get3A_1351, %get3A_1352] {strides = array<i32>} : memref<128x128xf32, #tpu.memory_space<vmem>>, vector<1x16xf32>,
          %get3A_1354 = vector.shape_cast %get3A_1353 : vector<1x16xf32> to vector<16xf32>
          %mul3A_1355 = vector.broadcast %squeeze3A_1288 : f32 to vector<16xf32>
          %mul3A_1356 = arith.mulf %get3A_1354, %mul3A_1355 : vector<16xf32>
          %add3A_1357 = arith.constant 10 : i32
          %add3A_1358 = arith.addi %mul3A_66, %add3A_1357 : i32
          %swap3A_1359 = arith.index_cast %add3A_1358 : i32 to index
          %swap3A_1360 = arith.constant 64 : index
          %swap3A_1361 = tpu.vector_load %arg12[%swap3A_1359, %swap3A_1360] {strides = array<i32>} : memref<128x128xf32, #tpu.memory_space<vmem>>, vector<1x16xf32>,
          %swap3A_1362 = vector.shape_cast %swap3A_1361 : vector<1x16xf32> to vector<16xf32>
          %swap3A_1363 = vector.shape_cast %mul3A_1356 : vector<16xf32> to vector<1x16xf32>
          tpu.vector_store %arg12[%swap3A_1359, %swap3A_1360], %swap3A_1363 {strides = array<i32>} : memref<128x128xf32, #tpu.memory_space<vmem>>, vector<1x16xf32>,
          %add3A_1364 = arith.constant 10 : i32
          %add3A_1365 = arith.addi %mul3A_66, %add3A_1364 : i32
          %get3A_1366 = arith.index_cast %add3A_1365 : i32 to index
          %get3A_1367 = arith.constant 80 : index
          %get3A_1368 = tpu.vector_load %arg12[%get3A_1366, %get3A_1367] {strides = array<i32>} : memref<128x128xf32, #tpu.memory_space<vmem>>, vector<1x16xf32>,
          %get3A_1369 = vector.shape_cast %get3A_1368 : vector<1x16xf32> to vector<16xf32>
          %mul3A_1370 = vector.broadcast %squeeze3A_1288 : f32 to vector<16xf32>
          %mul3A_1371 = arith.mulf %get3A_1369, %mul3A_1370 : vector<16xf32>
          %add3A_1372 = arith.constant 10 : i32
          %add3A_1373 = arith.addi %mul3A_66, %add3A_1372 : i32
          %swap3A_1374 = arith.index_cast %add3A_1373 : i32 to index
          %swap3A_1375 = arith.constant 80 : index
          %swap3A_1376 = tpu.vector_load %arg12[%swap3A_1374, %swap3A_1375] {strides = array<i32>} : memref<128x128xf32, #tpu.memory_space<vmem>>, vector<1x16xf32>,
          %swap3A_1377 = vector.shape_cast %swap3A_1376 : vector<1x16xf32> to vector<16xf32>
          %swap3A_1378 = vector.shape_cast %mul3A_1371 : vector<16xf32> to vector<1x16xf32>
          tpu.vector_store %arg12[%swap3A_1374, %swap3A_1375], %swap3A_1378 {strides = array<i32>} : memref<128x128xf32, #tpu.memory_space<vmem>>, vector<1x16xf32>,
          %add3A_1379 = arith.constant 10 : i32
          %add3A_1380 = arith.addi %mul3A_66, %add3A_1379 : i32
          %get3A_1381 = arith.index_cast %add3A_1380 : i32 to index
          %get3A_1382 = arith.constant 96 : index
          %get3A_1383 = tpu.vector_load %arg12[%get3A_1381, %get3A_1382] {strides = array<i32>} : memref<128x128xf32, #tpu.memory_space<vmem>>, vector<1x16xf32>,
          %get3A_1384 = vector.shape_cast %get3A_1383 : vector<1x16xf32> to vector<16xf32>
          %mul3A_1385 = vector.broadcast %squeeze3A_1288 : f32 to vector<16xf32>
          %mul3A_1386 = arith.mulf %get3A_1384, %mul3A_1385 : vector<16xf32>
          %add3A_1387 = arith.constant 10 : i32
          %add3A_1388 = arith.addi %mul3A_66, %add3A_1387 : i32
          %swap3A_1389 = arith.index_cast %add3A_1388 : i32 to index
          %swap3A_1390 = arith.constant 96 : index
          %swap3A_1391 = tpu.vector_load %arg12[%swap3A_1389, %swap3A_1390] {strides = array<i32>} : memref<128x128xf32, #tpu.memory_space<vmem>>, vector<1x16xf32>,
          %swap3A_1392 = vector.shape_cast %swap3A_1391 : vector<1x16xf32> to vector<16xf32>
          %swap3A_1393 = vector.shape_cast %mul3A_1386 : vector<16xf32> to vector<1x16xf32>
          tpu.vector_store %arg12[%swap3A_1389, %swap3A_1390], %swap3A_1393 {strides = array<i32>} : memref<128x128xf32, #tpu.memory_space<vmem>>, vector<1x16xf32>,
          %add3A_1394 = arith.constant 10 : i32
          %add3A_1395 = arith.addi %mul3A_66, %add3A_1394 : i32
          %get3A_1396 = arith.index_cast %add3A_1395 : i32 to index
          %get3A_1397 = arith.constant 112 : index
          %get3A_1398 = tpu.vector_load %arg12[%get3A_1396, %get3A_1397] {strides = array<i32>} : memref<128x128xf32, #tpu.memory_space<vmem>>, vector<1x16xf32>,
          %get3A_1399 = vector.shape_cast %get3A_1398 : vector<1x16xf32> to vector<16xf32>
          %mul3A_1400 = vector.broadcast %squeeze3A_1288 : f32 to vector<16xf32>
          %mul3A_1401 = arith.mulf %get3A_1399, %mul3A_1400 : vector<16xf32>
          %add3A_1402 = arith.constant 10 : i32
          %add3A_1403 = arith.addi %mul3A_66, %add3A_1402 : i32
          %swap3A_1404 = arith.index_cast %add3A_1403 : i32 to index
          %swap3A_1405 = arith.constant 112 : index
          %swap3A_1406 = tpu.vector_load %arg12[%swap3A_1404, %swap3A_1405] {strides = array<i32>} : memref<128x128xf32, #tpu.memory_space<vmem>>, vector<1x16xf32>,
          %swap3A_1407 = vector.shape_cast %swap3A_1406 : vector<1x16xf32> to vector<16xf32>
          %swap3A_1408 = vector.shape_cast %mul3A_1401 : vector<16xf32> to vector<1x16xf32>
          tpu.vector_store %arg12[%swap3A_1404, %swap3A_1405], %swap3A_1408 {strides = array<i32>} : memref<128x128xf32, #tpu.memory_space<vmem>>, vector<1x16xf32>,
          %slice3A_1409 = vector.extract_strided_slice %get3A_69 {offsets = [11], sizes = [1], strides = [1]} : vector<16xf32> to vector<1xf32>
          %squeeze3A_1410 = vector.extract %slice3A_1409[0] : f32 from vector<1xf32>
          %add3A_1411 = arith.constant 11 : i32
          %add3A_1412 = arith.addi %mul3A_66, %add3A_1411 : i32
          %get3A_1413 = arith.index_cast %add3A_1412 : i32 to index
          %get3A_1414 = arith.constant 0 : index
          %get3A_1415 = tpu.vector_load %arg12[%get3A_1413, %get3A_1414] {strides = array<i32>} : memref<128x128xf32, #tpu.memory_space<vmem>>, vector<1x16xf32>,
          %get3A_1416 = vector.shape_cast %get3A_1415 : vector<1x16xf32> to vector<16xf32>
          %mul3A_1417 = vector.broadcast %squeeze3A_1410 : f32 to vector<16xf32>
          %mul3A_1418 = arith.mulf %get3A_1416, %mul3A_1417 : vector<16xf32>
          %add3A_1419 = arith.constant 11 : i32
          %add3A_1420 = arith.addi %mul3A_66, %add3A_1419 : i32
          %swap3A_1421 = arith.index_cast %add3A_1420 : i32 to index
          %swap3A_1422 = arith.constant 0 : index
          %swap3A_1423 = tpu.vector_load %arg12[%swap3A_1421, %swap3A_1422] {strides = array<i32>} : memref<128x128xf32, #tpu.memory_space<vmem>>, vector<1x16xf32>,
          %swap3A_1424 = vector.shape_cast %swap3A_1423 : vector<1x16xf32> to vector<16xf32>
          %swap3A_1425 = vector.shape_cast %mul3A_1418 : vector<16xf32> to vector<1x16xf32>
          tpu.vector_store %arg12[%swap3A_1421, %swap3A_1422], %swap3A_1425 {strides = array<i32>} : memref<128x128xf32, #tpu.memory_space<vmem>>, vector<1x16xf32>,
          %add3A_1426 = arith.constant 11 : i32
          %add3A_1427 = arith.addi %mul3A_66, %add3A_1426 : i32
          %get3A_1428 = arith.index_cast %add3A_1427 : i32 to index
          %get3A_1429 = arith.constant 16 : index
          %get3A_1430 = tpu.vector_load %arg12[%get3A_1428, %get3A_1429] {strides = array<i32>} : memref<128x128xf32, #tpu.memory_space<vmem>>, vector<1x16xf32>,
          %get3A_1431 = vector.shape_cast %get3A_1430 : vector<1x16xf32> to vector<16xf32>
          %mul3A_1432 = vector.broadcast %squeeze3A_1410 : f32 to vector<16xf32>
          %mul3A_1433 = arith.mulf %get3A_1431, %mul3A_1432 : vector<16xf32>
          %add3A_1434 = arith.constant 11 : i32
          %add3A_1435 = arith.addi %mul3A_66, %add3A_1434 : i32
          %swap3A_1436 = arith.index_cast %add3A_1435 : i32 to index
          %swap3A_1437 = arith.constant 16 : index
          %swap3A_1438 = tpu.vector_load %arg12[%swap3A_1436, %swap3A_1437] {strides = array<i32>} : memref<128x128xf32, #tpu.memory_space<vmem>>, vector<1x16xf32>,
          %swap3A_1439 = vector.shape_cast %swap3A_1438 : vector<1x16xf32> to vector<16xf32>
          %swap3A_1440 = vector.shape_cast %mul3A_1433 : vector<16xf32> to vector<1x16xf32>
          tpu.vector_store %arg12[%swap3A_1436, %swap3A_1437], %swap3A_1440 {strides = array<i32>} : memref<128x128xf32, #tpu.memory_space<vmem>>, vector<1x16xf32>,
          %add3A_1441 = arith.constant 11 : i32
          %add3A_1442 = arith.addi %mul3A_66, %add3A_1441 : i32
          %get3A_1443 = arith.index_cast %add3A_1442 : i32 to index
          %get3A_1444 = arith.constant 32 : index
          %get3A_1445 = tpu.vector_load %arg12[%get3A_1443, %get3A_1444] {strides = array<i32>} : memref<128x128xf32, #tpu.memory_space<vmem>>, vector<1x16xf32>,
          %get3A_1446 = vector.shape_cast %get3A_1445 : vector<1x16xf32> to vector<16xf32>
          %mul3A_1447 = vector.broadcast %squeeze3A_1410 : f32 to vector<16xf32>
          %mul3A_1448 = arith.mulf %get3A_1446, %mul3A_1447 : vector<16xf32>
          %add3A_1449 = arith.constant 11 : i32
          %add3A_1450 = arith.addi %mul3A_66, %add3A_1449 : i32
          %swap3A_1451 = arith.index_cast %add3A_1450 : i32 to index
          %swap3A_1452 = arith.constant 32 : index
          %swap3A_1453 = tpu.vector_load %arg12[%swap3A_1451, %swap3A_1452] {strides = array<i32>} : memref<128x128xf32, #tpu.memory_space<vmem>>, vector<1x16xf32>,
          %swap3A_1454 = vector.shape_cast %swap3A_1453 : vector<1x16xf32> to vector<16xf32>
          %swap3A_1455 = vector.shape_cast %mul3A_1448 : vector<16xf32> to vector<1x16xf32>
          tpu.vector_store %arg12[%swap3A_1451, %swap3A_1452], %swap3A_1455 {strides = array<i32>} : memref<128x128xf32, #tpu.memory_space<vmem>>, vector<1x16xf32>,
          %add3A_1456 = arith.constant 11 : i32
          %add3A_1457 = arith.addi %mul3A_66, %add3A_1456 : i32
          %get3A_1458 = arith.index_cast %add3A_1457 : i32 to index
          %get3A_1459 = arith.constant 48 : index
          %get3A_1460 = tpu.vector_load %arg12[%get3A_1458, %get3A_1459] {strides = array<i32>} : memref<128x128xf32, #tpu.memory_space<vmem>>, vector<1x16xf32>,
          %get3A_1461 = vector.shape_cast %get3A_1460 : vector<1x16xf32> to vector<16xf32>
          %mul3A_1462 = vector.broadcast %squeeze3A_1410 : f32 to vector<16xf32>
          %mul3A_1463 = arith.mulf %get3A_1461, %mul3A_1462 : vector<16xf32>
          %add3A_1464 = arith.constant 11 : i32
          %add3A_1465 = arith.addi %mul3A_66, %add3A_1464 : i32
          %swap3A_1466 = arith.index_cast %add3A_1465 : i32 to index
          %swap3A_1467 = arith.constant 48 : index
          %swap3A_1468 = tpu.vector_load %arg12[%swap3A_1466, %swap3A_1467] {strides = array<i32>} : memref<128x128xf32, #tpu.memory_space<vmem>>, vector<1x16xf32>,
          %swap3A_1469 = vector.shape_cast %swap3A_1468 : vector<1x16xf32> to vector<16xf32>
          %swap3A_1470 = vector.shape_cast %mul3A_1463 : vector<16xf32> to vector<1x16xf32>
          tpu.vector_store %arg12[%swap3A_1466, %swap3A_1467], %swap3A_1470 {strides = array<i32>} : memref<128x128xf32, #tpu.memory_space<vmem>>, vector<1x16xf32>,
          %add3A_1471 = arith.constant 11 : i32
          %add3A_1472 = arith.addi %mul3A_66, %add3A_1471 : i32
          %get3A_1473 = arith.index_cast %add3A_1472 : i32 to index
          %get3A_1474 = arith.constant 64 : index
          %get3A_1475 = tpu.vector_load %arg12[%get3A_1473, %get3A_1474] {strides = array<i32>} : memref<128x128xf32, #tpu.memory_space<vmem>>, vector<1x16xf32>,
          %get3A_1476 = vector.shape_cast %get3A_1475 : vector<1x16xf32> to vector<16xf32>
          %mul3A_1477 = vector.broadcast %squeeze3A_1410 : f32 to vector<16xf32>
          %mul3A_1478 = arith.mulf %get3A_1476, %mul3A_1477 : vector<16xf32>
          %add3A_1479 = arith.constant 11 : i32
          %add3A_1480 = arith.addi %mul3A_66, %add3A_1479 : i32
          %swap3A_1481 = arith.index_cast %add3A_1480 : i32 to index
          %swap3A_1482 = arith.constant 64 : index
          %swap3A_1483 = tpu.vector_load %arg12[%swap3A_1481, %swap3A_1482] {strides = array<i32>} : memref<128x128xf32, #tpu.memory_space<vmem>>, vector<1x16xf32>,
          %swap3A_1484 = vector.shape_cast %swap3A_1483 : vector<1x16xf32> to vector<16xf32>
          %swap3A_1485 = vector.shape_cast %mul3A_1478 : vector<16xf32> to vector<1x16xf32>
          tpu.vector_store %arg12[%swap3A_1481, %swap3A_1482], %swap3A_1485 {strides = array<i32>} : memref<128x128xf32, #tpu.memory_space<vmem>>, vector<1x16xf32>,
          %add3A_1486 = arith.constant 11 : i32
          %add3A_1487 = arith.addi %mul3A_66, %add3A_1486 : i32
          %get3A_1488 = arith.index_cast %add3A_1487 : i32 to index
          %get3A_1489 = arith.constant 80 : index
          %get3A_1490 = tpu.vector_load %arg12[%get3A_1488, %get3A_1489] {strides = array<i32>} : memref<128x128xf32, #tpu.memory_space<vmem>>, vector<1x16xf32>,
          %get3A_1491 = vector.shape_cast %get3A_1490 : vector<1x16xf32> to vector<16xf32>
          %mul3A_1492 = vector.broadcast %squeeze3A_1410 : f32 to vector<16xf32>
          %mul3A_1493 = arith.mulf %get3A_1491, %mul3A_1492 : vector<16xf32>
          %add3A_1494 = arith.constant 11 : i32
          %add3A_1495 = arith.addi %mul3A_66, %add3A_1494 : i32
          %swap3A_1496 = arith.index_cast %add3A_1495 : i32 to index
          %swap3A_1497 = arith.constant 80 : index
          %swap3A_1498 = tpu.vector_load %arg12[%swap3A_1496, %swap3A_1497] {strides = array<i32>} : memref<128x128xf32, #tpu.memory_space<vmem>>, vector<1x16xf32>,
          %swap3A_1499 = vector.shape_cast %swap3A_1498 : vector<1x16xf32> to vector<16xf32>
          %swap3A_1500 = vector.shape_cast %mul3A_1493 : vector<16xf32> to vector<1x16xf32>
          tpu.vector_store %arg12[%swap3A_1496, %swap3A_1497], %swap3A_1500 {strides = array<i32>} : memref<128x128xf32, #tpu.memory_space<vmem>>, vector<1x16xf32>,
          %add3A_1501 = arith.constant 11 : i32
          %add3A_1502 = arith.addi %mul3A_66, %add3A_1501 : i32
          %get3A_1503 = arith.index_cast %add3A_1502 : i32 to index
          %get3A_1504 = arith.constant 96 : index
          %get3A_1505 = tpu.vector_load %arg12[%get3A_1503, %get3A_1504] {strides = array<i32>} : memref<128x128xf32, #tpu.memory_space<vmem>>, vector<1x16xf32>,
          %get3A_1506 = vector.shape_cast %get3A_1505 : vector<1x16xf32> to vector<16xf32>
          %mul3A_1507 = vector.broadcast %squeeze3A_1410 : f32 to vector<16xf32>
          %mul3A_1508 = arith.mulf %get3A_1506, %mul3A_1507 : vector<16xf32>
          %add3A_1509 = arith.constant 11 : i32
          %add3A_1510 = arith.addi %mul3A_66, %add3A_1509 : i32
          %swap3A_1511 = arith.index_cast %add3A_1510 : i32 to index
          %swap3A_1512 = arith.constant 96 : index
          %swap3A_1513 = tpu.vector_load %arg12[%swap3A_1511, %swap3A_1512] {strides = array<i32>} : memref<128x128xf32, #tpu.memory_space<vmem>>, vector<1x16xf32>,
          %swap3A_1514 = vector.shape_cast %swap3A_1513 : vector<1x16xf32> to vector<16xf32>
          %swap3A_1515 = vector.shape_cast %mul3A_1508 : vector<16xf32> to vector<1x16xf32>
          tpu.vector_store %arg12[%swap3A_1511, %swap3A_1512], %swap3A_1515 {strides = array<i32>} : memref<128x128xf32, #tpu.memory_space<vmem>>, vector<1x16xf32>,
          %add3A_1516 = arith.constant 11 : i32
          %add3A_1517 = arith.addi %mul3A_66, %add3A_1516 : i32
          %get3A_1518 = arith.index_cast %add3A_1517 : i32 to index
          %get3A_1519 = arith.constant 112 : index
          %get3A_1520 = tpu.vector_load %arg12[%get3A_1518, %get3A_1519] {strides = array<i32>} : memref<128x128xf32, #tpu.memory_space<vmem>>, vector<1x16xf32>,
          %get3A_1521 = vector.shape_cast %get3A_1520 : vector<1x16xf32> to vector<16xf32>
          %mul3A_1522 = vector.broadcast %squeeze3A_1410 : f32 to vector<16xf32>
          %mul3A_1523 = arith.mulf %get3A_1521, %mul3A_1522 : vector<16xf32>
          %add3A_1524 = arith.constant 11 : i32
          %add3A_1525 = arith.addi %mul3A_66, %add3A_1524 : i32
          %swap3A_1526 = arith.index_cast %add3A_1525 : i32 to index
          %swap3A_1527 = arith.constant 112 : index
          %swap3A_1528 = tpu.vector_load %arg12[%swap3A_1526, %swap3A_1527] {strides = array<i32>} : memref<128x128xf32, #tpu.memory_space<vmem>>, vector<1x16xf32>,
          %swap3A_1529 = vector.shape_cast %swap3A_1528 : vector<1x16xf32> to vector<16xf32>
          %swap3A_1530 = vector.shape_cast %mul3A_1523 : vector<16xf32> to vector<1x16xf32>
          tpu.vector_store %arg12[%swap3A_1526, %swap3A_1527], %swap3A_1530 {strides = array<i32>} : memref<128x128xf32, #tpu.memory_space<vmem>>, vector<1x16xf32>,
          %slice3A_1531 = vector.extract_strided_slice %get3A_69 {offsets = [12], sizes = [1], strides = [1]} : vector<16xf32> to vector<1xf32>
          %squeeze3A_1532 = vector.extract %slice3A_1531[0] : f32 from vector<1xf32>
          %add3A_1533 = arith.constant 12 : i32
          %add3A_1534 = arith.addi %mul3A_66, %add3A_1533 : i32
          %get3A_1535 = arith.index_cast %add3A_1534 : i32 to index
          %get3A_1536 = arith.constant 0 : index
          %get3A_1537 = tpu.vector_load %arg12[%get3A_1535, %get3A_1536] {strides = array<i32>} : memref<128x128xf32, #tpu.memory_space<vmem>>, vector<1x16xf32>,
          %get3A_1538 = vector.shape_cast %get3A_1537 : vector<1x16xf32> to vector<16xf32>
          %mul3A_1539 = vector.broadcast %squeeze3A_1532 : f32 to vector<16xf32>
          %mul3A_1540 = arith.mulf %get3A_1538, %mul3A_1539 : vector<16xf32>
          %add3A_1541 = arith.constant 12 : i32
          %add3A_1542 = arith.addi %mul3A_66, %add3A_1541 : i32
          %swap3A_1543 = arith.index_cast %add3A_1542 : i32 to index
          %swap3A_1544 = arith.constant 0 : index
          %swap3A_1545 = tpu.vector_load %arg12[%swap3A_1543, %swap3A_1544] {strides = array<i32>} : memref<128x128xf32, #tpu.memory_space<vmem>>, vector<1x16xf32>,
          %swap3A_1546 = vector.shape_cast %swap3A_1545 : vector<1x16xf32> to vector<16xf32>
          %swap3A_1547 = vector.shape_cast %mul3A_1540 : vector<16xf32> to vector<1x16xf32>
          tpu.vector_store %arg12[%swap3A_1543, %swap3A_1544], %swap3A_1547 {strides = array<i32>} : memref<128x128xf32, #tpu.memory_space<vmem>>, vector<1x16xf32>,
          %add3A_1548 = arith.constant 12 : i32
          %add3A_1549 = arith.addi %mul3A_66, %add3A_1548 : i32
          %get3A_1550 = arith.index_cast %add3A_1549 : i32 to index
          %get3A_1551 = arith.constant 16 : index
          %get3A_1552 = tpu.vector_load %arg12[%get3A_1550, %get3A_1551] {strides = array<i32>} : memref<128x128xf32, #tpu.memory_space<vmem>>, vector<1x16xf32>,
          %get3A_1553 = vector.shape_cast %get3A_1552 : vector<1x16xf32> to vector<16xf32>
          %mul3A_1554 = vector.broadcast %squeeze3A_1532 : f32 to vector<16xf32>
          %mul3A_1555 = arith.mulf %get3A_1553, %mul3A_1554 : vector<16xf32>
          %add3A_1556 = arith.constant 12 : i32
          %add3A_1557 = arith.addi %mul3A_66, %add3A_1556 : i32
          %swap3A_1558 = arith.index_cast %add3A_1557 : i32 to index
          %swap3A_1559 = arith.constant 16 : index
          %swap3A_1560 = tpu.vector_load %arg12[%swap3A_1558, %swap3A_1559] {strides = array<i32>} : memref<128x128xf32, #tpu.memory_space<vmem>>, vector<1x16xf32>,
          %swap3A_1561 = vector.shape_cast %swap3A_1560 : vector<1x16xf32> to vector<16xf32>
          %swap3A_1562 = vector.shape_cast %mul3A_1555 : vector<16xf32> to vector<1x16xf32>
          tpu.vector_store %arg12[%swap3A_1558, %swap3A_1559], %swap3A_1562 {strides = array<i32>} : memref<128x128xf32, #tpu.memory_space<vmem>>, vector<1x16xf32>,
          %add3A_1563 = arith.constant 12 : i32
          %add3A_1564 = arith.addi %mul3A_66, %add3A_1563 : i32
          %get3A_1565 = arith.index_cast %add3A_1564 : i32 to index
          %get3A_1566 = arith.constant 32 : index
          %get3A_1567 = tpu.vector_load %arg12[%get3A_1565, %get3A_1566] {strides = array<i32>} : memref<128x128xf32, #tpu.memory_space<vmem>>, vector<1x16xf32>,
          %get3A_1568 = vector.shape_cast %get3A_1567 : vector<1x16xf32> to vector<16xf32>
          %mul3A_1569 = vector.broadcast %squeeze3A_1532 : f32 to vector<16xf32>
          %mul3A_1570 = arith.mulf %get3A_1568, %mul3A_1569 : vector<16xf32>
          %add3A_1571 = arith.constant 12 : i32
          %add3A_1572 = arith.addi %mul3A_66, %add3A_1571 : i32
          %swap3A_1573 = arith.index_cast %add3A_1572 : i32 to index
          %swap3A_1574 = arith.constant 32 : index
          %swap3A_1575 = tpu.vector_load %arg12[%swap3A_1573, %swap3A_1574] {strides = array<i32>} : memref<128x128xf32, #tpu.memory_space<vmem>>, vector<1x16xf32>,
          %swap3A_1576 = vector.shape_cast %swap3A_1575 : vector<1x16xf32> to vector<16xf32>
          %swap3A_1577 = vector.shape_cast %mul3A_1570 : vector<16xf32> to vector<1x16xf32>
          tpu.vector_store %arg12[%swap3A_1573, %swap3A_1574], %swap3A_1577 {strides = array<i32>} : memref<128x128xf32, #tpu.memory_space<vmem>>, vector<1x16xf32>,
          %add3A_1578 = arith.constant 12 : i32
          %add3A_1579 = arith.addi %mul3A_66, %add3A_1578 : i32
          %get3A_1580 = arith.index_cast %add3A_1579 : i32 to index
          %get3A_1581 = arith.constant 48 : index
          %get3A_1582 = tpu.vector_load %arg12[%get3A_1580, %get3A_1581] {strides = array<i32>} : memref<128x128xf32, #tpu.memory_space<vmem>>, vector<1x16xf32>,
          %get3A_1583 = vector.shape_cast %get3A_1582 : vector<1x16xf32> to vector<16xf32>
          %mul3A_1584 = vector.broadcast %squeeze3A_1532 : f32 to vector<16xf32>
          %mul3A_1585 = arith.mulf %get3A_1583, %mul3A_1584 : vector<16xf32>
          %add3A_1586 = arith.constant 12 : i32
          %add3A_1587 = arith.addi %mul3A_66, %add3A_1586 : i32
          %swap3A_1588 = arith.index_cast %add3A_1587 : i32 to index
          %swap3A_1589 = arith.constant 48 : index
          %swap3A_1590 = tpu.vector_load %arg12[%swap3A_1588, %swap3A_1589] {strides = array<i32>} : memref<128x128xf32, #tpu.memory_space<vmem>>, vector<1x16xf32>,
          %swap3A_1591 = vector.shape_cast %swap3A_1590 : vector<1x16xf32> to vector<16xf32>
          %swap3A_1592 = vector.shape_cast %mul3A_1585 : vector<16xf32> to vector<1x16xf32>
          tpu.vector_store %arg12[%swap3A_1588, %swap3A_1589], %swap3A_1592 {strides = array<i32>} : memref<128x128xf32, #tpu.memory_space<vmem>>, vector<1x16xf32>,
          %add3A_1593 = arith.constant 12 : i32
          %add3A_1594 = arith.addi %mul3A_66, %add3A_1593 : i32
          %get3A_1595 = arith.index_cast %add3A_1594 : i32 to index
          %get3A_1596 = arith.constant 64 : index
          %get3A_1597 = tpu.vector_load %arg12[%get3A_1595, %get3A_1596] {strides = array<i32>} : memref<128x128xf32, #tpu.memory_space<vmem>>, vector<1x16xf32>,
          %get3A_1598 = vector.shape_cast %get3A_1597 : vector<1x16xf32> to vector<16xf32>
          %mul3A_1599 = vector.broadcast %squeeze3A_1532 : f32 to vector<16xf32>
          %mul3A_1600 = arith.mulf %get3A_1598, %mul3A_1599 : vector<16xf32>
          %add3A_1601 = arith.constant 12 : i32
          %add3A_1602 = arith.addi %mul3A_66, %add3A_1601 : i32
          %swap3A_1603 = arith.index_cast %add3A_1602 : i32 to index
          %swap3A_1604 = arith.constant 64 : index
          %swap3A_1605 = tpu.vector_load %arg12[%swap3A_1603, %swap3A_1604] {strides = array<i32>} : memref<128x128xf32, #tpu.memory_space<vmem>>, vector<1x16xf32>,
          %swap3A_1606 = vector.shape_cast %swap3A_1605 : vector<1x16xf32> to vector<16xf32>
          %swap3A_1607 = vector.shape_cast %mul3A_1600 : vector<16xf32> to vector<1x16xf32>
          tpu.vector_store %arg12[%swap3A_1603, %swap3A_1604], %swap3A_1607 {strides = array<i32>} : memref<128x128xf32, #tpu.memory_space<vmem>>, vector<1x16xf32>,
          %add3A_1608 = arith.constant 12 : i32
          %add3A_1609 = arith.addi %mul3A_66, %add3A_1608 : i32
          %get3A_1610 = arith.index_cast %add3A_1609 : i32 to index
          %get3A_1611 = arith.constant 80 : index
          %get3A_1612 = tpu.vector_load %arg12[%get3A_1610, %get3A_1611] {strides = array<i32>} : memref<128x128xf32, #tpu.memory_space<vmem>>, vector<1x16xf32>,
          %get3A_1613 = vector.shape_cast %get3A_1612 : vector<1x16xf32> to vector<16xf32>
          %mul3A_1614 = vector.broadcast %squeeze3A_1532 : f32 to vector<16xf32>
          %mul3A_1615 = arith.mulf %get3A_1613, %mul3A_1614 : vector<16xf32>
          %add3A_1616 = arith.constant 12 : i32
          %add3A_1617 = arith.addi %mul3A_66, %add3A_1616 : i32
          %swap3A_1618 = arith.index_cast %add3A_1617 : i32 to index
          %swap3A_1619 = arith.constant 80 : index
          %swap3A_1620 = tpu.vector_load %arg12[%swap3A_1618, %swap3A_1619] {strides = array<i32>} : memref<128x128xf32, #tpu.memory_space<vmem>>, vector<1x16xf32>,
          %swap3A_1621 = vector.shape_cast %swap3A_1620 : vector<1x16xf32> to vector<16xf32>
          %swap3A_1622 = vector.shape_cast %mul3A_1615 : vector<16xf32> to vector<1x16xf32>
          tpu.vector_store %arg12[%swap3A_1618, %swap3A_1619], %swap3A_1622 {strides = array<i32>} : memref<128x128xf32, #tpu.memory_space<vmem>>, vector<1x16xf32>,
          %add3A_1623 = arith.constant 12 : i32
          %add3A_1624 = arith.addi %mul3A_66, %add3A_1623 : i32
          %get3A_1625 = arith.index_cast %add3A_1624 : i32 to index
          %get3A_1626 = arith.constant 96 : index
          %get3A_1627 = tpu.vector_load %arg12[%get3A_1625, %get3A_1626] {strides = array<i32>} : memref<128x128xf32, #tpu.memory_space<vmem>>, vector<1x16xf32>,
          %get3A_1628 = vector.shape_cast %get3A_1627 : vector<1x16xf32> to vector<16xf32>
          %mul3A_1629 = vector.broadcast %squeeze3A_1532 : f32 to vector<16xf32>
          %mul3A_1630 = arith.mulf %get3A_1628, %mul3A_1629 : vector<16xf32>
          %add3A_1631 = arith.constant 12 : i32
          %add3A_1632 = arith.addi %mul3A_66, %add3A_1631 : i32
          %swap3A_1633 = arith.index_cast %add3A_1632 : i32 to index
          %swap3A_1634 = arith.constant 96 : index
          %swap3A_1635 = tpu.vector_load %arg12[%swap3A_1633, %swap3A_1634] {strides = array<i32>} : memref<128x128xf32, #tpu.memory_space<vmem>>, vector<1x16xf32>,
          %swap3A_1636 = vector.shape_cast %swap3A_1635 : vector<1x16xf32> to vector<16xf32>
          %swap3A_1637 = vector.shape_cast %mul3A_1630 : vector<16xf32> to vector<1x16xf32>
          tpu.vector_store %arg12[%swap3A_1633, %swap3A_1634], %swap3A_1637 {strides = array<i32>} : memref<128x128xf32, #tpu.memory_space<vmem>>, vector<1x16xf32>,
          %add3A_1638 = arith.constant 12 : i32
          %add3A_1639 = arith.addi %mul3A_66, %add3A_1638 : i32
          %get3A_1640 = arith.index_cast %add3A_1639 : i32 to index
          %get3A_1641 = arith.constant 112 : index
          %get3A_1642 = tpu.vector_load %arg12[%get3A_1640, %get3A_1641] {strides = array<i32>} : memref<128x128xf32, #tpu.memory_space<vmem>>, vector<1x16xf32>,
          %get3A_1643 = vector.shape_cast %get3A_1642 : vector<1x16xf32> to vector<16xf32>
          %mul3A_1644 = vector.broadcast %squeeze3A_1532 : f32 to vector<16xf32>
          %mul3A_1645 = arith.mulf %get3A_1643, %mul3A_1644 : vector<16xf32>
          %add3A_1646 = arith.constant 12 : i32
          %add3A_1647 = arith.addi %mul3A_66, %add3A_1646 : i32
          %swap3A_1648 = arith.index_cast %add3A_1647 : i32 to index
          %swap3A_1649 = arith.constant 112 : index
          %swap3A_1650 = tpu.vector_load %arg12[%swap3A_1648, %swap3A_1649] {strides = array<i32>} : memref<128x128xf32, #tpu.memory_space<vmem>>, vector<1x16xf32>,
          %swap3A_1651 = vector.shape_cast %swap3A_1650 : vector<1x16xf32> to vector<16xf32>
          %swap3A_1652 = vector.shape_cast %mul3A_1645 : vector<16xf32> to vector<1x16xf32>
          tpu.vector_store %arg12[%swap3A_1648, %swap3A_1649], %swap3A_1652 {strides = array<i32>} : memref<128x128xf32, #tpu.memory_space<vmem>>, vector<1x16xf32>,
          %slice3A_1653 = vector.extract_strided_slice %get3A_69 {offsets = [13], sizes = [1], strides = [1]} : vector<16xf32> to vector<1xf32>
          %squeeze3A_1654 = vector.extract %slice3A_1653[0] : f32 from vector<1xf32>
          %add3A_1655 = arith.constant 13 : i32
          %add3A_1656 = arith.addi %mul3A_66, %add3A_1655 : i32
          %get3A_1657 = arith.index_cast %add3A_1656 : i32 to index
          %get3A_1658 = arith.constant 0 : index
          %get3A_1659 = tpu.vector_load %arg12[%get3A_1657, %get3A_1658] {strides = array<i32>} : memref<128x128xf32, #tpu.memory_space<vmem>>, vector<1x16xf32>,
          %get3A_1660 = vector.shape_cast %get3A_1659 : vector<1x16xf32> to vector<16xf32>
          %mul3A_1661 = vector.broadcast %squeeze3A_1654 : f32 to vector<16xf32>
          %mul3A_1662 = arith.mulf %get3A_1660, %mul3A_1661 : vector<16xf32>
          %add3A_1663 = arith.constant 13 : i32
          %add3A_1664 = arith.addi %mul3A_66, %add3A_1663 : i32
          %swap3A_1665 = arith.index_cast %add3A_1664 : i32 to index
          %swap3A_1666 = arith.constant 0 : index
          %swap3A_1667 = tpu.vector_load %arg12[%swap3A_1665, %swap3A_1666] {strides = array<i32>} : memref<128x128xf32, #tpu.memory_space<vmem>>, vector<1x16xf32>,
          %swap3A_1668 = vector.shape_cast %swap3A_1667 : vector<1x16xf32> to vector<16xf32>
          %swap3A_1669 = vector.shape_cast %mul3A_1662 : vector<16xf32> to vector<1x16xf32>
          tpu.vector_store %arg12[%swap3A_1665, %swap3A_1666], %swap3A_1669 {strides = array<i32>} : memref<128x128xf32, #tpu.memory_space<vmem>>, vector<1x16xf32>,
          %add3A_1670 = arith.constant 13 : i32
          %add3A_1671 = arith.addi %mul3A_66, %add3A_1670 : i32
          %get3A_1672 = arith.index_cast %add3A_1671 : i32 to index
          %get3A_1673 = arith.constant 16 : index
          %get3A_1674 = tpu.vector_load %arg12[%get3A_1672, %get3A_1673] {strides = array<i32>} : memref<128x128xf32, #tpu.memory_space<vmem>>, vector<1x16xf32>,
          %get3A_1675 = vector.shape_cast %get3A_1674 : vector<1x16xf32> to vector<16xf32>
          %mul3A_1676 = vector.broadcast %squeeze3A_1654 : f32 to vector<16xf32>
          %mul3A_1677 = arith.mulf %get3A_1675, %mul3A_1676 : vector<16xf32>
          %add3A_1678 = arith.constant 13 : i32
          %add3A_1679 = arith.addi %mul3A_66, %add3A_1678 : i32
          %swap3A_1680 = arith.index_cast %add3A_1679 : i32 to index
          %swap3A_1681 = arith.constant 16 : index
          %swap3A_1682 = tpu.vector_load %arg12[%swap3A_1680, %swap3A_1681] {strides = array<i32>} : memref<128x128xf32, #tpu.memory_space<vmem>>, vector<1x16xf32>,
          %swap3A_1683 = vector.shape_cast %swap3A_1682 : vector<1x16xf32> to vector<16xf32>
          %swap3A_1684 = vector.shape_cast %mul3A_1677 : vector<16xf32> to vector<1x16xf32>
          tpu.vector_store %arg12[%swap3A_1680, %swap3A_1681], %swap3A_1684 {strides = array<i32>} : memref<128x128xf32, #tpu.memory_space<vmem>>, vector<1x16xf32>,
          %add3A_1685 = arith.constant 13 : i32
          %add3A_1686 = arith.addi %mul3A_66, %add3A_1685 : i32
          %get3A_1687 = arith.index_cast %add3A_1686 : i32 to index
          %get3A_1688 = arith.constant 32 : index
          %get3A_1689 = tpu.vector_load %arg12[%get3A_1687, %get3A_1688] {strides = array<i32>} : memref<128x128xf32, #tpu.memory_space<vmem>>, vector<1x16xf32>,
          %get3A_1690 = vector.shape_cast %get3A_1689 : vector<1x16xf32> to vector<16xf32>
          %mul3A_1691 = vector.broadcast %squeeze3A_1654 : f32 to vector<16xf32>
          %mul3A_1692 = arith.mulf %get3A_1690, %mul3A_1691 : vector<16xf32>
          %add3A_1693 = arith.constant 13 : i32
          %add3A_1694 = arith.addi %mul3A_66, %add3A_1693 : i32
          %swap3A_1695 = arith.index_cast %add3A_1694 : i32 to index
          %swap3A_1696 = arith.constant 32 : index
          %swap3A_1697 = tpu.vector_load %arg12[%swap3A_1695, %swap3A_1696] {strides = array<i32>} : memref<128x128xf32, #tpu.memory_space<vmem>>, vector<1x16xf32>,
          %swap3A_1698 = vector.shape_cast %swap3A_1697 : vector<1x16xf32> to vector<16xf32>
          %swap3A_1699 = vector.shape_cast %mul3A_1692 : vector<16xf32> to vector<1x16xf32>
          tpu.vector_store %arg12[%swap3A_1695, %swap3A_1696], %swap3A_1699 {strides = array<i32>} : memref<128x128xf32, #tpu.memory_space<vmem>>, vector<1x16xf32>,
          %add3A_1700 = arith.constant 13 : i32
          %add3A_1701 = arith.addi %mul3A_66, %add3A_1700 : i32
          %get3A_1702 = arith.index_cast %add3A_1701 : i32 to index
          %get3A_1703 = arith.constant 48 : index
          %get3A_1704 = tpu.vector_load %arg12[%get3A_1702, %get3A_1703] {strides = array<i32>} : memref<128x128xf32, #tpu.memory_space<vmem>>, vector<1x16xf32>,
          %get3A_1705 = vector.shape_cast %get3A_1704 : vector<1x16xf32> to vector<16xf32>
          %mul3A_1706 = vector.broadcast %squeeze3A_1654 : f32 to vector<16xf32>
          %mul3A_1707 = arith.mulf %get3A_1705, %mul3A_1706 : vector<16xf32>
          %add3A_1708 = arith.constant 13 : i32
          %add3A_1709 = arith.addi %mul3A_66, %add3A_1708 : i32
          %swap3A_1710 = arith.index_cast %add3A_1709 : i32 to index
          %swap3A_1711 = arith.constant 48 : index
          %swap3A_1712 = tpu.vector_load %arg12[%swap3A_1710, %swap3A_1711] {strides = array<i32>} : memref<128x128xf32, #tpu.memory_space<vmem>>, vector<1x16xf32>,
          %swap3A_1713 = vector.shape_cast %swap3A_1712 : vector<1x16xf32> to vector<16xf32>
          %swap3A_1714 = vector.shape_cast %mul3A_1707 : vector<16xf32> to vector<1x16xf32>
          tpu.vector_store %arg12[%swap3A_1710, %swap3A_1711], %swap3A_1714 {strides = array<i32>} : memref<128x128xf32, #tpu.memory_space<vmem>>, vector<1x16xf32>,
          %add3A_1715 = arith.constant 13 : i32
          %add3A_1716 = arith.addi %mul3A_66, %add3A_1715 : i32
          %get3A_1717 = arith.index_cast %add3A_1716 : i32 to index
          %get3A_1718 = arith.constant 64 : index
          %get3A_1719 = tpu.vector_load %arg12[%get3A_1717, %get3A_1718] {strides = array<i32>} : memref<128x128xf32, #tpu.memory_space<vmem>>, vector<1x16xf32>,
          %get3A_1720 = vector.shape_cast %get3A_1719 : vector<1x16xf32> to vector<16xf32>
          %mul3A_1721 = vector.broadcast %squeeze3A_1654 : f32 to vector<16xf32>
          %mul3A_1722 = arith.mulf %get3A_1720, %mul3A_1721 : vector<16xf32>
          %add3A_1723 = arith.constant 13 : i32
          %add3A_1724 = arith.addi %mul3A_66, %add3A_1723 : i32
          %swap3A_1725 = arith.index_cast %add3A_1724 : i32 to index
          %swap3A_1726 = arith.constant 64 : index
          %swap3A_1727 = tpu.vector_load %arg12[%swap3A_1725, %swap3A_1726] {strides = array<i32>} : memref<128x128xf32, #tpu.memory_space<vmem>>, vector<1x16xf32>,
          %swap3A_1728 = vector.shape_cast %swap3A_1727 : vector<1x16xf32> to vector<16xf32>
          %swap3A_1729 = vector.shape_cast %mul3A_1722 : vector<16xf32> to vector<1x16xf32>
          tpu.vector_store %arg12[%swap3A_1725, %swap3A_1726], %swap3A_1729 {strides = array<i32>} : memref<128x128xf32, #tpu.memory_space<vmem>>, vector<1x16xf32>,
          %add3A_1730 = arith.constant 13 : i32
          %add3A_1731 = arith.addi %mul3A_66, %add3A_1730 : i32
          %get3A_1732 = arith.index_cast %add3A_1731 : i32 to index
          %get3A_1733 = arith.constant 80 : index
          %get3A_1734 = tpu.vector_load %arg12[%get3A_1732, %get3A_1733] {strides = array<i32>} : memref<128x128xf32, #tpu.memory_space<vmem>>, vector<1x16xf32>,
          %get3A_1735 = vector.shape_cast %get3A_1734 : vector<1x16xf32> to vector<16xf32>
          %mul3A_1736 = vector.broadcast %squeeze3A_1654 : f32 to vector<16xf32>
          %mul3A_1737 = arith.mulf %get3A_1735, %mul3A_1736 : vector<16xf32>
          %add3A_1738 = arith.constant 13 : i32
          %add3A_1739 = arith.addi %mul3A_66, %add3A_1738 : i32
          %swap3A_1740 = arith.index_cast %add3A_1739 : i32 to index
          %swap3A_1741 = arith.constant 80 : index
          %swap3A_1742 = tpu.vector_load %arg12[%swap3A_1740, %swap3A_1741] {strides = array<i32>} : memref<128x128xf32, #tpu.memory_space<vmem>>, vector<1x16xf32>,
          %swap3A_1743 = vector.shape_cast %swap3A_1742 : vector<1x16xf32> to vector<16xf32>
          %swap3A_1744 = vector.shape_cast %mul3A_1737 : vector<16xf32> to vector<1x16xf32>
          tpu.vector_store %arg12[%swap3A_1740, %swap3A_1741], %swap3A_1744 {strides = array<i32>} : memref<128x128xf32, #tpu.memory_space<vmem>>, vector<1x16xf32>,
          %add3A_1745 = arith.constant 13 : i32
          %add3A_1746 = arith.addi %mul3A_66, %add3A_1745 : i32
          %get3A_1747 = arith.index_cast %add3A_1746 : i32 to index
          %get3A_1748 = arith.constant 96 : index
          %get3A_1749 = tpu.vector_load %arg12[%get3A_1747, %get3A_1748] {strides = array<i32>} : memref<128x128xf32, #tpu.memory_space<vmem>>, vector<1x16xf32>,
          %get3A_1750 = vector.shape_cast %get3A_1749 : vector<1x16xf32> to vector<16xf32>
          %mul3A_1751 = vector.broadcast %squeeze3A_1654 : f32 to vector<16xf32>
          %mul3A_1752 = arith.mulf %get3A_1750, %mul3A_1751 : vector<16xf32>
          %add3A_1753 = arith.constant 13 : i32
          %add3A_1754 = arith.addi %mul3A_66, %add3A_1753 : i32
          %swap3A_1755 = arith.index_cast %add3A_1754 : i32 to index
          %swap3A_1756 = arith.constant 96 : index
          %swap3A_1757 = tpu.vector_load %arg12[%swap3A_1755, %swap3A_1756] {strides = array<i32>} : memref<128x128xf32, #tpu.memory_space<vmem>>, vector<1x16xf32>,
          %swap3A_1758 = vector.shape_cast %swap3A_1757 : vector<1x16xf32> to vector<16xf32>
          %swap3A_1759 = vector.shape_cast %mul3A_1752 : vector<16xf32> to vector<1x16xf32>
          tpu.vector_store %arg12[%swap3A_1755, %swap3A_1756], %swap3A_1759 {strides = array<i32>} : memref<128x128xf32, #tpu.memory_space<vmem>>, vector<1x16xf32>,
          %add3A_1760 = arith.constant 13 : i32
          %add3A_1761 = arith.addi %mul3A_66, %add3A_1760 : i32
          %get3A_1762 = arith.index_cast %add3A_1761 : i32 to index
          %get3A_1763 = arith.constant 112 : index
          %get3A_1764 = tpu.vector_load %arg12[%get3A_1762, %get3A_1763] {strides = array<i32>} : memref<128x128xf32, #tpu.memory_space<vmem>>, vector<1x16xf32>,
          %get3A_1765 = vector.shape_cast %get3A_1764 : vector<1x16xf32> to vector<16xf32>
          %mul3A_1766 = vector.broadcast %squeeze3A_1654 : f32 to vector<16xf32>
          %mul3A_1767 = arith.mulf %get3A_1765, %mul3A_1766 : vector<16xf32>
          %add3A_1768 = arith.constant 13 : i32
          %add3A_1769 = arith.addi %mul3A_66, %add3A_1768 : i32
          %swap3A_1770 = arith.index_cast %add3A_1769 : i32 to index
          %swap3A_1771 = arith.constant 112 : index
          %swap3A_1772 = tpu.vector_load %arg12[%swap3A_1770, %swap3A_1771] {strides = array<i32>} : memref<128x128xf32, #tpu.memory_space<vmem>>, vector<1x16xf32>,
          %swap3A_1773 = vector.shape_cast %swap3A_1772 : vector<1x16xf32> to vector<16xf32>
          %swap3A_1774 = vector.shape_cast %mul3A_1767 : vector<16xf32> to vector<1x16xf32>
          tpu.vector_store %arg12[%swap3A_1770, %swap3A_1771], %swap3A_1774 {strides = array<i32>} : memref<128x128xf32, #tpu.memory_space<vmem>>, vector<1x16xf32>,
          %slice3A_1775 = vector.extract_strided_slice %get3A_69 {offsets = [14], sizes = [1], strides = [1]} : vector<16xf32> to vector<1xf32>
          %squeeze3A_1776 = vector.extract %slice3A_1775[0] : f32 from vector<1xf32>
          %add3A_1777 = arith.constant 14 : i32
          %add3A_1778 = arith.addi %mul3A_66, %add3A_1777 : i32
          %get3A_1779 = arith.index_cast %add3A_1778 : i32 to index
          %get3A_1780 = arith.constant 0 : index
          %get3A_1781 = tpu.vector_load %arg12[%get3A_1779, %get3A_1780] {strides = array<i32>} : memref<128x128xf32, #tpu.memory_space<vmem>>, vector<1x16xf32>,
          %get3A_1782 = vector.shape_cast %get3A_1781 : vector<1x16xf32> to vector<16xf32>
          %mul3A_1783 = vector.broadcast %squeeze3A_1776 : f32 to vector<16xf32>
          %mul3A_1784 = arith.mulf %get3A_1782, %mul3A_1783 : vector<16xf32>
          %add3A_1785 = arith.constant 14 : i32
          %add3A_1786 = arith.addi %mul3A_66, %add3A_1785 : i32
          %swap3A_1787 = arith.index_cast %add3A_1786 : i32 to index
          %swap3A_1788 = arith.constant 0 : index
          %swap3A_1789 = tpu.vector_load %arg12[%swap3A_1787, %swap3A_1788] {strides = array<i32>} : memref<128x128xf32, #tpu.memory_space<vmem>>, vector<1x16xf32>,
          %swap3A_1790 = vector.shape_cast %swap3A_1789 : vector<1x16xf32> to vector<16xf32>
          %swap3A_1791 = vector.shape_cast %mul3A_1784 : vector<16xf32> to vector<1x16xf32>
          tpu.vector_store %arg12[%swap3A_1787, %swap3A_1788], %swap3A_1791 {strides = array<i32>} : memref<128x128xf32, #tpu.memory_space<vmem>>, vector<1x16xf32>,
          %add3A_1792 = arith.constant 14 : i32
          %add3A_1793 = arith.addi %mul3A_66, %add3A_1792 : i32
          %get3A_1794 = arith.index_cast %add3A_1793 : i32 to index
          %get3A_1795 = arith.constant 16 : index
          %get3A_1796 = tpu.vector_load %arg12[%get3A_1794, %get3A_1795] {strides = array<i32>} : memref<128x128xf32, #tpu.memory_space<vmem>>, vector<1x16xf32>,
          %get3A_1797 = vector.shape_cast %get3A_1796 : vector<1x16xf32> to vector<16xf32>
          %mul3A_1798 = vector.broadcast %squeeze3A_1776 : f32 to vector<16xf32>
          %mul3A_1799 = arith.mulf %get3A_1797, %mul3A_1798 : vector<16xf32>
          %add3A_1800 = arith.constant 14 : i32
          %add3A_1801 = arith.addi %mul3A_66, %add3A_1800 : i32
          %swap3A_1802 = arith.index_cast %add3A_1801 : i32 to index
          %swap3A_1803 = arith.constant 16 : index
          %swap3A_1804 = tpu.vector_load %arg12[%swap3A_1802, %swap3A_1803] {strides = array<i32>} : memref<128x128xf32, #tpu.memory_space<vmem>>, vector<1x16xf32>,
          %swap3A_1805 = vector.shape_cast %swap3A_1804 : vector<1x16xf32> to vector<16xf32>
          %swap3A_1806 = vector.shape_cast %mul3A_1799 : vector<16xf32> to vector<1x16xf32>
          tpu.vector_store %arg12[%swap3A_1802, %swap3A_1803], %swap3A_1806 {strides = array<i32>} : memref<128x128xf32, #tpu.memory_space<vmem>>, vector<1x16xf32>,
          %add3A_1807 = arith.constant 14 : i32
          %add3A_1808 = arith.addi %mul3A_66, %add3A_1807 : i32
          %get3A_1809 = arith.index_cast %add3A_1808 : i32 to index
          %get3A_1810 = arith.constant 32 : index
          %get3A_1811 = tpu.vector_load %arg12[%get3A_1809, %get3A_1810] {strides = array<i32>} : memref<128x128xf32, #tpu.memory_space<vmem>>, vector<1x16xf32>,
          %get3A_1812 = vector.shape_cast %get3A_1811 : vector<1x16xf32> to vector<16xf32>
          %mul3A_1813 = vector.broadcast %squeeze3A_1776 : f32 to vector<16xf32>
          %mul3A_1814 = arith.mulf %get3A_1812, %mul3A_1813 : vector<16xf32>
          %add3A_1815 = arith.constant 14 : i32
          %add3A_1816 = arith.addi %mul3A_66, %add3A_1815 : i32
          %swap3A_1817 = arith.index_cast %add3A_1816 : i32 to index
          %swap3A_1818 = arith.constant 32 : index
          %swap3A_1819 = tpu.vector_load %arg12[%swap3A_1817, %swap3A_1818] {strides = array<i32>} : memref<128x128xf32, #tpu.memory_space<vmem>>, vector<1x16xf32>,
          %swap3A_1820 = vector.shape_cast %swap3A_1819 : vector<1x16xf32> to vector<16xf32>
          %swap3A_1821 = vector.shape_cast %mul3A_1814 : vector<16xf32> to vector<1x16xf32>
          tpu.vector_store %arg12[%swap3A_1817, %swap3A_1818], %swap3A_1821 {strides = array<i32>} : memref<128x128xf32, #tpu.memory_space<vmem>>, vector<1x16xf32>,
          %add3A_1822 = arith.constant 14 : i32
          %add3A_1823 = arith.addi %mul3A_66, %add3A_1822 : i32
          %get3A_1824 = arith.index_cast %add3A_1823 : i32 to index
          %get3A_1825 = arith.constant 48 : index
          %get3A_1826 = tpu.vector_load %arg12[%get3A_1824, %get3A_1825] {strides = array<i32>} : memref<128x128xf32, #tpu.memory_space<vmem>>, vector<1x16xf32>,
          %get3A_1827 = vector.shape_cast %get3A_1826 : vector<1x16xf32> to vector<16xf32>
          %mul3A_1828 = vector.broadcast %squeeze3A_1776 : f32 to vector<16xf32>
          %mul3A_1829 = arith.mulf %get3A_1827, %mul3A_1828 : vector<16xf32>
          %add3A_1830 = arith.constant 14 : i32
          %add3A_1831 = arith.addi %mul3A_66, %add3A_1830 : i32
          %swap3A_1832 = arith.index_cast %add3A_1831 : i32 to index
          %swap3A_1833 = arith.constant 48 : index
          %swap3A_1834 = tpu.vector_load %arg12[%swap3A_1832, %swap3A_1833] {strides = array<i32>} : memref<128x128xf32, #tpu.memory_space<vmem>>, vector<1x16xf32>,
          %swap3A_1835 = vector.shape_cast %swap3A_1834 : vector<1x16xf32> to vector<16xf32>
          %swap3A_1836 = vector.shape_cast %mul3A_1829 : vector<16xf32> to vector<1x16xf32>
          tpu.vector_store %arg12[%swap3A_1832, %swap3A_1833], %swap3A_1836 {strides = array<i32>} : memref<128x128xf32, #tpu.memory_space<vmem>>, vector<1x16xf32>,
          %add3A_1837 = arith.constant 14 : i32
          %add3A_1838 = arith.addi %mul3A_66, %add3A_1837 : i32
          %get3A_1839 = arith.index_cast %add3A_1838 : i32 to index
          %get3A_1840 = arith.constant 64 : index
          %get3A_1841 = tpu.vector_load %arg12[%get3A_1839, %get3A_1840] {strides = array<i32>} : memref<128x128xf32, #tpu.memory_space<vmem>>, vector<1x16xf32>,
          %get3A_1842 = vector.shape_cast %get3A_1841 : vector<1x16xf32> to vector<16xf32>
          %mul3A_1843 = vector.broadcast %squeeze3A_1776 : f32 to vector<16xf32>
          %mul3A_1844 = arith.mulf %get3A_1842, %mul3A_1843 : vector<16xf32>
          %add3A_1845 = arith.constant 14 : i32
          %add3A_1846 = arith.addi %mul3A_66, %add3A_1845 : i32
          %swap3A_1847 = arith.index_cast %add3A_1846 : i32 to index
          %swap3A_1848 = arith.constant 64 : index
          %swap3A_1849 = tpu.vector_load %arg12[%swap3A_1847, %swap3A_1848] {strides = array<i32>} : memref<128x128xf32, #tpu.memory_space<vmem>>, vector<1x16xf32>,
          %swap3A_1850 = vector.shape_cast %swap3A_1849 : vector<1x16xf32> to vector<16xf32>
          %swap3A_1851 = vector.shape_cast %mul3A_1844 : vector<16xf32> to vector<1x16xf32>
          tpu.vector_store %arg12[%swap3A_1847, %swap3A_1848], %swap3A_1851 {strides = array<i32>} : memref<128x128xf32, #tpu.memory_space<vmem>>, vector<1x16xf32>,
          %add3A_1852 = arith.constant 14 : i32
          %add3A_1853 = arith.addi %mul3A_66, %add3A_1852 : i32
          %get3A_1854 = arith.index_cast %add3A_1853 : i32 to index
          %get3A_1855 = arith.constant 80 : index
          %get3A_1856 = tpu.vector_load %arg12[%get3A_1854, %get3A_1855] {strides = array<i32>} : memref<128x128xf32, #tpu.memory_space<vmem>>, vector<1x16xf32>,
          %get3A_1857 = vector.shape_cast %get3A_1856 : vector<1x16xf32> to vector<16xf32>
          %mul3A_1858 = vector.broadcast %squeeze3A_1776 : f32 to vector<16xf32>
          %mul3A_1859 = arith.mulf %get3A_1857, %mul3A_1858 : vector<16xf32>
          %add3A_1860 = arith.constant 14 : i32
          %add3A_1861 = arith.addi %mul3A_66, %add3A_1860 : i32
          %swap3A_1862 = arith.index_cast %add3A_1861 : i32 to index
          %swap3A_1863 = arith.constant 80 : index
          %swap3A_1864 = tpu.vector_load %arg12[%swap3A_1862, %swap3A_1863] {strides = array<i32>} : memref<128x128xf32, #tpu.memory_space<vmem>>, vector<1x16xf32>,
          %swap3A_1865 = vector.shape_cast %swap3A_1864 : vector<1x16xf32> to vector<16xf32>
          %swap3A_1866 = vector.shape_cast %mul3A_1859 : vector<16xf32> to vector<1x16xf32>
          tpu.vector_store %arg12[%swap3A_1862, %swap3A_1863], %swap3A_1866 {strides = array<i32>} : memref<128x128xf32, #tpu.memory_space<vmem>>, vector<1x16xf32>,
          %add3A_1867 = arith.constant 14 : i32
          %add3A_1868 = arith.addi %mul3A_66, %add3A_1867 : i32
          %get3A_1869 = arith.index_cast %add3A_1868 : i32 to index
          %get3A_1870 = arith.constant 96 : index
          %get3A_1871 = tpu.vector_load %arg12[%get3A_1869, %get3A_1870] {strides = array<i32>} : memref<128x128xf32, #tpu.memory_space<vmem>>, vector<1x16xf32>,
          %get3A_1872 = vector.shape_cast %get3A_1871 : vector<1x16xf32> to vector<16xf32>
          %mul3A_1873 = vector.broadcast %squeeze3A_1776 : f32 to vector<16xf32>
          %mul3A_1874 = arith.mulf %get3A_1872, %mul3A_1873 : vector<16xf32>
          %add3A_1875 = arith.constant 14 : i32
          %add3A_1876 = arith.addi %mul3A_66, %add3A_1875 : i32
          %swap3A_1877 = arith.index_cast %add3A_1876 : i32 to index
          %swap3A_1878 = arith.constant 96 : index
          %swap3A_1879 = tpu.vector_load %arg12[%swap3A_1877, %swap3A_1878] {strides = array<i32>} : memref<128x128xf32, #tpu.memory_space<vmem>>, vector<1x16xf32>,
          %swap3A_1880 = vector.shape_cast %swap3A_1879 : vector<1x16xf32> to vector<16xf32>
          %swap3A_1881 = vector.shape_cast %mul3A_1874 : vector<16xf32> to vector<1x16xf32>
          tpu.vector_store %arg12[%swap3A_1877, %swap3A_1878], %swap3A_1881 {strides = array<i32>} : memref<128x128xf32, #tpu.memory_space<vmem>>, vector<1x16xf32>,
          %add3A_1882 = arith.constant 14 : i32
          %add3A_1883 = arith.addi %mul3A_66, %add3A_1882 : i32
          %get3A_1884 = arith.index_cast %add3A_1883 : i32 to index
          %get3A_1885 = arith.constant 112 : index
          %get3A_1886 = tpu.vector_load %arg12[%get3A_1884, %get3A_1885] {strides = array<i32>} : memref<128x128xf32, #tpu.memory_space<vmem>>, vector<1x16xf32>,
          %get3A_1887 = vector.shape_cast %get3A_1886 : vector<1x16xf32> to vector<16xf32>
          %mul3A_1888 = vector.broadcast %squeeze3A_1776 : f32 to vector<16xf32>
          %mul3A_1889 = arith.mulf %get3A_1887, %mul3A_1888 : vector<16xf32>
          %add3A_1890 = arith.constant 14 : i32
          %add3A_1891 = arith.addi %mul3A_66, %add3A_1890 : i32
          %swap3A_1892 = arith.index_cast %add3A_1891 : i32 to index
          %swap3A_1893 = arith.constant 112 : index
          %swap3A_1894 = tpu.vector_load %arg12[%swap3A_1892, %swap3A_1893] {strides = array<i32>} : memref<128x128xf32, #tpu.memory_space<vmem>>, vector<1x16xf32>,
          %swap3A_1895 = vector.shape_cast %swap3A_1894 : vector<1x16xf32> to vector<16xf32>
          %swap3A_1896 = vector.shape_cast %mul3A_1889 : vector<16xf32> to vector<1x16xf32>
          tpu.vector_store %arg12[%swap3A_1892, %swap3A_1893], %swap3A_1896 {strides = array<i32>} : memref<128x128xf32, #tpu.memory_space<vmem>>, vector<1x16xf32>,
          %slice3A_1897 = vector.extract_strided_slice %get3A_69 {offsets = [15], sizes = [1], strides = [1]} : vector<16xf32> to vector<1xf32>
          %squeeze3A_1898 = vector.extract %slice3A_1897[0] : f32 from vector<1xf32>
          %add3A_1899 = arith.constant 15 : i32
          %add3A_1900 = arith.addi %mul3A_66, %add3A_1899 : i32
          %get3A_1901 = arith.index_cast %add3A_1900 : i32 to index
          %get3A_1902 = arith.constant 0 : index
          %get3A_1903 = tpu.vector_load %arg12[%get3A_1901, %get3A_1902] {strides = array<i32>} : memref<128x128xf32, #tpu.memory_space<vmem>>, vector<1x16xf32>,
          %get3A_1904 = vector.shape_cast %get3A_1903 : vector<1x16xf32> to vector<16xf32>
          %mul3A_1905 = vector.broadcast %squeeze3A_1898 : f32 to vector<16xf32>
          %mul3A_1906 = arith.mulf %get3A_1904, %mul3A_1905 : vector<16xf32>
          %add3A_1907 = arith.constant 15 : i32
          %add3A_1908 = arith.addi %mul3A_66, %add3A_1907 : i32
          %swap3A_1909 = arith.index_cast %add3A_1908 : i32 to index
          %swap3A_1910 = arith.constant 0 : index
          %swap3A_1911 = tpu.vector_load %arg12[%swap3A_1909, %swap3A_1910] {strides = array<i32>} : memref<128x128xf32, #tpu.memory_space<vmem>>, vector<1x16xf32>,
          %swap3A_1912 = vector.shape_cast %swap3A_1911 : vector<1x16xf32> to vector<16xf32>
          %swap3A_1913 = vector.shape_cast %mul3A_1906 : vector<16xf32> to vector<1x16xf32>
          tpu.vector_store %arg12[%swap3A_1909, %swap3A_1910], %swap3A_1913 {strides = array<i32>} : memref<128x128xf32, #tpu.memory_space<vmem>>, vector<1x16xf32>,
          %add3A_1914 = arith.constant 15 : i32
          %add3A_1915 = arith.addi %mul3A_66, %add3A_1914 : i32
          %get3A_1916 = arith.index_cast %add3A_1915 : i32 to index
          %get3A_1917 = arith.constant 16 : index
          %get3A_1918 = tpu.vector_load %arg12[%get3A_1916, %get3A_1917] {strides = array<i32>} : memref<128x128xf32, #tpu.memory_space<vmem>>, vector<1x16xf32>,
          %get3A_1919 = vector.shape_cast %get3A_1918 : vector<1x16xf32> to vector<16xf32>
          %mul3A_1920 = vector.broadcast %squeeze3A_1898 : f32 to vector<16xf32>
          %mul3A_1921 = arith.mulf %get3A_1919, %mul3A_1920 : vector<16xf32>
          %add3A_1922 = arith.constant 15 : i32
          %add3A_1923 = arith.addi %mul3A_66, %add3A_1922 : i32
          %swap3A_1924 = arith.index_cast %add3A_1923 : i32 to index
          %swap3A_1925 = arith.constant 16 : index
          %swap3A_1926 = tpu.vector_load %arg12[%swap3A_1924, %swap3A_1925] {strides = array<i32>} : memref<128x128xf32, #tpu.memory_space<vmem>>, vector<1x16xf32>,
          %swap3A_1927 = vector.shape_cast %swap3A_1926 : vector<1x16xf32> to vector<16xf32>
          %swap3A_1928 = vector.shape_cast %mul3A_1921 : vector<16xf32> to vector<1x16xf32>
          tpu.vector_store %arg12[%swap3A_1924, %swap3A_1925], %swap3A_1928 {strides = array<i32>} : memref<128x128xf32, #tpu.memory_space<vmem>>, vector<1x16xf32>,
          %add3A_1929 = arith.constant 15 : i32
          %add3A_1930 = arith.addi %mul3A_66, %add3A_1929 : i32
          %get3A_1931 = arith.index_cast %add3A_1930 : i32 to index
          %get3A_1932 = arith.constant 32 : index
          %get3A_1933 = tpu.vector_load %arg12[%get3A_1931, %get3A_1932] {strides = array<i32>} : memref<128x128xf32, #tpu.memory_space<vmem>>, vector<1x16xf32>,
          %get3A_1934 = vector.shape_cast %get3A_1933 : vector<1x16xf32> to vector<16xf32>
          %mul3A_1935 = vector.broadcast %squeeze3A_1898 : f32 to vector<16xf32>
          %mul3A_1936 = arith.mulf %get3A_1934, %mul3A_1935 : vector<16xf32>
          %add3A_1937 = arith.constant 15 : i32
          %add3A_1938 = arith.addi %mul3A_66, %add3A_1937 : i32
          %swap3A_1939 = arith.index_cast %add3A_1938 : i32 to index
          %swap3A_1940 = arith.constant 32 : index
          %swap3A_1941 = tpu.vector_load %arg12[%swap3A_1939, %swap3A_1940] {strides = array<i32>} : memref<128x128xf32, #tpu.memory_space<vmem>>, vector<1x16xf32>,
          %swap3A_1942 = vector.shape_cast %swap3A_1941 : vector<1x16xf32> to vector<16xf32>
          %swap3A_1943 = vector.shape_cast %mul3A_1936 : vector<16xf32> to vector<1x16xf32>
          tpu.vector_store %arg12[%swap3A_1939, %swap3A_1940], %swap3A_1943 {strides = array<i32>} : memref<128x128xf32, #tpu.memory_space<vmem>>, vector<1x16xf32>,
          %add3A_1944 = arith.constant 15 : i32
          %add3A_1945 = arith.addi %mul3A_66, %add3A_1944 : i32
          %get3A_1946 = arith.index_cast %add3A_1945 : i32 to index
          %get3A_1947 = arith.constant 48 : index
          %get3A_1948 = tpu.vector_load %arg12[%get3A_1946, %get3A_1947] {strides = array<i32>} : memref<128x128xf32, #tpu.memory_space<vmem>>, vector<1x16xf32>,
          %get3A_1949 = vector.shape_cast %get3A_1948 : vector<1x16xf32> to vector<16xf32>
          %mul3A_1950 = vector.broadcast %squeeze3A_1898 : f32 to vector<16xf32>
          %mul3A_1951 = arith.mulf %get3A_1949, %mul3A_1950 : vector<16xf32>
          %add3A_1952 = arith.constant 15 : i32
          %add3A_1953 = arith.addi %mul3A_66, %add3A_1952 : i32
          %swap3A_1954 = arith.index_cast %add3A_1953 : i32 to index
          %swap3A_1955 = arith.constant 48 : index
          %swap3A_1956 = tpu.vector_load %arg12[%swap3A_1954, %swap3A_1955] {strides = array<i32>} : memref<128x128xf32, #tpu.memory_space<vmem>>, vector<1x16xf32>,
          %swap3A_1957 = vector.shape_cast %swap3A_1956 : vector<1x16xf32> to vector<16xf32>
          %swap3A_1958 = vector.shape_cast %mul3A_1951 : vector<16xf32> to vector<1x16xf32>
          tpu.vector_store %arg12[%swap3A_1954, %swap3A_1955], %swap3A_1958 {strides = array<i32>} : memref<128x128xf32, #tpu.memory_space<vmem>>, vector<1x16xf32>,
          %add3A_1959 = arith.constant 15 : i32
          %add3A_1960 = arith.addi %mul3A_66, %add3A_1959 : i32
          %get3A_1961 = arith.index_cast %add3A_1960 : i32 to index
          %get3A_1962 = arith.constant 64 : index
          %get3A_1963 = tpu.vector_load %arg12[%get3A_1961, %get3A_1962] {strides = array<i32>} : memref<128x128xf32, #tpu.memory_space<vmem>>, vector<1x16xf32>,
          %get3A_1964 = vector.shape_cast %get3A_1963 : vector<1x16xf32> to vector<16xf32>
          %mul3A_1965 = vector.broadcast %squeeze3A_1898 : f32 to vector<16xf32>
          %mul3A_1966 = arith.mulf %get3A_1964, %mul3A_1965 : vector<16xf32>
          %add3A_1967 = arith.constant 15 : i32
          %add3A_1968 = arith.addi %mul3A_66, %add3A_1967 : i32
          %swap3A_1969 = arith.index_cast %add3A_1968 : i32 to index
          %swap3A_1970 = arith.constant 64 : index
          %swap3A_1971 = tpu.vector_load %arg12[%swap3A_1969, %swap3A_1970] {strides = array<i32>} : memref<128x128xf32, #tpu.memory_space<vmem>>, vector<1x16xf32>,
          %swap3A_1972 = vector.shape_cast %swap3A_1971 : vector<1x16xf32> to vector<16xf32>
          %swap3A_1973 = vector.shape_cast %mul3A_1966 : vector<16xf32> to vector<1x16xf32>
          tpu.vector_store %arg12[%swap3A_1969, %swap3A_1970], %swap3A_1973 {strides = array<i32>} : memref<128x128xf32, #tpu.memory_space<vmem>>, vector<1x16xf32>,
          %add3A_1974 = arith.constant 15 : i32
          %add3A_1975 = arith.addi %mul3A_66, %add3A_1974 : i32
          %get3A_1976 = arith.index_cast %add3A_1975 : i32 to index
          %get3A_1977 = arith.constant 80 : index
          %get3A_1978 = tpu.vector_load %arg12[%get3A_1976, %get3A_1977] {strides = array<i32>} : memref<128x128xf32, #tpu.memory_space<vmem>>, vector<1x16xf32>,
          %get3A_1979 = vector.shape_cast %get3A_1978 : vector<1x16xf32> to vector<16xf32>
          %mul3A_1980 = vector.broadcast %squeeze3A_1898 : f32 to vector<16xf32>
          %mul3A_1981 = arith.mulf %get3A_1979, %mul3A_1980 : vector<16xf32>
          %add3A_1982 = arith.constant 15 : i32
          %add3A_1983 = arith.addi %mul3A_66, %add3A_1982 : i32
          %swap3A_1984 = arith.index_cast %add3A_1983 : i32 to index
          %swap3A_1985 = arith.constant 80 : index
          %swap3A_1986 = tpu.vector_load %arg12[%swap3A_1984, %swap3A_1985] {strides = array<i32>} : memref<128x128xf32, #tpu.memory_space<vmem>>, vector<1x16xf32>,
          %swap3A_1987 = vector.shape_cast %swap3A_1986 : vector<1x16xf32> to vector<16xf32>
          %swap3A_1988 = vector.shape_cast %mul3A_1981 : vector<16xf32> to vector<1x16xf32>
          tpu.vector_store %arg12[%swap3A_1984, %swap3A_1985], %swap3A_1988 {strides = array<i32>} : memref<128x128xf32, #tpu.memory_space<vmem>>, vector<1x16xf32>,
          %add3A_1989 = arith.constant 15 : i32
          %add3A_1990 = arith.addi %mul3A_66, %add3A_1989 : i32
          %get3A_1991 = arith.index_cast %add3A_1990 : i32 to index
          %get3A_1992 = arith.constant 96 : index
          %get3A_1993 = tpu.vector_load %arg12[%get3A_1991, %get3A_1992] {strides = array<i32>} : memref<128x128xf32, #tpu.memory_space<vmem>>, vector<1x16xf32>,
          %get3A_1994 = vector.shape_cast %get3A_1993 : vector<1x16xf32> to vector<16xf32>
          %mul3A_1995 = vector.broadcast %squeeze3A_1898 : f32 to vector<16xf32>
          %mul3A_1996 = arith.mulf %get3A_1994, %mul3A_1995 : vector<16xf32>
          %add3A_1997 = arith.constant 15 : i32
          %add3A_1998 = arith.addi %mul3A_66, %add3A_1997 : i32
          %swap3A_1999 = arith.index_cast %add3A_1998 : i32 to index
          %swap3A_2000 = arith.constant 96 : index
          %swap3A_2001 = tpu.vector_load %arg12[%swap3A_1999, %swap3A_2000] {strides = array<i32>} : memref<128x128xf32, #tpu.memory_space<vmem>>, vector<1x16xf32>,
          %swap3A_2002 = vector.shape_cast %swap3A_2001 : vector<1x16xf32> to vector<16xf32>
          %swap3A_2003 = vector.shape_cast %mul3A_1996 : vector<16xf32> to vector<1x16xf32>
          tpu.vector_store %arg12[%swap3A_1999, %swap3A_2000], %swap3A_2003 {strides = array<i32>} : memref<128x128xf32, #tpu.memory_space<vmem>>, vector<1x16xf32>,
          %add3A_2004 = arith.constant 15 : i32
          %add3A_2005 = arith.addi %mul3A_66, %add3A_2004 : i32
          %get3A_2006 = arith.index_cast %add3A_2005 : i32 to index
          %get3A_2007 = arith.constant 112 : index
          %get3A_2008 = tpu.vector_load %arg12[%get3A_2006, %get3A_2007] {strides = array<i32>} : memref<128x128xf32, #tpu.memory_space<vmem>>, vector<1x16xf32>,
          %get3A_2009 = vector.shape_cast %get3A_2008 : vector<1x16xf32> to vector<16xf32>
          %mul3A_2010 = vector.broadcast %squeeze3A_1898 : f32 to vector<16xf32>
          %mul3A_2011 = arith.mulf %get3A_2009, %mul3A_2010 : vector<16xf32>
          %add3A_2012 = arith.constant 15 : i32
          %add3A_2013 = arith.addi %mul3A_66, %add3A_2012 : i32
          %swap3A_2014 = arith.index_cast %add3A_2013 : i32 to index
          %swap3A_2015 = arith.constant 112 : index
          %swap3A_2016 = tpu.vector_load %arg12[%swap3A_2014, %swap3A_2015] {strides = array<i32>} : memref<128x128xf32, #tpu.memory_space<vmem>>, vector<1x16xf32>,
          %swap3A_2017 = vector.shape_cast %swap3A_2016 : vector<1x16xf32> to vector<16xf32>
          %swap3A_2018 = vector.shape_cast %mul3A_2011 : vector<16xf32> to vector<1x16xf32>
          tpu.vector_store %arg12[%swap3A_2014, %swap3A_2015], %swap3A_2018 {strides = array<i32>} : memref<128x128xf32, #tpu.memory_space<vmem>>, vector<1x16xf32>,
        }
        %scan3A_63 = arith.constant 8 : i32
        "tpu.region"() ({
          %run_scoped3A = tpu.sem_alloc : memref<!tpu.dma_semaphore, #tpu.memory_space<semaphore_mem>>
          %dma_start3A_64 = arith.constant 0 : i32
          %dma_start3A_65 = tpu.memref_slice %arg10[%scan3A_47, %dma_start3A_64] : memref<79x128xi32, #tpu.memory_space<vmem>> -> memref<1x128xi32, #tpu.memory_space<vmem>>
          %dma_start3A_66 = tpu.memref_squeeze %dma_start3A_65 : memref<1x128xi32, #tpu.memory_space<vmem>> -> memref<128xi32, #tpu.memory_space<vmem>>
          %dma_start3A_67 = arith.constant 0 : i32
          %dma_start3A_68 = arith.constant 0 : i32
          %dma_start3A_69 = tpu.memref_slice %arg13[%dma_start3A_67, %dma_start3A_68] : memref<10240x128xf32, #tpu.memory_space<vmem_shared>> -> memref<10240x128xf32, #tpu.memory_space<vmem_shared>>
          tpu.enqueue_indirect_dma source(%arg12 : memref<128x128xf32, #tpu.memory_space<vmem>>) target(%dma_start3A_69 : memref<10240x128xf32, #tpu.memory_space<vmem_shared>>) offsets(%dma_start3A_66 : memref<128xi32, #tpu.memory_space<vmem>>) semaphore(%run_scoped3A : memref<!tpu.dma_semaphore, #tpu.memory_space<semaphore_mem>>) {add = true}
          %dma_wait3A_70 = arith.constant 0 : i32
          %dma_wait3A_71 = tpu.memref_slice %arg10[%scan3A_47, %dma_wait3A_70] : memref<79x128xi32, #tpu.memory_space<vmem>> -> memref<1x128xi32, #tpu.memory_space<vmem>>
          %dma_wait3A_72 = tpu.memref_squeeze %dma_wait3A_71 : memref<1x128xi32, #tpu.memory_space<vmem>> -> memref<128xi32, #tpu.memory_space<vmem>>
          %dma_wait3A_73 = arith.constant 0 : i32
          %dma_wait3A_74 = arith.constant 0 : i32
          %dma_wait3A_75 = tpu.memref_slice %arg13[%dma_wait3A_73, %dma_wait3A_74] : memref<10240x128xf32, #tpu.memory_space<vmem_shared>> -> memref<10240x128xf32, #tpu.memory_space<vmem_shared>>
          tpu.wait_indirect_dma semaphore(%run_scoped3A : memref<!tpu.dma_semaphore, #tpu.memory_space<semaphore_mem>>) src(%arg12 : memref<128x128xf32, #tpu.memory_space<vmem>>) dst(%dma_wait3A_75 : memref<10240x128xf32, #tpu.memory_space<vmem_shared>>)
          tpu.yield
        }) : () -> ()
      }
      %scan3A_46 = arith.constant 79 : i32
    } else {
    }
    %eq3A_25 = arith.constant 1 : i32
    %eq3A_26 = arith.cmpi eq, %arg0, %eq3A_25 : i32
    %convert_element_type3A_27 = arith.extui %eq3A_26 : i1 to i32
    %cond3A_28 = arith.constant 0 : i32
    %cond3A_29 = arith.cmpi ne, %convert_element_type3A_27, %cond3A_28 : i32
    scf.if %cond3A_29 {
      %scan3A_41 = arith.constant 0 : i32
      %scan3A_42 = arith.constant 0 : i32
      %scan3A_43 = arith.constant 79 : i32
      %scan3A_44 = arith.addi %scan3A_42, %scan3A_43 : i32
      %scan3A_45 = arith.constant 1 : i32
      scf.for %scan3A_47 = %scan3A_42 to %scan3A_44 step %scan3A_45  : i32 {
        %dma_start3A = arith.constant 0 : i32
        %dma_start3A_48 = tpu.memref_slice %arg9[%scan3A_47, %dma_start3A] : memref<79x128xi32, #tpu.memory_space<vmem>> -> memref<1x128xi32, #tpu.memory_space<vmem>>
        %dma_start3A_49 = tpu.memref_squeeze %dma_start3A_48 : memref<1x128xi32, #tpu.memory_space<vmem>> -> memref<128xi32, #tpu.memory_space<vmem>>
        %dma_start3A_50 = arith.constant 0 : i32
        %dma_start3A_51 = arith.constant 0 : i32
        %dma_start3A_52 = tpu.memref_slice %arg6[%dma_start3A_50, %dma_start3A_51] : memref<10000x128xf32, #tpu.memory_space<hbm>> -> memref<10000x128xf32, #tpu.memory_space<hbm>>
        tpu.enqueue_indirect_dma source(%dma_start3A_52 : memref<10000x128xf32, #tpu.memory_space<hbm>>) target(%arg12 : memref<128x128xf32, #tpu.memory_space<vmem>>) offsets(%dma_start3A_49 : memref<128xi32, #tpu.memory_space<vmem>>) semaphore(%arg14 : memref<!tpu.dma_semaphore, #tpu.memory_space<semaphore_mem>>)
        %dma_wait3A = arith.constant 0 : i32
        %dma_wait3A_53 = tpu.memref_slice %arg9[%scan3A_47, %dma_wait3A] : memref<79x128xi32, #tpu.memory_space<vmem>> -> memref<1x128xi32, #tpu.memory_space<vmem>>
        %dma_wait3A_54 = tpu.memref_squeeze %dma_wait3A_53 : memref<1x128xi32, #tpu.memory_space<vmem>> -> memref<128xi32, #tpu.memory_space<vmem>>
        %dma_wait3A_55 = arith.constant 0 : i32
        %dma_wait3A_56 = arith.constant 0 : i32
        %dma_wait3A_57 = tpu.memref_slice %arg6[%dma_wait3A_55, %dma_wait3A_56] : memref<10000x128xf32, #tpu.memory_space<hbm>> -> memref<10000x128xf32, #tpu.memory_space<hbm>>
        tpu.wait_indirect_dma semaphore(%arg14 : memref<!tpu.dma_semaphore, #tpu.memory_space<semaphore_mem>>) src(%dma_wait3A_57 : memref<10000x128xf32, #tpu.memory_space<hbm>>) dst(%arg12 : memref<128x128xf32, #tpu.memory_space<vmem>>)
        %scan3A_58 = arith.constant 0 : i32
        %scan3A_59 = arith.constant 0 : i32
        %scan3A_60 = arith.constant 8 : i32
        %scan3A_61 = arith.addi %scan3A_59, %scan3A_60 : i32
        %scan3A_62 = arith.constant 1 : i32
        scf.for %scan3A_64 = %scan3A_59 to %scan3A_61 step %scan3A_62  : i32 {
          %mul3A_65 = arith.constant 16 : i32
          %mul3A_66 = arith.muli %scan3A_64, %mul3A_65 : i32
          %get3A = arith.index_cast %scan3A_47 : i32 to index
          %get3A_67 = arith.index_cast %mul3A_66 : i32 to index
          %get3A_68 = tpu.vector_load %arg11[%get3A, %get3A_67] {strides = array<i32>} : memref<79x128xf32, #tpu.memory_space<vmem>>, vector<1x16xf32>,
          %get3A_69 = vector.shape_cast %get3A_68 : vector<1x16xf32> to vector<16xf32>
          %slice3A = vector.extract_strided_slice %get3A_69 {offsets = [0], sizes = [1], strides = [1]} : vector<16xf32> to vector<1xf32>
          %squeeze3A = vector.extract %slice3A[0] : f32 from vector<1xf32>
          %add3A_70 = arith.constant 0 : i32
          %add3A_71 = arith.addi %mul3A_66, %add3A_70 : i32
          %get3A_72 = arith.index_cast %add3A_71 : i32 to index
          %get3A_73 = arith.constant 0 : index
          %get3A_74 = tpu.vector_load %arg12[%get3A_72, %get3A_73] {strides = array<i32>} : memref<128x128xf32, #tpu.memory_space<vmem>>, vector<1x16xf32>,
          %get3A_75 = vector.shape_cast %get3A_74 : vector<1x16xf32> to vector<16xf32>
          %mul3A_76 = vector.broadcast %squeeze3A : f32 to vector<16xf32>
          %mul3A_77 = arith.mulf %get3A_75, %mul3A_76 : vector<16xf32>
          %add3A_78 = arith.constant 0 : i32
          %add3A_79 = arith.addi %mul3A_66, %add3A_78 : i32
          %swap3A = arith.index_cast %add3A_79 : i32 to index
          %swap3A_80 = arith.constant 0 : index
          %swap3A_81 = tpu.vector_load %arg12[%swap3A, %swap3A_80] {strides = array<i32>} : memref<128x128xf32, #tpu.memory_space<vmem>>, vector<1x16xf32>,
          %swap3A_82 = vector.shape_cast %swap3A_81 : vector<1x16xf32> to vector<16xf32>
          %swap3A_83 = vector.shape_cast %mul3A_77 : vector<16xf32> to vector<1x16xf32>
          tpu.vector_store %arg12[%swap3A, %swap3A_80], %swap3A_83 {strides = array<i32>} : memref<128x128xf32, #tpu.memory_space<vmem>>, vector<1x16xf32>,
          %add3A_84 = arith.constant 0 : i32
          %add3A_85 = arith.addi %mul3A_66, %add3A_84 : i32
          %get3A_86 = arith.index_cast %add3A_85 : i32 to index
          %get3A_87 = arith.constant 16 : index
          %get3A_88 = tpu.vector_load %arg12[%get3A_86, %get3A_87] {strides = array<i32>} : memref<128x128xf32, #tpu.memory_space<vmem>>, vector<1x16xf32>,
          %get3A_89 = vector.shape_cast %get3A_88 : vector<1x16xf32> to vector<16xf32>
          %mul3A_90 = vector.broadcast %squeeze3A : f32 to vector<16xf32>
          %mul3A_91 = arith.mulf %get3A_89, %mul3A_90 : vector<16xf32>
          %add3A_92 = arith.constant 0 : i32
          %add3A_93 = arith.addi %mul3A_66, %add3A_92 : i32
          %swap3A_94 = arith.index_cast %add3A_93 : i32 to index
          %swap3A_95 = arith.constant 16 : index
          %swap3A_96 = tpu.vector_load %arg12[%swap3A_94, %swap3A_95] {strides = array<i32>} : memref<128x128xf32, #tpu.memory_space<vmem>>, vector<1x16xf32>,
          %swap3A_97 = vector.shape_cast %swap3A_96 : vector<1x16xf32> to vector<16xf32>
          %swap3A_98 = vector.shape_cast %mul3A_91 : vector<16xf32> to vector<1x16xf32>
          tpu.vector_store %arg12[%swap3A_94, %swap3A_95], %swap3A_98 {strides = array<i32>} : memref<128x128xf32, #tpu.memory_space<vmem>>, vector<1x16xf32>,
          %add3A_99 = arith.constant 0 : i32
          %add3A_100 = arith.addi %mul3A_66, %add3A_99 : i32
          %get3A_101 = arith.index_cast %add3A_100 : i32 to index
          %get3A_102 = arith.constant 32 : index
          %get3A_103 = tpu.vector_load %arg12[%get3A_101, %get3A_102] {strides = array<i32>} : memref<128x128xf32, #tpu.memory_space<vmem>>, vector<1x16xf32>,
          %get3A_104 = vector.shape_cast %get3A_103 : vector<1x16xf32> to vector<16xf32>
          %mul3A_105 = vector.broadcast %squeeze3A : f32 to vector<16xf32>
          %mul3A_106 = arith.mulf %get3A_104, %mul3A_105 : vector<16xf32>
          %add3A_107 = arith.constant 0 : i32
          %add3A_108 = arith.addi %mul3A_66, %add3A_107 : i32
          %swap3A_109 = arith.index_cast %add3A_108 : i32 to index
          %swap3A_110 = arith.constant 32 : index
          %swap3A_111 = tpu.vector_load %arg12[%swap3A_109, %swap3A_110] {strides = array<i32>} : memref<128x128xf32, #tpu.memory_space<vmem>>, vector<1x16xf32>,
          %swap3A_112 = vector.shape_cast %swap3A_111 : vector<1x16xf32> to vector<16xf32>
          %swap3A_113 = vector.shape_cast %mul3A_106 : vector<16xf32> to vector<1x16xf32>
          tpu.vector_store %arg12[%swap3A_109, %swap3A_110], %swap3A_113 {strides = array<i32>} : memref<128x128xf32, #tpu.memory_space<vmem>>, vector<1x16xf32>,
          %add3A_114 = arith.constant 0 : i32
          %add3A_115 = arith.addi %mul3A_66, %add3A_114 : i32
          %get3A_116 = arith.index_cast %add3A_115 : i32 to index
          %get3A_117 = arith.constant 48 : index
          %get3A_118 = tpu.vector_load %arg12[%get3A_116, %get3A_117] {strides = array<i32>} : memref<128x128xf32, #tpu.memory_space<vmem>>, vector<1x16xf32>,
          %get3A_119 = vector.shape_cast %get3A_118 : vector<1x16xf32> to vector<16xf32>
          %mul3A_120 = vector.broadcast %squeeze3A : f32 to vector<16xf32>
          %mul3A_121 = arith.mulf %get3A_119, %mul3A_120 : vector<16xf32>
          %add3A_122 = arith.constant 0 : i32
          %add3A_123 = arith.addi %mul3A_66, %add3A_122 : i32
          %swap3A_124 = arith.index_cast %add3A_123 : i32 to index
          %swap3A_125 = arith.constant 48 : index
          %swap3A_126 = tpu.vector_load %arg12[%swap3A_124, %swap3A_125] {strides = array<i32>} : memref<128x128xf32, #tpu.memory_space<vmem>>, vector<1x16xf32>,
          %swap3A_127 = vector.shape_cast %swap3A_126 : vector<1x16xf32> to vector<16xf32>
          %swap3A_128 = vector.shape_cast %mul3A_121 : vector<16xf32> to vector<1x16xf32>
          tpu.vector_store %arg12[%swap3A_124, %swap3A_125], %swap3A_128 {strides = array<i32>} : memref<128x128xf32, #tpu.memory_space<vmem>>, vector<1x16xf32>,
          %add3A_129 = arith.constant 0 : i32
          %add3A_130 = arith.addi %mul3A_66, %add3A_129 : i32
          %get3A_131 = arith.index_cast %add3A_130 : i32 to index
          %get3A_132 = arith.constant 64 : index
          %get3A_133 = tpu.vector_load %arg12[%get3A_131, %get3A_132] {strides = array<i32>} : memref<128x128xf32, #tpu.memory_space<vmem>>, vector<1x16xf32>,
          %get3A_134 = vector.shape_cast %get3A_133 : vector<1x16xf32> to vector<16xf32>
          %mul3A_135 = vector.broadcast %squeeze3A : f32 to vector<16xf32>
          %mul3A_136 = arith.mulf %get3A_134, %mul3A_135 : vector<16xf32>
          %add3A_137 = arith.constant 0 : i32
          %add3A_138 = arith.addi %mul3A_66, %add3A_137 : i32
          %swap3A_139 = arith.index_cast %add3A_138 : i32 to index
          %swap3A_140 = arith.constant 64 : index
          %swap3A_141 = tpu.vector_load %arg12[%swap3A_139, %swap3A_140] {strides = array<i32>} : memref<128x128xf32, #tpu.memory_space<vmem>>, vector<1x16xf32>,
          %swap3A_142 = vector.shape_cast %swap3A_141 : vector<1x16xf32> to vector<16xf32>
          %swap3A_143 = vector.shape_cast %mul3A_136 : vector<16xf32> to vector<1x16xf32>
          tpu.vector_store %arg12[%swap3A_139, %swap3A_140], %swap3A_143 {strides = array<i32>} : memref<128x128xf32, #tpu.memory_space<vmem>>, vector<1x16xf32>,
          %add3A_144 = arith.constant 0 : i32
          %add3A_145 = arith.addi %mul3A_66, %add3A_144 : i32
          %get3A_146 = arith.index_cast %add3A_145 : i32 to index
          %get3A_147 = arith.constant 80 : index
          %get3A_148 = tpu.vector_load %arg12[%get3A_146, %get3A_147] {strides = array<i32>} : memref<128x128xf32, #tpu.memory_space<vmem>>, vector<1x16xf32>,
          %get3A_149 = vector.shape_cast %get3A_148 : vector<1x16xf32> to vector<16xf32>
          %mul3A_150 = vector.broadcast %squeeze3A : f32 to vector<16xf32>
          %mul3A_151 = arith.mulf %get3A_149, %mul3A_150 : vector<16xf32>
          %add3A_152 = arith.constant 0 : i32
          %add3A_153 = arith.addi %mul3A_66, %add3A_152 : i32
          %swap3A_154 = arith.index_cast %add3A_153 : i32 to index
          %swap3A_155 = arith.constant 80 : index
          %swap3A_156 = tpu.vector_load %arg12[%swap3A_154, %swap3A_155] {strides = array<i32>} : memref<128x128xf32, #tpu.memory_space<vmem>>, vector<1x16xf32>,
          %swap3A_157 = vector.shape_cast %swap3A_156 : vector<1x16xf32> to vector<16xf32>
          %swap3A_158 = vector.shape_cast %mul3A_151 : vector<16xf32> to vector<1x16xf32>
          tpu.vector_store %arg12[%swap3A_154, %swap3A_155], %swap3A_158 {strides = array<i32>} : memref<128x128xf32, #tpu.memory_space<vmem>>, vector<1x16xf32>,
          %add3A_159 = arith.constant 0 : i32
          %add3A_160 = arith.addi %mul3A_66, %add3A_159 : i32
          %get3A_161 = arith.index_cast %add3A_160 : i32 to index
          %get3A_162 = arith.constant 96 : index
          %get3A_163 = tpu.vector_load %arg12[%get3A_161, %get3A_162] {strides = array<i32>} : memref<128x128xf32, #tpu.memory_space<vmem>>, vector<1x16xf32>,
          %get3A_164 = vector.shape_cast %get3A_163 : vector<1x16xf32> to vector<16xf32>
          %mul3A_165 = vector.broadcast %squeeze3A : f32 to vector<16xf32>
          %mul3A_166 = arith.mulf %get3A_164, %mul3A_165 : vector<16xf32>
          %add3A_167 = arith.constant 0 : i32
          %add3A_168 = arith.addi %mul3A_66, %add3A_167 : i32
          %swap3A_169 = arith.index_cast %add3A_168 : i32 to index
          %swap3A_170 = arith.constant 96 : index
          %swap3A_171 = tpu.vector_load %arg12[%swap3A_169, %swap3A_170] {strides = array<i32>} : memref<128x128xf32, #tpu.memory_space<vmem>>, vector<1x16xf32>,
          %swap3A_172 = vector.shape_cast %swap3A_171 : vector<1x16xf32> to vector<16xf32>
          %swap3A_173 = vector.shape_cast %mul3A_166 : vector<16xf32> to vector<1x16xf32>
          tpu.vector_store %arg12[%swap3A_169, %swap3A_170], %swap3A_173 {strides = array<i32>} : memref<128x128xf32, #tpu.memory_space<vmem>>, vector<1x16xf32>,
          %add3A_174 = arith.constant 0 : i32
          %add3A_175 = arith.addi %mul3A_66, %add3A_174 : i32
          %get3A_176 = arith.index_cast %add3A_175 : i32 to index
          %get3A_177 = arith.constant 112 : index
          %get3A_178 = tpu.vector_load %arg12[%get3A_176, %get3A_177] {strides = array<i32>} : memref<128x128xf32, #tpu.memory_space<vmem>>, vector<1x16xf32>,
          %get3A_179 = vector.shape_cast %get3A_178 : vector<1x16xf32> to vector<16xf32>
          %mul3A_180 = vector.broadcast %squeeze3A : f32 to vector<16xf32>
          %mul3A_181 = arith.mulf %get3A_179, %mul3A_180 : vector<16xf32>
          %add3A_182 = arith.constant 0 : i32
          %add3A_183 = arith.addi %mul3A_66, %add3A_182 : i32
          %swap3A_184 = arith.index_cast %add3A_183 : i32 to index
          %swap3A_185 = arith.constant 112 : index
          %swap3A_186 = tpu.vector_load %arg12[%swap3A_184, %swap3A_185] {strides = array<i32>} : memref<128x128xf32, #tpu.memory_space<vmem>>, vector<1x16xf32>,
          %swap3A_187 = vector.shape_cast %swap3A_186 : vector<1x16xf32> to vector<16xf32>
          %swap3A_188 = vector.shape_cast %mul3A_181 : vector<16xf32> to vector<1x16xf32>
          tpu.vector_store %arg12[%swap3A_184, %swap3A_185], %swap3A_188 {strides = array<i32>} : memref<128x128xf32, #tpu.memory_space<vmem>>, vector<1x16xf32>,
          %slice3A_189 = vector.extract_strided_slice %get3A_69 {offsets = [1], sizes = [1], strides = [1]} : vector<16xf32> to vector<1xf32>
          %squeeze3A_190 = vector.extract %slice3A_189[0] : f32 from vector<1xf32>
          %add3A_191 = arith.constant 1 : i32
          %add3A_192 = arith.addi %mul3A_66, %add3A_191 : i32
          %get3A_193 = arith.index_cast %add3A_192 : i32 to index
          %get3A_194 = arith.constant 0 : index
          %get3A_195 = tpu.vector_load %arg12[%get3A_193, %get3A_194] {strides = array<i32>} : memref<128x128xf32, #tpu.memory_space<vmem>>, vector<1x16xf32>,
          %get3A_196 = vector.shape_cast %get3A_195 : vector<1x16xf32> to vector<16xf32>
          %mul3A_197 = vector.broadcast %squeeze3A_190 : f32 to vector<16xf32>
          %mul3A_198 = arith.mulf %get3A_196, %mul3A_197 : vector<16xf32>
          %add3A_199 = arith.constant 1 : i32
          %add3A_200 = arith.addi %mul3A_66, %add3A_199 : i32
          %swap3A_201 = arith.index_cast %add3A_200 : i32 to index
          %swap3A_202 = arith.constant 0 : index
          %swap3A_203 = tpu.vector_load %arg12[%swap3A_201, %swap3A_202] {strides = array<i32>} : memref<128x128xf32, #tpu.memory_space<vmem>>, vector<1x16xf32>,
          %swap3A_204 = vector.shape_cast %swap3A_203 : vector<1x16xf32> to vector<16xf32>
          %swap3A_205 = vector.shape_cast %mul3A_198 : vector<16xf32> to vector<1x16xf32>
          tpu.vector_store %arg12[%swap3A_201, %swap3A_202], %swap3A_205 {strides = array<i32>} : memref<128x128xf32, #tpu.memory_space<vmem>>, vector<1x16xf32>,
          %add3A_206 = arith.constant 1 : i32
          %add3A_207 = arith.addi %mul3A_66, %add3A_206 : i32
          %get3A_208 = arith.index_cast %add3A_207 : i32 to index
          %get3A_209 = arith.constant 16 : index
          %get3A_210 = tpu.vector_load %arg12[%get3A_208, %get3A_209] {strides = array<i32>} : memref<128x128xf32, #tpu.memory_space<vmem>>, vector<1x16xf32>,
          %get3A_211 = vector.shape_cast %get3A_210 : vector<1x16xf32> to vector<16xf32>
          %mul3A_212 = vector.broadcast %squeeze3A_190 : f32 to vector<16xf32>
          %mul3A_213 = arith.mulf %get3A_211, %mul3A_212 : vector<16xf32>
          %add3A_214 = arith.constant 1 : i32
          %add3A_215 = arith.addi %mul3A_66, %add3A_214 : i32
          %swap3A_216 = arith.index_cast %add3A_215 : i32 to index
          %swap3A_217 = arith.constant 16 : index
          %swap3A_218 = tpu.vector_load %arg12[%swap3A_216, %swap3A_217] {strides = array<i32>} : memref<128x128xf32, #tpu.memory_space<vmem>>, vector<1x16xf32>,
          %swap3A_219 = vector.shape_cast %swap3A_218 : vector<1x16xf32> to vector<16xf32>
          %swap3A_220 = vector.shape_cast %mul3A_213 : vector<16xf32> to vector<1x16xf32>
          tpu.vector_store %arg12[%swap3A_216, %swap3A_217], %swap3A_220 {strides = array<i32>} : memref<128x128xf32, #tpu.memory_space<vmem>>, vector<1x16xf32>,
          %add3A_221 = arith.constant 1 : i32
          %add3A_222 = arith.addi %mul3A_66, %add3A_221 : i32
          %get3A_223 = arith.index_cast %add3A_222 : i32 to index
          %get3A_224 = arith.constant 32 : index
          %get3A_225 = tpu.vector_load %arg12[%get3A_223, %get3A_224] {strides = array<i32>} : memref<128x128xf32, #tpu.memory_space<vmem>>, vector<1x16xf32>,
          %get3A_226 = vector.shape_cast %get3A_225 : vector<1x16xf32> to vector<16xf32>
          %mul3A_227 = vector.broadcast %squeeze3A_190 : f32 to vector<16xf32>
          %mul3A_228 = arith.mulf %get3A_226, %mul3A_227 : vector<16xf32>
          %add3A_229 = arith.constant 1 : i32
          %add3A_230 = arith.addi %mul3A_66, %add3A_229 : i32
          %swap3A_231 = arith.index_cast %add3A_230 : i32 to index
          %swap3A_232 = arith.constant 32 : index
          %swap3A_233 = tpu.vector_load %arg12[%swap3A_231, %swap3A_232] {strides = array<i32>} : memref<128x128xf32, #tpu.memory_space<vmem>>, vector<1x16xf32>,
          %swap3A_234 = vector.shape_cast %swap3A_233 : vector<1x16xf32> to vector<16xf32>
          %swap3A_235 = vector.shape_cast %mul3A_228 : vector<16xf32> to vector<1x16xf32>
          tpu.vector_store %arg12[%swap3A_231, %swap3A_232], %swap3A_235 {strides = array<i32>} : memref<128x128xf32, #tpu.memory_space<vmem>>, vector<1x16xf32>,
          %add3A_236 = arith.constant 1 : i32
          %add3A_237 = arith.addi %mul3A_66, %add3A_236 : i32
          %get3A_238 = arith.index_cast %add3A_237 : i32 to index
          %get3A_239 = arith.constant 48 : index
          %get3A_240 = tpu.vector_load %arg12[%get3A_238, %get3A_239] {strides = array<i32>} : memref<128x128xf32, #tpu.memory_space<vmem>>, vector<1x16xf32>,
          %get3A_241 = vector.shape_cast %get3A_240 : vector<1x16xf32> to vector<16xf32>
          %mul3A_242 = vector.broadcast %squeeze3A_190 : f32 to vector<16xf32>
          %mul3A_243 = arith.mulf %get3A_241, %mul3A_242 : vector<16xf32>
          %add3A_244 = arith.constant 1 : i32
          %add3A_245 = arith.addi %mul3A_66, %add3A_244 : i32
          %swap3A_246 = arith.index_cast %add3A_245 : i32 to index
          %swap3A_247 = arith.constant 48 : index
          %swap3A_248 = tpu.vector_load %arg12[%swap3A_246, %swap3A_247] {strides = array<i32>} : memref<128x128xf32, #tpu.memory_space<vmem>>, vector<1x16xf32>,
          %swap3A_249 = vector.shape_cast %swap3A_248 : vector<1x16xf32> to vector<16xf32>
          %swap3A_250 = vector.shape_cast %mul3A_243 : vector<16xf32> to vector<1x16xf32>
          tpu.vector_store %arg12[%swap3A_246, %swap3A_247], %swap3A_250 {strides = array<i32>} : memref<128x128xf32, #tpu.memory_space<vmem>>, vector<1x16xf32>,
          %add3A_251 = arith.constant 1 : i32
          %add3A_252 = arith.addi %mul3A_66, %add3A_251 : i32
          %get3A_253 = arith.index_cast %add3A_252 : i32 to index
          %get3A_254 = arith.constant 64 : index
          %get3A_255 = tpu.vector_load %arg12[%get3A_253, %get3A_254] {strides = array<i32>} : memref<128x128xf32, #tpu.memory_space<vmem>>, vector<1x16xf32>,
          %get3A_256 = vector.shape_cast %get3A_255 : vector<1x16xf32> to vector<16xf32>
          %mul3A_257 = vector.broadcast %squeeze3A_190 : f32 to vector<16xf32>
          %mul3A_258 = arith.mulf %get3A_256, %mul3A_257 : vector<16xf32>
          %add3A_259 = arith.constant 1 : i32
          %add3A_260 = arith.addi %mul3A_66, %add3A_259 : i32
          %swap3A_261 = arith.index_cast %add3A_260 : i32 to index
          %swap3A_262 = arith.constant 64 : index
          %swap3A_263 = tpu.vector_load %arg12[%swap3A_261, %swap3A_262] {strides = array<i32>} : memref<128x128xf32, #tpu.memory_space<vmem>>, vector<1x16xf32>,
          %swap3A_264 = vector.shape_cast %swap3A_263 : vector<1x16xf32> to vector<16xf32>
          %swap3A_265 = vector.shape_cast %mul3A_258 : vector<16xf32> to vector<1x16xf32>
          tpu.vector_store %arg12[%swap3A_261, %swap3A_262], %swap3A_265 {strides = array<i32>} : memref<128x128xf32, #tpu.memory_space<vmem>>, vector<1x16xf32>,
          %add3A_266 = arith.constant 1 : i32
          %add3A_267 = arith.addi %mul3A_66, %add3A_266 : i32
          %get3A_268 = arith.index_cast %add3A_267 : i32 to index
          %get3A_269 = arith.constant 80 : index
          %get3A_270 = tpu.vector_load %arg12[%get3A_268, %get3A_269] {strides = array<i32>} : memref<128x128xf32, #tpu.memory_space<vmem>>, vector<1x16xf32>,
          %get3A_271 = vector.shape_cast %get3A_270 : vector<1x16xf32> to vector<16xf32>
          %mul3A_272 = vector.broadcast %squeeze3A_190 : f32 to vector<16xf32>
          %mul3A_273 = arith.mulf %get3A_271, %mul3A_272 : vector<16xf32>
          %add3A_274 = arith.constant 1 : i32
          %add3A_275 = arith.addi %mul3A_66, %add3A_274 : i32
          %swap3A_276 = arith.index_cast %add3A_275 : i32 to index
          %swap3A_277 = arith.constant 80 : index
          %swap3A_278 = tpu.vector_load %arg12[%swap3A_276, %swap3A_277] {strides = array<i32>} : memref<128x128xf32, #tpu.memory_space<vmem>>, vector<1x16xf32>,
          %swap3A_279 = vector.shape_cast %swap3A_278 : vector<1x16xf32> to vector<16xf32>
          %swap3A_280 = vector.shape_cast %mul3A_273 : vector<16xf32> to vector<1x16xf32>
          tpu.vector_store %arg12[%swap3A_276, %swap3A_277], %swap3A_280 {strides = array<i32>} : memref<128x128xf32, #tpu.memory_space<vmem>>, vector<1x16xf32>,
          %add3A_281 = arith.constant 1 : i32
          %add3A_282 = arith.addi %mul3A_66, %add3A_281 : i32
          %get3A_283 = arith.index_cast %add3A_282 : i32 to index
          %get3A_284 = arith.constant 96 : index
          %get3A_285 = tpu.vector_load %arg12[%get3A_283, %get3A_284] {strides = array<i32>} : memref<128x128xf32, #tpu.memory_space<vmem>>, vector<1x16xf32>,
          %get3A_286 = vector.shape_cast %get3A_285 : vector<1x16xf32> to vector<16xf32>
          %mul3A_287 = vector.broadcast %squeeze3A_190 : f32 to vector<16xf32>
          %mul3A_288 = arith.mulf %get3A_286, %mul3A_287 : vector<16xf32>
          %add3A_289 = arith.constant 1 : i32
          %add3A_290 = arith.addi %mul3A_66, %add3A_289 : i32
          %swap3A_291 = arith.index_cast %add3A_290 : i32 to index
          %swap3A_292 = arith.constant 96 : index
          %swap3A_293 = tpu.vector_load %arg12[%swap3A_291, %swap3A_292] {strides = array<i32>} : memref<128x128xf32, #tpu.memory_space<vmem>>, vector<1x16xf32>,
          %swap3A_294 = vector.shape_cast %swap3A_293 : vector<1x16xf32> to vector<16xf32>
          %swap3A_295 = vector.shape_cast %mul3A_288 : vector<16xf32> to vector<1x16xf32>
          tpu.vector_store %arg12[%swap3A_291, %swap3A_292], %swap3A_295 {strides = array<i32>} : memref<128x128xf32, #tpu.memory_space<vmem>>, vector<1x16xf32>,
          %add3A_296 = arith.constant 1 : i32
          %add3A_297 = arith.addi %mul3A_66, %add3A_296 : i32
          %get3A_298 = arith.index_cast %add3A_297 : i32 to index
          %get3A_299 = arith.constant 112 : index
          %get3A_300 = tpu.vector_load %arg12[%get3A_298, %get3A_299] {strides = array<i32>} : memref<128x128xf32, #tpu.memory_space<vmem>>, vector<1x16xf32>,
          %get3A_301 = vector.shape_cast %get3A_300 : vector<1x16xf32> to vector<16xf32>
          %mul3A_302 = vector.broadcast %squeeze3A_190 : f32 to vector<16xf32>
          %mul3A_303 = arith.mulf %get3A_301, %mul3A_302 : vector<16xf32>
          %add3A_304 = arith.constant 1 : i32
          %add3A_305 = arith.addi %mul3A_66, %add3A_304 : i32
          %swap3A_306 = arith.index_cast %add3A_305 : i32 to index
          %swap3A_307 = arith.constant 112 : index
          %swap3A_308 = tpu.vector_load %arg12[%swap3A_306, %swap3A_307] {strides = array<i32>} : memref<128x128xf32, #tpu.memory_space<vmem>>, vector<1x16xf32>,
          %swap3A_309 = vector.shape_cast %swap3A_308 : vector<1x16xf32> to vector<16xf32>
          %swap3A_310 = vector.shape_cast %mul3A_303 : vector<16xf32> to vector<1x16xf32>
          tpu.vector_store %arg12[%swap3A_306, %swap3A_307], %swap3A_310 {strides = array<i32>} : memref<128x128xf32, #tpu.memory_space<vmem>>, vector<1x16xf32>,
          %slice3A_311 = vector.extract_strided_slice %get3A_69 {offsets = [2], sizes = [1], strides = [1]} : vector<16xf32> to vector<1xf32>
          %squeeze3A_312 = vector.extract %slice3A_311[0] : f32 from vector<1xf32>
          %add3A_313 = arith.constant 2 : i32
          %add3A_314 = arith.addi %mul3A_66, %add3A_313 : i32
          %get3A_315 = arith.index_cast %add3A_314 : i32 to index
          %get3A_316 = arith.constant 0 : index
          %get3A_317 = tpu.vector_load %arg12[%get3A_315, %get3A_316] {strides = array<i32>} : memref<128x128xf32, #tpu.memory_space<vmem>>, vector<1x16xf32>,
          %get3A_318 = vector.shape_cast %get3A_317 : vector<1x16xf32> to vector<16xf32>
          %mul3A_319 = vector.broadcast %squeeze3A_312 : f32 to vector<16xf32>
          %mul3A_320 = arith.mulf %get3A_318, %mul3A_319 : vector<16xf32>
          %add3A_321 = arith.constant 2 : i32
          %add3A_322 = arith.addi %mul3A_66, %add3A_321 : i32
          %swap3A_323 = arith.index_cast %add3A_322 : i32 to index
          %swap3A_324 = arith.constant 0 : index
          %swap3A_325 = tpu.vector_load %arg12[%swap3A_323, %swap3A_324] {strides = array<i32>} : memref<128x128xf32, #tpu.memory_space<vmem>>, vector<1x16xf32>,
          %swap3A_326 = vector.shape_cast %swap3A_325 : vector<1x16xf32> to vector<16xf32>
          %swap3A_327 = vector.shape_cast %mul3A_320 : vector<16xf32> to vector<1x16xf32>
          tpu.vector_store %arg12[%swap3A_323, %swap3A_324], %swap3A_327 {strides = array<i32>} : memref<128x128xf32, #tpu.memory_space<vmem>>, vector<1x16xf32>,
          %add3A_328 = arith.constant 2 : i32
          %add3A_329 = arith.addi %mul3A_66, %add3A_328 : i32
          %get3A_330 = arith.index_cast %add3A_329 : i32 to index
          %get3A_331 = arith.constant 16 : index
          %get3A_332 = tpu.vector_load %arg12[%get3A_330, %get3A_331] {strides = array<i32>} : memref<128x128xf32, #tpu.memory_space<vmem>>, vector<1x16xf32>,
          %get3A_333 = vector.shape_cast %get3A_332 : vector<1x16xf32> to vector<16xf32>
          %mul3A_334 = vector.broadcast %squeeze3A_312 : f32 to vector<16xf32>
          %mul3A_335 = arith.mulf %get3A_333, %mul3A_334 : vector<16xf32>
          %add3A_336 = arith.constant 2 : i32
          %add3A_337 = arith.addi %mul3A_66, %add3A_336 : i32
          %swap3A_338 = arith.index_cast %add3A_337 : i32 to index
          %swap3A_339 = arith.constant 16 : index
          %swap3A_340 = tpu.vector_load %arg12[%swap3A_338, %swap3A_339] {strides = array<i32>} : memref<128x128xf32, #tpu.memory_space<vmem>>, vector<1x16xf32>,
          %swap3A_341 = vector.shape_cast %swap3A_340 : vector<1x16xf32> to vector<16xf32>
          %swap3A_342 = vector.shape_cast %mul3A_335 : vector<16xf32> to vector<1x16xf32>
          tpu.vector_store %arg12[%swap3A_338, %swap3A_339], %swap3A_342 {strides = array<i32>} : memref<128x128xf32, #tpu.memory_space<vmem>>, vector<1x16xf32>,
          %add3A_343 = arith.constant 2 : i32
          %add3A_344 = arith.addi %mul3A_66, %add3A_343 : i32
          %get3A_345 = arith.index_cast %add3A_344 : i32 to index
          %get3A_346 = arith.constant 32 : index
          %get3A_347 = tpu.vector_load %arg12[%get3A_345, %get3A_346] {strides = array<i32>} : memref<128x128xf32, #tpu.memory_space<vmem>>, vector<1x16xf32>,
          %get3A_348 = vector.shape_cast %get3A_347 : vector<1x16xf32> to vector<16xf32>
          %mul3A_349 = vector.broadcast %squeeze3A_312 : f32 to vector<16xf32>
          %mul3A_350 = arith.mulf %get3A_348, %mul3A_349 : vector<16xf32>
          %add3A_351 = arith.constant 2 : i32
          %add3A_352 = arith.addi %mul3A_66, %add3A_351 : i32
          %swap3A_353 = arith.index_cast %add3A_352 : i32 to index
          %swap3A_354 = arith.constant 32 : index
          %swap3A_355 = tpu.vector_load %arg12[%swap3A_353, %swap3A_354] {strides = array<i32>} : memref<128x128xf32, #tpu.memory_space<vmem>>, vector<1x16xf32>,
          %swap3A_356 = vector.shape_cast %swap3A_355 : vector<1x16xf32> to vector<16xf32>
          %swap3A_357 = vector.shape_cast %mul3A_350 : vector<16xf32> to vector<1x16xf32>
          tpu.vector_store %arg12[%swap3A_353, %swap3A_354], %swap3A_357 {strides = array<i32>} : memref<128x128xf32, #tpu.memory_space<vmem>>, vector<1x16xf32>,
          %add3A_358 = arith.constant 2 : i32
          %add3A_359 = arith.addi %mul3A_66, %add3A_358 : i32
          %get3A_360 = arith.index_cast %add3A_359 : i32 to index
          %get3A_361 = arith.constant 48 : index
          %get3A_362 = tpu.vector_load %arg12[%get3A_360, %get3A_361] {strides = array<i32>} : memref<128x128xf32, #tpu.memory_space<vmem>>, vector<1x16xf32>,
          %get3A_363 = vector.shape_cast %get3A_362 : vector<1x16xf32> to vector<16xf32>
          %mul3A_364 = vector.broadcast %squeeze3A_312 : f32 to vector<16xf32>
          %mul3A_365 = arith.mulf %get3A_363, %mul3A_364 : vector<16xf32>
          %add3A_366 = arith.constant 2 : i32
          %add3A_367 = arith.addi %mul3A_66, %add3A_366 : i32
          %swap3A_368 = arith.index_cast %add3A_367 : i32 to index
          %swap3A_369 = arith.constant 48 : index
          %swap3A_370 = tpu.vector_load %arg12[%swap3A_368, %swap3A_369] {strides = array<i32>} : memref<128x128xf32, #tpu.memory_space<vmem>>, vector<1x16xf32>,
          %swap3A_371 = vector.shape_cast %swap3A_370 : vector<1x16xf32> to vector<16xf32>
          %swap3A_372 = vector.shape_cast %mul3A_365 : vector<16xf32> to vector<1x16xf32>
          tpu.vector_store %arg12[%swap3A_368, %swap3A_369], %swap3A_372 {strides = array<i32>} : memref<128x128xf32, #tpu.memory_space<vmem>>, vector<1x16xf32>,
          %add3A_373 = arith.constant 2 : i32
          %add3A_374 = arith.addi %mul3A_66, %add3A_373 : i32
          %get3A_375 = arith.index_cast %add3A_374 : i32 to index
          %get3A_376 = arith.constant 64 : index
          %get3A_377 = tpu.vector_load %arg12[%get3A_375, %get3A_376] {strides = array<i32>} : memref<128x128xf32, #tpu.memory_space<vmem>>, vector<1x16xf32>,
          %get3A_378 = vector.shape_cast %get3A_377 : vector<1x16xf32> to vector<16xf32>
          %mul3A_379 = vector.broadcast %squeeze3A_312 : f32 to vector<16xf32>
          %mul3A_380 = arith.mulf %get3A_378, %mul3A_379 : vector<16xf32>
          %add3A_381 = arith.constant 2 : i32
          %add3A_382 = arith.addi %mul3A_66, %add3A_381 : i32
          %swap3A_383 = arith.index_cast %add3A_382 : i32 to index
          %swap3A_384 = arith.constant 64 : index
          %swap3A_385 = tpu.vector_load %arg12[%swap3A_383, %swap3A_384] {strides = array<i32>} : memref<128x128xf32, #tpu.memory_space<vmem>>, vector<1x16xf32>,
          %swap3A_386 = vector.shape_cast %swap3A_385 : vector<1x16xf32> to vector<16xf32>
          %swap3A_387 = vector.shape_cast %mul3A_380 : vector<16xf32> to vector<1x16xf32>
          tpu.vector_store %arg12[%swap3A_383, %swap3A_384], %swap3A_387 {strides = array<i32>} : memref<128x128xf32, #tpu.memory_space<vmem>>, vector<1x16xf32>,
          %add3A_388 = arith.constant 2 : i32
          %add3A_389 = arith.addi %mul3A_66, %add3A_388 : i32
          %get3A_390 = arith.index_cast %add3A_389 : i32 to index
          %get3A_391 = arith.constant 80 : index
          %get3A_392 = tpu.vector_load %arg12[%get3A_390, %get3A_391] {strides = array<i32>} : memref<128x128xf32, #tpu.memory_space<vmem>>, vector<1x16xf32>,
          %get3A_393 = vector.shape_cast %get3A_392 : vector<1x16xf32> to vector<16xf32>
          %mul3A_394 = vector.broadcast %squeeze3A_312 : f32 to vector<16xf32>
          %mul3A_395 = arith.mulf %get3A_393, %mul3A_394 : vector<16xf32>
          %add3A_396 = arith.constant 2 : i32
          %add3A_397 = arith.addi %mul3A_66, %add3A_396 : i32
          %swap3A_398 = arith.index_cast %add3A_397 : i32 to index
          %swap3A_399 = arith.constant 80 : index
          %swap3A_400 = tpu.vector_load %arg12[%swap3A_398, %swap3A_399] {strides = array<i32>} : memref<128x128xf32, #tpu.memory_space<vmem>>, vector<1x16xf32>,
          %swap3A_401 = vector.shape_cast %swap3A_400 : vector<1x16xf32> to vector<16xf32>
          %swap3A_402 = vector.shape_cast %mul3A_395 : vector<16xf32> to vector<1x16xf32>
          tpu.vector_store %arg12[%swap3A_398, %swap3A_399], %swap3A_402 {strides = array<i32>} : memref<128x128xf32, #tpu.memory_space<vmem>>, vector<1x16xf32>,
          %add3A_403 = arith.constant 2 : i32
          %add3A_404 = arith.addi %mul3A_66, %add3A_403 : i32
          %get3A_405 = arith.index_cast %add3A_404 : i32 to index
          %get3A_406 = arith.constant 96 : index
          %get3A_407 = tpu.vector_load %arg12[%get3A_405, %get3A_406] {strides = array<i32>} : memref<128x128xf32, #tpu.memory_space<vmem>>, vector<1x16xf32>,
          %get3A_408 = vector.shape_cast %get3A_407 : vector<1x16xf32> to vector<16xf32>
          %mul3A_409 = vector.broadcast %squeeze3A_312 : f32 to vector<16xf32>
          %mul3A_410 = arith.mulf %get3A_408, %mul3A_409 : vector<16xf32>
          %add3A_411 = arith.constant 2 : i32
          %add3A_412 = arith.addi %mul3A_66, %add3A_411 : i32
          %swap3A_413 = arith.index_cast %add3A_412 : i32 to index
          %swap3A_414 = arith.constant 96 : index
          %swap3A_415 = tpu.vector_load %arg12[%swap3A_413, %swap3A_414] {strides = array<i32>} : memref<128x128xf32, #tpu.memory_space<vmem>>, vector<1x16xf32>,
          %swap3A_416 = vector.shape_cast %swap3A_415 : vector<1x16xf32> to vector<16xf32>
          %swap3A_417 = vector.shape_cast %mul3A_410 : vector<16xf32> to vector<1x16xf32>
          tpu.vector_store %arg12[%swap3A_413, %swap3A_414], %swap3A_417 {strides = array<i32>} : memref<128x128xf32, #tpu.memory_space<vmem>>, vector<1x16xf32>,
          %add3A_418 = arith.constant 2 : i32
          %add3A_419 = arith.addi %mul3A_66, %add3A_418 : i32
          %get3A_420 = arith.index_cast %add3A_419 : i32 to index
          %get3A_421 = arith.constant 112 : index
          %get3A_422 = tpu.vector_load %arg12[%get3A_420, %get3A_421] {strides = array<i32>} : memref<128x128xf32, #tpu.memory_space<vmem>>, vector<1x16xf32>,
          %get3A_423 = vector.shape_cast %get3A_422 : vector<1x16xf32> to vector<16xf32>
          %mul3A_424 = vector.broadcast %squeeze3A_312 : f32 to vector<16xf32>
          %mul3A_425 = arith.mulf %get3A_423, %mul3A_424 : vector<16xf32>
          %add3A_426 = arith.constant 2 : i32
          %add3A_427 = arith.addi %mul3A_66, %add3A_426 : i32
          %swap3A_428 = arith.index_cast %add3A_427 : i32 to index
          %swap3A_429 = arith.constant 112 : index
          %swap3A_430 = tpu.vector_load %arg12[%swap3A_428, %swap3A_429] {strides = array<i32>} : memref<128x128xf32, #tpu.memory_space<vmem>>, vector<1x16xf32>,
          %swap3A_431 = vector.shape_cast %swap3A_430 : vector<1x16xf32> to vector<16xf32>
          %swap3A_432 = vector.shape_cast %mul3A_425 : vector<16xf32> to vector<1x16xf32>
          tpu.vector_store %arg12[%swap3A_428, %swap3A_429], %swap3A_432 {strides = array<i32>} : memref<128x128xf32, #tpu.memory_space<vmem>>, vector<1x16xf32>,
          %slice3A_433 = vector.extract_strided_slice %get3A_69 {offsets = [3], sizes = [1], strides = [1]} : vector<16xf32> to vector<1xf32>
          %squeeze3A_434 = vector.extract %slice3A_433[0] : f32 from vector<1xf32>
          %add3A_435 = arith.constant 3 : i32
          %add3A_436 = arith.addi %mul3A_66, %add3A_435 : i32
          %get3A_437 = arith.index_cast %add3A_436 : i32 to index
          %get3A_438 = arith.constant 0 : index
          %get3A_439 = tpu.vector_load %arg12[%get3A_437, %get3A_438] {strides = array<i32>} : memref<128x128xf32, #tpu.memory_space<vmem>>, vector<1x16xf32>,
          %get3A_440 = vector.shape_cast %get3A_439 : vector<1x16xf32> to vector<16xf32>
          %mul3A_441 = vector.broadcast %squeeze3A_434 : f32 to vector<16xf32>
          %mul3A_442 = arith.mulf %get3A_440, %mul3A_441 : vector<16xf32>
          %add3A_443 = arith.constant 3 : i32
          %add3A_444 = arith.addi %mul3A_66, %add3A_443 : i32
          %swap3A_445 = arith.index_cast %add3A_444 : i32 to index
          %swap3A_446 = arith.constant 0 : index
          %swap3A_447 = tpu.vector_load %arg12[%swap3A_445, %swap3A_446] {strides = array<i32>} : memref<128x128xf32, #tpu.memory_space<vmem>>, vector<1x16xf32>,
          %swap3A_448 = vector.shape_cast %swap3A_447 : vector<1x16xf32> to vector<16xf32>
          %swap3A_449 = vector.shape_cast %mul3A_442 : vector<16xf32> to vector<1x16xf32>
          tpu.vector_store %arg12[%swap3A_445, %swap3A_446], %swap3A_449 {strides = array<i32>} : memref<128x128xf32, #tpu.memory_space<vmem>>, vector<1x16xf32>,
          %add3A_450 = arith.constant 3 : i32
          %add3A_451 = arith.addi %mul3A_66, %add3A_450 : i32
          %get3A_452 = arith.index_cast %add3A_451 : i32 to index
          %get3A_453 = arith.constant 16 : index
          %get3A_454 = tpu.vector_load %arg12[%get3A_452, %get3A_453] {strides = array<i32>} : memref<128x128xf32, #tpu.memory_space<vmem>>, vector<1x16xf32>,
          %get3A_455 = vector.shape_cast %get3A_454 : vector<1x16xf32> to vector<16xf32>
          %mul3A_456 = vector.broadcast %squeeze3A_434 : f32 to vector<16xf32>
          %mul3A_457 = arith.mulf %get3A_455, %mul3A_456 : vector<16xf32>
          %add3A_458 = arith.constant 3 : i32
          %add3A_459 = arith.addi %mul3A_66, %add3A_458 : i32
          %swap3A_460 = arith.index_cast %add3A_459 : i32 to index
          %swap3A_461 = arith.constant 16 : index
          %swap3A_462 = tpu.vector_load %arg12[%swap3A_460, %swap3A_461] {strides = array<i32>} : memref<128x128xf32, #tpu.memory_space<vmem>>, vector<1x16xf32>,
          %swap3A_463 = vector.shape_cast %swap3A_462 : vector<1x16xf32> to vector<16xf32>
          %swap3A_464 = vector.shape_cast %mul3A_457 : vector<16xf32> to vector<1x16xf32>
          tpu.vector_store %arg12[%swap3A_460, %swap3A_461], %swap3A_464 {strides = array<i32>} : memref<128x128xf32, #tpu.memory_space<vmem>>, vector<1x16xf32>,
          %add3A_465 = arith.constant 3 : i32
          %add3A_466 = arith.addi %mul3A_66, %add3A_465 : i32
          %get3A_467 = arith.index_cast %add3A_466 : i32 to index
          %get3A_468 = arith.constant 32 : index
          %get3A_469 = tpu.vector_load %arg12[%get3A_467, %get3A_468] {strides = array<i32>} : memref<128x128xf32, #tpu.memory_space<vmem>>, vector<1x16xf32>,
          %get3A_470 = vector.shape_cast %get3A_469 : vector<1x16xf32> to vector<16xf32>
          %mul3A_471 = vector.broadcast %squeeze3A_434 : f32 to vector<16xf32>
          %mul3A_472 = arith.mulf %get3A_470, %mul3A_471 : vector<16xf32>
          %add3A_473 = arith.constant 3 : i32
          %add3A_474 = arith.addi %mul3A_66, %add3A_473 : i32
          %swap3A_475 = arith.index_cast %add3A_474 : i32 to index
          %swap3A_476 = arith.constant 32 : index
          %swap3A_477 = tpu.vector_load %arg12[%swap3A_475, %swap3A_476] {strides = array<i32>} : memref<128x128xf32, #tpu.memory_space<vmem>>, vector<1x16xf32>,
          %swap3A_478 = vector.shape_cast %swap3A_477 : vector<1x16xf32> to vector<16xf32>
          %swap3A_479 = vector.shape_cast %mul3A_472 : vector<16xf32> to vector<1x16xf32>
          tpu.vector_store %arg12[%swap3A_475, %swap3A_476], %swap3A_479 {strides = array<i32>} : memref<128x128xf32, #tpu.memory_space<vmem>>, vector<1x16xf32>,
          %add3A_480 = arith.constant 3 : i32
          %add3A_481 = arith.addi %mul3A_66, %add3A_480 : i32
          %get3A_482 = arith.index_cast %add3A_481 : i32 to index
          %get3A_483 = arith.constant 48 : index
          %get3A_484 = tpu.vector_load %arg12[%get3A_482, %get3A_483] {strides = array<i32>} : memref<128x128xf32, #tpu.memory_space<vmem>>, vector<1x16xf32>,
          %get3A_485 = vector.shape_cast %get3A_484 : vector<1x16xf32> to vector<16xf32>
          %mul3A_486 = vector.broadcast %squeeze3A_434 : f32 to vector<16xf32>
          %mul3A_487 = arith.mulf %get3A_485, %mul3A_486 : vector<16xf32>
          %add3A_488 = arith.constant 3 : i32
          %add3A_489 = arith.addi %mul3A_66, %add3A_488 : i32
          %swap3A_490 = arith.index_cast %add3A_489 : i32 to index
          %swap3A_491 = arith.constant 48 : index
          %swap3A_492 = tpu.vector_load %arg12[%swap3A_490, %swap3A_491] {strides = array<i32>} : memref<128x128xf32, #tpu.memory_space<vmem>>, vector<1x16xf32>,
          %swap3A_493 = vector.shape_cast %swap3A_492 : vector<1x16xf32> to vector<16xf32>
          %swap3A_494 = vector.shape_cast %mul3A_487 : vector<16xf32> to vector<1x16xf32>
          tpu.vector_store %arg12[%swap3A_490, %swap3A_491], %swap3A_494 {strides = array<i32>} : memref<128x128xf32, #tpu.memory_space<vmem>>, vector<1x16xf32>,
          %add3A_495 = arith.constant 3 : i32
          %add3A_496 = arith.addi %mul3A_66, %add3A_495 : i32
          %get3A_497 = arith.index_cast %add3A_496 : i32 to index
          %get3A_498 = arith.constant 64 : index
          %get3A_499 = tpu.vector_load %arg12[%get3A_497, %get3A_498] {strides = array<i32>} : memref<128x128xf32, #tpu.memory_space<vmem>>, vector<1x16xf32>,
          %get3A_500 = vector.shape_cast %get3A_499 : vector<1x16xf32> to vector<16xf32>
          %mul3A_501 = vector.broadcast %squeeze3A_434 : f32 to vector<16xf32>
          %mul3A_502 = arith.mulf %get3A_500, %mul3A_501 : vector<16xf32>
          %add3A_503 = arith.constant 3 : i32
          %add3A_504 = arith.addi %mul3A_66, %add3A_503 : i32
          %swap3A_505 = arith.index_cast %add3A_504 : i32 to index
          %swap3A_506 = arith.constant 64 : index
          %swap3A_507 = tpu.vector_load %arg12[%swap3A_505, %swap3A_506] {strides = array<i32>} : memref<128x128xf32, #tpu.memory_space<vmem>>, vector<1x16xf32>,
          %swap3A_508 = vector.shape_cast %swap3A_507 : vector<1x16xf32> to vector<16xf32>
          %swap3A_509 = vector.shape_cast %mul3A_502 : vector<16xf32> to vector<1x16xf32>
          tpu.vector_store %arg12[%swap3A_505, %swap3A_506], %swap3A_509 {strides = array<i32>} : memref<128x128xf32, #tpu.memory_space<vmem>>, vector<1x16xf32>,
          %add3A_510 = arith.constant 3 : i32
          %add3A_511 = arith.addi %mul3A_66, %add3A_510 : i32
          %get3A_512 = arith.index_cast %add3A_511 : i32 to index
          %get3A_513 = arith.constant 80 : index
          %get3A_514 = tpu.vector_load %arg12[%get3A_512, %get3A_513] {strides = array<i32>} : memref<128x128xf32, #tpu.memory_space<vmem>>, vector<1x16xf32>,
          %get3A_515 = vector.shape_cast %get3A_514 : vector<1x16xf32> to vector<16xf32>
          %mul3A_516 = vector.broadcast %squeeze3A_434 : f32 to vector<16xf32>
          %mul3A_517 = arith.mulf %get3A_515, %mul3A_516 : vector<16xf32>
          %add3A_518 = arith.constant 3 : i32
          %add3A_519 = arith.addi %mul3A_66, %add3A_518 : i32
          %swap3A_520 = arith.index_cast %add3A_519 : i32 to index
          %swap3A_521 = arith.constant 80 : index
          %swap3A_522 = tpu.vector_load %arg12[%swap3A_520, %swap3A_521] {strides = array<i32>} : memref<128x128xf32, #tpu.memory_space<vmem>>, vector<1x16xf32>,
          %swap3A_523 = vector.shape_cast %swap3A_522 : vector<1x16xf32> to vector<16xf32>
          %swap3A_524 = vector.shape_cast %mul3A_517 : vector<16xf32> to vector<1x16xf32>
          tpu.vector_store %arg12[%swap3A_520, %swap3A_521], %swap3A_524 {strides = array<i32>} : memref<128x128xf32, #tpu.memory_space<vmem>>, vector<1x16xf32>,
          %add3A_525 = arith.constant 3 : i32
          %add3A_526 = arith.addi %mul3A_66, %add3A_525 : i32
          %get3A_527 = arith.index_cast %add3A_526 : i32 to index
          %get3A_528 = arith.constant 96 : index
          %get3A_529 = tpu.vector_load %arg12[%get3A_527, %get3A_528] {strides = array<i32>} : memref<128x128xf32, #tpu.memory_space<vmem>>, vector<1x16xf32>,
          %get3A_530 = vector.shape_cast %get3A_529 : vector<1x16xf32> to vector<16xf32>
          %mul3A_531 = vector.broadcast %squeeze3A_434 : f32 to vector<16xf32>
          %mul3A_532 = arith.mulf %get3A_530, %mul3A_531 : vector<16xf32>
          %add3A_533 = arith.constant 3 : i32
          %add3A_534 = arith.addi %mul3A_66, %add3A_533 : i32
          %swap3A_535 = arith.index_cast %add3A_534 : i32 to index
          %swap3A_536 = arith.constant 96 : index
          %swap3A_537 = tpu.vector_load %arg12[%swap3A_535, %swap3A_536] {strides = array<i32>} : memref<128x128xf32, #tpu.memory_space<vmem>>, vector<1x16xf32>,
          %swap3A_538 = vector.shape_cast %swap3A_537 : vector<1x16xf32> to vector<16xf32>
          %swap3A_539 = vector.shape_cast %mul3A_532 : vector<16xf32> to vector<1x16xf32>
          tpu.vector_store %arg12[%swap3A_535, %swap3A_536], %swap3A_539 {strides = array<i32>} : memref<128x128xf32, #tpu.memory_space<vmem>>, vector<1x16xf32>,
          %add3A_540 = arith.constant 3 : i32
          %add3A_541 = arith.addi %mul3A_66, %add3A_540 : i32
          %get3A_542 = arith.index_cast %add3A_541 : i32 to index
          %get3A_543 = arith.constant 112 : index
          %get3A_544 = tpu.vector_load %arg12[%get3A_542, %get3A_543] {strides = array<i32>} : memref<128x128xf32, #tpu.memory_space<vmem>>, vector<1x16xf32>,
          %get3A_545 = vector.shape_cast %get3A_544 : vector<1x16xf32> to vector<16xf32>
          %mul3A_546 = vector.broadcast %squeeze3A_434 : f32 to vector<16xf32>
          %mul3A_547 = arith.mulf %get3A_545, %mul3A_546 : vector<16xf32>
          %add3A_548 = arith.constant 3 : i32
          %add3A_549 = arith.addi %mul3A_66, %add3A_548 : i32
          %swap3A_550 = arith.index_cast %add3A_549 : i32 to index
          %swap3A_551 = arith.constant 112 : index
          %swap3A_552 = tpu.vector_load %arg12[%swap3A_550, %swap3A_551] {strides = array<i32>} : memref<128x128xf32, #tpu.memory_space<vmem>>, vector<1x16xf32>,
          %swap3A_553 = vector.shape_cast %swap3A_552 : vector<1x16xf32> to vector<16xf32>
          %swap3A_554 = vector.shape_cast %mul3A_547 : vector<16xf32> to vector<1x16xf32>
          tpu.vector_store %arg12[%swap3A_550, %swap3A_551], %swap3A_554 {strides = array<i32>} : memref<128x128xf32, #tpu.memory_space<vmem>>, vector<1x16xf32>,
          %slice3A_555 = vector.extract_strided_slice %get3A_69 {offsets = [4], sizes = [1], strides = [1]} : vector<16xf32> to vector<1xf32>
          %squeeze3A_556 = vector.extract %slice3A_555[0] : f32 from vector<1xf32>
          %add3A_557 = arith.constant 4 : i32
          %add3A_558 = arith.addi %mul3A_66, %add3A_557 : i32
          %get3A_559 = arith.index_cast %add3A_558 : i32 to index
          %get3A_560 = arith.constant 0 : index
          %get3A_561 = tpu.vector_load %arg12[%get3A_559, %get3A_560] {strides = array<i32>} : memref<128x128xf32, #tpu.memory_space<vmem>>, vector<1x16xf32>,
          %get3A_562 = vector.shape_cast %get3A_561 : vector<1x16xf32> to vector<16xf32>
          %mul3A_563 = vector.broadcast %squeeze3A_556 : f32 to vector<16xf32>
          %mul3A_564 = arith.mulf %get3A_562, %mul3A_563 : vector<16xf32>
          %add3A_565 = arith.constant 4 : i32
          %add3A_566 = arith.addi %mul3A_66, %add3A_565 : i32
          %swap3A_567 = arith.index_cast %add3A_566 : i32 to index
          %swap3A_568 = arith.constant 0 : index
          %swap3A_569 = tpu.vector_load %arg12[%swap3A_567, %swap3A_568] {strides = array<i32>} : memref<128x128xf32, #tpu.memory_space<vmem>>, vector<1x16xf32>,
          %swap3A_570 = vector.shape_cast %swap3A_569 : vector<1x16xf32> to vector<16xf32>
          %swap3A_571 = vector.shape_cast %mul3A_564 : vector<16xf32> to vector<1x16xf32>
          tpu.vector_store %arg12[%swap3A_567, %swap3A_568], %swap3A_571 {strides = array<i32>} : memref<128x128xf32, #tpu.memory_space<vmem>>, vector<1x16xf32>,
          %add3A_572 = arith.constant 4 : i32
          %add3A_573 = arith.addi %mul3A_66, %add3A_572 : i32
          %get3A_574 = arith.index_cast %add3A_573 : i32 to index
          %get3A_575 = arith.constant 16 : index
          %get3A_576 = tpu.vector_load %arg12[%get3A_574, %get3A_575] {strides = array<i32>} : memref<128x128xf32, #tpu.memory_space<vmem>>, vector<1x16xf32>,
          %get3A_577 = vector.shape_cast %get3A_576 : vector<1x16xf32> to vector<16xf32>
          %mul3A_578 = vector.broadcast %squeeze3A_556 : f32 to vector<16xf32>
          %mul3A_579 = arith.mulf %get3A_577, %mul3A_578 : vector<16xf32>
          %add3A_580 = arith.constant 4 : i32
          %add3A_581 = arith.addi %mul3A_66, %add3A_580 : i32
          %swap3A_582 = arith.index_cast %add3A_581 : i32 to index
          %swap3A_583 = arith.constant 16 : index
          %swap3A_584 = tpu.vector_load %arg12[%swap3A_582, %swap3A_583] {strides = array<i32>} : memref<128x128xf32, #tpu.memory_space<vmem>>, vector<1x16xf32>,
          %swap3A_585 = vector.shape_cast %swap3A_584 : vector<1x16xf32> to vector<16xf32>
          %swap3A_586 = vector.shape_cast %mul3A_579 : vector<16xf32> to vector<1x16xf32>
          tpu.vector_store %arg12[%swap3A_582, %swap3A_583], %swap3A_586 {strides = array<i32>} : memref<128x128xf32, #tpu.memory_space<vmem>>, vector<1x16xf32>,
          %add3A_587 = arith.constant 4 : i32
          %add3A_588 = arith.addi %mul3A_66, %add3A_587 : i32
          %get3A_589 = arith.index_cast %add3A_588 : i32 to index
          %get3A_590 = arith.constant 32 : index
          %get3A_591 = tpu.vector_load %arg12[%get3A_589, %get3A_590] {strides = array<i32>} : memref<128x128xf32, #tpu.memory_space<vmem>>, vector<1x16xf32>,
          %get3A_592 = vector.shape_cast %get3A_591 : vector<1x16xf32> to vector<16xf32>
          %mul3A_593 = vector.broadcast %squeeze3A_556 : f32 to vector<16xf32>
          %mul3A_594 = arith.mulf %get3A_592, %mul3A_593 : vector<16xf32>
          %add3A_595 = arith.constant 4 : i32
          %add3A_596 = arith.addi %mul3A_66, %add3A_595 : i32
          %swap3A_597 = arith.index_cast %add3A_596 : i32 to index
          %swap3A_598 = arith.constant 32 : index
          %swap3A_599 = tpu.vector_load %arg12[%swap3A_597, %swap3A_598] {strides = array<i32>} : memref<128x128xf32, #tpu.memory_space<vmem>>, vector<1x16xf32>,
          %swap3A_600 = vector.shape_cast %swap3A_599 : vector<1x16xf32> to vector<16xf32>
          %swap3A_601 = vector.shape_cast %mul3A_594 : vector<16xf32> to vector<1x16xf32>
          tpu.vector_store %arg12[%swap3A_597, %swap3A_598], %swap3A_601 {strides = array<i32>} : memref<128x128xf32, #tpu.memory_space<vmem>>, vector<1x16xf32>,
          %add3A_602 = arith.constant 4 : i32
          %add3A_603 = arith.addi %mul3A_66, %add3A_602 : i32
          %get3A_604 = arith.index_cast %add3A_603 : i32 to index
          %get3A_605 = arith.constant 48 : index
          %get3A_606 = tpu.vector_load %arg12[%get3A_604, %get3A_605] {strides = array<i32>} : memref<128x128xf32, #tpu.memory_space<vmem>>, vector<1x16xf32>,
          %get3A_607 = vector.shape_cast %get3A_606 : vector<1x16xf32> to vector<16xf32>
          %mul3A_608 = vector.broadcast %squeeze3A_556 : f32 to vector<16xf32>
          %mul3A_609 = arith.mulf %get3A_607, %mul3A_608 : vector<16xf32>
          %add3A_610 = arith.constant 4 : i32
          %add3A_611 = arith.addi %mul3A_66, %add3A_610 : i32
          %swap3A_612 = arith.index_cast %add3A_611 : i32 to index
          %swap3A_613 = arith.constant 48 : index
          %swap3A_614 = tpu.vector_load %arg12[%swap3A_612, %swap3A_613] {strides = array<i32>} : memref<128x128xf32, #tpu.memory_space<vmem>>, vector<1x16xf32>,
          %swap3A_615 = vector.shape_cast %swap3A_614 : vector<1x16xf32> to vector<16xf32>
          %swap3A_616 = vector.shape_cast %mul3A_609 : vector<16xf32> to vector<1x16xf32>
          tpu.vector_store %arg12[%swap3A_612, %swap3A_613], %swap3A_616 {strides = array<i32>} : memref<128x128xf32, #tpu.memory_space<vmem>>, vector<1x16xf32>,
          %add3A_617 = arith.constant 4 : i32
          %add3A_618 = arith.addi %mul3A_66, %add3A_617 : i32
          %get3A_619 = arith.index_cast %add3A_618 : i32 to index
          %get3A_620 = arith.constant 64 : index
          %get3A_621 = tpu.vector_load %arg12[%get3A_619, %get3A_620] {strides = array<i32>} : memref<128x128xf32, #tpu.memory_space<vmem>>, vector<1x16xf32>,
          %get3A_622 = vector.shape_cast %get3A_621 : vector<1x16xf32> to vector<16xf32>
          %mul3A_623 = vector.broadcast %squeeze3A_556 : f32 to vector<16xf32>
          %mul3A_624 = arith.mulf %get3A_622, %mul3A_623 : vector<16xf32>
          %add3A_625 = arith.constant 4 : i32
          %add3A_626 = arith.addi %mul3A_66, %add3A_625 : i32
          %swap3A_627 = arith.index_cast %add3A_626 : i32 to index
          %swap3A_628 = arith.constant 64 : index
          %swap3A_629 = tpu.vector_load %arg12[%swap3A_627, %swap3A_628] {strides = array<i32>} : memref<128x128xf32, #tpu.memory_space<vmem>>, vector<1x16xf32>,
          %swap3A_630 = vector.shape_cast %swap3A_629 : vector<1x16xf32> to vector<16xf32>
          %swap3A_631 = vector.shape_cast %mul3A_624 : vector<16xf32> to vector<1x16xf32>
          tpu.vector_store %arg12[%swap3A_627, %swap3A_628], %swap3A_631 {strides = array<i32>} : memref<128x128xf32, #tpu.memory_space<vmem>>, vector<1x16xf32>,
          %add3A_632 = arith.constant 4 : i32
          %add3A_633 = arith.addi %mul3A_66, %add3A_632 : i32
          %get3A_634 = arith.index_cast %add3A_633 : i32 to index
          %get3A_635 = arith.constant 80 : index
          %get3A_636 = tpu.vector_load %arg12[%get3A_634, %get3A_635] {strides = array<i32>} : memref<128x128xf32, #tpu.memory_space<vmem>>, vector<1x16xf32>,
          %get3A_637 = vector.shape_cast %get3A_636 : vector<1x16xf32> to vector<16xf32>
          %mul3A_638 = vector.broadcast %squeeze3A_556 : f32 to vector<16xf32>
          %mul3A_639 = arith.mulf %get3A_637, %mul3A_638 : vector<16xf32>
          %add3A_640 = arith.constant 4 : i32
          %add3A_641 = arith.addi %mul3A_66, %add3A_640 : i32
          %swap3A_642 = arith.index_cast %add3A_641 : i32 to index
          %swap3A_643 = arith.constant 80 : index
          %swap3A_644 = tpu.vector_load %arg12[%swap3A_642, %swap3A_643] {strides = array<i32>} : memref<128x128xf32, #tpu.memory_space<vmem>>, vector<1x16xf32>,
          %swap3A_645 = vector.shape_cast %swap3A_644 : vector<1x16xf32> to vector<16xf32>
          %swap3A_646 = vector.shape_cast %mul3A_639 : vector<16xf32> to vector<1x16xf32>
          tpu.vector_store %arg12[%swap3A_642, %swap3A_643], %swap3A_646 {strides = array<i32>} : memref<128x128xf32, #tpu.memory_space<vmem>>, vector<1x16xf32>,
          %add3A_647 = arith.constant 4 : i32
          %add3A_648 = arith.addi %mul3A_66, %add3A_647 : i32
          %get3A_649 = arith.index_cast %add3A_648 : i32 to index
          %get3A_650 = arith.constant 96 : index
          %get3A_651 = tpu.vector_load %arg12[%get3A_649, %get3A_650] {strides = array<i32>} : memref<128x128xf32, #tpu.memory_space<vmem>>, vector<1x16xf32>,
          %get3A_652 = vector.shape_cast %get3A_651 : vector<1x16xf32> to vector<16xf32>
          %mul3A_653 = vector.broadcast %squeeze3A_556 : f32 to vector<16xf32>
          %mul3A_654 = arith.mulf %get3A_652, %mul3A_653 : vector<16xf32>
          %add3A_655 = arith.constant 4 : i32
          %add3A_656 = arith.addi %mul3A_66, %add3A_655 : i32
          %swap3A_657 = arith.index_cast %add3A_656 : i32 to index
          %swap3A_658 = arith.constant 96 : index
          %swap3A_659 = tpu.vector_load %arg12[%swap3A_657, %swap3A_658] {strides = array<i32>} : memref<128x128xf32, #tpu.memory_space<vmem>>, vector<1x16xf32>,
          %swap3A_660 = vector.shape_cast %swap3A_659 : vector<1x16xf32> to vector<16xf32>
          %swap3A_661 = vector.shape_cast %mul3A_654 : vector<16xf32> to vector<1x16xf32>
          tpu.vector_store %arg12[%swap3A_657, %swap3A_658], %swap3A_661 {strides = array<i32>} : memref<128x128xf32, #tpu.memory_space<vmem>>, vector<1x16xf32>,
          %add3A_662 = arith.constant 4 : i32
          %add3A_663 = arith.addi %mul3A_66, %add3A_662 : i32
          %get3A_664 = arith.index_cast %add3A_663 : i32 to index
          %get3A_665 = arith.constant 112 : index
          %get3A_666 = tpu.vector_load %arg12[%get3A_664, %get3A_665] {strides = array<i32>} : memref<128x128xf32, #tpu.memory_space<vmem>>, vector<1x16xf32>,
          %get3A_667 = vector.shape_cast %get3A_666 : vector<1x16xf32> to vector<16xf32>
          %mul3A_668 = vector.broadcast %squeeze3A_556 : f32 to vector<16xf32>
          %mul3A_669 = arith.mulf %get3A_667, %mul3A_668 : vector<16xf32>
          %add3A_670 = arith.constant 4 : i32
          %add3A_671 = arith.addi %mul3A_66, %add3A_670 : i32
          %swap3A_672 = arith.index_cast %add3A_671 : i32 to index
          %swap3A_673 = arith.constant 112 : index
          %swap3A_674 = tpu.vector_load %arg12[%swap3A_672, %swap3A_673] {strides = array<i32>} : memref<128x128xf32, #tpu.memory_space<vmem>>, vector<1x16xf32>,
          %swap3A_675 = vector.shape_cast %swap3A_674 : vector<1x16xf32> to vector<16xf32>
          %swap3A_676 = vector.shape_cast %mul3A_669 : vector<16xf32> to vector<1x16xf32>
          tpu.vector_store %arg12[%swap3A_672, %swap3A_673], %swap3A_676 {strides = array<i32>} : memref<128x128xf32, #tpu.memory_space<vmem>>, vector<1x16xf32>,
          %slice3A_677 = vector.extract_strided_slice %get3A_69 {offsets = [5], sizes = [1], strides = [1]} : vector<16xf32> to vector<1xf32>
          %squeeze3A_678 = vector.extract %slice3A_677[0] : f32 from vector<1xf32>
          %add3A_679 = arith.constant 5 : i32
          %add3A_680 = arith.addi %mul3A_66, %add3A_679 : i32
          %get3A_681 = arith.index_cast %add3A_680 : i32 to index
          %get3A_682 = arith.constant 0 : index
          %get3A_683 = tpu.vector_load %arg12[%get3A_681, %get3A_682] {strides = array<i32>} : memref<128x128xf32, #tpu.memory_space<vmem>>, vector<1x16xf32>,
          %get3A_684 = vector.shape_cast %get3A_683 : vector<1x16xf32> to vector<16xf32>
          %mul3A_685 = vector.broadcast %squeeze3A_678 : f32 to vector<16xf32>
          %mul3A_686 = arith.mulf %get3A_684, %mul3A_685 : vector<16xf32>
          %add3A_687 = arith.constant 5 : i32
          %add3A_688 = arith.addi %mul3A_66, %add3A_687 : i32
          %swap3A_689 = arith.index_cast %add3A_688 : i32 to index
          %swap3A_690 = arith.constant 0 : index
          %swap3A_691 = tpu.vector_load %arg12[%swap3A_689, %swap3A_690] {strides = array<i32>} : memref<128x128xf32, #tpu.memory_space<vmem>>, vector<1x16xf32>,
          %swap3A_692 = vector.shape_cast %swap3A_691 : vector<1x16xf32> to vector<16xf32>
          %swap3A_693 = vector.shape_cast %mul3A_686 : vector<16xf32> to vector<1x16xf32>
          tpu.vector_store %arg12[%swap3A_689, %swap3A_690], %swap3A_693 {strides = array<i32>} : memref<128x128xf32, #tpu.memory_space<vmem>>, vector<1x16xf32>,
          %add3A_694 = arith.constant 5 : i32
          %add3A_695 = arith.addi %mul3A_66, %add3A_694 : i32
          %get3A_696 = arith.index_cast %add3A_695 : i32 to index
          %get3A_697 = arith.constant 16 : index
          %get3A_698 = tpu.vector_load %arg12[%get3A_696, %get3A_697] {strides = array<i32>} : memref<128x128xf32, #tpu.memory_space<vmem>>, vector<1x16xf32>,
          %get3A_699 = vector.shape_cast %get3A_698 : vector<1x16xf32> to vector<16xf32>
          %mul3A_700 = vector.broadcast %squeeze3A_678 : f32 to vector<16xf32>
          %mul3A_701 = arith.mulf %get3A_699, %mul3A_700 : vector<16xf32>
          %add3A_702 = arith.constant 5 : i32
          %add3A_703 = arith.addi %mul3A_66, %add3A_702 : i32
          %swap3A_704 = arith.index_cast %add3A_703 : i32 to index
          %swap3A_705 = arith.constant 16 : index
          %swap3A_706 = tpu.vector_load %arg12[%swap3A_704, %swap3A_705] {strides = array<i32>} : memref<128x128xf32, #tpu.memory_space<vmem>>, vector<1x16xf32>,
          %swap3A_707 = vector.shape_cast %swap3A_706 : vector<1x16xf32> to vector<16xf32>
          %swap3A_708 = vector.shape_cast %mul3A_701 : vector<16xf32> to vector<1x16xf32>
          tpu.vector_store %arg12[%swap3A_704, %swap3A_705], %swap3A_708 {strides = array<i32>} : memref<128x128xf32, #tpu.memory_space<vmem>>, vector<1x16xf32>,
          %add3A_709 = arith.constant 5 : i32
          %add3A_710 = arith.addi %mul3A_66, %add3A_709 : i32
          %get3A_711 = arith.index_cast %add3A_710 : i32 to index
          %get3A_712 = arith.constant 32 : index
          %get3A_713 = tpu.vector_load %arg12[%get3A_711, %get3A_712] {strides = array<i32>} : memref<128x128xf32, #tpu.memory_space<vmem>>, vector<1x16xf32>,
          %get3A_714 = vector.shape_cast %get3A_713 : vector<1x16xf32> to vector<16xf32>
          %mul3A_715 = vector.broadcast %squeeze3A_678 : f32 to vector<16xf32>
          %mul3A_716 = arith.mulf %get3A_714, %mul3A_715 : vector<16xf32>
          %add3A_717 = arith.constant 5 : i32
          %add3A_718 = arith.addi %mul3A_66, %add3A_717 : i32
          %swap3A_719 = arith.index_cast %add3A_718 : i32 to index
          %swap3A_720 = arith.constant 32 : index
          %swap3A_721 = tpu.vector_load %arg12[%swap3A_719, %swap3A_720] {strides = array<i32>} : memref<128x128xf32, #tpu.memory_space<vmem>>, vector<1x16xf32>,
          %swap3A_722 = vector.shape_cast %swap3A_721 : vector<1x16xf32> to vector<16xf32>
          %swap3A_723 = vector.shape_cast %mul3A_716 : vector<16xf32> to vector<1x16xf32>
          tpu.vector_store %arg12[%swap3A_719, %swap3A_720], %swap3A_723 {strides = array<i32>} : memref<128x128xf32, #tpu.memory_space<vmem>>, vector<1x16xf32>,
          %add3A_724 = arith.constant 5 : i32
          %add3A_725 = arith.addi %mul3A_66, %add3A_724 : i32
          %get3A_726 = arith.index_cast %add3A_725 : i32 to index
          %get3A_727 = arith.constant 48 : index
          %get3A_728 = tpu.vector_load %arg12[%get3A_726, %get3A_727] {strides = array<i32>} : memref<128x128xf32, #tpu.memory_space<vmem>>, vector<1x16xf32>,
          %get3A_729 = vector.shape_cast %get3A_728 : vector<1x16xf32> to vector<16xf32>
          %mul3A_730 = vector.broadcast %squeeze3A_678 : f32 to vector<16xf32>
          %mul3A_731 = arith.mulf %get3A_729, %mul3A_730 : vector<16xf32>
          %add3A_732 = arith.constant 5 : i32
          %add3A_733 = arith.addi %mul3A_66, %add3A_732 : i32
          %swap3A_734 = arith.index_cast %add3A_733 : i32 to index
          %swap3A_735 = arith.constant 48 : index
          %swap3A_736 = tpu.vector_load %arg12[%swap3A_734, %swap3A_735] {strides = array<i32>} : memref<128x128xf32, #tpu.memory_space<vmem>>, vector<1x16xf32>,
          %swap3A_737 = vector.shape_cast %swap3A_736 : vector<1x16xf32> to vector<16xf32>
          %swap3A_738 = vector.shape_cast %mul3A_731 : vector<16xf32> to vector<1x16xf32>
          tpu.vector_store %arg12[%swap3A_734, %swap3A_735], %swap3A_738 {strides = array<i32>} : memref<128x128xf32, #tpu.memory_space<vmem>>, vector<1x16xf32>,
          %add3A_739 = arith.constant 5 : i32
          %add3A_740 = arith.addi %mul3A_66, %add3A_739 : i32
          %get3A_741 = arith.index_cast %add3A_740 : i32 to index
          %get3A_742 = arith.constant 64 : index
          %get3A_743 = tpu.vector_load %arg12[%get3A_741, %get3A_742] {strides = array<i32>} : memref<128x128xf32, #tpu.memory_space<vmem>>, vector<1x16xf32>,
          %get3A_744 = vector.shape_cast %get3A_743 : vector<1x16xf32> to vector<16xf32>
          %mul3A_745 = vector.broadcast %squeeze3A_678 : f32 to vector<16xf32>
          %mul3A_746 = arith.mulf %get3A_744, %mul3A_745 : vector<16xf32>
          %add3A_747 = arith.constant 5 : i32
          %add3A_748 = arith.addi %mul3A_66, %add3A_747 : i32
          %swap3A_749 = arith.index_cast %add3A_748 : i32 to index
          %swap3A_750 = arith.constant 64 : index
          %swap3A_751 = tpu.vector_load %arg12[%swap3A_749, %swap3A_750] {strides = array<i32>} : memref<128x128xf32, #tpu.memory_space<vmem>>, vector<1x16xf32>,
          %swap3A_752 = vector.shape_cast %swap3A_751 : vector<1x16xf32> to vector<16xf32>
          %swap3A_753 = vector.shape_cast %mul3A_746 : vector<16xf32> to vector<1x16xf32>
          tpu.vector_store %arg12[%swap3A_749, %swap3A_750], %swap3A_753 {strides = array<i32>} : memref<128x128xf32, #tpu.memory_space<vmem>>, vector<1x16xf32>,
          %add3A_754 = arith.constant 5 : i32
          %add3A_755 = arith.addi %mul3A_66, %add3A_754 : i32
          %get3A_756 = arith.index_cast %add3A_755 : i32 to index
          %get3A_757 = arith.constant 80 : index
          %get3A_758 = tpu.vector_load %arg12[%get3A_756, %get3A_757] {strides = array<i32>} : memref<128x128xf32, #tpu.memory_space<vmem>>, vector<1x16xf32>,
          %get3A_759 = vector.shape_cast %get3A_758 : vector<1x16xf32> to vector<16xf32>
          %mul3A_760 = vector.broadcast %squeeze3A_678 : f32 to vector<16xf32>
          %mul3A_761 = arith.mulf %get3A_759, %mul3A_760 : vector<16xf32>
          %add3A_762 = arith.constant 5 : i32
          %add3A_763 = arith.addi %mul3A_66, %add3A_762 : i32
          %swap3A_764 = arith.index_cast %add3A_763 : i32 to index
          %swap3A_765 = arith.constant 80 : index
          %swap3A_766 = tpu.vector_load %arg12[%swap3A_764, %swap3A_765] {strides = array<i32>} : memref<128x128xf32, #tpu.memory_space<vmem>>, vector<1x16xf32>,
          %swap3A_767 = vector.shape_cast %swap3A_766 : vector<1x16xf32> to vector<16xf32>
          %swap3A_768 = vector.shape_cast %mul3A_761 : vector<16xf32> to vector<1x16xf32>
          tpu.vector_store %arg12[%swap3A_764, %swap3A_765], %swap3A_768 {strides = array<i32>} : memref<128x128xf32, #tpu.memory_space<vmem>>, vector<1x16xf32>,
          %add3A_769 = arith.constant 5 : i32
          %add3A_770 = arith.addi %mul3A_66, %add3A_769 : i32
          %get3A_771 = arith.index_cast %add3A_770 : i32 to index
          %get3A_772 = arith.constant 96 : index
          %get3A_773 = tpu.vector_load %arg12[%get3A_771, %get3A_772] {strides = array<i32>} : memref<128x128xf32, #tpu.memory_space<vmem>>, vector<1x16xf32>,
          %get3A_774 = vector.shape_cast %get3A_773 : vector<1x16xf32> to vector<16xf32>
          %mul3A_775 = vector.broadcast %squeeze3A_678 : f32 to vector<16xf32>
          %mul3A_776 = arith.mulf %get3A_774, %mul3A_775 : vector<16xf32>
          %add3A_777 = arith.constant 5 : i32
          %add3A_778 = arith.addi %mul3A_66, %add3A_777 : i32
          %swap3A_779 = arith.index_cast %add3A_778 : i32 to index
          %swap3A_780 = arith.constant 96 : index
          %swap3A_781 = tpu.vector_load %arg12[%swap3A_779, %swap3A_780] {strides = array<i32>} : memref<128x128xf32, #tpu.memory_space<vmem>>, vector<1x16xf32>,
          %swap3A_782 = vector.shape_cast %swap3A_781 : vector<1x16xf32> to vector<16xf32>
          %swap3A_783 = vector.shape_cast %mul3A_776 : vector<16xf32> to vector<1x16xf32>
          tpu.vector_store %arg12[%swap3A_779, %swap3A_780], %swap3A_783 {strides = array<i32>} : memref<128x128xf32, #tpu.memory_space<vmem>>, vector<1x16xf32>,
          %add3A_784 = arith.constant 5 : i32
          %add3A_785 = arith.addi %mul3A_66, %add3A_784 : i32
          %get3A_786 = arith.index_cast %add3A_785 : i32 to index
          %get3A_787 = arith.constant 112 : index
          %get3A_788 = tpu.vector_load %arg12[%get3A_786, %get3A_787] {strides = array<i32>} : memref<128x128xf32, #tpu.memory_space<vmem>>, vector<1x16xf32>,
          %get3A_789 = vector.shape_cast %get3A_788 : vector<1x16xf32> to vector<16xf32>
          %mul3A_790 = vector.broadcast %squeeze3A_678 : f32 to vector<16xf32>
          %mul3A_791 = arith.mulf %get3A_789, %mul3A_790 : vector<16xf32>
          %add3A_792 = arith.constant 5 : i32
          %add3A_793 = arith.addi %mul3A_66, %add3A_792 : i32
          %swap3A_794 = arith.index_cast %add3A_793 : i32 to index
          %swap3A_795 = arith.constant 112 : index
          %swap3A_796 = tpu.vector_load %arg12[%swap3A_794, %swap3A_795] {strides = array<i32>} : memref<128x128xf32, #tpu.memory_space<vmem>>, vector<1x16xf32>,
          %swap3A_797 = vector.shape_cast %swap3A_796 : vector<1x16xf32> to vector<16xf32>
          %swap3A_798 = vector.shape_cast %mul3A_791 : vector<16xf32> to vector<1x16xf32>
          tpu.vector_store %arg12[%swap3A_794, %swap3A_795], %swap3A_798 {strides = array<i32>} : memref<128x128xf32, #tpu.memory_space<vmem>>, vector<1x16xf32>,
          %slice3A_799 = vector.extract_strided_slice %get3A_69 {offsets = [6], sizes = [1], strides = [1]} : vector<16xf32> to vector<1xf32>
          %squeeze3A_800 = vector.extract %slice3A_799[0] : f32 from vector<1xf32>
          %add3A_801 = arith.constant 6 : i32
          %add3A_802 = arith.addi %mul3A_66, %add3A_801 : i32
          %get3A_803 = arith.index_cast %add3A_802 : i32 to index
          %get3A_804 = arith.constant 0 : index
          %get3A_805 = tpu.vector_load %arg12[%get3A_803, %get3A_804] {strides = array<i32>} : memref<128x128xf32, #tpu.memory_space<vmem>>, vector<1x16xf32>,
          %get3A_806 = vector.shape_cast %get3A_805 : vector<1x16xf32> to vector<16xf32>
          %mul3A_807 = vector.broadcast %squeeze3A_800 : f32 to vector<16xf32>
          %mul3A_808 = arith.mulf %get3A_806, %mul3A_807 : vector<16xf32>
          %add3A_809 = arith.constant 6 : i32
          %add3A_810 = arith.addi %mul3A_66, %add3A_809 : i32
          %swap3A_811 = arith.index_cast %add3A_810 : i32 to index
          %swap3A_812 = arith.constant 0 : index
          %swap3A_813 = tpu.vector_load %arg12[%swap3A_811, %swap3A_812] {strides = array<i32>} : memref<128x128xf32, #tpu.memory_space<vmem>>, vector<1x16xf32>,
          %swap3A_814 = vector.shape_cast %swap3A_813 : vector<1x16xf32> to vector<16xf32>
          %swap3A_815 = vector.shape_cast %mul3A_808 : vector<16xf32> to vector<1x16xf32>
          tpu.vector_store %arg12[%swap3A_811, %swap3A_812], %swap3A_815 {strides = array<i32>} : memref<128x128xf32, #tpu.memory_space<vmem>>, vector<1x16xf32>,
          %add3A_816 = arith.constant 6 : i32
          %add3A_817 = arith.addi %mul3A_66, %add3A_816 : i32
          %get3A_818 = arith.index_cast %add3A_817 : i32 to index
          %get3A_819 = arith.constant 16 : index
          %get3A_820 = tpu.vector_load %arg12[%get3A_818, %get3A_819] {strides = array<i32>} : memref<128x128xf32, #tpu.memory_space<vmem>>, vector<1x16xf32>,
          %get3A_821 = vector.shape_cast %get3A_820 : vector<1x16xf32> to vector<16xf32>
          %mul3A_822 = vector.broadcast %squeeze3A_800 : f32 to vector<16xf32>
          %mul3A_823 = arith.mulf %get3A_821, %mul3A_822 : vector<16xf32>
          %add3A_824 = arith.constant 6 : i32
          %add3A_825 = arith.addi %mul3A_66, %add3A_824 : i32
          %swap3A_826 = arith.index_cast %add3A_825 : i32 to index
          %swap3A_827 = arith.constant 16 : index
          %swap3A_828 = tpu.vector_load %arg12[%swap3A_826, %swap3A_827] {strides = array<i32>} : memref<128x128xf32, #tpu.memory_space<vmem>>, vector<1x16xf32>,
          %swap3A_829 = vector.shape_cast %swap3A_828 : vector<1x16xf32> to vector<16xf32>
          %swap3A_830 = vector.shape_cast %mul3A_823 : vector<16xf32> to vector<1x16xf32>
          tpu.vector_store %arg12[%swap3A_826, %swap3A_827], %swap3A_830 {strides = array<i32>} : memref<128x128xf32, #tpu.memory_space<vmem>>, vector<1x16xf32>,
          %add3A_831 = arith.constant 6 : i32
          %add3A_832 = arith.addi %mul3A_66, %add3A_831 : i32
          %get3A_833 = arith.index_cast %add3A_832 : i32 to index
          %get3A_834 = arith.constant 32 : index
          %get3A_835 = tpu.vector_load %arg12[%get3A_833, %get3A_834] {strides = array<i32>} : memref<128x128xf32, #tpu.memory_space<vmem>>, vector<1x16xf32>,
          %get3A_836 = vector.shape_cast %get3A_835 : vector<1x16xf32> to vector<16xf32>
          %mul3A_837 = vector.broadcast %squeeze3A_800 : f32 to vector<16xf32>
          %mul3A_838 = arith.mulf %get3A_836, %mul3A_837 : vector<16xf32>
          %add3A_839 = arith.constant 6 : i32
          %add3A_840 = arith.addi %mul3A_66, %add3A_839 : i32
          %swap3A_841 = arith.index_cast %add3A_840 : i32 to index
          %swap3A_842 = arith.constant 32 : index
          %swap3A_843 = tpu.vector_load %arg12[%swap3A_841, %swap3A_842] {strides = array<i32>} : memref<128x128xf32, #tpu.memory_space<vmem>>, vector<1x16xf32>,
          %swap3A_844 = vector.shape_cast %swap3A_843 : vector<1x16xf32> to vector<16xf32>
          %swap3A_845 = vector.shape_cast %mul3A_838 : vector<16xf32> to vector<1x16xf32>
          tpu.vector_store %arg12[%swap3A_841, %swap3A_842], %swap3A_845 {strides = array<i32>} : memref<128x128xf32, #tpu.memory_space<vmem>>, vector<1x16xf32>,
          %add3A_846 = arith.constant 6 : i32
          %add3A_847 = arith.addi %mul3A_66, %add3A_846 : i32
          %get3A_848 = arith.index_cast %add3A_847 : i32 to index
          %get3A_849 = arith.constant 48 : index
          %get3A_850 = tpu.vector_load %arg12[%get3A_848, %get3A_849] {strides = array<i32>} : memref<128x128xf32, #tpu.memory_space<vmem>>, vector<1x16xf32>,
          %get3A_851 = vector.shape_cast %get3A_850 : vector<1x16xf32> to vector<16xf32>
          %mul3A_852 = vector.broadcast %squeeze3A_800 : f32 to vector<16xf32>
          %mul3A_853 = arith.mulf %get3A_851, %mul3A_852 : vector<16xf32>
          %add3A_854 = arith.constant 6 : i32
          %add3A_855 = arith.addi %mul3A_66, %add3A_854 : i32
          %swap3A_856 = arith.index_cast %add3A_855 : i32 to index
          %swap3A_857 = arith.constant 48 : index
          %swap3A_858 = tpu.vector_load %arg12[%swap3A_856, %swap3A_857] {strides = array<i32>} : memref<128x128xf32, #tpu.memory_space<vmem>>, vector<1x16xf32>,
          %swap3A_859 = vector.shape_cast %swap3A_858 : vector<1x16xf32> to vector<16xf32>
          %swap3A_860 = vector.shape_cast %mul3A_853 : vector<16xf32> to vector<1x16xf32>
          tpu.vector_store %arg12[%swap3A_856, %swap3A_857], %swap3A_860 {strides = array<i32>} : memref<128x128xf32, #tpu.memory_space<vmem>>, vector<1x16xf32>,
          %add3A_861 = arith.constant 6 : i32
          %add3A_862 = arith.addi %mul3A_66, %add3A_861 : i32
          %get3A_863 = arith.index_cast %add3A_862 : i32 to index
          %get3A_864 = arith.constant 64 : index
          %get3A_865 = tpu.vector_load %arg12[%get3A_863, %get3A_864] {strides = array<i32>} : memref<128x128xf32, #tpu.memory_space<vmem>>, vector<1x16xf32>,
          %get3A_866 = vector.shape_cast %get3A_865 : vector<1x16xf32> to vector<16xf32>
          %mul3A_867 = vector.broadcast %squeeze3A_800 : f32 to vector<16xf32>
          %mul3A_868 = arith.mulf %get3A_866, %mul3A_867 : vector<16xf32>
          %add3A_869 = arith.constant 6 : i32
          %add3A_870 = arith.addi %mul3A_66, %add3A_869 : i32
          %swap3A_871 = arith.index_cast %add3A_870 : i32 to index
          %swap3A_872 = arith.constant 64 : index
          %swap3A_873 = tpu.vector_load %arg12[%swap3A_871, %swap3A_872] {strides = array<i32>} : memref<128x128xf32, #tpu.memory_space<vmem>>, vector<1x16xf32>,
          %swap3A_874 = vector.shape_cast %swap3A_873 : vector<1x16xf32> to vector<16xf32>
          %swap3A_875 = vector.shape_cast %mul3A_868 : vector<16xf32> to vector<1x16xf32>
          tpu.vector_store %arg12[%swap3A_871, %swap3A_872], %swap3A_875 {strides = array<i32>} : memref<128x128xf32, #tpu.memory_space<vmem>>, vector<1x16xf32>,
          %add3A_876 = arith.constant 6 : i32
          %add3A_877 = arith.addi %mul3A_66, %add3A_876 : i32
          %get3A_878 = arith.index_cast %add3A_877 : i32 to index
          %get3A_879 = arith.constant 80 : index
          %get3A_880 = tpu.vector_load %arg12[%get3A_878, %get3A_879] {strides = array<i32>} : memref<128x128xf32, #tpu.memory_space<vmem>>, vector<1x16xf32>,
          %get3A_881 = vector.shape_cast %get3A_880 : vector<1x16xf32> to vector<16xf32>
          %mul3A_882 = vector.broadcast %squeeze3A_800 : f32 to vector<16xf32>
          %mul3A_883 = arith.mulf %get3A_881, %mul3A_882 : vector<16xf32>
          %add3A_884 = arith.constant 6 : i32
          %add3A_885 = arith.addi %mul3A_66, %add3A_884 : i32
          %swap3A_886 = arith.index_cast %add3A_885 : i32 to index
          %swap3A_887 = arith.constant 80 : index
          %swap3A_888 = tpu.vector_load %arg12[%swap3A_886, %swap3A_887] {strides = array<i32>} : memref<128x128xf32, #tpu.memory_space<vmem>>, vector<1x16xf32>,
          %swap3A_889 = vector.shape_cast %swap3A_888 : vector<1x16xf32> to vector<16xf32>
          %swap3A_890 = vector.shape_cast %mul3A_883 : vector<16xf32> to vector<1x16xf32>
          tpu.vector_store %arg12[%swap3A_886, %swap3A_887], %swap3A_890 {strides = array<i32>} : memref<128x128xf32, #tpu.memory_space<vmem>>, vector<1x16xf32>,
          %add3A_891 = arith.constant 6 : i32
          %add3A_892 = arith.addi %mul3A_66, %add3A_891 : i32
          %get3A_893 = arith.index_cast %add3A_892 : i32 to index
          %get3A_894 = arith.constant 96 : index
          %get3A_895 = tpu.vector_load %arg12[%get3A_893, %get3A_894] {strides = array<i32>} : memref<128x128xf32, #tpu.memory_space<vmem>>, vector<1x16xf32>,
          %get3A_896 = vector.shape_cast %get3A_895 : vector<1x16xf32> to vector<16xf32>
          %mul3A_897 = vector.broadcast %squeeze3A_800 : f32 to vector<16xf32>
          %mul3A_898 = arith.mulf %get3A_896, %mul3A_897 : vector<16xf32>
          %add3A_899 = arith.constant 6 : i32
          %add3A_900 = arith.addi %mul3A_66, %add3A_899 : i32
          %swap3A_901 = arith.index_cast %add3A_900 : i32 to index
          %swap3A_902 = arith.constant 96 : index
          %swap3A_903 = tpu.vector_load %arg12[%swap3A_901, %swap3A_902] {strides = array<i32>} : memref<128x128xf32, #tpu.memory_space<vmem>>, vector<1x16xf32>,
          %swap3A_904 = vector.shape_cast %swap3A_903 : vector<1x16xf32> to vector<16xf32>
          %swap3A_905 = vector.shape_cast %mul3A_898 : vector<16xf32> to vector<1x16xf32>
          tpu.vector_store %arg12[%swap3A_901, %swap3A_902], %swap3A_905 {strides = array<i32>} : memref<128x128xf32, #tpu.memory_space<vmem>>, vector<1x16xf32>,
          %add3A_906 = arith.constant 6 : i32
          %add3A_907 = arith.addi %mul3A_66, %add3A_906 : i32
          %get3A_908 = arith.index_cast %add3A_907 : i32 to index
          %get3A_909 = arith.constant 112 : index
          %get3A_910 = tpu.vector_load %arg12[%get3A_908, %get3A_909] {strides = array<i32>} : memref<128x128xf32, #tpu.memory_space<vmem>>, vector<1x16xf32>,
          %get3A_911 = vector.shape_cast %get3A_910 : vector<1x16xf32> to vector<16xf32>
          %mul3A_912 = vector.broadcast %squeeze3A_800 : f32 to vector<16xf32>
          %mul3A_913 = arith.mulf %get3A_911, %mul3A_912 : vector<16xf32>
          %add3A_914 = arith.constant 6 : i32
          %add3A_915 = arith.addi %mul3A_66, %add3A_914 : i32
          %swap3A_916 = arith.index_cast %add3A_915 : i32 to index
          %swap3A_917 = arith.constant 112 : index
          %swap3A_918 = tpu.vector_load %arg12[%swap3A_916, %swap3A_917] {strides = array<i32>} : memref<128x128xf32, #tpu.memory_space<vmem>>, vector<1x16xf32>,
          %swap3A_919 = vector.shape_cast %swap3A_918 : vector<1x16xf32> to vector<16xf32>
          %swap3A_920 = vector.shape_cast %mul3A_913 : vector<16xf32> to vector<1x16xf32>
          tpu.vector_store %arg12[%swap3A_916, %swap3A_917], %swap3A_920 {strides = array<i32>} : memref<128x128xf32, #tpu.memory_space<vmem>>, vector<1x16xf32>,
          %slice3A_921 = vector.extract_strided_slice %get3A_69 {offsets = [7], sizes = [1], strides = [1]} : vector<16xf32> to vector<1xf32>
          %squeeze3A_922 = vector.extract %slice3A_921[0] : f32 from vector<1xf32>
          %add3A_923 = arith.constant 7 : i32
          %add3A_924 = arith.addi %mul3A_66, %add3A_923 : i32
          %get3A_925 = arith.index_cast %add3A_924 : i32 to index
          %get3A_926 = arith.constant 0 : index
          %get3A_927 = tpu.vector_load %arg12[%get3A_925, %get3A_926] {strides = array<i32>} : memref<128x128xf32, #tpu.memory_space<vmem>>, vector<1x16xf32>,
          %get3A_928 = vector.shape_cast %get3A_927 : vector<1x16xf32> to vector<16xf32>
          %mul3A_929 = vector.broadcast %squeeze3A_922 : f32 to vector<16xf32>
          %mul3A_930 = arith.mulf %get3A_928, %mul3A_929 : vector<16xf32>
          %add3A_931 = arith.constant 7 : i32
          %add3A_932 = arith.addi %mul3A_66, %add3A_931 : i32
          %swap3A_933 = arith.index_cast %add3A_932 : i32 to index
          %swap3A_934 = arith.constant 0 : index
          %swap3A_935 = tpu.vector_load %arg12[%swap3A_933, %swap3A_934] {strides = array<i32>} : memref<128x128xf32, #tpu.memory_space<vmem>>, vector<1x16xf32>,
          %swap3A_936 = vector.shape_cast %swap3A_935 : vector<1x16xf32> to vector<16xf32>
          %swap3A_937 = vector.shape_cast %mul3A_930 : vector<16xf32> to vector<1x16xf32>
          tpu.vector_store %arg12[%swap3A_933, %swap3A_934], %swap3A_937 {strides = array<i32>} : memref<128x128xf32, #tpu.memory_space<vmem>>, vector<1x16xf32>,
          %add3A_938 = arith.constant 7 : i32
          %add3A_939 = arith.addi %mul3A_66, %add3A_938 : i32
          %get3A_940 = arith.index_cast %add3A_939 : i32 to index
          %get3A_941 = arith.constant 16 : index
          %get3A_942 = tpu.vector_load %arg12[%get3A_940, %get3A_941] {strides = array<i32>} : memref<128x128xf32, #tpu.memory_space<vmem>>, vector<1x16xf32>,
          %get3A_943 = vector.shape_cast %get3A_942 : vector<1x16xf32> to vector<16xf32>
          %mul3A_944 = vector.broadcast %squeeze3A_922 : f32 to vector<16xf32>
          %mul3A_945 = arith.mulf %get3A_943, %mul3A_944 : vector<16xf32>
          %add3A_946 = arith.constant 7 : i32
          %add3A_947 = arith.addi %mul3A_66, %add3A_946 : i32
          %swap3A_948 = arith.index_cast %add3A_947 : i32 to index
          %swap3A_949 = arith.constant 16 : index
          %swap3A_950 = tpu.vector_load %arg12[%swap3A_948, %swap3A_949] {strides = array<i32>} : memref<128x128xf32, #tpu.memory_space<vmem>>, vector<1x16xf32>,
          %swap3A_951 = vector.shape_cast %swap3A_950 : vector<1x16xf32> to vector<16xf32>
          %swap3A_952 = vector.shape_cast %mul3A_945 : vector<16xf32> to vector<1x16xf32>
          tpu.vector_store %arg12[%swap3A_948, %swap3A_949], %swap3A_952 {strides = array<i32>} : memref<128x128xf32, #tpu.memory_space<vmem>>, vector<1x16xf32>,
          %add3A_953 = arith.constant 7 : i32
          %add3A_954 = arith.addi %mul3A_66, %add3A_953 : i32
          %get3A_955 = arith.index_cast %add3A_954 : i32 to index
          %get3A_956 = arith.constant 32 : index
          %get3A_957 = tpu.vector_load %arg12[%get3A_955, %get3A_956] {strides = array<i32>} : memref<128x128xf32, #tpu.memory_space<vmem>>, vector<1x16xf32>,
          %get3A_958 = vector.shape_cast %get3A_957 : vector<1x16xf32> to vector<16xf32>
          %mul3A_959 = vector.broadcast %squeeze3A_922 : f32 to vector<16xf32>
          %mul3A_960 = arith.mulf %get3A_958, %mul3A_959 : vector<16xf32>
          %add3A_961 = arith.constant 7 : i32
          %add3A_962 = arith.addi %mul3A_66, %add3A_961 : i32
          %swap3A_963 = arith.index_cast %add3A_962 : i32 to index
          %swap3A_964 = arith.constant 32 : index
          %swap3A_965 = tpu.vector_load %arg12[%swap3A_963, %swap3A_964] {strides = array<i32>} : memref<128x128xf32, #tpu.memory_space<vmem>>, vector<1x16xf32>,
          %swap3A_966 = vector.shape_cast %swap3A_965 : vector<1x16xf32> to vector<16xf32>
          %swap3A_967 = vector.shape_cast %mul3A_960 : vector<16xf32> to vector<1x16xf32>
          tpu.vector_store %arg12[%swap3A_963, %swap3A_964], %swap3A_967 {strides = array<i32>} : memref<128x128xf32, #tpu.memory_space<vmem>>, vector<1x16xf32>,
          %add3A_968 = arith.constant 7 : i32
          %add3A_969 = arith.addi %mul3A_66, %add3A_968 : i32
          %get3A_970 = arith.index_cast %add3A_969 : i32 to index
          %get3A_971 = arith.constant 48 : index
          %get3A_972 = tpu.vector_load %arg12[%get3A_970, %get3A_971] {strides = array<i32>} : memref<128x128xf32, #tpu.memory_space<vmem>>, vector<1x16xf32>,
          %get3A_973 = vector.shape_cast %get3A_972 : vector<1x16xf32> to vector<16xf32>
          %mul3A_974 = vector.broadcast %squeeze3A_922 : f32 to vector<16xf32>
          %mul3A_975 = arith.mulf %get3A_973, %mul3A_974 : vector<16xf32>
          %add3A_976 = arith.constant 7 : i32
          %add3A_977 = arith.addi %mul3A_66, %add3A_976 : i32
          %swap3A_978 = arith.index_cast %add3A_977 : i32 to index
          %swap3A_979 = arith.constant 48 : index
          %swap3A_980 = tpu.vector_load %arg12[%swap3A_978, %swap3A_979] {strides = array<i32>} : memref<128x128xf32, #tpu.memory_space<vmem>>, vector<1x16xf32>,
          %swap3A_981 = vector.shape_cast %swap3A_980 : vector<1x16xf32> to vector<16xf32>
          %swap3A_982 = vector.shape_cast %mul3A_975 : vector<16xf32> to vector<1x16xf32>
          tpu.vector_store %arg12[%swap3A_978, %swap3A_979], %swap3A_982 {strides = array<i32>} : memref<128x128xf32, #tpu.memory_space<vmem>>, vector<1x16xf32>,
          %add3A_983 = arith.constant 7 : i32
          %add3A_984 = arith.addi %mul3A_66, %add3A_983 : i32
          %get3A_985 = arith.index_cast %add3A_984 : i32 to index
          %get3A_986 = arith.constant 64 : index
          %get3A_987 = tpu.vector_load %arg12[%get3A_985, %get3A_986] {strides = array<i32>} : memref<128x128xf32, #tpu.memory_space<vmem>>, vector<1x16xf32>,
          %get3A_988 = vector.shape_cast %get3A_987 : vector<1x16xf32> to vector<16xf32>
          %mul3A_989 = vector.broadcast %squeeze3A_922 : f32 to vector<16xf32>
          %mul3A_990 = arith.mulf %get3A_988, %mul3A_989 : vector<16xf32>
          %add3A_991 = arith.constant 7 : i32
          %add3A_992 = arith.addi %mul3A_66, %add3A_991 : i32
          %swap3A_993 = arith.index_cast %add3A_992 : i32 to index
          %swap3A_994 = arith.constant 64 : index
          %swap3A_995 = tpu.vector_load %arg12[%swap3A_993, %swap3A_994] {strides = array<i32>} : memref<128x128xf32, #tpu.memory_space<vmem>>, vector<1x16xf32>,
          %swap3A_996 = vector.shape_cast %swap3A_995 : vector<1x16xf32> to vector<16xf32>
          %swap3A_997 = vector.shape_cast %mul3A_990 : vector<16xf32> to vector<1x16xf32>
          tpu.vector_store %arg12[%swap3A_993, %swap3A_994], %swap3A_997 {strides = array<i32>} : memref<128x128xf32, #tpu.memory_space<vmem>>, vector<1x16xf32>,
          %add3A_998 = arith.constant 7 : i32
          %add3A_999 = arith.addi %mul3A_66, %add3A_998 : i32
          %get3A_1000 = arith.index_cast %add3A_999 : i32 to index
          %get3A_1001 = arith.constant 80 : index
          %get3A_1002 = tpu.vector_load %arg12[%get3A_1000, %get3A_1001] {strides = array<i32>} : memref<128x128xf32, #tpu.memory_space<vmem>>, vector<1x16xf32>,
          %get3A_1003 = vector.shape_cast %get3A_1002 : vector<1x16xf32> to vector<16xf32>
          %mul3A_1004 = vector.broadcast %squeeze3A_922 : f32 to vector<16xf32>
          %mul3A_1005 = arith.mulf %get3A_1003, %mul3A_1004 : vector<16xf32>
          %add3A_1006 = arith.constant 7 : i32
          %add3A_1007 = arith.addi %mul3A_66, %add3A_1006 : i32
          %swap3A_1008 = arith.index_cast %add3A_1007 : i32 to index
          %swap3A_1009 = arith.constant 80 : index
          %swap3A_1010 = tpu.vector_load %arg12[%swap3A_1008, %swap3A_1009] {strides = array<i32>} : memref<128x128xf32, #tpu.memory_space<vmem>>, vector<1x16xf32>,
          %swap3A_1011 = vector.shape_cast %swap3A_1010 : vector<1x16xf32> to vector<16xf32>
          %swap3A_1012 = vector.shape_cast %mul3A_1005 : vector<16xf32> to vector<1x16xf32>
          tpu.vector_store %arg12[%swap3A_1008, %swap3A_1009], %swap3A_1012 {strides = array<i32>} : memref<128x128xf32, #tpu.memory_space<vmem>>, vector<1x16xf32>,
          %add3A_1013 = arith.constant 7 : i32
          %add3A_1014 = arith.addi %mul3A_66, %add3A_1013 : i32
          %get3A_1015 = arith.index_cast %add3A_1014 : i32 to index
          %get3A_1016 = arith.constant 96 : index
          %get3A_1017 = tpu.vector_load %arg12[%get3A_1015, %get3A_1016] {strides = array<i32>} : memref<128x128xf32, #tpu.memory_space<vmem>>, vector<1x16xf32>,
          %get3A_1018 = vector.shape_cast %get3A_1017 : vector<1x16xf32> to vector<16xf32>
          %mul3A_1019 = vector.broadcast %squeeze3A_922 : f32 to vector<16xf32>
          %mul3A_1020 = arith.mulf %get3A_1018, %mul3A_1019 : vector<16xf32>
          %add3A_1021 = arith.constant 7 : i32
          %add3A_1022 = arith.addi %mul3A_66, %add3A_1021 : i32
          %swap3A_1023 = arith.index_cast %add3A_1022 : i32 to index
          %swap3A_1024 = arith.constant 96 : index
          %swap3A_1025 = tpu.vector_load %arg12[%swap3A_1023, %swap3A_1024] {strides = array<i32>} : memref<128x128xf32, #tpu.memory_space<vmem>>, vector<1x16xf32>,
          %swap3A_1026 = vector.shape_cast %swap3A_1025 : vector<1x16xf32> to vector<16xf32>
          %swap3A_1027 = vector.shape_cast %mul3A_1020 : vector<16xf32> to vector<1x16xf32>
          tpu.vector_store %arg12[%swap3A_1023, %swap3A_1024], %swap3A_1027 {strides = array<i32>} : memref<128x128xf32, #tpu.memory_space<vmem>>, vector<1x16xf32>,
          %add3A_1028 = arith.constant 7 : i32
          %add3A_1029 = arith.addi %mul3A_66, %add3A_1028 : i32
          %get3A_1030 = arith.index_cast %add3A_1029 : i32 to index
          %get3A_1031 = arith.constant 112 : index
          %get3A_1032 = tpu.vector_load %arg12[%get3A_1030, %get3A_1031] {strides = array<i32>} : memref<128x128xf32, #tpu.memory_space<vmem>>, vector<1x16xf32>,
          %get3A_1033 = vector.shape_cast %get3A_1032 : vector<1x16xf32> to vector<16xf32>
          %mul3A_1034 = vector.broadcast %squeeze3A_922 : f32 to vector<16xf32>
          %mul3A_1035 = arith.mulf %get3A_1033, %mul3A_1034 : vector<16xf32>
          %add3A_1036 = arith.constant 7 : i32
          %add3A_1037 = arith.addi %mul3A_66, %add3A_1036 : i32
          %swap3A_1038 = arith.index_cast %add3A_1037 : i32 to index
          %swap3A_1039 = arith.constant 112 : index
          %swap3A_1040 = tpu.vector_load %arg12[%swap3A_1038, %swap3A_1039] {strides = array<i32>} : memref<128x128xf32, #tpu.memory_space<vmem>>, vector<1x16xf32>,
          %swap3A_1041 = vector.shape_cast %swap3A_1040 : vector<1x16xf32> to vector<16xf32>
          %swap3A_1042 = vector.shape_cast %mul3A_1035 : vector<16xf32> to vector<1x16xf32>
          tpu.vector_store %arg12[%swap3A_1038, %swap3A_1039], %swap3A_1042 {strides = array<i32>} : memref<128x128xf32, #tpu.memory_space<vmem>>, vector<1x16xf32>,
          %slice3A_1043 = vector.extract_strided_slice %get3A_69 {offsets = [8], sizes = [1], strides = [1]} : vector<16xf32> to vector<1xf32>
          %squeeze3A_1044 = vector.extract %slice3A_1043[0] : f32 from vector<1xf32>
          %add3A_1045 = arith.constant 8 : i32
          %add3A_1046 = arith.addi %mul3A_66, %add3A_1045 : i32
          %get3A_1047 = arith.index_cast %add3A_1046 : i32 to index
          %get3A_1048 = arith.constant 0 : index
          %get3A_1049 = tpu.vector_load %arg12[%get3A_1047, %get3A_1048] {strides = array<i32>} : memref<128x128xf32, #tpu.memory_space<vmem>>, vector<1x16xf32>,
          %get3A_1050 = vector.shape_cast %get3A_1049 : vector<1x16xf32> to vector<16xf32>
          %mul3A_1051 = vector.broadcast %squeeze3A_1044 : f32 to vector<16xf32>
          %mul3A_1052 = arith.mulf %get3A_1050, %mul3A_1051 : vector<16xf32>
          %add3A_1053 = arith.constant 8 : i32
          %add3A_1054 = arith.addi %mul3A_66, %add3A_1053 : i32
          %swap3A_1055 = arith.index_cast %add3A_1054 : i32 to index
          %swap3A_1056 = arith.constant 0 : index
          %swap3A_1057 = tpu.vector_load %arg12[%swap3A_1055, %swap3A_1056] {strides = array<i32>} : memref<128x128xf32, #tpu.memory_space<vmem>>, vector<1x16xf32>,
          %swap3A_1058 = vector.shape_cast %swap3A_1057 : vector<1x16xf32> to vector<16xf32>
          %swap3A_1059 = vector.shape_cast %mul3A_1052 : vector<16xf32> to vector<1x16xf32>
          tpu.vector_store %arg12[%swap3A_1055, %swap3A_1056], %swap3A_1059 {strides = array<i32>} : memref<128x128xf32, #tpu.memory_space<vmem>>, vector<1x16xf32>,
          %add3A_1060 = arith.constant 8 : i32
          %add3A_1061 = arith.addi %mul3A_66, %add3A_1060 : i32
          %get3A_1062 = arith.index_cast %add3A_1061 : i32 to index
          %get3A_1063 = arith.constant 16 : index
          %get3A_1064 = tpu.vector_load %arg12[%get3A_1062, %get3A_1063] {strides = array<i32>} : memref<128x128xf32, #tpu.memory_space<vmem>>, vector<1x16xf32>,
          %get3A_1065 = vector.shape_cast %get3A_1064 : vector<1x16xf32> to vector<16xf32>
          %mul3A_1066 = vector.broadcast %squeeze3A_1044 : f32 to vector<16xf32>
          %mul3A_1067 = arith.mulf %get3A_1065, %mul3A_1066 : vector<16xf32>
          %add3A_1068 = arith.constant 8 : i32
          %add3A_1069 = arith.addi %mul3A_66, %add3A_1068 : i32
          %swap3A_1070 = arith.index_cast %add3A_1069 : i32 to index
          %swap3A_1071 = arith.constant 16 : index
          %swap3A_1072 = tpu.vector_load %arg12[%swap3A_1070, %swap3A_1071] {strides = array<i32>} : memref<128x128xf32, #tpu.memory_space<vmem>>, vector<1x16xf32>,
          %swap3A_1073 = vector.shape_cast %swap3A_1072 : vector<1x16xf32> to vector<16xf32>
          %swap3A_1074 = vector.shape_cast %mul3A_1067 : vector<16xf32> to vector<1x16xf32>
          tpu.vector_store %arg12[%swap3A_1070, %swap3A_1071], %swap3A_1074 {strides = array<i32>} : memref<128x128xf32, #tpu.memory_space<vmem>>, vector<1x16xf32>,
          %add3A_1075 = arith.constant 8 : i32
          %add3A_1076 = arith.addi %mul3A_66, %add3A_1075 : i32
          %get3A_1077 = arith.index_cast %add3A_1076 : i32 to index
          %get3A_1078 = arith.constant 32 : index
          %get3A_1079 = tpu.vector_load %arg12[%get3A_1077, %get3A_1078] {strides = array<i32>} : memref<128x128xf32, #tpu.memory_space<vmem>>, vector<1x16xf32>,
          %get3A_1080 = vector.shape_cast %get3A_1079 : vector<1x16xf32> to vector<16xf32>
          %mul3A_1081 = vector.broadcast %squeeze3A_1044 : f32 to vector<16xf32>
          %mul3A_1082 = arith.mulf %get3A_1080, %mul3A_1081 : vector<16xf32>
          %add3A_1083 = arith.constant 8 : i32
          %add3A_1084 = arith.addi %mul3A_66, %add3A_1083 : i32
          %swap3A_1085 = arith.index_cast %add3A_1084 : i32 to index
          %swap3A_1086 = arith.constant 32 : index
          %swap3A_1087 = tpu.vector_load %arg12[%swap3A_1085, %swap3A_1086] {strides = array<i32>} : memref<128x128xf32, #tpu.memory_space<vmem>>, vector<1x16xf32>,
          %swap3A_1088 = vector.shape_cast %swap3A_1087 : vector<1x16xf32> to vector<16xf32>
          %swap3A_1089 = vector.shape_cast %mul3A_1082 : vector<16xf32> to vector<1x16xf32>
          tpu.vector_store %arg12[%swap3A_1085, %swap3A_1086], %swap3A_1089 {strides = array<i32>} : memref<128x128xf32, #tpu.memory_space<vmem>>, vector<1x16xf32>,
          %add3A_1090 = arith.constant 8 : i32
          %add3A_1091 = arith.addi %mul3A_66, %add3A_1090 : i32
          %get3A_1092 = arith.index_cast %add3A_1091 : i32 to index
          %get3A_1093 = arith.constant 48 : index
          %get3A_1094 = tpu.vector_load %arg12[%get3A_1092, %get3A_1093] {strides = array<i32>} : memref<128x128xf32, #tpu.memory_space<vmem>>, vector<1x16xf32>,
          %get3A_1095 = vector.shape_cast %get3A_1094 : vector<1x16xf32> to vector<16xf32>
          %mul3A_1096 = vector.broadcast %squeeze3A_1044 : f32 to vector<16xf32>
          %mul3A_1097 = arith.mulf %get3A_1095, %mul3A_1096 : vector<16xf32>
          %add3A_1098 = arith.constant 8 : i32
          %add3A_1099 = arith.addi %mul3A_66, %add3A_1098 : i32
          %swap3A_1100 = arith.index_cast %add3A_1099 : i32 to index
          %swap3A_1101 = arith.constant 48 : index
          %swap3A_1102 = tpu.vector_load %arg12[%swap3A_1100, %swap3A_1101] {strides = array<i32>} : memref<128x128xf32, #tpu.memory_space<vmem>>, vector<1x16xf32>,
          %swap3A_1103 = vector.shape_cast %swap3A_1102 : vector<1x16xf32> to vector<16xf32>
          %swap3A_1104 = vector.shape_cast %mul3A_1097 : vector<16xf32> to vector<1x16xf32>
          tpu.vector_store %arg12[%swap3A_1100, %swap3A_1101], %swap3A_1104 {strides = array<i32>} : memref<128x128xf32, #tpu.memory_space<vmem>>, vector<1x16xf32>,
          %add3A_1105 = arith.constant 8 : i32
          %add3A_1106 = arith.addi %mul3A_66, %add3A_1105 : i32
          %get3A_1107 = arith.index_cast %add3A_1106 : i32 to index
          %get3A_1108 = arith.constant 64 : index
          %get3A_1109 = tpu.vector_load %arg12[%get3A_1107, %get3A_1108] {strides = array<i32>} : memref<128x128xf32, #tpu.memory_space<vmem>>, vector<1x16xf32>,
          %get3A_1110 = vector.shape_cast %get3A_1109 : vector<1x16xf32> to vector<16xf32>
          %mul3A_1111 = vector.broadcast %squeeze3A_1044 : f32 to vector<16xf32>
          %mul3A_1112 = arith.mulf %get3A_1110, %mul3A_1111 : vector<16xf32>
          %add3A_1113 = arith.constant 8 : i32
          %add3A_1114 = arith.addi %mul3A_66, %add3A_1113 : i32
          %swap3A_1115 = arith.index_cast %add3A_1114 : i32 to index
          %swap3A_1116 = arith.constant 64 : index
          %swap3A_1117 = tpu.vector_load %arg12[%swap3A_1115, %swap3A_1116] {strides = array<i32>} : memref<128x128xf32, #tpu.memory_space<vmem>>, vector<1x16xf32>,
          %swap3A_1118 = vector.shape_cast %swap3A_1117 : vector<1x16xf32> to vector<16xf32>
          %swap3A_1119 = vector.shape_cast %mul3A_1112 : vector<16xf32> to vector<1x16xf32>
          tpu.vector_store %arg12[%swap3A_1115, %swap3A_1116], %swap3A_1119 {strides = array<i32>} : memref<128x128xf32, #tpu.memory_space<vmem>>, vector<1x16xf32>,
          %add3A_1120 = arith.constant 8 : i32
          %add3A_1121 = arith.addi %mul3A_66, %add3A_1120 : i32
          %get3A_1122 = arith.index_cast %add3A_1121 : i32 to index
          %get3A_1123 = arith.constant 80 : index
          %get3A_1124 = tpu.vector_load %arg12[%get3A_1122, %get3A_1123] {strides = array<i32>} : memref<128x128xf32, #tpu.memory_space<vmem>>, vector<1x16xf32>,
          %get3A_1125 = vector.shape_cast %get3A_1124 : vector<1x16xf32> to vector<16xf32>
          %mul3A_1126 = vector.broadcast %squeeze3A_1044 : f32 to vector<16xf32>
          %mul3A_1127 = arith.mulf %get3A_1125, %mul3A_1126 : vector<16xf32>
          %add3A_1128 = arith.constant 8 : i32
          %add3A_1129 = arith.addi %mul3A_66, %add3A_1128 : i32
          %swap3A_1130 = arith.index_cast %add3A_1129 : i32 to index
          %swap3A_1131 = arith.constant 80 : index
          %swap3A_1132 = tpu.vector_load %arg12[%swap3A_1130, %swap3A_1131] {strides = array<i32>} : memref<128x128xf32, #tpu.memory_space<vmem>>, vector<1x16xf32>,
          %swap3A_1133 = vector.shape_cast %swap3A_1132 : vector<1x16xf32> to vector<16xf32>
          %swap3A_1134 = vector.shape_cast %mul3A_1127 : vector<16xf32> to vector<1x16xf32>
          tpu.vector_store %arg12[%swap3A_1130, %swap3A_1131], %swap3A_1134 {strides = array<i32>} : memref<128x128xf32, #tpu.memory_space<vmem>>, vector<1x16xf32>,
          %add3A_1135 = arith.constant 8 : i32
          %add3A_1136 = arith.addi %mul3A_66, %add3A_1135 : i32
          %get3A_1137 = arith.index_cast %add3A_1136 : i32 to index
          %get3A_1138 = arith.constant 96 : index
          %get3A_1139 = tpu.vector_load %arg12[%get3A_1137, %get3A_1138] {strides = array<i32>} : memref<128x128xf32, #tpu.memory_space<vmem>>, vector<1x16xf32>,
          %get3A_1140 = vector.shape_cast %get3A_1139 : vector<1x16xf32> to vector<16xf32>
          %mul3A_1141 = vector.broadcast %squeeze3A_1044 : f32 to vector<16xf32>
          %mul3A_1142 = arith.mulf %get3A_1140, %mul3A_1141 : vector<16xf32>
          %add3A_1143 = arith.constant 8 : i32
          %add3A_1144 = arith.addi %mul3A_66, %add3A_1143 : i32
          %swap3A_1145 = arith.index_cast %add3A_1144 : i32 to index
          %swap3A_1146 = arith.constant 96 : index
          %swap3A_1147 = tpu.vector_load %arg12[%swap3A_1145, %swap3A_1146] {strides = array<i32>} : memref<128x128xf32, #tpu.memory_space<vmem>>, vector<1x16xf32>,
          %swap3A_1148 = vector.shape_cast %swap3A_1147 : vector<1x16xf32> to vector<16xf32>
          %swap3A_1149 = vector.shape_cast %mul3A_1142 : vector<16xf32> to vector<1x16xf32>
          tpu.vector_store %arg12[%swap3A_1145, %swap3A_1146], %swap3A_1149 {strides = array<i32>} : memref<128x128xf32, #tpu.memory_space<vmem>>, vector<1x16xf32>,
          %add3A_1150 = arith.constant 8 : i32
          %add3A_1151 = arith.addi %mul3A_66, %add3A_1150 : i32
          %get3A_1152 = arith.index_cast %add3A_1151 : i32 to index
          %get3A_1153 = arith.constant 112 : index
          %get3A_1154 = tpu.vector_load %arg12[%get3A_1152, %get3A_1153] {strides = array<i32>} : memref<128x128xf32, #tpu.memory_space<vmem>>, vector<1x16xf32>,
          %get3A_1155 = vector.shape_cast %get3A_1154 : vector<1x16xf32> to vector<16xf32>
          %mul3A_1156 = vector.broadcast %squeeze3A_1044 : f32 to vector<16xf32>
          %mul3A_1157 = arith.mulf %get3A_1155, %mul3A_1156 : vector<16xf32>
          %add3A_1158 = arith.constant 8 : i32
          %add3A_1159 = arith.addi %mul3A_66, %add3A_1158 : i32
          %swap3A_1160 = arith.index_cast %add3A_1159 : i32 to index
          %swap3A_1161 = arith.constant 112 : index
          %swap3A_1162 = tpu.vector_load %arg12[%swap3A_1160, %swap3A_1161] {strides = array<i32>} : memref<128x128xf32, #tpu.memory_space<vmem>>, vector<1x16xf32>,
          %swap3A_1163 = vector.shape_cast %swap3A_1162 : vector<1x16xf32> to vector<16xf32>
          %swap3A_1164 = vector.shape_cast %mul3A_1157 : vector<16xf32> to vector<1x16xf32>
          tpu.vector_store %arg12[%swap3A_1160, %swap3A_1161], %swap3A_1164 {strides = array<i32>} : memref<128x128xf32, #tpu.memory_space<vmem>>, vector<1x16xf32>,
          %slice3A_1165 = vector.extract_strided_slice %get3A_69 {offsets = [9], sizes = [1], strides = [1]} : vector<16xf32> to vector<1xf32>
          %squeeze3A_1166 = vector.extract %slice3A_1165[0] : f32 from vector<1xf32>
          %add3A_1167 = arith.constant 9 : i32
          %add3A_1168 = arith.addi %mul3A_66, %add3A_1167 : i32
          %get3A_1169 = arith.index_cast %add3A_1168 : i32 to index
          %get3A_1170 = arith.constant 0 : index
          %get3A_1171 = tpu.vector_load %arg12[%get3A_1169, %get3A_1170] {strides = array<i32>} : memref<128x128xf32, #tpu.memory_space<vmem>>, vector<1x16xf32>,
          %get3A_1172 = vector.shape_cast %get3A_1171 : vector<1x16xf32> to vector<16xf32>
          %mul3A_1173 = vector.broadcast %squeeze3A_1166 : f32 to vector<16xf32>
          %mul3A_1174 = arith.mulf %get3A_1172, %mul3A_1173 : vector<16xf32>
          %add3A_1175 = arith.constant 9 : i32
          %add3A_1176 = arith.addi %mul3A_66, %add3A_1175 : i32
          %swap3A_1177 = arith.index_cast %add3A_1176 : i32 to index
          %swap3A_1178 = arith.constant 0 : index
          %swap3A_1179 = tpu.vector_load %arg12[%swap3A_1177, %swap3A_1178] {strides = array<i32>} : memref<128x128xf32, #tpu.memory_space<vmem>>, vector<1x16xf32>,
          %swap3A_1180 = vector.shape_cast %swap3A_1179 : vector<1x16xf32> to vector<16xf32>
          %swap3A_1181 = vector.shape_cast %mul3A_1174 : vector<16xf32> to vector<1x16xf32>
          tpu.vector_store %arg12[%swap3A_1177, %swap3A_1178], %swap3A_1181 {strides = array<i32>} : memref<128x128xf32, #tpu.memory_space<vmem>>, vector<1x16xf32>,
          %add3A_1182 = arith.constant 9 : i32
          %add3A_1183 = arith.addi %mul3A_66, %add3A_1182 : i32
          %get3A_1184 = arith.index_cast %add3A_1183 : i32 to index
          %get3A_1185 = arith.constant 16 : index
          %get3A_1186 = tpu.vector_load %arg12[%get3A_1184, %get3A_1185] {strides = array<i32>} : memref<128x128xf32, #tpu.memory_space<vmem>>, vector<1x16xf32>,
          %get3A_1187 = vector.shape_cast %get3A_1186 : vector<1x16xf32> to vector<16xf32>
          %mul3A_1188 = vector.broadcast %squeeze3A_1166 : f32 to vector<16xf32>
          %mul3A_1189 = arith.mulf %get3A_1187, %mul3A_1188 : vector<16xf32>
          %add3A_1190 = arith.constant 9 : i32
          %add3A_1191 = arith.addi %mul3A_66, %add3A_1190 : i32
          %swap3A_1192 = arith.index_cast %add3A_1191 : i32 to index
          %swap3A_1193 = arith.constant 16 : index
          %swap3A_1194 = tpu.vector_load %arg12[%swap3A_1192, %swap3A_1193] {strides = array<i32>} : memref<128x128xf32, #tpu.memory_space<vmem>>, vector<1x16xf32>,
          %swap3A_1195 = vector.shape_cast %swap3A_1194 : vector<1x16xf32> to vector<16xf32>
          %swap3A_1196 = vector.shape_cast %mul3A_1189 : vector<16xf32> to vector<1x16xf32>
          tpu.vector_store %arg12[%swap3A_1192, %swap3A_1193], %swap3A_1196 {strides = array<i32>} : memref<128x128xf32, #tpu.memory_space<vmem>>, vector<1x16xf32>,
          %add3A_1197 = arith.constant 9 : i32
          %add3A_1198 = arith.addi %mul3A_66, %add3A_1197 : i32
          %get3A_1199 = arith.index_cast %add3A_1198 : i32 to index
          %get3A_1200 = arith.constant 32 : index
          %get3A_1201 = tpu.vector_load %arg12[%get3A_1199, %get3A_1200] {strides = array<i32>} : memref<128x128xf32, #tpu.memory_space<vmem>>, vector<1x16xf32>,
          %get3A_1202 = vector.shape_cast %get3A_1201 : vector<1x16xf32> to vector<16xf32>
          %mul3A_1203 = vector.broadcast %squeeze3A_1166 : f32 to vector<16xf32>
          %mul3A_1204 = arith.mulf %get3A_1202, %mul3A_1203 : vector<16xf32>
          %add3A_1205 = arith.constant 9 : i32
          %add3A_1206 = arith.addi %mul3A_66, %add3A_1205 : i32
          %swap3A_1207 = arith.index_cast %add3A_1206 : i32 to index
          %swap3A_1208 = arith.constant 32 : index
          %swap3A_1209 = tpu.vector_load %arg12[%swap3A_1207, %swap3A_1208] {strides = array<i32>} : memref<128x128xf32, #tpu.memory_space<vmem>>, vector<1x16xf32>,
          %swap3A_1210 = vector.shape_cast %swap3A_1209 : vector<1x16xf32> to vector<16xf32>
          %swap3A_1211 = vector.shape_cast %mul3A_1204 : vector<16xf32> to vector<1x16xf32>
          tpu.vector_store %arg12[%swap3A_1207, %swap3A_1208], %swap3A_1211 {strides = array<i32>} : memref<128x128xf32, #tpu.memory_space<vmem>>, vector<1x16xf32>,
          %add3A_1212 = arith.constant 9 : i32
          %add3A_1213 = arith.addi %mul3A_66, %add3A_1212 : i32
          %get3A_1214 = arith.index_cast %add3A_1213 : i32 to index
          %get3A_1215 = arith.constant 48 : index
          %get3A_1216 = tpu.vector_load %arg12[%get3A_1214, %get3A_1215] {strides = array<i32>} : memref<128x128xf32, #tpu.memory_space<vmem>>, vector<1x16xf32>,
          %get3A_1217 = vector.shape_cast %get3A_1216 : vector<1x16xf32> to vector<16xf32>
          %mul3A_1218 = vector.broadcast %squeeze3A_1166 : f32 to vector<16xf32>
          %mul3A_1219 = arith.mulf %get3A_1217, %mul3A_1218 : vector<16xf32>
          %add3A_1220 = arith.constant 9 : i32
          %add3A_1221 = arith.addi %mul3A_66, %add3A_1220 : i32
          %swap3A_1222 = arith.index_cast %add3A_1221 : i32 to index
          %swap3A_1223 = arith.constant 48 : index
          %swap3A_1224 = tpu.vector_load %arg12[%swap3A_1222, %swap3A_1223] {strides = array<i32>} : memref<128x128xf32, #tpu.memory_space<vmem>>, vector<1x16xf32>,
          %swap3A_1225 = vector.shape_cast %swap3A_1224 : vector<1x16xf32> to vector<16xf32>
          %swap3A_1226 = vector.shape_cast %mul3A_1219 : vector<16xf32> to vector<1x16xf32>
          tpu.vector_store %arg12[%swap3A_1222, %swap3A_1223], %swap3A_1226 {strides = array<i32>} : memref<128x128xf32, #tpu.memory_space<vmem>>, vector<1x16xf32>,
          %add3A_1227 = arith.constant 9 : i32
          %add3A_1228 = arith.addi %mul3A_66, %add3A_1227 : i32
          %get3A_1229 = arith.index_cast %add3A_1228 : i32 to index
          %get3A_1230 = arith.constant 64 : index
          %get3A_1231 = tpu.vector_load %arg12[%get3A_1229, %get3A_1230] {strides = array<i32>} : memref<128x128xf32, #tpu.memory_space<vmem>>, vector<1x16xf32>,
          %get3A_1232 = vector.shape_cast %get3A_1231 : vector<1x16xf32> to vector<16xf32>
          %mul3A_1233 = vector.broadcast %squeeze3A_1166 : f32 to vector<16xf32>
          %mul3A_1234 = arith.mulf %get3A_1232, %mul3A_1233 : vector<16xf32>
          %add3A_1235 = arith.constant 9 : i32
          %add3A_1236 = arith.addi %mul3A_66, %add3A_1235 : i32
          %swap3A_1237 = arith.index_cast %add3A_1236 : i32 to index
          %swap3A_1238 = arith.constant 64 : index
          %swap3A_1239 = tpu.vector_load %arg12[%swap3A_1237, %swap3A_1238] {strides = array<i32>} : memref<128x128xf32, #tpu.memory_space<vmem>>, vector<1x16xf32>,
          %swap3A_1240 = vector.shape_cast %swap3A_1239 : vector<1x16xf32> to vector<16xf32>
          %swap3A_1241 = vector.shape_cast %mul3A_1234 : vector<16xf32> to vector<1x16xf32>
          tpu.vector_store %arg12[%swap3A_1237, %swap3A_1238], %swap3A_1241 {strides = array<i32>} : memref<128x128xf32, #tpu.memory_space<vmem>>, vector<1x16xf32>,
          %add3A_1242 = arith.constant 9 : i32
          %add3A_1243 = arith.addi %mul3A_66, %add3A_1242 : i32
          %get3A_1244 = arith.index_cast %add3A_1243 : i32 to index
          %get3A_1245 = arith.constant 80 : index
          %get3A_1246 = tpu.vector_load %arg12[%get3A_1244, %get3A_1245] {strides = array<i32>} : memref<128x128xf32, #tpu.memory_space<vmem>>, vector<1x16xf32>,
          %get3A_1247 = vector.shape_cast %get3A_1246 : vector<1x16xf32> to vector<16xf32>
          %mul3A_1248 = vector.broadcast %squeeze3A_1166 : f32 to vector<16xf32>
          %mul3A_1249 = arith.mulf %get3A_1247, %mul3A_1248 : vector<16xf32>
          %add3A_1250 = arith.constant 9 : i32
          %add3A_1251 = arith.addi %mul3A_66, %add3A_1250 : i32
          %swap3A_1252 = arith.index_cast %add3A_1251 : i32 to index
          %swap3A_1253 = arith.constant 80 : index
          %swap3A_1254 = tpu.vector_load %arg12[%swap3A_1252, %swap3A_1253] {strides = array<i32>} : memref<128x128xf32, #tpu.memory_space<vmem>>, vector<1x16xf32>,
          %swap3A_1255 = vector.shape_cast %swap3A_1254 : vector<1x16xf32> to vector<16xf32>
          %swap3A_1256 = vector.shape_cast %mul3A_1249 : vector<16xf32> to vector<1x16xf32>
          tpu.vector_store %arg12[%swap3A_1252, %swap3A_1253], %swap3A_1256 {strides = array<i32>} : memref<128x128xf32, #tpu.memory_space<vmem>>, vector<1x16xf32>,
          %add3A_1257 = arith.constant 9 : i32
          %add3A_1258 = arith.addi %mul3A_66, %add3A_1257 : i32
          %get3A_1259 = arith.index_cast %add3A_1258 : i32 to index
          %get3A_1260 = arith.constant 96 : index
          %get3A_1261 = tpu.vector_load %arg12[%get3A_1259, %get3A_1260] {strides = array<i32>} : memref<128x128xf32, #tpu.memory_space<vmem>>, vector<1x16xf32>,
          %get3A_1262 = vector.shape_cast %get3A_1261 : vector<1x16xf32> to vector<16xf32>
          %mul3A_1263 = vector.broadcast %squeeze3A_1166 : f32 to vector<16xf32>
          %mul3A_1264 = arith.mulf %get3A_1262, %mul3A_1263 : vector<16xf32>
          %add3A_1265 = arith.constant 9 : i32
          %add3A_1266 = arith.addi %mul3A_66, %add3A_1265 : i32
          %swap3A_1267 = arith.index_cast %add3A_1266 : i32 to index
          %swap3A_1268 = arith.constant 96 : index
          %swap3A_1269 = tpu.vector_load %arg12[%swap3A_1267, %swap3A_1268] {strides = array<i32>} : memref<128x128xf32, #tpu.memory_space<vmem>>, vector<1x16xf32>,
          %swap3A_1270 = vector.shape_cast %swap3A_1269 : vector<1x16xf32> to vector<16xf32>
          %swap3A_1271 = vector.shape_cast %mul3A_1264 : vector<16xf32> to vector<1x16xf32>
          tpu.vector_store %arg12[%swap3A_1267, %swap3A_1268], %swap3A_1271 {strides = array<i32>} : memref<128x128xf32, #tpu.memory_space<vmem>>, vector<1x16xf32>,
          %add3A_1272 = arith.constant 9 : i32
          %add3A_1273 = arith.addi %mul3A_66, %add3A_1272 : i32
          %get3A_1274 = arith.index_cast %add3A_1273 : i32 to index
          %get3A_1275 = arith.constant 112 : index
          %get3A_1276 = tpu.vector_load %arg12[%get3A_1274, %get3A_1275] {strides = array<i32>} : memref<128x128xf32, #tpu.memory_space<vmem>>, vector<1x16xf32>,
          %get3A_1277 = vector.shape_cast %get3A_1276 : vector<1x16xf32> to vector<16xf32>
          %mul3A_1278 = vector.broadcast %squeeze3A_1166 : f32 to vector<16xf32>
          %mul3A_1279 = arith.mulf %get3A_1277, %mul3A_1278 : vector<16xf32>
          %add3A_1280 = arith.constant 9 : i32
          %add3A_1281 = arith.addi %mul3A_66, %add3A_1280 : i32
          %swap3A_1282 = arith.index_cast %add3A_1281 : i32 to index
          %swap3A_1283 = arith.constant 112 : index
          %swap3A_1284 = tpu.vector_load %arg12[%swap3A_1282, %swap3A_1283] {strides = array<i32>} : memref<128x128xf32, #tpu.memory_space<vmem>>, vector<1x16xf32>,
          %swap3A_1285 = vector.shape_cast %swap3A_1284 : vector<1x16xf32> to vector<16xf32>
          %swap3A_1286 = vector.shape_cast %mul3A_1279 : vector<16xf32> to vector<1x16xf32>
          tpu.vector_store %arg12[%swap3A_1282, %swap3A_1283], %swap3A_1286 {strides = array<i32>} : memref<128x128xf32, #tpu.memory_space<vmem>>, vector<1x16xf32>,
          %slice3A_1287 = vector.extract_strided_slice %get3A_69 {offsets = [10], sizes = [1], strides = [1]} : vector<16xf32> to vector<1xf32>
          %squeeze3A_1288 = vector.extract %slice3A_1287[0] : f32 from vector<1xf32>
          %add3A_1289 = arith.constant 10 : i32
          %add3A_1290 = arith.addi %mul3A_66, %add3A_1289 : i32
          %get3A_1291 = arith.index_cast %add3A_1290 : i32 to index
          %get3A_1292 = arith.constant 0 : index
          %get3A_1293 = tpu.vector_load %arg12[%get3A_1291, %get3A_1292] {strides = array<i32>} : memref<128x128xf32, #tpu.memory_space<vmem>>, vector<1x16xf32>,
          %get3A_1294 = vector.shape_cast %get3A_1293 : vector<1x16xf32> to vector<16xf32>
          %mul3A_1295 = vector.broadcast %squeeze3A_1288 : f32 to vector<16xf32>
          %mul3A_1296 = arith.mulf %get3A_1294, %mul3A_1295 : vector<16xf32>
          %add3A_1297 = arith.constant 10 : i32
          %add3A_1298 = arith.addi %mul3A_66, %add3A_1297 : i32
          %swap3A_1299 = arith.index_cast %add3A_1298 : i32 to index
          %swap3A_1300 = arith.constant 0 : index
          %swap3A_1301 = tpu.vector_load %arg12[%swap3A_1299, %swap3A_1300] {strides = array<i32>} : memref<128x128xf32, #tpu.memory_space<vmem>>, vector<1x16xf32>,
          %swap3A_1302 = vector.shape_cast %swap3A_1301 : vector<1x16xf32> to vector<16xf32>
          %swap3A_1303 = vector.shape_cast %mul3A_1296 : vector<16xf32> to vector<1x16xf32>
          tpu.vector_store %arg12[%swap3A_1299, %swap3A_1300], %swap3A_1303 {strides = array<i32>} : memref<128x128xf32, #tpu.memory_space<vmem>>, vector<1x16xf32>,
          %add3A_1304 = arith.constant 10 : i32
          %add3A_1305 = arith.addi %mul3A_66, %add3A_1304 : i32
          %get3A_1306 = arith.index_cast %add3A_1305 : i32 to index
          %get3A_1307 = arith.constant 16 : index
          %get3A_1308 = tpu.vector_load %arg12[%get3A_1306, %get3A_1307] {strides = array<i32>} : memref<128x128xf32, #tpu.memory_space<vmem>>, vector<1x16xf32>,
          %get3A_1309 = vector.shape_cast %get3A_1308 : vector<1x16xf32> to vector<16xf32>
          %mul3A_1310 = vector.broadcast %squeeze3A_1288 : f32 to vector<16xf32>
          %mul3A_1311 = arith.mulf %get3A_1309, %mul3A_1310 : vector<16xf32>
          %add3A_1312 = arith.constant 10 : i32
          %add3A_1313 = arith.addi %mul3A_66, %add3A_1312 : i32
          %swap3A_1314 = arith.index_cast %add3A_1313 : i32 to index
          %swap3A_1315 = arith.constant 16 : index
          %swap3A_1316 = tpu.vector_load %arg12[%swap3A_1314, %swap3A_1315] {strides = array<i32>} : memref<128x128xf32, #tpu.memory_space<vmem>>, vector<1x16xf32>,
          %swap3A_1317 = vector.shape_cast %swap3A_1316 : vector<1x16xf32> to vector<16xf32>
          %swap3A_1318 = vector.shape_cast %mul3A_1311 : vector<16xf32> to vector<1x16xf32>
          tpu.vector_store %arg12[%swap3A_1314, %swap3A_1315], %swap3A_1318 {strides = array<i32>} : memref<128x128xf32, #tpu.memory_space<vmem>>, vector<1x16xf32>,
          %add3A_1319 = arith.constant 10 : i32
          %add3A_1320 = arith.addi %mul3A_66, %add3A_1319 : i32
          %get3A_1321 = arith.index_cast %add3A_1320 : i32 to index
          %get3A_1322 = arith.constant 32 : index
          %get3A_1323 = tpu.vector_load %arg12[%get3A_1321, %get3A_1322] {strides = array<i32>} : memref<128x128xf32, #tpu.memory_space<vmem>>, vector<1x16xf32>,
          %get3A_1324 = vector.shape_cast %get3A_1323 : vector<1x16xf32> to vector<16xf32>
          %mul3A_1325 = vector.broadcast %squeeze3A_1288 : f32 to vector<16xf32>
          %mul3A_1326 = arith.mulf %get3A_1324, %mul3A_1325 : vector<16xf32>
          %add3A_1327 = arith.constant 10 : i32
          %add3A_1328 = arith.addi %mul3A_66, %add3A_1327 : i32
          %swap3A_1329 = arith.index_cast %add3A_1328 : i32 to index
          %swap3A_1330 = arith.constant 32 : index
          %swap3A_1331 = tpu.vector_load %arg12[%swap3A_1329, %swap3A_1330] {strides = array<i32>} : memref<128x128xf32, #tpu.memory_space<vmem>>, vector<1x16xf32>,
          %swap3A_1332 = vector.shape_cast %swap3A_1331 : vector<1x16xf32> to vector<16xf32>
          %swap3A_1333 = vector.shape_cast %mul3A_1326 : vector<16xf32> to vector<1x16xf32>
          tpu.vector_store %arg12[%swap3A_1329, %swap3A_1330], %swap3A_1333 {strides = array<i32>} : memref<128x128xf32, #tpu.memory_space<vmem>>, vector<1x16xf32>,
          %add3A_1334 = arith.constant 10 : i32
          %add3A_1335 = arith.addi %mul3A_66, %add3A_1334 : i32
          %get3A_1336 = arith.index_cast %add3A_1335 : i32 to index
          %get3A_1337 = arith.constant 48 : index
          %get3A_1338 = tpu.vector_load %arg12[%get3A_1336, %get3A_1337] {strides = array<i32>} : memref<128x128xf32, #tpu.memory_space<vmem>>, vector<1x16xf32>,
          %get3A_1339 = vector.shape_cast %get3A_1338 : vector<1x16xf32> to vector<16xf32>
          %mul3A_1340 = vector.broadcast %squeeze3A_1288 : f32 to vector<16xf32>
          %mul3A_1341 = arith.mulf %get3A_1339, %mul3A_1340 : vector<16xf32>
          %add3A_1342 = arith.constant 10 : i32
          %add3A_1343 = arith.addi %mul3A_66, %add3A_1342 : i32
          %swap3A_1344 = arith.index_cast %add3A_1343 : i32 to index
          %swap3A_1345 = arith.constant 48 : index
          %swap3A_1346 = tpu.vector_load %arg12[%swap3A_1344, %swap3A_1345] {strides = array<i32>} : memref<128x128xf32, #tpu.memory_space<vmem>>, vector<1x16xf32>,
          %swap3A_1347 = vector.shape_cast %swap3A_1346 : vector<1x16xf32> to vector<16xf32>
          %swap3A_1348 = vector.shape_cast %mul3A_1341 : vector<16xf32> to vector<1x16xf32>
          tpu.vector_store %arg12[%swap3A_1344, %swap3A_1345], %swap3A_1348 {strides = array<i32>} : memref<128x128xf32, #tpu.memory_space<vmem>>, vector<1x16xf32>,
          %add3A_1349 = arith.constant 10 : i32
          %add3A_1350 = arith.addi %mul3A_66, %add3A_1349 : i32
          %get3A_1351 = arith.index_cast %add3A_1350 : i32 to index
          %get3A_1352 = arith.constant 64 : index
          %get3A_1353 = tpu.vector_load %arg12[%get3A_1351, %get3A_1352] {strides = array<i32>} : memref<128x128xf32, #tpu.memory_space<vmem>>, vector<1x16xf32>,
          %get3A_1354 = vector.shape_cast %get3A_1353 : vector<1x16xf32> to vector<16xf32>
          %mul3A_1355 = vector.broadcast %squeeze3A_1288 : f32 to vector<16xf32>
          %mul3A_1356 = arith.mulf %get3A_1354, %mul3A_1355 : vector<16xf32>
          %add3A_1357 = arith.constant 10 : i32
          %add3A_1358 = arith.addi %mul3A_66, %add3A_1357 : i32
          %swap3A_1359 = arith.index_cast %add3A_1358 : i32 to index
          %swap3A_1360 = arith.constant 64 : index
          %swap3A_1361 = tpu.vector_load %arg12[%swap3A_1359, %swap3A_1360] {strides = array<i32>} : memref<128x128xf32, #tpu.memory_space<vmem>>, vector<1x16xf32>,
          %swap3A_1362 = vector.shape_cast %swap3A_1361 : vector<1x16xf32> to vector<16xf32>
          %swap3A_1363 = vector.shape_cast %mul3A_1356 : vector<16xf32> to vector<1x16xf32>
          tpu.vector_store %arg12[%swap3A_1359, %swap3A_1360], %swap3A_1363 {strides = array<i32>} : memref<128x128xf32, #tpu.memory_space<vmem>>, vector<1x16xf32>,
          %add3A_1364 = arith.constant 10 : i32
          %add3A_1365 = arith.addi %mul3A_66, %add3A_1364 : i32
          %get3A_1366 = arith.index_cast %add3A_1365 : i32 to index
          %get3A_1367 = arith.constant 80 : index
          %get3A_1368 = tpu.vector_load %arg12[%get3A_1366, %get3A_1367] {strides = array<i32>} : memref<128x128xf32, #tpu.memory_space<vmem>>, vector<1x16xf32>,
          %get3A_1369 = vector.shape_cast %get3A_1368 : vector<1x16xf32> to vector<16xf32>
          %mul3A_1370 = vector.broadcast %squeeze3A_1288 : f32 to vector<16xf32>
          %mul3A_1371 = arith.mulf %get3A_1369, %mul3A_1370 : vector<16xf32>
          %add3A_1372 = arith.constant 10 : i32
          %add3A_1373 = arith.addi %mul3A_66, %add3A_1372 : i32
          %swap3A_1374 = arith.index_cast %add3A_1373 : i32 to index
          %swap3A_1375 = arith.constant 80 : index
          %swap3A_1376 = tpu.vector_load %arg12[%swap3A_1374, %swap3A_1375] {strides = array<i32>} : memref<128x128xf32, #tpu.memory_space<vmem>>, vector<1x16xf32>,
          %swap3A_1377 = vector.shape_cast %swap3A_1376 : vector<1x16xf32> to vector<16xf32>
          %swap3A_1378 = vector.shape_cast %mul3A_1371 : vector<16xf32> to vector<1x16xf32>
          tpu.vector_store %arg12[%swap3A_1374, %swap3A_1375], %swap3A_1378 {strides = array<i32>} : memref<128x128xf32, #tpu.memory_space<vmem>>, vector<1x16xf32>,
          %add3A_1379 = arith.constant 10 : i32
          %add3A_1380 = arith.addi %mul3A_66, %add3A_1379 : i32
          %get3A_1381 = arith.index_cast %add3A_1380 : i32 to index
          %get3A_1382 = arith.constant 96 : index
          %get3A_1383 = tpu.vector_load %arg12[%get3A_1381, %get3A_1382] {strides = array<i32>} : memref<128x128xf32, #tpu.memory_space<vmem>>, vector<1x16xf32>,
          %get3A_1384 = vector.shape_cast %get3A_1383 : vector<1x16xf32> to vector<16xf32>
          %mul3A_1385 = vector.broadcast %squeeze3A_1288 : f32 to vector<16xf32>
          %mul3A_1386 = arith.mulf %get3A_1384, %mul3A_1385 : vector<16xf32>
          %add3A_1387 = arith.constant 10 : i32
          %add3A_1388 = arith.addi %mul3A_66, %add3A_1387 : i32
          %swap3A_1389 = arith.index_cast %add3A_1388 : i32 to index
          %swap3A_1390 = arith.constant 96 : index
          %swap3A_1391 = tpu.vector_load %arg12[%swap3A_1389, %swap3A_1390] {strides = array<i32>} : memref<128x128xf32, #tpu.memory_space<vmem>>, vector<1x16xf32>,
          %swap3A_1392 = vector.shape_cast %swap3A_1391 : vector<1x16xf32> to vector<16xf32>
          %swap3A_1393 = vector.shape_cast %mul3A_1386 : vector<16xf32> to vector<1x16xf32>
          tpu.vector_store %arg12[%swap3A_1389, %swap3A_1390], %swap3A_1393 {strides = array<i32>} : memref<128x128xf32, #tpu.memory_space<vmem>>, vector<1x16xf32>,
          %add3A_1394 = arith.constant 10 : i32
          %add3A_1395 = arith.addi %mul3A_66, %add3A_1394 : i32
          %get3A_1396 = arith.index_cast %add3A_1395 : i32 to index
          %get3A_1397 = arith.constant 112 : index
          %get3A_1398 = tpu.vector_load %arg12[%get3A_1396, %get3A_1397] {strides = array<i32>} : memref<128x128xf32, #tpu.memory_space<vmem>>, vector<1x16xf32>,
          %get3A_1399 = vector.shape_cast %get3A_1398 : vector<1x16xf32> to vector<16xf32>
          %mul3A_1400 = vector.broadcast %squeeze3A_1288 : f32 to vector<16xf32>
          %mul3A_1401 = arith.mulf %get3A_1399, %mul3A_1400 : vector<16xf32>
          %add3A_1402 = arith.constant 10 : i32
          %add3A_1403 = arith.addi %mul3A_66, %add3A_1402 : i32
          %swap3A_1404 = arith.index_cast %add3A_1403 : i32 to index
          %swap3A_1405 = arith.constant 112 : index
          %swap3A_1406 = tpu.vector_load %arg12[%swap3A_1404, %swap3A_1405] {strides = array<i32>} : memref<128x128xf32, #tpu.memory_space<vmem>>, vector<1x16xf32>,
          %swap3A_1407 = vector.shape_cast %swap3A_1406 : vector<1x16xf32> to vector<16xf32>
          %swap3A_1408 = vector.shape_cast %mul3A_1401 : vector<16xf32> to vector<1x16xf32>
          tpu.vector_store %arg12[%swap3A_1404, %swap3A_1405], %swap3A_1408 {strides = array<i32>} : memref<128x128xf32, #tpu.memory_space<vmem>>, vector<1x16xf32>,
          %slice3A_1409 = vector.extract_strided_slice %get3A_69 {offsets = [11], sizes = [1], strides = [1]} : vector<16xf32> to vector<1xf32>
          %squeeze3A_1410 = vector.extract %slice3A_1409[0] : f32 from vector<1xf32>
          %add3A_1411 = arith.constant 11 : i32
          %add3A_1412 = arith.addi %mul3A_66, %add3A_1411 : i32
          %get3A_1413 = arith.index_cast %add3A_1412 : i32 to index
          %get3A_1414 = arith.constant 0 : index
          %get3A_1415 = tpu.vector_load %arg12[%get3A_1413, %get3A_1414] {strides = array<i32>} : memref<128x128xf32, #tpu.memory_space<vmem>>, vector<1x16xf32>,
          %get3A_1416 = vector.shape_cast %get3A_1415 : vector<1x16xf32> to vector<16xf32>
          %mul3A_1417 = vector.broadcast %squeeze3A_1410 : f32 to vector<16xf32>
          %mul3A_1418 = arith.mulf %get3A_1416, %mul3A_1417 : vector<16xf32>
          %add3A_1419 = arith.constant 11 : i32
          %add3A_1420 = arith.addi %mul3A_66, %add3A_1419 : i32
          %swap3A_1421 = arith.index_cast %add3A_1420 : i32 to index
          %swap3A_1422 = arith.constant 0 : index
          %swap3A_1423 = tpu.vector_load %arg12[%swap3A_1421, %swap3A_1422] {strides = array<i32>} : memref<128x128xf32, #tpu.memory_space<vmem>>, vector<1x16xf32>,
          %swap3A_1424 = vector.shape_cast %swap3A_1423 : vector<1x16xf32> to vector<16xf32>
          %swap3A_1425 = vector.shape_cast %mul3A_1418 : vector<16xf32> to vector<1x16xf32>
          tpu.vector_store %arg12[%swap3A_1421, %swap3A_1422], %swap3A_1425 {strides = array<i32>} : memref<128x128xf32, #tpu.memory_space<vmem>>, vector<1x16xf32>,
          %add3A_1426 = arith.constant 11 : i32
          %add3A_1427 = arith.addi %mul3A_66, %add3A_1426 : i32
          %get3A_1428 = arith.index_cast %add3A_1427 : i32 to index
          %get3A_1429 = arith.constant 16 : index
          %get3A_1430 = tpu.vector_load %arg12[%get3A_1428, %get3A_1429] {strides = array<i32>} : memref<128x128xf32, #tpu.memory_space<vmem>>, vector<1x16xf32>,
          %get3A_1431 = vector.shape_cast %get3A_1430 : vector<1x16xf32> to vector<16xf32>
          %mul3A_1432 = vector.broadcast %squeeze3A_1410 : f32 to vector<16xf32>
          %mul3A_1433 = arith.mulf %get3A_1431, %mul3A_1432 : vector<16xf32>
          %add3A_1434 = arith.constant 11 : i32
          %add3A_1435 = arith.addi %mul3A_66, %add3A_1434 : i32
          %swap3A_1436 = arith.index_cast %add3A_1435 : i32 to index
          %swap3A_1437 = arith.constant 16 : index
          %swap3A_1438 = tpu.vector_load %arg12[%swap3A_1436, %swap3A_1437] {strides = array<i32>} : memref<128x128xf32, #tpu.memory_space<vmem>>, vector<1x16xf32>,
          %swap3A_1439 = vector.shape_cast %swap3A_1438 : vector<1x16xf32> to vector<16xf32>
          %swap3A_1440 = vector.shape_cast %mul3A_1433 : vector<16xf32> to vector<1x16xf32>
          tpu.vector_store %arg12[%swap3A_1436, %swap3A_1437], %swap3A_1440 {strides = array<i32>} : memref<128x128xf32, #tpu.memory_space<vmem>>, vector<1x16xf32>,
          %add3A_1441 = arith.constant 11 : i32
          %add3A_1442 = arith.addi %mul3A_66, %add3A_1441 : i32
          %get3A_1443 = arith.index_cast %add3A_1442 : i32 to index
          %get3A_1444 = arith.constant 32 : index
          %get3A_1445 = tpu.vector_load %arg12[%get3A_1443, %get3A_1444] {strides = array<i32>} : memref<128x128xf32, #tpu.memory_space<vmem>>, vector<1x16xf32>,
          %get3A_1446 = vector.shape_cast %get3A_1445 : vector<1x16xf32> to vector<16xf32>
          %mul3A_1447 = vector.broadcast %squeeze3A_1410 : f32 to vector<16xf32>
          %mul3A_1448 = arith.mulf %get3A_1446, %mul3A_1447 : vector<16xf32>
          %add3A_1449 = arith.constant 11 : i32
          %add3A_1450 = arith.addi %mul3A_66, %add3A_1449 : i32
          %swap3A_1451 = arith.index_cast %add3A_1450 : i32 to index
          %swap3A_1452 = arith.constant 32 : index
          %swap3A_1453 = tpu.vector_load %arg12[%swap3A_1451, %swap3A_1452] {strides = array<i32>} : memref<128x128xf32, #tpu.memory_space<vmem>>, vector<1x16xf32>,
          %swap3A_1454 = vector.shape_cast %swap3A_1453 : vector<1x16xf32> to vector<16xf32>
          %swap3A_1455 = vector.shape_cast %mul3A_1448 : vector<16xf32> to vector<1x16xf32>
          tpu.vector_store %arg12[%swap3A_1451, %swap3A_1452], %swap3A_1455 {strides = array<i32>} : memref<128x128xf32, #tpu.memory_space<vmem>>, vector<1x16xf32>,
          %add3A_1456 = arith.constant 11 : i32
          %add3A_1457 = arith.addi %mul3A_66, %add3A_1456 : i32
          %get3A_1458 = arith.index_cast %add3A_1457 : i32 to index
          %get3A_1459 = arith.constant 48 : index
          %get3A_1460 = tpu.vector_load %arg12[%get3A_1458, %get3A_1459] {strides = array<i32>} : memref<128x128xf32, #tpu.memory_space<vmem>>, vector<1x16xf32>,
          %get3A_1461 = vector.shape_cast %get3A_1460 : vector<1x16xf32> to vector<16xf32>
          %mul3A_1462 = vector.broadcast %squeeze3A_1410 : f32 to vector<16xf32>
          %mul3A_1463 = arith.mulf %get3A_1461, %mul3A_1462 : vector<16xf32>
          %add3A_1464 = arith.constant 11 : i32
          %add3A_1465 = arith.addi %mul3A_66, %add3A_1464 : i32
          %swap3A_1466 = arith.index_cast %add3A_1465 : i32 to index
          %swap3A_1467 = arith.constant 48 : index
          %swap3A_1468 = tpu.vector_load %arg12[%swap3A_1466, %swap3A_1467] {strides = array<i32>} : memref<128x128xf32, #tpu.memory_space<vmem>>, vector<1x16xf32>,
          %swap3A_1469 = vector.shape_cast %swap3A_1468 : vector<1x16xf32> to vector<16xf32>
          %swap3A_1470 = vector.shape_cast %mul3A_1463 : vector<16xf32> to vector<1x16xf32>
          tpu.vector_store %arg12[%swap3A_1466, %swap3A_1467], %swap3A_1470 {strides = array<i32>} : memref<128x128xf32, #tpu.memory_space<vmem>>, vector<1x16xf32>,
          %add3A_1471 = arith.constant 11 : i32
          %add3A_1472 = arith.addi %mul3A_66, %add3A_1471 : i32
          %get3A_1473 = arith.index_cast %add3A_1472 : i32 to index
          %get3A_1474 = arith.constant 64 : index
          %get3A_1475 = tpu.vector_load %arg12[%get3A_1473, %get3A_1474] {strides = array<i32>} : memref<128x128xf32, #tpu.memory_space<vmem>>, vector<1x16xf32>,
          %get3A_1476 = vector.shape_cast %get3A_1475 : vector<1x16xf32> to vector<16xf32>
          %mul3A_1477 = vector.broadcast %squeeze3A_1410 : f32 to vector<16xf32>
          %mul3A_1478 = arith.mulf %get3A_1476, %mul3A_1477 : vector<16xf32>
          %add3A_1479 = arith.constant 11 : i32
          %add3A_1480 = arith.addi %mul3A_66, %add3A_1479 : i32
          %swap3A_1481 = arith.index_cast %add3A_1480 : i32 to index
          %swap3A_1482 = arith.constant 64 : index
          %swap3A_1483 = tpu.vector_load %arg12[%swap3A_1481, %swap3A_1482] {strides = array<i32>} : memref<128x128xf32, #tpu.memory_space<vmem>>, vector<1x16xf32>,
          %swap3A_1484 = vector.shape_cast %swap3A_1483 : vector<1x16xf32> to vector<16xf32>
          %swap3A_1485 = vector.shape_cast %mul3A_1478 : vector<16xf32> to vector<1x16xf32>
          tpu.vector_store %arg12[%swap3A_1481, %swap3A_1482], %swap3A_1485 {strides = array<i32>} : memref<128x128xf32, #tpu.memory_space<vmem>>, vector<1x16xf32>,
          %add3A_1486 = arith.constant 11 : i32
          %add3A_1487 = arith.addi %mul3A_66, %add3A_1486 : i32
          %get3A_1488 = arith.index_cast %add3A_1487 : i32 to index
          %get3A_1489 = arith.constant 80 : index
          %get3A_1490 = tpu.vector_load %arg12[%get3A_1488, %get3A_1489] {strides = array<i32>} : memref<128x128xf32, #tpu.memory_space<vmem>>, vector<1x16xf32>,
          %get3A_1491 = vector.shape_cast %get3A_1490 : vector<1x16xf32> to vector<16xf32>
          %mul3A_1492 = vector.broadcast %squeeze3A_1410 : f32 to vector<16xf32>
          %mul3A_1493 = arith.mulf %get3A_1491, %mul3A_1492 : vector<16xf32>
          %add3A_1494 = arith.constant 11 : i32
          %add3A_1495 = arith.addi %mul3A_66, %add3A_1494 : i32
          %swap3A_1496 = arith.index_cast %add3A_1495 : i32 to index
          %swap3A_1497 = arith.constant 80 : index
          %swap3A_1498 = tpu.vector_load %arg12[%swap3A_1496, %swap3A_1497] {strides = array<i32>} : memref<128x128xf32, #tpu.memory_space<vmem>>, vector<1x16xf32>,
          %swap3A_1499 = vector.shape_cast %swap3A_1498 : vector<1x16xf32> to vector<16xf32>
          %swap3A_1500 = vector.shape_cast %mul3A_1493 : vector<16xf32> to vector<1x16xf32>
          tpu.vector_store %arg12[%swap3A_1496, %swap3A_1497], %swap3A_1500 {strides = array<i32>} : memref<128x128xf32, #tpu.memory_space<vmem>>, vector<1x16xf32>,
          %add3A_1501 = arith.constant 11 : i32
          %add3A_1502 = arith.addi %mul3A_66, %add3A_1501 : i32
          %get3A_1503 = arith.index_cast %add3A_1502 : i32 to index
          %get3A_1504 = arith.constant 96 : index
          %get3A_1505 = tpu.vector_load %arg12[%get3A_1503, %get3A_1504] {strides = array<i32>} : memref<128x128xf32, #tpu.memory_space<vmem>>, vector<1x16xf32>,
          %get3A_1506 = vector.shape_cast %get3A_1505 : vector<1x16xf32> to vector<16xf32>
          %mul3A_1507 = vector.broadcast %squeeze3A_1410 : f32 to vector<16xf32>
          %mul3A_1508 = arith.mulf %get3A_1506, %mul3A_1507 : vector<16xf32>
          %add3A_1509 = arith.constant 11 : i32
          %add3A_1510 = arith.addi %mul3A_66, %add3A_1509 : i32
          %swap3A_1511 = arith.index_cast %add3A_1510 : i32 to index
          %swap3A_1512 = arith.constant 96 : index
          %swap3A_1513 = tpu.vector_load %arg12[%swap3A_1511, %swap3A_1512] {strides = array<i32>} : memref<128x128xf32, #tpu.memory_space<vmem>>, vector<1x16xf32>,
          %swap3A_1514 = vector.shape_cast %swap3A_1513 : vector<1x16xf32> to vector<16xf32>
          %swap3A_1515 = vector.shape_cast %mul3A_1508 : vector<16xf32> to vector<1x16xf32>
          tpu.vector_store %arg12[%swap3A_1511, %swap3A_1512], %swap3A_1515 {strides = array<i32>} : memref<128x128xf32, #tpu.memory_space<vmem>>, vector<1x16xf32>,
          %add3A_1516 = arith.constant 11 : i32
          %add3A_1517 = arith.addi %mul3A_66, %add3A_1516 : i32
          %get3A_1518 = arith.index_cast %add3A_1517 : i32 to index
          %get3A_1519 = arith.constant 112 : index
          %get3A_1520 = tpu.vector_load %arg12[%get3A_1518, %get3A_1519] {strides = array<i32>} : memref<128x128xf32, #tpu.memory_space<vmem>>, vector<1x16xf32>,
          %get3A_1521 = vector.shape_cast %get3A_1520 : vector<1x16xf32> to vector<16xf32>
          %mul3A_1522 = vector.broadcast %squeeze3A_1410 : f32 to vector<16xf32>
          %mul3A_1523 = arith.mulf %get3A_1521, %mul3A_1522 : vector<16xf32>
          %add3A_1524 = arith.constant 11 : i32
          %add3A_1525 = arith.addi %mul3A_66, %add3A_1524 : i32
          %swap3A_1526 = arith.index_cast %add3A_1525 : i32 to index
          %swap3A_1527 = arith.constant 112 : index
          %swap3A_1528 = tpu.vector_load %arg12[%swap3A_1526, %swap3A_1527] {strides = array<i32>} : memref<128x128xf32, #tpu.memory_space<vmem>>, vector<1x16xf32>,
          %swap3A_1529 = vector.shape_cast %swap3A_1528 : vector<1x16xf32> to vector<16xf32>
          %swap3A_1530 = vector.shape_cast %mul3A_1523 : vector<16xf32> to vector<1x16xf32>
          tpu.vector_store %arg12[%swap3A_1526, %swap3A_1527], %swap3A_1530 {strides = array<i32>} : memref<128x128xf32, #tpu.memory_space<vmem>>, vector<1x16xf32>,
          %slice3A_1531 = vector.extract_strided_slice %get3A_69 {offsets = [12], sizes = [1], strides = [1]} : vector<16xf32> to vector<1xf32>
          %squeeze3A_1532 = vector.extract %slice3A_1531[0] : f32 from vector<1xf32>
          %add3A_1533 = arith.constant 12 : i32
          %add3A_1534 = arith.addi %mul3A_66, %add3A_1533 : i32
          %get3A_1535 = arith.index_cast %add3A_1534 : i32 to index
          %get3A_1536 = arith.constant 0 : index
          %get3A_1537 = tpu.vector_load %arg12[%get3A_1535, %get3A_1536] {strides = array<i32>} : memref<128x128xf32, #tpu.memory_space<vmem>>, vector<1x16xf32>,
          %get3A_1538 = vector.shape_cast %get3A_1537 : vector<1x16xf32> to vector<16xf32>
          %mul3A_1539 = vector.broadcast %squeeze3A_1532 : f32 to vector<16xf32>
          %mul3A_1540 = arith.mulf %get3A_1538, %mul3A_1539 : vector<16xf32>
          %add3A_1541 = arith.constant 12 : i32
          %add3A_1542 = arith.addi %mul3A_66, %add3A_1541 : i32
          %swap3A_1543 = arith.index_cast %add3A_1542 : i32 to index
          %swap3A_1544 = arith.constant 0 : index
          %swap3A_1545 = tpu.vector_load %arg12[%swap3A_1543, %swap3A_1544] {strides = array<i32>} : memref<128x128xf32, #tpu.memory_space<vmem>>, vector<1x16xf32>,
          %swap3A_1546 = vector.shape_cast %swap3A_1545 : vector<1x16xf32> to vector<16xf32>
          %swap3A_1547 = vector.shape_cast %mul3A_1540 : vector<16xf32> to vector<1x16xf32>
          tpu.vector_store %arg12[%swap3A_1543, %swap3A_1544], %swap3A_1547 {strides = array<i32>} : memref<128x128xf32, #tpu.memory_space<vmem>>, vector<1x16xf32>,
          %add3A_1548 = arith.constant 12 : i32
          %add3A_1549 = arith.addi %mul3A_66, %add3A_1548 : i32
          %get3A_1550 = arith.index_cast %add3A_1549 : i32 to index
          %get3A_1551 = arith.constant 16 : index
          %get3A_1552 = tpu.vector_load %arg12[%get3A_1550, %get3A_1551] {strides = array<i32>} : memref<128x128xf32, #tpu.memory_space<vmem>>, vector<1x16xf32>,
          %get3A_1553 = vector.shape_cast %get3A_1552 : vector<1x16xf32> to vector<16xf32>
          %mul3A_1554 = vector.broadcast %squeeze3A_1532 : f32 to vector<16xf32>
          %mul3A_1555 = arith.mulf %get3A_1553, %mul3A_1554 : vector<16xf32>
          %add3A_1556 = arith.constant 12 : i32
          %add3A_1557 = arith.addi %mul3A_66, %add3A_1556 : i32
          %swap3A_1558 = arith.index_cast %add3A_1557 : i32 to index
          %swap3A_1559 = arith.constant 16 : index
          %swap3A_1560 = tpu.vector_load %arg12[%swap3A_1558, %swap3A_1559] {strides = array<i32>} : memref<128x128xf32, #tpu.memory_space<vmem>>, vector<1x16xf32>,
          %swap3A_1561 = vector.shape_cast %swap3A_1560 : vector<1x16xf32> to vector<16xf32>
          %swap3A_1562 = vector.shape_cast %mul3A_1555 : vector<16xf32> to vector<1x16xf32>
          tpu.vector_store %arg12[%swap3A_1558, %swap3A_1559], %swap3A_1562 {strides = array<i32>} : memref<128x128xf32, #tpu.memory_space<vmem>>, vector<1x16xf32>,
          %add3A_1563 = arith.constant 12 : i32
          %add3A_1564 = arith.addi %mul3A_66, %add3A_1563 : i32
          %get3A_1565 = arith.index_cast %add3A_1564 : i32 to index
          %get3A_1566 = arith.constant 32 : index
          %get3A_1567 = tpu.vector_load %arg12[%get3A_1565, %get3A_1566] {strides = array<i32>} : memref<128x128xf32, #tpu.memory_space<vmem>>, vector<1x16xf32>,
          %get3A_1568 = vector.shape_cast %get3A_1567 : vector<1x16xf32> to vector<16xf32>
          %mul3A_1569 = vector.broadcast %squeeze3A_1532 : f32 to vector<16xf32>
          %mul3A_1570 = arith.mulf %get3A_1568, %mul3A_1569 : vector<16xf32>
          %add3A_1571 = arith.constant 12 : i32
          %add3A_1572 = arith.addi %mul3A_66, %add3A_1571 : i32
          %swap3A_1573 = arith.index_cast %add3A_1572 : i32 to index
          %swap3A_1574 = arith.constant 32 : index
          %swap3A_1575 = tpu.vector_load %arg12[%swap3A_1573, %swap3A_1574] {strides = array<i32>} : memref<128x128xf32, #tpu.memory_space<vmem>>, vector<1x16xf32>,
          %swap3A_1576 = vector.shape_cast %swap3A_1575 : vector<1x16xf32> to vector<16xf32>
          %swap3A_1577 = vector.shape_cast %mul3A_1570 : vector<16xf32> to vector<1x16xf32>
          tpu.vector_store %arg12[%swap3A_1573, %swap3A_1574], %swap3A_1577 {strides = array<i32>} : memref<128x128xf32, #tpu.memory_space<vmem>>, vector<1x16xf32>,
          %add3A_1578 = arith.constant 12 : i32
          %add3A_1579 = arith.addi %mul3A_66, %add3A_1578 : i32
          %get3A_1580 = arith.index_cast %add3A_1579 : i32 to index
          %get3A_1581 = arith.constant 48 : index
          %get3A_1582 = tpu.vector_load %arg12[%get3A_1580, %get3A_1581] {strides = array<i32>} : memref<128x128xf32, #tpu.memory_space<vmem>>, vector<1x16xf32>,
          %get3A_1583 = vector.shape_cast %get3A_1582 : vector<1x16xf32> to vector<16xf32>
          %mul3A_1584 = vector.broadcast %squeeze3A_1532 : f32 to vector<16xf32>
          %mul3A_1585 = arith.mulf %get3A_1583, %mul3A_1584 : vector<16xf32>
          %add3A_1586 = arith.constant 12 : i32
          %add3A_1587 = arith.addi %mul3A_66, %add3A_1586 : i32
          %swap3A_1588 = arith.index_cast %add3A_1587 : i32 to index
          %swap3A_1589 = arith.constant 48 : index
          %swap3A_1590 = tpu.vector_load %arg12[%swap3A_1588, %swap3A_1589] {strides = array<i32>} : memref<128x128xf32, #tpu.memory_space<vmem>>, vector<1x16xf32>,
          %swap3A_1591 = vector.shape_cast %swap3A_1590 : vector<1x16xf32> to vector<16xf32>
          %swap3A_1592 = vector.shape_cast %mul3A_1585 : vector<16xf32> to vector<1x16xf32>
          tpu.vector_store %arg12[%swap3A_1588, %swap3A_1589], %swap3A_1592 {strides = array<i32>} : memref<128x128xf32, #tpu.memory_space<vmem>>, vector<1x16xf32>,
          %add3A_1593 = arith.constant 12 : i32
          %add3A_1594 = arith.addi %mul3A_66, %add3A_1593 : i32
          %get3A_1595 = arith.index_cast %add3A_1594 : i32 to index
          %get3A_1596 = arith.constant 64 : index
          %get3A_1597 = tpu.vector_load %arg12[%get3A_1595, %get3A_1596] {strides = array<i32>} : memref<128x128xf32, #tpu.memory_space<vmem>>, vector<1x16xf32>,
          %get3A_1598 = vector.shape_cast %get3A_1597 : vector<1x16xf32> to vector<16xf32>
          %mul3A_1599 = vector.broadcast %squeeze3A_1532 : f32 to vector<16xf32>
          %mul3A_1600 = arith.mulf %get3A_1598, %mul3A_1599 : vector<16xf32>
          %add3A_1601 = arith.constant 12 : i32
          %add3A_1602 = arith.addi %mul3A_66, %add3A_1601 : i32
          %swap3A_1603 = arith.index_cast %add3A_1602 : i32 to index
          %swap3A_1604 = arith.constant 64 : index
          %swap3A_1605 = tpu.vector_load %arg12[%swap3A_1603, %swap3A_1604] {strides = array<i32>} : memref<128x128xf32, #tpu.memory_space<vmem>>, vector<1x16xf32>,
          %swap3A_1606 = vector.shape_cast %swap3A_1605 : vector<1x16xf32> to vector<16xf32>
          %swap3A_1607 = vector.shape_cast %mul3A_1600 : vector<16xf32> to vector<1x16xf32>
          tpu.vector_store %arg12[%swap3A_1603, %swap3A_1604], %swap3A_1607 {strides = array<i32>} : memref<128x128xf32, #tpu.memory_space<vmem>>, vector<1x16xf32>,
          %add3A_1608 = arith.constant 12 : i32
          %add3A_1609 = arith.addi %mul3A_66, %add3A_1608 : i32
          %get3A_1610 = arith.index_cast %add3A_1609 : i32 to index
          %get3A_1611 = arith.constant 80 : index
          %get3A_1612 = tpu.vector_load %arg12[%get3A_1610, %get3A_1611] {strides = array<i32>} : memref<128x128xf32, #tpu.memory_space<vmem>>, vector<1x16xf32>,
          %get3A_1613 = vector.shape_cast %get3A_1612 : vector<1x16xf32> to vector<16xf32>
          %mul3A_1614 = vector.broadcast %squeeze3A_1532 : f32 to vector<16xf32>
          %mul3A_1615 = arith.mulf %get3A_1613, %mul3A_1614 : vector<16xf32>
          %add3A_1616 = arith.constant 12 : i32
          %add3A_1617 = arith.addi %mul3A_66, %add3A_1616 : i32
          %swap3A_1618 = arith.index_cast %add3A_1617 : i32 to index
          %swap3A_1619 = arith.constant 80 : index
          %swap3A_1620 = tpu.vector_load %arg12[%swap3A_1618, %swap3A_1619] {strides = array<i32>} : memref<128x128xf32, #tpu.memory_space<vmem>>, vector<1x16xf32>,
          %swap3A_1621 = vector.shape_cast %swap3A_1620 : vector<1x16xf32> to vector<16xf32>
          %swap3A_1622 = vector.shape_cast %mul3A_1615 : vector<16xf32> to vector<1x16xf32>
          tpu.vector_store %arg12[%swap3A_1618, %swap3A_1619], %swap3A_1622 {strides = array<i32>} : memref<128x128xf32, #tpu.memory_space<vmem>>, vector<1x16xf32>,
          %add3A_1623 = arith.constant 12 : i32
          %add3A_1624 = arith.addi %mul3A_66, %add3A_1623 : i32
          %get3A_1625 = arith.index_cast %add3A_1624 : i32 to index
          %get3A_1626 = arith.constant 96 : index
          %get3A_1627 = tpu.vector_load %arg12[%get3A_1625, %get3A_1626] {strides = array<i32>} : memref<128x128xf32, #tpu.memory_space<vmem>>, vector<1x16xf32>,
          %get3A_1628 = vector.shape_cast %get3A_1627 : vector<1x16xf32> to vector<16xf32>
          %mul3A_1629 = vector.broadcast %squeeze3A_1532 : f32 to vector<16xf32>
          %mul3A_1630 = arith.mulf %get3A_1628, %mul3A_1629 : vector<16xf32>
          %add3A_1631 = arith.constant 12 : i32
          %add3A_1632 = arith.addi %mul3A_66, %add3A_1631 : i32
          %swap3A_1633 = arith.index_cast %add3A_1632 : i32 to index
          %swap3A_1634 = arith.constant 96 : index
          %swap3A_1635 = tpu.vector_load %arg12[%swap3A_1633, %swap3A_1634] {strides = array<i32>} : memref<128x128xf32, #tpu.memory_space<vmem>>, vector<1x16xf32>,
          %swap3A_1636 = vector.shape_cast %swap3A_1635 : vector<1x16xf32> to vector<16xf32>
          %swap3A_1637 = vector.shape_cast %mul3A_1630 : vector<16xf32> to vector<1x16xf32>
          tpu.vector_store %arg12[%swap3A_1633, %swap3A_1634], %swap3A_1637 {strides = array<i32>} : memref<128x128xf32, #tpu.memory_space<vmem>>, vector<1x16xf32>,
          %add3A_1638 = arith.constant 12 : i32
          %add3A_1639 = arith.addi %mul3A_66, %add3A_1638 : i32
          %get3A_1640 = arith.index_cast %add3A_1639 : i32 to index
          %get3A_1641 = arith.constant 112 : index
          %get3A_1642 = tpu.vector_load %arg12[%get3A_1640, %get3A_1641] {strides = array<i32>} : memref<128x128xf32, #tpu.memory_space<vmem>>, vector<1x16xf32>,
          %get3A_1643 = vector.shape_cast %get3A_1642 : vector<1x16xf32> to vector<16xf32>
          %mul3A_1644 = vector.broadcast %squeeze3A_1532 : f32 to vector<16xf32>
          %mul3A_1645 = arith.mulf %get3A_1643, %mul3A_1644 : vector<16xf32>
          %add3A_1646 = arith.constant 12 : i32
          %add3A_1647 = arith.addi %mul3A_66, %add3A_1646 : i32
          %swap3A_1648 = arith.index_cast %add3A_1647 : i32 to index
          %swap3A_1649 = arith.constant 112 : index
          %swap3A_1650 = tpu.vector_load %arg12[%swap3A_1648, %swap3A_1649] {strides = array<i32>} : memref<128x128xf32, #tpu.memory_space<vmem>>, vector<1x16xf32>,
          %swap3A_1651 = vector.shape_cast %swap3A_1650 : vector<1x16xf32> to vector<16xf32>
          %swap3A_1652 = vector.shape_cast %mul3A_1645 : vector<16xf32> to vector<1x16xf32>
          tpu.vector_store %arg12[%swap3A_1648, %swap3A_1649], %swap3A_1652 {strides = array<i32>} : memref<128x128xf32, #tpu.memory_space<vmem>>, vector<1x16xf32>,
          %slice3A_1653 = vector.extract_strided_slice %get3A_69 {offsets = [13], sizes = [1], strides = [1]} : vector<16xf32> to vector<1xf32>
          %squeeze3A_1654 = vector.extract %slice3A_1653[0] : f32 from vector<1xf32>
          %add3A_1655 = arith.constant 13 : i32
          %add3A_1656 = arith.addi %mul3A_66, %add3A_1655 : i32
          %get3A_1657 = arith.index_cast %add3A_1656 : i32 to index
          %get3A_1658 = arith.constant 0 : index
          %get3A_1659 = tpu.vector_load %arg12[%get3A_1657, %get3A_1658] {strides = array<i32>} : memref<128x128xf32, #tpu.memory_space<vmem>>, vector<1x16xf32>,
          %get3A_1660 = vector.shape_cast %get3A_1659 : vector<1x16xf32> to vector<16xf32>
          %mul3A_1661 = vector.broadcast %squeeze3A_1654 : f32 to vector<16xf32>
          %mul3A_1662 = arith.mulf %get3A_1660, %mul3A_1661 : vector<16xf32>
          %add3A_1663 = arith.constant 13 : i32
          %add3A_1664 = arith.addi %mul3A_66, %add3A_1663 : i32
          %swap3A_1665 = arith.index_cast %add3A_1664 : i32 to index
          %swap3A_1666 = arith.constant 0 : index
          %swap3A_1667 = tpu.vector_load %arg12[%swap3A_1665, %swap3A_1666] {strides = array<i32>} : memref<128x128xf32, #tpu.memory_space<vmem>>, vector<1x16xf32>,
          %swap3A_1668 = vector.shape_cast %swap3A_1667 : vector<1x16xf32> to vector<16xf32>
          %swap3A_1669 = vector.shape_cast %mul3A_1662 : vector<16xf32> to vector<1x16xf32>
          tpu.vector_store %arg12[%swap3A_1665, %swap3A_1666], %swap3A_1669 {strides = array<i32>} : memref<128x128xf32, #tpu.memory_space<vmem>>, vector<1x16xf32>,
          %add3A_1670 = arith.constant 13 : i32
          %add3A_1671 = arith.addi %mul3A_66, %add3A_1670 : i32
          %get3A_1672 = arith.index_cast %add3A_1671 : i32 to index
          %get3A_1673 = arith.constant 16 : index
          %get3A_1674 = tpu.vector_load %arg12[%get3A_1672, %get3A_1673] {strides = array<i32>} : memref<128x128xf32, #tpu.memory_space<vmem>>, vector<1x16xf32>,
          %get3A_1675 = vector.shape_cast %get3A_1674 : vector<1x16xf32> to vector<16xf32>
          %mul3A_1676 = vector.broadcast %squeeze3A_1654 : f32 to vector<16xf32>
          %mul3A_1677 = arith.mulf %get3A_1675, %mul3A_1676 : vector<16xf32>
          %add3A_1678 = arith.constant 13 : i32
          %add3A_1679 = arith.addi %mul3A_66, %add3A_1678 : i32
          %swap3A_1680 = arith.index_cast %add3A_1679 : i32 to index
          %swap3A_1681 = arith.constant 16 : index
          %swap3A_1682 = tpu.vector_load %arg12[%swap3A_1680, %swap3A_1681] {strides = array<i32>} : memref<128x128xf32, #tpu.memory_space<vmem>>, vector<1x16xf32>,
          %swap3A_1683 = vector.shape_cast %swap3A_1682 : vector<1x16xf32> to vector<16xf32>
          %swap3A_1684 = vector.shape_cast %mul3A_1677 : vector<16xf32> to vector<1x16xf32>
          tpu.vector_store %arg12[%swap3A_1680, %swap3A_1681], %swap3A_1684 {strides = array<i32>} : memref<128x128xf32, #tpu.memory_space<vmem>>, vector<1x16xf32>,
          %add3A_1685 = arith.constant 13 : i32
          %add3A_1686 = arith.addi %mul3A_66, %add3A_1685 : i32
          %get3A_1687 = arith.index_cast %add3A_1686 : i32 to index
          %get3A_1688 = arith.constant 32 : index
          %get3A_1689 = tpu.vector_load %arg12[%get3A_1687, %get3A_1688] {strides = array<i32>} : memref<128x128xf32, #tpu.memory_space<vmem>>, vector<1x16xf32>,
          %get3A_1690 = vector.shape_cast %get3A_1689 : vector<1x16xf32> to vector<16xf32>
          %mul3A_1691 = vector.broadcast %squeeze3A_1654 : f32 to vector<16xf32>
          %mul3A_1692 = arith.mulf %get3A_1690, %mul3A_1691 : vector<16xf32>
          %add3A_1693 = arith.constant 13 : i32
          %add3A_1694 = arith.addi %mul3A_66, %add3A_1693 : i32
          %swap3A_1695 = arith.index_cast %add3A_1694 : i32 to index
          %swap3A_1696 = arith.constant 32 : index
          %swap3A_1697 = tpu.vector_load %arg12[%swap3A_1695, %swap3A_1696] {strides = array<i32>} : memref<128x128xf32, #tpu.memory_space<vmem>>, vector<1x16xf32>,
          %swap3A_1698 = vector.shape_cast %swap3A_1697 : vector<1x16xf32> to vector<16xf32>
          %swap3A_1699 = vector.shape_cast %mul3A_1692 : vector<16xf32> to vector<1x16xf32>
          tpu.vector_store %arg12[%swap3A_1695, %swap3A_1696], %swap3A_1699 {strides = array<i32>} : memref<128x128xf32, #tpu.memory_space<vmem>>, vector<1x16xf32>,
          %add3A_1700 = arith.constant 13 : i32
          %add3A_1701 = arith.addi %mul3A_66, %add3A_1700 : i32
          %get3A_1702 = arith.index_cast %add3A_1701 : i32 to index
          %get3A_1703 = arith.constant 48 : index
          %get3A_1704 = tpu.vector_load %arg12[%get3A_1702, %get3A_1703] {strides = array<i32>} : memref<128x128xf32, #tpu.memory_space<vmem>>, vector<1x16xf32>,
          %get3A_1705 = vector.shape_cast %get3A_1704 : vector<1x16xf32> to vector<16xf32>
          %mul3A_1706 = vector.broadcast %squeeze3A_1654 : f32 to vector<16xf32>
          %mul3A_1707 = arith.mulf %get3A_1705, %mul3A_1706 : vector<16xf32>
          %add3A_1708 = arith.constant 13 : i32
          %add3A_1709 = arith.addi %mul3A_66, %add3A_1708 : i32
          %swap3A_1710 = arith.index_cast %add3A_1709 : i32 to index
          %swap3A_1711 = arith.constant 48 : index
          %swap3A_1712 = tpu.vector_load %arg12[%swap3A_1710, %swap3A_1711] {strides = array<i32>} : memref<128x128xf32, #tpu.memory_space<vmem>>, vector<1x16xf32>,
          %swap3A_1713 = vector.shape_cast %swap3A_1712 : vector<1x16xf32> to vector<16xf32>
          %swap3A_1714 = vector.shape_cast %mul3A_1707 : vector<16xf32> to vector<1x16xf32>
          tpu.vector_store %arg12[%swap3A_1710, %swap3A_1711], %swap3A_1714 {strides = array<i32>} : memref<128x128xf32, #tpu.memory_space<vmem>>, vector<1x16xf32>,
          %add3A_1715 = arith.constant 13 : i32
          %add3A_1716 = arith.addi %mul3A_66, %add3A_1715 : i32
          %get3A_1717 = arith.index_cast %add3A_1716 : i32 to index
          %get3A_1718 = arith.constant 64 : index
          %get3A_1719 = tpu.vector_load %arg12[%get3A_1717, %get3A_1718] {strides = array<i32>} : memref<128x128xf32, #tpu.memory_space<vmem>>, vector<1x16xf32>,
          %get3A_1720 = vector.shape_cast %get3A_1719 : vector<1x16xf32> to vector<16xf32>
          %mul3A_1721 = vector.broadcast %squeeze3A_1654 : f32 to vector<16xf32>
          %mul3A_1722 = arith.mulf %get3A_1720, %mul3A_1721 : vector<16xf32>
          %add3A_1723 = arith.constant 13 : i32
          %add3A_1724 = arith.addi %mul3A_66, %add3A_1723 : i32
          %swap3A_1725 = arith.index_cast %add3A_1724 : i32 to index
          %swap3A_1726 = arith.constant 64 : index
          %swap3A_1727 = tpu.vector_load %arg12[%swap3A_1725, %swap3A_1726] {strides = array<i32>} : memref<128x128xf32, #tpu.memory_space<vmem>>, vector<1x16xf32>,
          %swap3A_1728 = vector.shape_cast %swap3A_1727 : vector<1x16xf32> to vector<16xf32>
          %swap3A_1729 = vector.shape_cast %mul3A_1722 : vector<16xf32> to vector<1x16xf32>
          tpu.vector_store %arg12[%swap3A_1725, %swap3A_1726], %swap3A_1729 {strides = array<i32>} : memref<128x128xf32, #tpu.memory_space<vmem>>, vector<1x16xf32>,
          %add3A_1730 = arith.constant 13 : i32
          %add3A_1731 = arith.addi %mul3A_66, %add3A_1730 : i32
          %get3A_1732 = arith.index_cast %add3A_1731 : i32 to index
          %get3A_1733 = arith.constant 80 : index
          %get3A_1734 = tpu.vector_load %arg12[%get3A_1732, %get3A_1733] {strides = array<i32>} : memref<128x128xf32, #tpu.memory_space<vmem>>, vector<1x16xf32>,
          %get3A_1735 = vector.shape_cast %get3A_1734 : vector<1x16xf32> to vector<16xf32>
          %mul3A_1736 = vector.broadcast %squeeze3A_1654 : f32 to vector<16xf32>
          %mul3A_1737 = arith.mulf %get3A_1735, %mul3A_1736 : vector<16xf32>
          %add3A_1738 = arith.constant 13 : i32
          %add3A_1739 = arith.addi %mul3A_66, %add3A_1738 : i32
          %swap3A_1740 = arith.index_cast %add3A_1739 : i32 to index
          %swap3A_1741 = arith.constant 80 : index
          %swap3A_1742 = tpu.vector_load %arg12[%swap3A_1740, %swap3A_1741] {strides = array<i32>} : memref<128x128xf32, #tpu.memory_space<vmem>>, vector<1x16xf32>,
          %swap3A_1743 = vector.shape_cast %swap3A_1742 : vector<1x16xf32> to vector<16xf32>
          %swap3A_1744 = vector.shape_cast %mul3A_1737 : vector<16xf32> to vector<1x16xf32>
          tpu.vector_store %arg12[%swap3A_1740, %swap3A_1741], %swap3A_1744 {strides = array<i32>} : memref<128x128xf32, #tpu.memory_space<vmem>>, vector<1x16xf32>,
          %add3A_1745 = arith.constant 13 : i32
          %add3A_1746 = arith.addi %mul3A_66, %add3A_1745 : i32
          %get3A_1747 = arith.index_cast %add3A_1746 : i32 to index
          %get3A_1748 = arith.constant 96 : index
          %get3A_1749 = tpu.vector_load %arg12[%get3A_1747, %get3A_1748] {strides = array<i32>} : memref<128x128xf32, #tpu.memory_space<vmem>>, vector<1x16xf32>,
          %get3A_1750 = vector.shape_cast %get3A_1749 : vector<1x16xf32> to vector<16xf32>
          %mul3A_1751 = vector.broadcast %squeeze3A_1654 : f32 to vector<16xf32>
          %mul3A_1752 = arith.mulf %get3A_1750, %mul3A_1751 : vector<16xf32>
          %add3A_1753 = arith.constant 13 : i32
          %add3A_1754 = arith.addi %mul3A_66, %add3A_1753 : i32
          %swap3A_1755 = arith.index_cast %add3A_1754 : i32 to index
          %swap3A_1756 = arith.constant 96 : index
          %swap3A_1757 = tpu.vector_load %arg12[%swap3A_1755, %swap3A_1756] {strides = array<i32>} : memref<128x128xf32, #tpu.memory_space<vmem>>, vector<1x16xf32>,
          %swap3A_1758 = vector.shape_cast %swap3A_1757 : vector<1x16xf32> to vector<16xf32>
          %swap3A_1759 = vector.shape_cast %mul3A_1752 : vector<16xf32> to vector<1x16xf32>
          tpu.vector_store %arg12[%swap3A_1755, %swap3A_1756], %swap3A_1759 {strides = array<i32>} : memref<128x128xf32, #tpu.memory_space<vmem>>, vector<1x16xf32>,
          %add3A_1760 = arith.constant 13 : i32
          %add3A_1761 = arith.addi %mul3A_66, %add3A_1760 : i32
          %get3A_1762 = arith.index_cast %add3A_1761 : i32 to index
          %get3A_1763 = arith.constant 112 : index
          %get3A_1764 = tpu.vector_load %arg12[%get3A_1762, %get3A_1763] {strides = array<i32>} : memref<128x128xf32, #tpu.memory_space<vmem>>, vector<1x16xf32>,
          %get3A_1765 = vector.shape_cast %get3A_1764 : vector<1x16xf32> to vector<16xf32>
          %mul3A_1766 = vector.broadcast %squeeze3A_1654 : f32 to vector<16xf32>
          %mul3A_1767 = arith.mulf %get3A_1765, %mul3A_1766 : vector<16xf32>
          %add3A_1768 = arith.constant 13 : i32
          %add3A_1769 = arith.addi %mul3A_66, %add3A_1768 : i32
          %swap3A_1770 = arith.index_cast %add3A_1769 : i32 to index
          %swap3A_1771 = arith.constant 112 : index
          %swap3A_1772 = tpu.vector_load %arg12[%swap3A_1770, %swap3A_1771] {strides = array<i32>} : memref<128x128xf32, #tpu.memory_space<vmem>>, vector<1x16xf32>,
          %swap3A_1773 = vector.shape_cast %swap3A_1772 : vector<1x16xf32> to vector<16xf32>
          %swap3A_1774 = vector.shape_cast %mul3A_1767 : vector<16xf32> to vector<1x16xf32>
          tpu.vector_store %arg12[%swap3A_1770, %swap3A_1771], %swap3A_1774 {strides = array<i32>} : memref<128x128xf32, #tpu.memory_space<vmem>>, vector<1x16xf32>,
          %slice3A_1775 = vector.extract_strided_slice %get3A_69 {offsets = [14], sizes = [1], strides = [1]} : vector<16xf32> to vector<1xf32>
          %squeeze3A_1776 = vector.extract %slice3A_1775[0] : f32 from vector<1xf32>
          %add3A_1777 = arith.constant 14 : i32
          %add3A_1778 = arith.addi %mul3A_66, %add3A_1777 : i32
          %get3A_1779 = arith.index_cast %add3A_1778 : i32 to index
          %get3A_1780 = arith.constant 0 : index
          %get3A_1781 = tpu.vector_load %arg12[%get3A_1779, %get3A_1780] {strides = array<i32>} : memref<128x128xf32, #tpu.memory_space<vmem>>, vector<1x16xf32>,
          %get3A_1782 = vector.shape_cast %get3A_1781 : vector<1x16xf32> to vector<16xf32>
          %mul3A_1783 = vector.broadcast %squeeze3A_1776 : f32 to vector<16xf32>
          %mul3A_1784 = arith.mulf %get3A_1782, %mul3A_1783 : vector<16xf32>
          %add3A_1785 = arith.constant 14 : i32
          %add3A_1786 = arith.addi %mul3A_66, %add3A_1785 : i32
          %swap3A_1787 = arith.index_cast %add3A_1786 : i32 to index
          %swap3A_1788 = arith.constant 0 : index
          %swap3A_1789 = tpu.vector_load %arg12[%swap3A_1787, %swap3A_1788] {strides = array<i32>} : memref<128x128xf32, #tpu.memory_space<vmem>>, vector<1x16xf32>,
          %swap3A_1790 = vector.shape_cast %swap3A_1789 : vector<1x16xf32> to vector<16xf32>
          %swap3A_1791 = vector.shape_cast %mul3A_1784 : vector<16xf32> to vector<1x16xf32>
          tpu.vector_store %arg12[%swap3A_1787, %swap3A_1788], %swap3A_1791 {strides = array<i32>} : memref<128x128xf32, #tpu.memory_space<vmem>>, vector<1x16xf32>,
          %add3A_1792 = arith.constant 14 : i32
          %add3A_1793 = arith.addi %mul3A_66, %add3A_1792 : i32
          %get3A_1794 = arith.index_cast %add3A_1793 : i32 to index
          %get3A_1795 = arith.constant 16 : index
          %get3A_1796 = tpu.vector_load %arg12[%get3A_1794, %get3A_1795] {strides = array<i32>} : memref<128x128xf32, #tpu.memory_space<vmem>>, vector<1x16xf32>,
          %get3A_1797 = vector.shape_cast %get3A_1796 : vector<1x16xf32> to vector<16xf32>
          %mul3A_1798 = vector.broadcast %squeeze3A_1776 : f32 to vector<16xf32>
          %mul3A_1799 = arith.mulf %get3A_1797, %mul3A_1798 : vector<16xf32>
          %add3A_1800 = arith.constant 14 : i32
          %add3A_1801 = arith.addi %mul3A_66, %add3A_1800 : i32
          %swap3A_1802 = arith.index_cast %add3A_1801 : i32 to index
          %swap3A_1803 = arith.constant 16 : index
          %swap3A_1804 = tpu.vector_load %arg12[%swap3A_1802, %swap3A_1803] {strides = array<i32>} : memref<128x128xf32, #tpu.memory_space<vmem>>, vector<1x16xf32>,
          %swap3A_1805 = vector.shape_cast %swap3A_1804 : vector<1x16xf32> to vector<16xf32>
          %swap3A_1806 = vector.shape_cast %mul3A_1799 : vector<16xf32> to vector<1x16xf32>
          tpu.vector_store %arg12[%swap3A_1802, %swap3A_1803], %swap3A_1806 {strides = array<i32>} : memref<128x128xf32, #tpu.memory_space<vmem>>, vector<1x16xf32>,
          %add3A_1807 = arith.constant 14 : i32
          %add3A_1808 = arith.addi %mul3A_66, %add3A_1807 : i32
          %get3A_1809 = arith.index_cast %add3A_1808 : i32 to index
          %get3A_1810 = arith.constant 32 : index
          %get3A_1811 = tpu.vector_load %arg12[%get3A_1809, %get3A_1810] {strides = array<i32>} : memref<128x128xf32, #tpu.memory_space<vmem>>, vector<1x16xf32>,
          %get3A_1812 = vector.shape_cast %get3A_1811 : vector<1x16xf32> to vector<16xf32>
          %mul3A_1813 = vector.broadcast %squeeze3A_1776 : f32 to vector<16xf32>
          %mul3A_1814 = arith.mulf %get3A_1812, %mul3A_1813 : vector<16xf32>
          %add3A_1815 = arith.constant 14 : i32
          %add3A_1816 = arith.addi %mul3A_66, %add3A_1815 : i32
          %swap3A_1817 = arith.index_cast %add3A_1816 : i32 to index
          %swap3A_1818 = arith.constant 32 : index
          %swap3A_1819 = tpu.vector_load %arg12[%swap3A_1817, %swap3A_1818] {strides = array<i32>} : memref<128x128xf32, #tpu.memory_space<vmem>>, vector<1x16xf32>,
          %swap3A_1820 = vector.shape_cast %swap3A_1819 : vector<1x16xf32> to vector<16xf32>
          %swap3A_1821 = vector.shape_cast %mul3A_1814 : vector<16xf32> to vector<1x16xf32>
          tpu.vector_store %arg12[%swap3A_1817, %swap3A_1818], %swap3A_1821 {strides = array<i32>} : memref<128x128xf32, #tpu.memory_space<vmem>>, vector<1x16xf32>,
          %add3A_1822 = arith.constant 14 : i32
          %add3A_1823 = arith.addi %mul3A_66, %add3A_1822 : i32
          %get3A_1824 = arith.index_cast %add3A_1823 : i32 to index
          %get3A_1825 = arith.constant 48 : index
          %get3A_1826 = tpu.vector_load %arg12[%get3A_1824, %get3A_1825] {strides = array<i32>} : memref<128x128xf32, #tpu.memory_space<vmem>>, vector<1x16xf32>,
          %get3A_1827 = vector.shape_cast %get3A_1826 : vector<1x16xf32> to vector<16xf32>
          %mul3A_1828 = vector.broadcast %squeeze3A_1776 : f32 to vector<16xf32>
          %mul3A_1829 = arith.mulf %get3A_1827, %mul3A_1828 : vector<16xf32>
          %add3A_1830 = arith.constant 14 : i32
          %add3A_1831 = arith.addi %mul3A_66, %add3A_1830 : i32
          %swap3A_1832 = arith.index_cast %add3A_1831 : i32 to index
          %swap3A_1833 = arith.constant 48 : index
          %swap3A_1834 = tpu.vector_load %arg12[%swap3A_1832, %swap3A_1833] {strides = array<i32>} : memref<128x128xf32, #tpu.memory_space<vmem>>, vector<1x16xf32>,
          %swap3A_1835 = vector.shape_cast %swap3A_1834 : vector<1x16xf32> to vector<16xf32>
          %swap3A_1836 = vector.shape_cast %mul3A_1829 : vector<16xf32> to vector<1x16xf32>
          tpu.vector_store %arg12[%swap3A_1832, %swap3A_1833], %swap3A_1836 {strides = array<i32>} : memref<128x128xf32, #tpu.memory_space<vmem>>, vector<1x16xf32>,
          %add3A_1837 = arith.constant 14 : i32
          %add3A_1838 = arith.addi %mul3A_66, %add3A_1837 : i32
          %get3A_1839 = arith.index_cast %add3A_1838 : i32 to index
          %get3A_1840 = arith.constant 64 : index
          %get3A_1841 = tpu.vector_load %arg12[%get3A_1839, %get3A_1840] {strides = array<i32>} : memref<128x128xf32, #tpu.memory_space<vmem>>, vector<1x16xf32>,
          %get3A_1842 = vector.shape_cast %get3A_1841 : vector<1x16xf32> to vector<16xf32>
          %mul3A_1843 = vector.broadcast %squeeze3A_1776 : f32 to vector<16xf32>
          %mul3A_1844 = arith.mulf %get3A_1842, %mul3A_1843 : vector<16xf32>
          %add3A_1845 = arith.constant 14 : i32
          %add3A_1846 = arith.addi %mul3A_66, %add3A_1845 : i32
          %swap3A_1847 = arith.index_cast %add3A_1846 : i32 to index
          %swap3A_1848 = arith.constant 64 : index
          %swap3A_1849 = tpu.vector_load %arg12[%swap3A_1847, %swap3A_1848] {strides = array<i32>} : memref<128x128xf32, #tpu.memory_space<vmem>>, vector<1x16xf32>,
          %swap3A_1850 = vector.shape_cast %swap3A_1849 : vector<1x16xf32> to vector<16xf32>
          %swap3A_1851 = vector.shape_cast %mul3A_1844 : vector<16xf32> to vector<1x16xf32>
          tpu.vector_store %arg12[%swap3A_1847, %swap3A_1848], %swap3A_1851 {strides = array<i32>} : memref<128x128xf32, #tpu.memory_space<vmem>>, vector<1x16xf32>,
          %add3A_1852 = arith.constant 14 : i32
          %add3A_1853 = arith.addi %mul3A_66, %add3A_1852 : i32
          %get3A_1854 = arith.index_cast %add3A_1853 : i32 to index
          %get3A_1855 = arith.constant 80 : index
          %get3A_1856 = tpu.vector_load %arg12[%get3A_1854, %get3A_1855] {strides = array<i32>} : memref<128x128xf32, #tpu.memory_space<vmem>>, vector<1x16xf32>,
          %get3A_1857 = vector.shape_cast %get3A_1856 : vector<1x16xf32> to vector<16xf32>
          %mul3A_1858 = vector.broadcast %squeeze3A_1776 : f32 to vector<16xf32>
          %mul3A_1859 = arith.mulf %get3A_1857, %mul3A_1858 : vector<16xf32>
          %add3A_1860 = arith.constant 14 : i32
          %add3A_1861 = arith.addi %mul3A_66, %add3A_1860 : i32
          %swap3A_1862 = arith.index_cast %add3A_1861 : i32 to index
          %swap3A_1863 = arith.constant 80 : index
          %swap3A_1864 = tpu.vector_load %arg12[%swap3A_1862, %swap3A_1863] {strides = array<i32>} : memref<128x128xf32, #tpu.memory_space<vmem>>, vector<1x16xf32>,
          %swap3A_1865 = vector.shape_cast %swap3A_1864 : vector<1x16xf32> to vector<16xf32>
          %swap3A_1866 = vector.shape_cast %mul3A_1859 : vector<16xf32> to vector<1x16xf32>
          tpu.vector_store %arg12[%swap3A_1862, %swap3A_1863], %swap3A_1866 {strides = array<i32>} : memref<128x128xf32, #tpu.memory_space<vmem>>, vector<1x16xf32>,
          %add3A_1867 = arith.constant 14 : i32
          %add3A_1868 = arith.addi %mul3A_66, %add3A_1867 : i32
          %get3A_1869 = arith.index_cast %add3A_1868 : i32 to index
          %get3A_1870 = arith.constant 96 : index
          %get3A_1871 = tpu.vector_load %arg12[%get3A_1869, %get3A_1870] {strides = array<i32>} : memref<128x128xf32, #tpu.memory_space<vmem>>, vector<1x16xf32>,
          %get3A_1872 = vector.shape_cast %get3A_1871 : vector<1x16xf32> to vector<16xf32>
          %mul3A_1873 = vector.broadcast %squeeze3A_1776 : f32 to vector<16xf32>
          %mul3A_1874 = arith.mulf %get3A_1872, %mul3A_1873 : vector<16xf32>
          %add3A_1875 = arith.constant 14 : i32
          %add3A_1876 = arith.addi %mul3A_66, %add3A_1875 : i32
          %swap3A_1877 = arith.index_cast %add3A_1876 : i32 to index
          %swap3A_1878 = arith.constant 96 : index
          %swap3A_1879 = tpu.vector_load %arg12[%swap3A_1877, %swap3A_1878] {strides = array<i32>} : memref<128x128xf32, #tpu.memory_space<vmem>>, vector<1x16xf32>,
          %swap3A_1880 = vector.shape_cast %swap3A_1879 : vector<1x16xf32> to vector<16xf32>
          %swap3A_1881 = vector.shape_cast %mul3A_1874 : vector<16xf32> to vector<1x16xf32>
          tpu.vector_store %arg12[%swap3A_1877, %swap3A_1878], %swap3A_1881 {strides = array<i32>} : memref<128x128xf32, #tpu.memory_space<vmem>>, vector<1x16xf32>,
          %add3A_1882 = arith.constant 14 : i32
          %add3A_1883 = arith.addi %mul3A_66, %add3A_1882 : i32
          %get3A_1884 = arith.index_cast %add3A_1883 : i32 to index
          %get3A_1885 = arith.constant 112 : index
          %get3A_1886 = tpu.vector_load %arg12[%get3A_1884, %get3A_1885] {strides = array<i32>} : memref<128x128xf32, #tpu.memory_space<vmem>>, vector<1x16xf32>,
          %get3A_1887 = vector.shape_cast %get3A_1886 : vector<1x16xf32> to vector<16xf32>
          %mul3A_1888 = vector.broadcast %squeeze3A_1776 : f32 to vector<16xf32>
          %mul3A_1889 = arith.mulf %get3A_1887, %mul3A_1888 : vector<16xf32>
          %add3A_1890 = arith.constant 14 : i32
          %add3A_1891 = arith.addi %mul3A_66, %add3A_1890 : i32
          %swap3A_1892 = arith.index_cast %add3A_1891 : i32 to index
          %swap3A_1893 = arith.constant 112 : index
          %swap3A_1894 = tpu.vector_load %arg12[%swap3A_1892, %swap3A_1893] {strides = array<i32>} : memref<128x128xf32, #tpu.memory_space<vmem>>, vector<1x16xf32>,
          %swap3A_1895 = vector.shape_cast %swap3A_1894 : vector<1x16xf32> to vector<16xf32>
          %swap3A_1896 = vector.shape_cast %mul3A_1889 : vector<16xf32> to vector<1x16xf32>
          tpu.vector_store %arg12[%swap3A_1892, %swap3A_1893], %swap3A_1896 {strides = array<i32>} : memref<128x128xf32, #tpu.memory_space<vmem>>, vector<1x16xf32>,
          %slice3A_1897 = vector.extract_strided_slice %get3A_69 {offsets = [15], sizes = [1], strides = [1]} : vector<16xf32> to vector<1xf32>
          %squeeze3A_1898 = vector.extract %slice3A_1897[0] : f32 from vector<1xf32>
          %add3A_1899 = arith.constant 15 : i32
          %add3A_1900 = arith.addi %mul3A_66, %add3A_1899 : i32
          %get3A_1901 = arith.index_cast %add3A_1900 : i32 to index
          %get3A_1902 = arith.constant 0 : index
          %get3A_1903 = tpu.vector_load %arg12[%get3A_1901, %get3A_1902] {strides = array<i32>} : memref<128x128xf32, #tpu.memory_space<vmem>>, vector<1x16xf32>,
          %get3A_1904 = vector.shape_cast %get3A_1903 : vector<1x16xf32> to vector<16xf32>
          %mul3A_1905 = vector.broadcast %squeeze3A_1898 : f32 to vector<16xf32>
          %mul3A_1906 = arith.mulf %get3A_1904, %mul3A_1905 : vector<16xf32>
          %add3A_1907 = arith.constant 15 : i32
          %add3A_1908 = arith.addi %mul3A_66, %add3A_1907 : i32
          %swap3A_1909 = arith.index_cast %add3A_1908 : i32 to index
          %swap3A_1910 = arith.constant 0 : index
          %swap3A_1911 = tpu.vector_load %arg12[%swap3A_1909, %swap3A_1910] {strides = array<i32>} : memref<128x128xf32, #tpu.memory_space<vmem>>, vector<1x16xf32>,
          %swap3A_1912 = vector.shape_cast %swap3A_1911 : vector<1x16xf32> to vector<16xf32>
          %swap3A_1913 = vector.shape_cast %mul3A_1906 : vector<16xf32> to vector<1x16xf32>
          tpu.vector_store %arg12[%swap3A_1909, %swap3A_1910], %swap3A_1913 {strides = array<i32>} : memref<128x128xf32, #tpu.memory_space<vmem>>, vector<1x16xf32>,
          %add3A_1914 = arith.constant 15 : i32
          %add3A_1915 = arith.addi %mul3A_66, %add3A_1914 : i32
          %get3A_1916 = arith.index_cast %add3A_1915 : i32 to index
          %get3A_1917 = arith.constant 16 : index
          %get3A_1918 = tpu.vector_load %arg12[%get3A_1916, %get3A_1917] {strides = array<i32>} : memref<128x128xf32, #tpu.memory_space<vmem>>, vector<1x16xf32>,
          %get3A_1919 = vector.shape_cast %get3A_1918 : vector<1x16xf32> to vector<16xf32>
          %mul3A_1920 = vector.broadcast %squeeze3A_1898 : f32 to vector<16xf32>
          %mul3A_1921 = arith.mulf %get3A_1919, %mul3A_1920 : vector<16xf32>
          %add3A_1922 = arith.constant 15 : i32
          %add3A_1923 = arith.addi %mul3A_66, %add3A_1922 : i32
          %swap3A_1924 = arith.index_cast %add3A_1923 : i32 to index
          %swap3A_1925 = arith.constant 16 : index
          %swap3A_1926 = tpu.vector_load %arg12[%swap3A_1924, %swap3A_1925] {strides = array<i32>} : memref<128x128xf32, #tpu.memory_space<vmem>>, vector<1x16xf32>,
          %swap3A_1927 = vector.shape_cast %swap3A_1926 : vector<1x16xf32> to vector<16xf32>
          %swap3A_1928 = vector.shape_cast %mul3A_1921 : vector<16xf32> to vector<1x16xf32>
          tpu.vector_store %arg12[%swap3A_1924, %swap3A_1925], %swap3A_1928 {strides = array<i32>} : memref<128x128xf32, #tpu.memory_space<vmem>>, vector<1x16xf32>,
          %add3A_1929 = arith.constant 15 : i32
          %add3A_1930 = arith.addi %mul3A_66, %add3A_1929 : i32
          %get3A_1931 = arith.index_cast %add3A_1930 : i32 to index
          %get3A_1932 = arith.constant 32 : index
          %get3A_1933 = tpu.vector_load %arg12[%get3A_1931, %get3A_1932] {strides = array<i32>} : memref<128x128xf32, #tpu.memory_space<vmem>>, vector<1x16xf32>,
          %get3A_1934 = vector.shape_cast %get3A_1933 : vector<1x16xf32> to vector<16xf32>
          %mul3A_1935 = vector.broadcast %squeeze3A_1898 : f32 to vector<16xf32>
          %mul3A_1936 = arith.mulf %get3A_1934, %mul3A_1935 : vector<16xf32>
          %add3A_1937 = arith.constant 15 : i32
          %add3A_1938 = arith.addi %mul3A_66, %add3A_1937 : i32
          %swap3A_1939 = arith.index_cast %add3A_1938 : i32 to index
          %swap3A_1940 = arith.constant 32 : index
          %swap3A_1941 = tpu.vector_load %arg12[%swap3A_1939, %swap3A_1940] {strides = array<i32>} : memref<128x128xf32, #tpu.memory_space<vmem>>, vector<1x16xf32>,
          %swap3A_1942 = vector.shape_cast %swap3A_1941 : vector<1x16xf32> to vector<16xf32>
          %swap3A_1943 = vector.shape_cast %mul3A_1936 : vector<16xf32> to vector<1x16xf32>
          tpu.vector_store %arg12[%swap3A_1939, %swap3A_1940], %swap3A_1943 {strides = array<i32>} : memref<128x128xf32, #tpu.memory_space<vmem>>, vector<1x16xf32>,
          %add3A_1944 = arith.constant 15 : i32
          %add3A_1945 = arith.addi %mul3A_66, %add3A_1944 : i32
          %get3A_1946 = arith.index_cast %add3A_1945 : i32 to index
          %get3A_1947 = arith.constant 48 : index
          %get3A_1948 = tpu.vector_load %arg12[%get3A_1946, %get3A_1947] {strides = array<i32>} : memref<128x128xf32, #tpu.memory_space<vmem>>, vector<1x16xf32>,
          %get3A_1949 = vector.shape_cast %get3A_1948 : vector<1x16xf32> to vector<16xf32>
          %mul3A_1950 = vector.broadcast %squeeze3A_1898 : f32 to vector<16xf32>
          %mul3A_1951 = arith.mulf %get3A_1949, %mul3A_1950 : vector<16xf32>
          %add3A_1952 = arith.constant 15 : i32
          %add3A_1953 = arith.addi %mul3A_66, %add3A_1952 : i32
          %swap3A_1954 = arith.index_cast %add3A_1953 : i32 to index
          %swap3A_1955 = arith.constant 48 : index
          %swap3A_1956 = tpu.vector_load %arg12[%swap3A_1954, %swap3A_1955] {strides = array<i32>} : memref<128x128xf32, #tpu.memory_space<vmem>>, vector<1x16xf32>,
          %swap3A_1957 = vector.shape_cast %swap3A_1956 : vector<1x16xf32> to vector<16xf32>
          %swap3A_1958 = vector.shape_cast %mul3A_1951 : vector<16xf32> to vector<1x16xf32>
          tpu.vector_store %arg12[%swap3A_1954, %swap3A_1955], %swap3A_1958 {strides = array<i32>} : memref<128x128xf32, #tpu.memory_space<vmem>>, vector<1x16xf32>,
          %add3A_1959 = arith.constant 15 : i32
          %add3A_1960 = arith.addi %mul3A_66, %add3A_1959 : i32
          %get3A_1961 = arith.index_cast %add3A_1960 : i32 to index
          %get3A_1962 = arith.constant 64 : index
          %get3A_1963 = tpu.vector_load %arg12[%get3A_1961, %get3A_1962] {strides = array<i32>} : memref<128x128xf32, #tpu.memory_space<vmem>>, vector<1x16xf32>,
          %get3A_1964 = vector.shape_cast %get3A_1963 : vector<1x16xf32> to vector<16xf32>
          %mul3A_1965 = vector.broadcast %squeeze3A_1898 : f32 to vector<16xf32>
          %mul3A_1966 = arith.mulf %get3A_1964, %mul3A_1965 : vector<16xf32>
          %add3A_1967 = arith.constant 15 : i32
          %add3A_1968 = arith.addi %mul3A_66, %add3A_1967 : i32
          %swap3A_1969 = arith.index_cast %add3A_1968 : i32 to index
          %swap3A_1970 = arith.constant 64 : index
          %swap3A_1971 = tpu.vector_load %arg12[%swap3A_1969, %swap3A_1970] {strides = array<i32>} : memref<128x128xf32, #tpu.memory_space<vmem>>, vector<1x16xf32>,
          %swap3A_1972 = vector.shape_cast %swap3A_1971 : vector<1x16xf32> to vector<16xf32>
          %swap3A_1973 = vector.shape_cast %mul3A_1966 : vector<16xf32> to vector<1x16xf32>
          tpu.vector_store %arg12[%swap3A_1969, %swap3A_1970], %swap3A_1973 {strides = array<i32>} : memref<128x128xf32, #tpu.memory_space<vmem>>, vector<1x16xf32>,
          %add3A_1974 = arith.constant 15 : i32
          %add3A_1975 = arith.addi %mul3A_66, %add3A_1974 : i32
          %get3A_1976 = arith.index_cast %add3A_1975 : i32 to index
          %get3A_1977 = arith.constant 80 : index
          %get3A_1978 = tpu.vector_load %arg12[%get3A_1976, %get3A_1977] {strides = array<i32>} : memref<128x128xf32, #tpu.memory_space<vmem>>, vector<1x16xf32>,
          %get3A_1979 = vector.shape_cast %get3A_1978 : vector<1x16xf32> to vector<16xf32>
          %mul3A_1980 = vector.broadcast %squeeze3A_1898 : f32 to vector<16xf32>
          %mul3A_1981 = arith.mulf %get3A_1979, %mul3A_1980 : vector<16xf32>
          %add3A_1982 = arith.constant 15 : i32
          %add3A_1983 = arith.addi %mul3A_66, %add3A_1982 : i32
          %swap3A_1984 = arith.index_cast %add3A_1983 : i32 to index
          %swap3A_1985 = arith.constant 80 : index
          %swap3A_1986 = tpu.vector_load %arg12[%swap3A_1984, %swap3A_1985] {strides = array<i32>} : memref<128x128xf32, #tpu.memory_space<vmem>>, vector<1x16xf32>,
          %swap3A_1987 = vector.shape_cast %swap3A_1986 : vector<1x16xf32> to vector<16xf32>
          %swap3A_1988 = vector.shape_cast %mul3A_1981 : vector<16xf32> to vector<1x16xf32>
          tpu.vector_store %arg12[%swap3A_1984, %swap3A_1985], %swap3A_1988 {strides = array<i32>} : memref<128x128xf32, #tpu.memory_space<vmem>>, vector<1x16xf32>,
          %add3A_1989 = arith.constant 15 : i32
          %add3A_1990 = arith.addi %mul3A_66, %add3A_1989 : i32
          %get3A_1991 = arith.index_cast %add3A_1990 : i32 to index
          %get3A_1992 = arith.constant 96 : index
          %get3A_1993 = tpu.vector_load %arg12[%get3A_1991, %get3A_1992] {strides = array<i32>} : memref<128x128xf32, #tpu.memory_space<vmem>>, vector<1x16xf32>,
          %get3A_1994 = vector.shape_cast %get3A_1993 : vector<1x16xf32> to vector<16xf32>
          %mul3A_1995 = vector.broadcast %squeeze3A_1898 : f32 to vector<16xf32>
          %mul3A_1996 = arith.mulf %get3A_1994, %mul3A_1995 : vector<16xf32>
          %add3A_1997 = arith.constant 15 : i32
          %add3A_1998 = arith.addi %mul3A_66, %add3A_1997 : i32
          %swap3A_1999 = arith.index_cast %add3A_1998 : i32 to index
          %swap3A_2000 = arith.constant 96 : index
          %swap3A_2001 = tpu.vector_load %arg12[%swap3A_1999, %swap3A_2000] {strides = array<i32>} : memref<128x128xf32, #tpu.memory_space<vmem>>, vector<1x16xf32>,
          %swap3A_2002 = vector.shape_cast %swap3A_2001 : vector<1x16xf32> to vector<16xf32>
          %swap3A_2003 = vector.shape_cast %mul3A_1996 : vector<16xf32> to vector<1x16xf32>
          tpu.vector_store %arg12[%swap3A_1999, %swap3A_2000], %swap3A_2003 {strides = array<i32>} : memref<128x128xf32, #tpu.memory_space<vmem>>, vector<1x16xf32>,
          %add3A_2004 = arith.constant 15 : i32
          %add3A_2005 = arith.addi %mul3A_66, %add3A_2004 : i32
          %get3A_2006 = arith.index_cast %add3A_2005 : i32 to index
          %get3A_2007 = arith.constant 112 : index
          %get3A_2008 = tpu.vector_load %arg12[%get3A_2006, %get3A_2007] {strides = array<i32>} : memref<128x128xf32, #tpu.memory_space<vmem>>, vector<1x16xf32>,
          %get3A_2009 = vector.shape_cast %get3A_2008 : vector<1x16xf32> to vector<16xf32>
          %mul3A_2010 = vector.broadcast %squeeze3A_1898 : f32 to vector<16xf32>
          %mul3A_2011 = arith.mulf %get3A_2009, %mul3A_2010 : vector<16xf32>
          %add3A_2012 = arith.constant 15 : i32
          %add3A_2013 = arith.addi %mul3A_66, %add3A_2012 : i32
          %swap3A_2014 = arith.index_cast %add3A_2013 : i32 to index
          %swap3A_2015 = arith.constant 112 : index
          %swap3A_2016 = tpu.vector_load %arg12[%swap3A_2014, %swap3A_2015] {strides = array<i32>} : memref<128x128xf32, #tpu.memory_space<vmem>>, vector<1x16xf32>,
          %swap3A_2017 = vector.shape_cast %swap3A_2016 : vector<1x16xf32> to vector<16xf32>
          %swap3A_2018 = vector.shape_cast %mul3A_2011 : vector<16xf32> to vector<1x16xf32>
          tpu.vector_store %arg12[%swap3A_2014, %swap3A_2015], %swap3A_2018 {strides = array<i32>} : memref<128x128xf32, #tpu.memory_space<vmem>>, vector<1x16xf32>,
        }
        %scan3A_63 = arith.constant 8 : i32
        "tpu.region"() ({
          %run_scoped3A = tpu.sem_alloc : memref<!tpu.dma_semaphore, #tpu.memory_space<semaphore_mem>>
          %dma_start3A_64 = arith.constant 0 : i32
          %dma_start3A_65 = tpu.memref_slice %arg10[%scan3A_47, %dma_start3A_64] : memref<79x128xi32, #tpu.memory_space<vmem>> -> memref<1x128xi32, #tpu.memory_space<vmem>>
          %dma_start3A_66 = tpu.memref_squeeze %dma_start3A_65 : memref<1x128xi32, #tpu.memory_space<vmem>> -> memref<128xi32, #tpu.memory_space<vmem>>
          %dma_start3A_67 = arith.constant 0 : i32
          %dma_start3A_68 = arith.constant 0 : i32
          %dma_start3A_69 = tpu.memref_slice %arg13[%dma_start3A_67, %dma_start3A_68] : memref<10240x128xf32, #tpu.memory_space<vmem_shared>> -> memref<10240x128xf32, #tpu.memory_space<vmem_shared>>
          tpu.enqueue_indirect_dma source(%arg12 : memref<128x128xf32, #tpu.memory_space<vmem>>) target(%dma_start3A_69 : memref<10240x128xf32, #tpu.memory_space<vmem_shared>>) offsets(%dma_start3A_66 : memref<128xi32, #tpu.memory_space<vmem>>) semaphore(%run_scoped3A : memref<!tpu.dma_semaphore, #tpu.memory_space<semaphore_mem>>) {add = true}
          %dma_wait3A_70 = arith.constant 0 : i32
          %dma_wait3A_71 = tpu.memref_slice %arg10[%scan3A_47, %dma_wait3A_70] : memref<79x128xi32, #tpu.memory_space<vmem>> -> memref<1x128xi32, #tpu.memory_space<vmem>>
          %dma_wait3A_72 = tpu.memref_squeeze %dma_wait3A_71 : memref<1x128xi32, #tpu.memory_space<vmem>> -> memref<128xi32, #tpu.memory_space<vmem>>
          %dma_wait3A_73 = arith.constant 0 : i32
          %dma_wait3A_74 = arith.constant 0 : i32
          %dma_wait3A_75 = tpu.memref_slice %arg13[%dma_wait3A_73, %dma_wait3A_74] : memref<10240x128xf32, #tpu.memory_space<vmem_shared>> -> memref<10240x128xf32, #tpu.memory_space<vmem_shared>>
          tpu.wait_indirect_dma semaphore(%run_scoped3A : memref<!tpu.dma_semaphore, #tpu.memory_space<semaphore_mem>>) src(%arg12 : memref<128x128xf32, #tpu.memory_space<vmem>>) dst(%dma_wait3A_75 : memref<10240x128xf32, #tpu.memory_space<vmem_shared>>)
          tpu.yield
        }) : () -> ()
      }
      %scan3A_46 = arith.constant 79 : i32
    } else {
    }
    %barrier3A_30 = arith.constant 0 : index
    tpu.barrier barrier_id(%barrier3A_30)
    %eq3A_31 = arith.constant 0 : i32
    %eq3A_32 = arith.cmpi eq, %arg0, %eq3A_31 : i32
    %convert_element_type3A_33 = arith.extui %eq3A_32 : i1 to i32
    %cond3A_34 = arith.constant 0 : i32
    %cond3A_35 = arith.cmpi ne, %convert_element_type3A_33, %cond3A_34 : i32
    scf.if %cond3A_35 {
      %mul3A_41 = arith.constant 640 : i32
      %mul3A_42 = arith.muli %arg1, %mul3A_41 : i32
      %add3A_43 = arith.constant 0 : i32
      %add3A_44 = arith.addi %mul3A_42, %add3A_43 : i32
      "tpu.region"() ({
        %run_scoped3A = tpu.sem_alloc : memref<!tpu.dma_semaphore, #tpu.memory_space<semaphore_mem>>
        %dma_start3A = arith.constant 0 : i32
        %dma_start3A_61 = arith.constant 0 : i32
        %dma_start3A_62 = tpu.memref_slice %arg12[%dma_start3A, %dma_start3A_61] : memref<128x128xf32, #tpu.memory_space<vmem>> -> memref<128x128xf32, #tpu.memory_space<vmem>>
        %dma_start3A_63 = arith.constant 0 : i32
        %dma_start3A_64 = tpu.memref_slice %arg13[%add3A_44, %dma_start3A_63] : memref<10240x128xf32, #tpu.memory_space<vmem_shared>> -> memref<128x128xf32, #tpu.memory_space<vmem_shared>>
        %dma_start3A_65 = arith.constant 0 : i32
        %dma_start3A_66 = arith.constant 0 : i32
        %dma_start3A_67 = tpu.memref_slice %arg12[%dma_start3A_65, %dma_start3A_66] : memref<128x128xf32, #tpu.memory_space<vmem>> -> memref<128x128xf32, #tpu.memory_space<vmem>>
        %dma_start3A_68 = arith.constant 0 : i32
        %dma_start3A_69 = tpu.memref_slice %arg13[%add3A_44, %dma_start3A_68] : memref<10240x128xf32, #tpu.memory_space<vmem_shared>> -> memref<128x128xf32, #tpu.memory_space<vmem_shared>>
        tpu.enqueue_dma source(%dma_start3A_69 : memref<128x128xf32, #tpu.memory_space<vmem_shared>>) target(%dma_start3A_67 : memref<128x128xf32, #tpu.memory_space<vmem>>) target_semaphore(%run_scoped3A : memref<!tpu.dma_semaphore, #tpu.memory_space<semaphore_mem>>)
        %dma_wait3A = arith.constant 0 : i32
        %dma_wait3A_70 = arith.constant 0 : i32
        %dma_wait3A_71 = tpu.memref_slice %arg12[%dma_wait3A, %dma_wait3A_70] : memref<128x128xf32, #tpu.memory_space<vmem>> -> memref<128x128xf32, #tpu.memory_space<vmem>>
        %dma_wait3A_72 = arith.constant 0 : i32
        %dma_wait3A_73 = tpu.memref_slice %arg13[%add3A_44, %dma_wait3A_72] : memref<10240x128xf32, #tpu.memory_space<vmem_shared>> -> memref<128x128xf32, #tpu.memory_space<vmem_shared>>
        %dma_wait3A_74 = arith.constant 0 : i32
        %dma_wait3A_75 = arith.constant 0 : i32
        %dma_wait3A_76 = tpu.memref_slice %arg12[%dma_wait3A_74, %dma_wait3A_75] : memref<128x128xf32, #tpu.memory_space<vmem>> -> memref<128x128xf32, #tpu.memory_space<vmem>>
        %dma_wait3A_77 = arith.constant 0 : i32
        %dma_wait3A_78 = tpu.memref_slice %arg13[%add3A_44, %dma_wait3A_77] : memref<10240x128xf32, #tpu.memory_space<vmem_shared>> -> memref<128x128xf32, #tpu.memory_space<vmem_shared>>
        tpu.wait_dma2 semaphore(%run_scoped3A : memref<!tpu.dma_semaphore, #tpu.memory_space<semaphore_mem>>) src(%dma_wait3A_78 : memref<128x128xf32, #tpu.memory_space<vmem_shared>>) dst(%dma_wait3A_76 : memref<128x128xf32, #tpu.memory_space<vmem>>)
        tpu.yield
      }) : () -> ()
      "tpu.region"() ({
        %run_scoped3A = tpu.sem_alloc : memref<!tpu.dma_semaphore, #tpu.memory_space<semaphore_mem>>
        %dma_start3A = arith.constant 0 : i32
        %dma_start3A_61 = arith.constant 0 : i32
        %dma_start3A_62 = tpu.memref_slice %arg12[%dma_start3A, %dma_start3A_61] : memref<128x128xf32, #tpu.memory_space<vmem>> -> memref<128x128xf32, #tpu.memory_space<vmem>>
        %dma_start3A_63 = arith.constant 0 : i32
        %dma_start3A_64 = tpu.memref_slice %arg7[%add3A_44, %dma_start3A_63] : memref<10240x128xf32, #tpu.memory_space<hbm>> -> memref<128x128xf32, #tpu.memory_space<hbm>>
        %dma_start3A_65 = arith.constant 0 : i32
        %dma_start3A_66 = tpu.memref_slice %arg7[%add3A_44, %dma_start3A_65] : memref<10240x128xf32, #tpu.memory_space<hbm>> -> memref<128x128xf32, #tpu.memory_space<hbm>>
        %dma_start3A_67 = arith.constant 0 : i32
        %dma_start3A_68 = arith.constant 0 : i32
        %dma_start3A_69 = tpu.memref_slice %arg12[%dma_start3A_67, %dma_start3A_68] : memref<128x128xf32, #tpu.memory_space<vmem>> -> memref<128x128xf32, #tpu.memory_space<vmem>>
        tpu.enqueue_dma source(%dma_start3A_69 : memref<128x128xf32, #tpu.memory_space<vmem>>) target(%dma_start3A_66 : memref<128x128xf32, #tpu.memory_space<hbm>>) target_semaphore(%run_scoped3A : memref<!tpu.dma_semaphore, #tpu.memory_space<semaphore_mem>>)
        %dma_wait3A = arith.constant 0 : i32
        %dma_wait3A_70 = arith.constant 0 : i32
        %dma_wait3A_71 = tpu.memref_slice %arg12[%dma_wait3A, %dma_wait3A_70] : memref<128x128xf32, #tpu.memory_space<vmem>> -> memref<128x128xf32, #tpu.memory_space<vmem>>
        %dma_wait3A_72 = arith.constant 0 : i32
        %dma_wait3A_73 = tpu.memref_slice %arg7[%add3A_44, %dma_wait3A_72] : memref<10240x128xf32, #tpu.memory_space<hbm>> -> memref<128x128xf32, #tpu.memory_space<hbm>>
        %dma_wait3A_74 = arith.constant 0 : i32
        %dma_wait3A_75 = tpu.memref_slice %arg7[%add3A_44, %dma_wait3A_74] : memref<10240x128xf32, #tpu.memory_space<hbm>> -> memref<128x128xf32, #tpu.memory_space<hbm>>
        %dma_wait3A_76 = arith.constant 0 : i32
        %dma_wait3A_77 = arith.constant 0 : i32
        %dma_wait3A_78 = tpu.memref_slice %arg12[%dma_wait3A_76, %dma_wait3A_77] : memref<128x128xf32, #tpu.memory_space<vmem>> -> memref<128x128xf32, #tpu.memory_space<vmem>>
        tpu.wait_dma2 semaphore(%run_scoped3A : memref<!tpu.dma_semaphore, #tpu.memory_space<semaphore_mem>>) src(%dma_wait3A_78 : memref<128x128xf32, #tpu.memory_space<vmem>>) dst(%dma_wait3A_75 : memref<128x128xf32, #tpu.memory_space<hbm>>)
        tpu.yield
      }) : () -> ()
      %mul3A_45 = arith.constant 640 : i32
      %mul3A_46 = arith.muli %arg1, %mul3A_45 : i32
      %add3A_47 = arith.constant 128 : i32
      %add3A_48 = arith.addi %mul3A_46, %add3A_47 : i32
      "tpu.region"() ({
        %run_scoped3A = tpu.sem_alloc : memref<!tpu.dma_semaphore, #tpu.memory_space<semaphore_mem>>
        %dma_start3A = arith.constant 0 : i32
        %dma_start3A_61 = arith.constant 0 : i32
        %dma_start3A_62 = tpu.memref_slice %arg12[%dma_start3A, %dma_start3A_61] : memref<128x128xf32, #tpu.memory_space<vmem>> -> memref<128x128xf32, #tpu.memory_space<vmem>>
        %dma_start3A_63 = arith.constant 0 : i32
        %dma_start3A_64 = tpu.memref_slice %arg13[%add3A_48, %dma_start3A_63] : memref<10240x128xf32, #tpu.memory_space<vmem_shared>> -> memref<128x128xf32, #tpu.memory_space<vmem_shared>>
        %dma_start3A_65 = arith.constant 0 : i32
        %dma_start3A_66 = arith.constant 0 : i32
        %dma_start3A_67 = tpu.memref_slice %arg12[%dma_start3A_65, %dma_start3A_66] : memref<128x128xf32, #tpu.memory_space<vmem>> -> memref<128x128xf32, #tpu.memory_space<vmem>>
        %dma_start3A_68 = arith.constant 0 : i32
        %dma_start3A_69 = tpu.memref_slice %arg13[%add3A_48, %dma_start3A_68] : memref<10240x128xf32, #tpu.memory_space<vmem_shared>> -> memref<128x128xf32, #tpu.memory_space<vmem_shared>>
        tpu.enqueue_dma source(%dma_start3A_69 : memref<128x128xf32, #tpu.memory_space<vmem_shared>>) target(%dma_start3A_67 : memref<128x128xf32, #tpu.memory_space<vmem>>) target_semaphore(%run_scoped3A : memref<!tpu.dma_semaphore, #tpu.memory_space<semaphore_mem>>)
        %dma_wait3A = arith.constant 0 : i32
        %dma_wait3A_70 = arith.constant 0 : i32
        %dma_wait3A_71 = tpu.memref_slice %arg12[%dma_wait3A, %dma_wait3A_70] : memref<128x128xf32, #tpu.memory_space<vmem>> -> memref<128x128xf32, #tpu.memory_space<vmem>>
        %dma_wait3A_72 = arith.constant 0 : i32
        %dma_wait3A_73 = tpu.memref_slice %arg13[%add3A_48, %dma_wait3A_72] : memref<10240x128xf32, #tpu.memory_space<vmem_shared>> -> memref<128x128xf32, #tpu.memory_space<vmem_shared>>
        %dma_wait3A_74 = arith.constant 0 : i32
        %dma_wait3A_75 = arith.constant 0 : i32
        %dma_wait3A_76 = tpu.memref_slice %arg12[%dma_wait3A_74, %dma_wait3A_75] : memref<128x128xf32, #tpu.memory_space<vmem>> -> memref<128x128xf32, #tpu.memory_space<vmem>>
        %dma_wait3A_77 = arith.constant 0 : i32
        %dma_wait3A_78 = tpu.memref_slice %arg13[%add3A_48, %dma_wait3A_77] : memref<10240x128xf32, #tpu.memory_space<vmem_shared>> -> memref<128x128xf32, #tpu.memory_space<vmem_shared>>
        tpu.wait_dma2 semaphore(%run_scoped3A : memref<!tpu.dma_semaphore, #tpu.memory_space<semaphore_mem>>) src(%dma_wait3A_78 : memref<128x128xf32, #tpu.memory_space<vmem_shared>>) dst(%dma_wait3A_76 : memref<128x128xf32, #tpu.memory_space<vmem>>)
        tpu.yield
      }) : () -> ()
      "tpu.region"() ({
        %run_scoped3A = tpu.sem_alloc : memref<!tpu.dma_semaphore, #tpu.memory_space<semaphore_mem>>
        %dma_start3A = arith.constant 0 : i32
        %dma_start3A_61 = arith.constant 0 : i32
        %dma_start3A_62 = tpu.memref_slice %arg12[%dma_start3A, %dma_start3A_61] : memref<128x128xf32, #tpu.memory_space<vmem>> -> memref<128x128xf32, #tpu.memory_space<vmem>>
        %dma_start3A_63 = arith.constant 0 : i32
        %dma_start3A_64 = tpu.memref_slice %arg7[%add3A_48, %dma_start3A_63] : memref<10240x128xf32, #tpu.memory_space<hbm>> -> memref<128x128xf32, #tpu.memory_space<hbm>>
        %dma_start3A_65 = arith.constant 0 : i32
        %dma_start3A_66 = tpu.memref_slice %arg7[%add3A_48, %dma_start3A_65] : memref<10240x128xf32, #tpu.memory_space<hbm>> -> memref<128x128xf32, #tpu.memory_space<hbm>>
        %dma_start3A_67 = arith.constant 0 : i32
        %dma_start3A_68 = arith.constant 0 : i32
        %dma_start3A_69 = tpu.memref_slice %arg12[%dma_start3A_67, %dma_start3A_68] : memref<128x128xf32, #tpu.memory_space<vmem>> -> memref<128x128xf32, #tpu.memory_space<vmem>>
        tpu.enqueue_dma source(%dma_start3A_69 : memref<128x128xf32, #tpu.memory_space<vmem>>) target(%dma_start3A_66 : memref<128x128xf32, #tpu.memory_space<hbm>>) target_semaphore(%run_scoped3A : memref<!tpu.dma_semaphore, #tpu.memory_space<semaphore_mem>>)
        %dma_wait3A = arith.constant 0 : i32
        %dma_wait3A_70 = arith.constant 0 : i32
        %dma_wait3A_71 = tpu.memref_slice %arg12[%dma_wait3A, %dma_wait3A_70] : memref<128x128xf32, #tpu.memory_space<vmem>> -> memref<128x128xf32, #tpu.memory_space<vmem>>
        %dma_wait3A_72 = arith.constant 0 : i32
        %dma_wait3A_73 = tpu.memref_slice %arg7[%add3A_48, %dma_wait3A_72] : memref<10240x128xf32, #tpu.memory_space<hbm>> -> memref<128x128xf32, #tpu.memory_space<hbm>>
        %dma_wait3A_74 = arith.constant 0 : i32
        %dma_wait3A_75 = tpu.memref_slice %arg7[%add3A_48, %dma_wait3A_74] : memref<10240x128xf32, #tpu.memory_space<hbm>> -> memref<128x128xf32, #tpu.memory_space<hbm>>
        %dma_wait3A_76 = arith.constant 0 : i32
        %dma_wait3A_77 = arith.constant 0 : i32
        %dma_wait3A_78 = tpu.memref_slice %arg12[%dma_wait3A_76, %dma_wait3A_77] : memref<128x128xf32, #tpu.memory_space<vmem>> -> memref<128x128xf32, #tpu.memory_space<vmem>>
        tpu.wait_dma2 semaphore(%run_scoped3A : memref<!tpu.dma_semaphore, #tpu.memory_space<semaphore_mem>>) src(%dma_wait3A_78 : memref<128x128xf32, #tpu.memory_space<vmem>>) dst(%dma_wait3A_75 : memref<128x128xf32, #tpu.memory_space<hbm>>)
        tpu.yield
      }) : () -> ()
      %mul3A_49 = arith.constant 640 : i32
      %mul3A_50 = arith.muli %arg1, %mul3A_49 : i32
      %add3A_51 = arith.constant 256 : i32
      %add3A_52 = arith.addi %mul3A_50, %add3A_51 : i32
      "tpu.region"() ({
        %run_scoped3A = tpu.sem_alloc : memref<!tpu.dma_semaphore, #tpu.memory_space<semaphore_mem>>
        %dma_start3A = arith.constant 0 : i32
        %dma_start3A_61 = arith.constant 0 : i32
        %dma_start3A_62 = tpu.memref_slice %arg12[%dma_start3A, %dma_start3A_61] : memref<128x128xf32, #tpu.memory_space<vmem>> -> memref<128x128xf32, #tpu.memory_space<vmem>>
        %dma_start3A_63 = arith.constant 0 : i32
        %dma_start3A_64 = tpu.memref_slice %arg13[%add3A_52, %dma_start3A_63] : memref<10240x128xf32, #tpu.memory_space<vmem_shared>> -> memref<128x128xf32, #tpu.memory_space<vmem_shared>>
        %dma_start3A_65 = arith.constant 0 : i32
        %dma_start3A_66 = arith.constant 0 : i32
        %dma_start3A_67 = tpu.memref_slice %arg12[%dma_start3A_65, %dma_start3A_66] : memref<128x128xf32, #tpu.memory_space<vmem>> -> memref<128x128xf32, #tpu.memory_space<vmem>>
        %dma_start3A_68 = arith.constant 0 : i32
        %dma_start3A_69 = tpu.memref_slice %arg13[%add3A_52, %dma_start3A_68] : memref<10240x128xf32, #tpu.memory_space<vmem_shared>> -> memref<128x128xf32, #tpu.memory_space<vmem_shared>>
        tpu.enqueue_dma source(%dma_start3A_69 : memref<128x128xf32, #tpu.memory_space<vmem_shared>>) target(%dma_start3A_67 : memref<128x128xf32, #tpu.memory_space<vmem>>) target_semaphore(%run_scoped3A : memref<!tpu.dma_semaphore, #tpu.memory_space<semaphore_mem>>)
        %dma_wait3A = arith.constant 0 : i32
        %dma_wait3A_70 = arith.constant 0 : i32
        %dma_wait3A_71 = tpu.memref_slice %arg12[%dma_wait3A, %dma_wait3A_70] : memref<128x128xf32, #tpu.memory_space<vmem>> -> memref<128x128xf32, #tpu.memory_space<vmem>>
        %dma_wait3A_72 = arith.constant 0 : i32
        %dma_wait3A_73 = tpu.memref_slice %arg13[%add3A_52, %dma_wait3A_72] : memref<10240x128xf32, #tpu.memory_space<vmem_shared>> -> memref<128x128xf32, #tpu.memory_space<vmem_shared>>
        %dma_wait3A_74 = arith.constant 0 : i32
        %dma_wait3A_75 = arith.constant 0 : i32
        %dma_wait3A_76 = tpu.memref_slice %arg12[%dma_wait3A_74, %dma_wait3A_75] : memref<128x128xf32, #tpu.memory_space<vmem>> -> memref<128x128xf32, #tpu.memory_space<vmem>>
        %dma_wait3A_77 = arith.constant 0 : i32
        %dma_wait3A_78 = tpu.memref_slice %arg13[%add3A_52, %dma_wait3A_77] : memref<10240x128xf32, #tpu.memory_space<vmem_shared>> -> memref<128x128xf32, #tpu.memory_space<vmem_shared>>
        tpu.wait_dma2 semaphore(%run_scoped3A : memref<!tpu.dma_semaphore, #tpu.memory_space<semaphore_mem>>) src(%dma_wait3A_78 : memref<128x128xf32, #tpu.memory_space<vmem_shared>>) dst(%dma_wait3A_76 : memref<128x128xf32, #tpu.memory_space<vmem>>)
        tpu.yield
      }) : () -> ()
      "tpu.region"() ({
        %run_scoped3A = tpu.sem_alloc : memref<!tpu.dma_semaphore, #tpu.memory_space<semaphore_mem>>
        %dma_start3A = arith.constant 0 : i32
        %dma_start3A_61 = arith.constant 0 : i32
        %dma_start3A_62 = tpu.memref_slice %arg12[%dma_start3A, %dma_start3A_61] : memref<128x128xf32, #tpu.memory_space<vmem>> -> memref<128x128xf32, #tpu.memory_space<vmem>>
        %dma_start3A_63 = arith.constant 0 : i32
        %dma_start3A_64 = tpu.memref_slice %arg7[%add3A_52, %dma_start3A_63] : memref<10240x128xf32, #tpu.memory_space<hbm>> -> memref<128x128xf32, #tpu.memory_space<hbm>>
        %dma_start3A_65 = arith.constant 0 : i32
        %dma_start3A_66 = tpu.memref_slice %arg7[%add3A_52, %dma_start3A_65] : memref<10240x128xf32, #tpu.memory_space<hbm>> -> memref<128x128xf32, #tpu.memory_space<hbm>>
        %dma_start3A_67 = arith.constant 0 : i32
        %dma_start3A_68 = arith.constant 0 : i32
        %dma_start3A_69 = tpu.memref_slice %arg12[%dma_start3A_67, %dma_start3A_68] : memref<128x128xf32, #tpu.memory_space<vmem>> -> memref<128x128xf32, #tpu.memory_space<vmem>>
        tpu.enqueue_dma source(%dma_start3A_69 : memref<128x128xf32, #tpu.memory_space<vmem>>) target(%dma_start3A_66 : memref<128x128xf32, #tpu.memory_space<hbm>>) target_semaphore(%run_scoped3A : memref<!tpu.dma_semaphore, #tpu.memory_space<semaphore_mem>>)
        %dma_wait3A = arith.constant 0 : i32
        %dma_wait3A_70 = arith.constant 0 : i32
        %dma_wait3A_71 = tpu.memref_slice %arg12[%dma_wait3A, %dma_wait3A_70] : memref<128x128xf32, #tpu.memory_space<vmem>> -> memref<128x128xf32, #tpu.memory_space<vmem>>
        %dma_wait3A_72 = arith.constant 0 : i32
        %dma_wait3A_73 = tpu.memref_slice %arg7[%add3A_52, %dma_wait3A_72] : memref<10240x128xf32, #tpu.memory_space<hbm>> -> memref<128x128xf32, #tpu.memory_space<hbm>>
        %dma_wait3A_74 = arith.constant 0 : i32
        %dma_wait3A_75 = tpu.memref_slice %arg7[%add3A_52, %dma_wait3A_74] : memref<10240x128xf32, #tpu.memory_space<hbm>> -> memref<128x128xf32, #tpu.memory_space<hbm>>
        %dma_wait3A_76 = arith.constant 0 : i32
        %dma_wait3A_77 = arith.constant 0 : i32
        %dma_wait3A_78 = tpu.memref_slice %arg12[%dma_wait3A_76, %dma_wait3A_77] : memref<128x128xf32, #tpu.memory_space<vmem>> -> memref<128x128xf32, #tpu.memory_space<vmem>>
        tpu.wait_dma2 semaphore(%run_scoped3A : memref<!tpu.dma_semaphore, #tpu.memory_space<semaphore_mem>>) src(%dma_wait3A_78 : memref<128x128xf32, #tpu.memory_space<vmem>>) dst(%dma_wait3A_75 : memref<128x128xf32, #tpu.memory_space<hbm>>)
        tpu.yield
      }) : () -> ()
      %mul3A_53 = arith.constant 640 : i32
      %mul3A_54 = arith.muli %arg1, %mul3A_53 : i32
      %add3A_55 = arith.constant 384 : i32
      %add3A_56 = arith.addi %mul3A_54, %add3A_55 : i32
      "tpu.region"() ({
        %run_scoped3A = tpu.sem_alloc : memref<!tpu.dma_semaphore, #tpu.memory_space<semaphore_mem>>
        %dma_start3A = arith.constant 0 : i32
        %dma_start3A_61 = arith.constant 0 : i32
        %dma_start3A_62 = tpu.memref_slice %arg12[%dma_start3A, %dma_start3A_61] : memref<128x128xf32, #tpu.memory_space<vmem>> -> memref<128x128xf32, #tpu.memory_space<vmem>>
        %dma_start3A_63 = arith.constant 0 : i32
        %dma_start3A_64 = tpu.memref_slice %arg13[%add3A_56, %dma_start3A_63] : memref<10240x128xf32, #tpu.memory_space<vmem_shared>> -> memref<128x128xf32, #tpu.memory_space<vmem_shared>>
        %dma_start3A_65 = arith.constant 0 : i32
        %dma_start3A_66 = arith.constant 0 : i32
        %dma_start3A_67 = tpu.memref_slice %arg12[%dma_start3A_65, %dma_start3A_66] : memref<128x128xf32, #tpu.memory_space<vmem>> -> memref<128x128xf32, #tpu.memory_space<vmem>>
        %dma_start3A_68 = arith.constant 0 : i32
        %dma_start3A_69 = tpu.memref_slice %arg13[%add3A_56, %dma_start3A_68] : memref<10240x128xf32, #tpu.memory_space<vmem_shared>> -> memref<128x128xf32, #tpu.memory_space<vmem_shared>>
        tpu.enqueue_dma source(%dma_start3A_69 : memref<128x128xf32, #tpu.memory_space<vmem_shared>>) target(%dma_start3A_67 : memref<128x128xf32, #tpu.memory_space<vmem>>) target_semaphore(%run_scoped3A : memref<!tpu.dma_semaphore, #tpu.memory_space<semaphore_mem>>)
        %dma_wait3A = arith.constant 0 : i32
        %dma_wait3A_70 = arith.constant 0 : i32
        %dma_wait3A_71 = tpu.memref_slice %arg12[%dma_wait3A, %dma_wait3A_70] : memref<128x128xf32, #tpu.memory_space<vmem>> -> memref<128x128xf32, #tpu.memory_space<vmem>>
        %dma_wait3A_72 = arith.constant 0 : i32
        %dma_wait3A_73 = tpu.memref_slice %arg13[%add3A_56, %dma_wait3A_72] : memref<10240x128xf32, #tpu.memory_space<vmem_shared>> -> memref<128x128xf32, #tpu.memory_space<vmem_shared>>
        %dma_wait3A_74 = arith.constant 0 : i32
        %dma_wait3A_75 = arith.constant 0 : i32
        %dma_wait3A_76 = tpu.memref_slice %arg12[%dma_wait3A_74, %dma_wait3A_75] : memref<128x128xf32, #tpu.memory_space<vmem>> -> memref<128x128xf32, #tpu.memory_space<vmem>>
        %dma_wait3A_77 = arith.constant 0 : i32
        %dma_wait3A_78 = tpu.memref_slice %arg13[%add3A_56, %dma_wait3A_77] : memref<10240x128xf32, #tpu.memory_space<vmem_shared>> -> memref<128x128xf32, #tpu.memory_space<vmem_shared>>
        tpu.wait_dma2 semaphore(%run_scoped3A : memref<!tpu.dma_semaphore, #tpu.memory_space<semaphore_mem>>) src(%dma_wait3A_78 : memref<128x128xf32, #tpu.memory_space<vmem_shared>>) dst(%dma_wait3A_76 : memref<128x128xf32, #tpu.memory_space<vmem>>)
        tpu.yield
      }) : () -> ()
      "tpu.region"() ({
        %run_scoped3A = tpu.sem_alloc : memref<!tpu.dma_semaphore, #tpu.memory_space<semaphore_mem>>
        %dma_start3A = arith.constant 0 : i32
        %dma_start3A_61 = arith.constant 0 : i32
        %dma_start3A_62 = tpu.memref_slice %arg12[%dma_start3A, %dma_start3A_61] : memref<128x128xf32, #tpu.memory_space<vmem>> -> memref<128x128xf32, #tpu.memory_space<vmem>>
        %dma_start3A_63 = arith.constant 0 : i32
        %dma_start3A_64 = tpu.memref_slice %arg7[%add3A_56, %dma_start3A_63] : memref<10240x128xf32, #tpu.memory_space<hbm>> -> memref<128x128xf32, #tpu.memory_space<hbm>>
        %dma_start3A_65 = arith.constant 0 : i32
        %dma_start3A_66 = tpu.memref_slice %arg7[%add3A_56, %dma_start3A_65] : memref<10240x128xf32, #tpu.memory_space<hbm>> -> memref<128x128xf32, #tpu.memory_space<hbm>>
        %dma_start3A_67 = arith.constant 0 : i32
        %dma_start3A_68 = arith.constant 0 : i32
        %dma_start3A_69 = tpu.memref_slice %arg12[%dma_start3A_67, %dma_start3A_68] : memref<128x128xf32, #tpu.memory_space<vmem>> -> memref<128x128xf32, #tpu.memory_space<vmem>>
        tpu.enqueue_dma source(%dma_start3A_69 : memref<128x128xf32, #tpu.memory_space<vmem>>) target(%dma_start3A_66 : memref<128x128xf32, #tpu.memory_space<hbm>>) target_semaphore(%run_scoped3A : memref<!tpu.dma_semaphore, #tpu.memory_space<semaphore_mem>>)
        %dma_wait3A = arith.constant 0 : i32
        %dma_wait3A_70 = arith.constant 0 : i32
        %dma_wait3A_71 = tpu.memref_slice %arg12[%dma_wait3A, %dma_wait3A_70] : memref<128x128xf32, #tpu.memory_space<vmem>> -> memref<128x128xf32, #tpu.memory_space<vmem>>
        %dma_wait3A_72 = arith.constant 0 : i32
        %dma_wait3A_73 = tpu.memref_slice %arg7[%add3A_56, %dma_wait3A_72] : memref<10240x128xf32, #tpu.memory_space<hbm>> -> memref<128x128xf32, #tpu.memory_space<hbm>>
        %dma_wait3A_74 = arith.constant 0 : i32
        %dma_wait3A_75 = tpu.memref_slice %arg7[%add3A_56, %dma_wait3A_74] : memref<10240x128xf32, #tpu.memory_space<hbm>> -> memref<128x128xf32, #tpu.memory_space<hbm>>
        %dma_wait3A_76 = arith.constant 0 : i32
        %dma_wait3A_77 = arith.constant 0 : i32
        %dma_wait3A_78 = tpu.memref_slice %arg12[%dma_wait3A_76, %dma_wait3A_77] : memref<128x128xf32, #tpu.memory_space<vmem>> -> memref<128x128xf32, #tpu.memory_space<vmem>>
        tpu.wait_dma2 semaphore(%run_scoped3A : memref<!tpu.dma_semaphore, #tpu.memory_space<semaphore_mem>>) src(%dma_wait3A_78 : memref<128x128xf32, #tpu.memory_space<vmem>>) dst(%dma_wait3A_75 : memref<128x128xf32, #tpu.memory_space<hbm>>)
        tpu.yield
      }) : () -> ()
      %mul3A_57 = arith.constant 640 : i32
      %mul3A_58 = arith.muli %arg1, %mul3A_57 : i32
      %add3A_59 = arith.constant 512 : i32
      %add3A_60 = arith.addi %mul3A_58, %add3A_59 : i32
      "tpu.region"() ({
        %run_scoped3A = tpu.sem_alloc : memref<!tpu.dma_semaphore, #tpu.memory_space<semaphore_mem>>
        %dma_start3A = arith.constant 0 : i32
        %dma_start3A_61 = arith.constant 0 : i32
        %dma_start3A_62 = tpu.memref_slice %arg12[%dma_start3A, %dma_start3A_61] : memref<128x128xf32, #tpu.memory_space<vmem>> -> memref<128x128xf32, #tpu.memory_space<vmem>>
        %dma_start3A_63 = arith.constant 0 : i32
        %dma_start3A_64 = tpu.memref_slice %arg13[%add3A_60, %dma_start3A_63] : memref<10240x128xf32, #tpu.memory_space<vmem_shared>> -> memref<128x128xf32, #tpu.memory_space<vmem_shared>>
        %dma_start3A_65 = arith.constant 0 : i32
        %dma_start3A_66 = arith.constant 0 : i32
        %dma_start3A_67 = tpu.memref_slice %arg12[%dma_start3A_65, %dma_start3A_66] : memref<128x128xf32, #tpu.memory_space<vmem>> -> memref<128x128xf32, #tpu.memory_space<vmem>>
        %dma_start3A_68 = arith.constant 0 : i32
        %dma_start3A_69 = tpu.memref_slice %arg13[%add3A_60, %dma_start3A_68] : memref<10240x128xf32, #tpu.memory_space<vmem_shared>> -> memref<128x128xf32, #tpu.memory_space<vmem_shared>>
        tpu.enqueue_dma source(%dma_start3A_69 : memref<128x128xf32, #tpu.memory_space<vmem_shared>>) target(%dma_start3A_67 : memref<128x128xf32, #tpu.memory_space<vmem>>) target_semaphore(%run_scoped3A : memref<!tpu.dma_semaphore, #tpu.memory_space<semaphore_mem>>)
        %dma_wait3A = arith.constant 0 : i32
        %dma_wait3A_70 = arith.constant 0 : i32
        %dma_wait3A_71 = tpu.memref_slice %arg12[%dma_wait3A, %dma_wait3A_70] : memref<128x128xf32, #tpu.memory_space<vmem>> -> memref<128x128xf32, #tpu.memory_space<vmem>>
        %dma_wait3A_72 = arith.constant 0 : i32
        %dma_wait3A_73 = tpu.memref_slice %arg13[%add3A_60, %dma_wait3A_72] : memref<10240x128xf32, #tpu.memory_space<vmem_shared>> -> memref<128x128xf32, #tpu.memory_space<vmem_shared>>
        %dma_wait3A_74 = arith.constant 0 : i32
        %dma_wait3A_75 = arith.constant 0 : i32
        %dma_wait3A_76 = tpu.memref_slice %arg12[%dma_wait3A_74, %dma_wait3A_75] : memref<128x128xf32, #tpu.memory_space<vmem>> -> memref<128x128xf32, #tpu.memory_space<vmem>>
        %dma_wait3A_77 = arith.constant 0 : i32
        %dma_wait3A_78 = tpu.memref_slice %arg13[%add3A_60, %dma_wait3A_77] : memref<10240x128xf32, #tpu.memory_space<vmem_shared>> -> memref<128x128xf32, #tpu.memory_space<vmem_shared>>
        tpu.wait_dma2 semaphore(%run_scoped3A : memref<!tpu.dma_semaphore, #tpu.memory_space<semaphore_mem>>) src(%dma_wait3A_78 : memref<128x128xf32, #tpu.memory_space<vmem_shared>>) dst(%dma_wait3A_76 : memref<128x128xf32, #tpu.memory_space<vmem>>)
        tpu.yield
      }) : () -> ()
      "tpu.region"() ({
        %run_scoped3A = tpu.sem_alloc : memref<!tpu.dma_semaphore, #tpu.memory_space<semaphore_mem>>
        %dma_start3A = arith.constant 0 : i32
        %dma_start3A_61 = arith.constant 0 : i32
        %dma_start3A_62 = tpu.memref_slice %arg12[%dma_start3A, %dma_start3A_61] : memref<128x128xf32, #tpu.memory_space<vmem>> -> memref<128x128xf32, #tpu.memory_space<vmem>>
        %dma_start3A_63 = arith.constant 0 : i32
        %dma_start3A_64 = tpu.memref_slice %arg7[%add3A_60, %dma_start3A_63] : memref<10240x128xf32, #tpu.memory_space<hbm>> -> memref<128x128xf32, #tpu.memory_space<hbm>>
        %dma_start3A_65 = arith.constant 0 : i32
        %dma_start3A_66 = tpu.memref_slice %arg7[%add3A_60, %dma_start3A_65] : memref<10240x128xf32, #tpu.memory_space<hbm>> -> memref<128x128xf32, #tpu.memory_space<hbm>>
        %dma_start3A_67 = arith.constant 0 : i32
        %dma_start3A_68 = arith.constant 0 : i32
        %dma_start3A_69 = tpu.memref_slice %arg12[%dma_start3A_67, %dma_start3A_68] : memref<128x128xf32, #tpu.memory_space<vmem>> -> memref<128x128xf32, #tpu.memory_space<vmem>>
        tpu.enqueue_dma source(%dma_start3A_69 : memref<128x128xf32, #tpu.memory_space<vmem>>) target(%dma_start3A_66 : memref<128x128xf32, #tpu.memory_space<hbm>>) target_semaphore(%run_scoped3A : memref<!tpu.dma_semaphore, #tpu.memory_space<semaphore_mem>>)
        %dma_wait3A = arith.constant 0 : i32
        %dma_wait3A_70 = arith.constant 0 : i32
        %dma_wait3A_71 = tpu.memref_slice %arg12[%dma_wait3A, %dma_wait3A_70] : memref<128x128xf32, #tpu.memory_space<vmem>> -> memref<128x128xf32, #tpu.memory_space<vmem>>
        %dma_wait3A_72 = arith.constant 0 : i32
        %dma_wait3A_73 = tpu.memref_slice %arg7[%add3A_60, %dma_wait3A_72] : memref<10240x128xf32, #tpu.memory_space<hbm>> -> memref<128x128xf32, #tpu.memory_space<hbm>>
        %dma_wait3A_74 = arith.constant 0 : i32
        %dma_wait3A_75 = tpu.memref_slice %arg7[%add3A_60, %dma_wait3A_74] : memref<10240x128xf32, #tpu.memory_space<hbm>> -> memref<128x128xf32, #tpu.memory_space<hbm>>
        %dma_wait3A_76 = arith.constant 0 : i32
        %dma_wait3A_77 = arith.constant 0 : i32
        %dma_wait3A_78 = tpu.memref_slice %arg12[%dma_wait3A_76, %dma_wait3A_77] : memref<128x128xf32, #tpu.memory_space<vmem>> -> memref<128x128xf32, #tpu.memory_space<vmem>>
        tpu.wait_dma2 semaphore(%run_scoped3A : memref<!tpu.dma_semaphore, #tpu.memory_space<semaphore_mem>>) src(%dma_wait3A_78 : memref<128x128xf32, #tpu.memory_space<vmem>>) dst(%dma_wait3A_75 : memref<128x128xf32, #tpu.memory_space<hbm>>)
        tpu.yield
      }) : () -> ()
    } else {
    }
    %eq3A_36 = arith.constant 1 : i32
    %eq3A_37 = arith.cmpi eq, %arg0, %eq3A_36 : i32
    %convert_element_type3A_38 = arith.extui %eq3A_37 : i1 to i32
    %cond3A_39 = arith.constant 0 : i32
    %cond3A_40 = arith.cmpi ne, %convert_element_type3A_38, %cond3A_39 : i32
    scf.if %cond3A_40 {
      %mul3A_41 = arith.constant 640 : i32
      %mul3A_42 = arith.muli %arg1, %mul3A_41 : i32
      %add3A_43 = arith.constant 0 : i32
      %add3A_44 = arith.addi %mul3A_42, %add3A_43 : i32
      "tpu.region"() ({
        %run_scoped3A = tpu.sem_alloc : memref<!tpu.dma_semaphore, #tpu.memory_space<semaphore_mem>>
        %dma_start3A = arith.constant 0 : i32
        %dma_start3A_61 = arith.constant 0 : i32
        %dma_start3A_62 = tpu.memref_slice %arg12[%dma_start3A, %dma_start3A_61] : memref<128x128xf32, #tpu.memory_space<vmem>> -> memref<128x128xf32, #tpu.memory_space<vmem>>
        %dma_start3A_63 = arith.constant 0 : i32
        %dma_start3A_64 = tpu.memref_slice %arg13[%add3A_44, %dma_start3A_63] : memref<10240x128xf32, #tpu.memory_space<vmem_shared>> -> memref<128x128xf32, #tpu.memory_space<vmem_shared>>
        %dma_start3A_65 = arith.constant 0 : i32
        %dma_start3A_66 = arith.constant 0 : i32
        %dma_start3A_67 = tpu.memref_slice %arg12[%dma_start3A_65, %dma_start3A_66] : memref<128x128xf32, #tpu.memory_space<vmem>> -> memref<128x128xf32, #tpu.memory_space<vmem>>
        %dma_start3A_68 = arith.constant 0 : i32
        %dma_start3A_69 = tpu.memref_slice %arg13[%add3A_44, %dma_start3A_68] : memref<10240x128xf32, #tpu.memory_space<vmem_shared>> -> memref<128x128xf32, #tpu.memory_space<vmem_shared>>
        tpu.enqueue_dma source(%dma_start3A_69 : memref<128x128xf32, #tpu.memory_space<vmem_shared>>) target(%dma_start3A_67 : memref<128x128xf32, #tpu.memory_space<vmem>>) target_semaphore(%run_scoped3A : memref<!tpu.dma_semaphore, #tpu.memory_space<semaphore_mem>>)
        %dma_wait3A = arith.constant 0 : i32
        %dma_wait3A_70 = arith.constant 0 : i32
        %dma_wait3A_71 = tpu.memref_slice %arg12[%dma_wait3A, %dma_wait3A_70] : memref<128x128xf32, #tpu.memory_space<vmem>> -> memref<128x128xf32, #tpu.memory_space<vmem>>
        %dma_wait3A_72 = arith.constant 0 : i32
        %dma_wait3A_73 = tpu.memref_slice %arg13[%add3A_44, %dma_wait3A_72] : memref<10240x128xf32, #tpu.memory_space<vmem_shared>> -> memref<128x128xf32, #tpu.memory_space<vmem_shared>>
        %dma_wait3A_74 = arith.constant 0 : i32
        %dma_wait3A_75 = arith.constant 0 : i32
        %dma_wait3A_76 = tpu.memref_slice %arg12[%dma_wait3A_74, %dma_wait3A_75] : memref<128x128xf32, #tpu.memory_space<vmem>> -> memref<128x128xf32, #tpu.memory_space<vmem>>
        %dma_wait3A_77 = arith.constant 0 : i32
        %dma_wait3A_78 = tpu.memref_slice %arg13[%add3A_44, %dma_wait3A_77] : memref<10240x128xf32, #tpu.memory_space<vmem_shared>> -> memref<128x128xf32, #tpu.memory_space<vmem_shared>>
        tpu.wait_dma2 semaphore(%run_scoped3A : memref<!tpu.dma_semaphore, #tpu.memory_space<semaphore_mem>>) src(%dma_wait3A_78 : memref<128x128xf32, #tpu.memory_space<vmem_shared>>) dst(%dma_wait3A_76 : memref<128x128xf32, #tpu.memory_space<vmem>>)
        tpu.yield
      }) : () -> ()
      "tpu.region"() ({
        %run_scoped3A = tpu.sem_alloc : memref<!tpu.dma_semaphore, #tpu.memory_space<semaphore_mem>>
        %dma_start3A = arith.constant 0 : i32
        %dma_start3A_61 = arith.constant 0 : i32
        %dma_start3A_62 = tpu.memref_slice %arg12[%dma_start3A, %dma_start3A_61] : memref<128x128xf32, #tpu.memory_space<vmem>> -> memref<128x128xf32, #tpu.memory_space<vmem>>
        %dma_start3A_63 = arith.constant 0 : i32
        %dma_start3A_64 = tpu.memref_slice %arg8[%add3A_44, %dma_start3A_63] : memref<10240x128xf32, #tpu.memory_space<hbm>> -> memref<128x128xf32, #tpu.memory_space<hbm>>
        %dma_start3A_65 = arith.constant 0 : i32
        %dma_start3A_66 = tpu.memref_slice %arg8[%add3A_44, %dma_start3A_65] : memref<10240x128xf32, #tpu.memory_space<hbm>> -> memref<128x128xf32, #tpu.memory_space<hbm>>
        %dma_start3A_67 = arith.constant 0 : i32
        %dma_start3A_68 = arith.constant 0 : i32
        %dma_start3A_69 = tpu.memref_slice %arg12[%dma_start3A_67, %dma_start3A_68] : memref<128x128xf32, #tpu.memory_space<vmem>> -> memref<128x128xf32, #tpu.memory_space<vmem>>
        tpu.enqueue_dma source(%dma_start3A_69 : memref<128x128xf32, #tpu.memory_space<vmem>>) target(%dma_start3A_66 : memref<128x128xf32, #tpu.memory_space<hbm>>) target_semaphore(%run_scoped3A : memref<!tpu.dma_semaphore, #tpu.memory_space<semaphore_mem>>)
        %dma_wait3A = arith.constant 0 : i32
        %dma_wait3A_70 = arith.constant 0 : i32
        %dma_wait3A_71 = tpu.memref_slice %arg12[%dma_wait3A, %dma_wait3A_70] : memref<128x128xf32, #tpu.memory_space<vmem>> -> memref<128x128xf32, #tpu.memory_space<vmem>>
        %dma_wait3A_72 = arith.constant 0 : i32
        %dma_wait3A_73 = tpu.memref_slice %arg8[%add3A_44, %dma_wait3A_72] : memref<10240x128xf32, #tpu.memory_space<hbm>> -> memref<128x128xf32, #tpu.memory_space<hbm>>
        %dma_wait3A_74 = arith.constant 0 : i32
        %dma_wait3A_75 = tpu.memref_slice %arg8[%add3A_44, %dma_wait3A_74] : memref<10240x128xf32, #tpu.memory_space<hbm>> -> memref<128x128xf32, #tpu.memory_space<hbm>>
        %dma_wait3A_76 = arith.constant 0 : i32
        %dma_wait3A_77 = arith.constant 0 : i32
        %dma_wait3A_78 = tpu.memref_slice %arg12[%dma_wait3A_76, %dma_wait3A_77] : memref<128x128xf32, #tpu.memory_space<vmem>> -> memref<128x128xf32, #tpu.memory_space<vmem>>
        tpu.wait_dma2 semaphore(%run_scoped3A : memref<!tpu.dma_semaphore, #tpu.memory_space<semaphore_mem>>) src(%dma_wait3A_78 : memref<128x128xf32, #tpu.memory_space<vmem>>) dst(%dma_wait3A_75 : memref<128x128xf32, #tpu.memory_space<hbm>>)
        tpu.yield
      }) : () -> ()
      %mul3A_45 = arith.constant 640 : i32
      %mul3A_46 = arith.muli %arg1, %mul3A_45 : i32
      %add3A_47 = arith.constant 128 : i32
      %add3A_48 = arith.addi %mul3A_46, %add3A_47 : i32
      "tpu.region"() ({
        %run_scoped3A = tpu.sem_alloc : memref<!tpu.dma_semaphore, #tpu.memory_space<semaphore_mem>>
        %dma_start3A = arith.constant 0 : i32
        %dma_start3A_61 = arith.constant 0 : i32
        %dma_start3A_62 = tpu.memref_slice %arg12[%dma_start3A, %dma_start3A_61] : memref<128x128xf32, #tpu.memory_space<vmem>> -> memref<128x128xf32, #tpu.memory_space<vmem>>
        %dma_start3A_63 = arith.constant 0 : i32
        %dma_start3A_64 = tpu.memref_slice %arg13[%add3A_48, %dma_start3A_63] : memref<10240x128xf32, #tpu.memory_space<vmem_shared>> -> memref<128x128xf32, #tpu.memory_space<vmem_shared>>
        %dma_start3A_65 = arith.constant 0 : i32
        %dma_start3A_66 = arith.constant 0 : i32
        %dma_start3A_67 = tpu.memref_slice %arg12[%dma_start3A_65, %dma_start3A_66] : memref<128x128xf32, #tpu.memory_space<vmem>> -> memref<128x128xf32, #tpu.memory_space<vmem>>
        %dma_start3A_68 = arith.constant 0 : i32
        %dma_start3A_69 = tpu.memref_slice %arg13[%add3A_48, %dma_start3A_68] : memref<10240x128xf32, #tpu.memory_space<vmem_shared>> -> memref<128x128xf32, #tpu.memory_space<vmem_shared>>
        tpu.enqueue_dma source(%dma_start3A_69 : memref<128x128xf32, #tpu.memory_space<vmem_shared>>) target(%dma_start3A_67 : memref<128x128xf32, #tpu.memory_space<vmem>>) target_semaphore(%run_scoped3A : memref<!tpu.dma_semaphore, #tpu.memory_space<semaphore_mem>>)
        %dma_wait3A = arith.constant 0 : i32
        %dma_wait3A_70 = arith.constant 0 : i32
        %dma_wait3A_71 = tpu.memref_slice %arg12[%dma_wait3A, %dma_wait3A_70] : memref<128x128xf32, #tpu.memory_space<vmem>> -> memref<128x128xf32, #tpu.memory_space<vmem>>
        %dma_wait3A_72 = arith.constant 0 : i32
        %dma_wait3A_73 = tpu.memref_slice %arg13[%add3A_48, %dma_wait3A_72] : memref<10240x128xf32, #tpu.memory_space<vmem_shared>> -> memref<128x128xf32, #tpu.memory_space<vmem_shared>>
        %dma_wait3A_74 = arith.constant 0 : i32
        %dma_wait3A_75 = arith.constant 0 : i32
        %dma_wait3A_76 = tpu.memref_slice %arg12[%dma_wait3A_74, %dma_wait3A_75] : memref<128x128xf32, #tpu.memory_space<vmem>> -> memref<128x128xf32, #tpu.memory_space<vmem>>
        %dma_wait3A_77 = arith.constant 0 : i32
        %dma_wait3A_78 = tpu.memref_slice %arg13[%add3A_48, %dma_wait3A_77] : memref<10240x128xf32, #tpu.memory_space<vmem_shared>> -> memref<128x128xf32, #tpu.memory_space<vmem_shared>>
        tpu.wait_dma2 semaphore(%run_scoped3A : memref<!tpu.dma_semaphore, #tpu.memory_space<semaphore_mem>>) src(%dma_wait3A_78 : memref<128x128xf32, #tpu.memory_space<vmem_shared>>) dst(%dma_wait3A_76 : memref<128x128xf32, #tpu.memory_space<vmem>>)
        tpu.yield
      }) : () -> ()
      "tpu.region"() ({
        %run_scoped3A = tpu.sem_alloc : memref<!tpu.dma_semaphore, #tpu.memory_space<semaphore_mem>>
        %dma_start3A = arith.constant 0 : i32
        %dma_start3A_61 = arith.constant 0 : i32
        %dma_start3A_62 = tpu.memref_slice %arg12[%dma_start3A, %dma_start3A_61] : memref<128x128xf32, #tpu.memory_space<vmem>> -> memref<128x128xf32, #tpu.memory_space<vmem>>
        %dma_start3A_63 = arith.constant 0 : i32
        %dma_start3A_64 = tpu.memref_slice %arg8[%add3A_48, %dma_start3A_63] : memref<10240x128xf32, #tpu.memory_space<hbm>> -> memref<128x128xf32, #tpu.memory_space<hbm>>
        %dma_start3A_65 = arith.constant 0 : i32
        %dma_start3A_66 = tpu.memref_slice %arg8[%add3A_48, %dma_start3A_65] : memref<10240x128xf32, #tpu.memory_space<hbm>> -> memref<128x128xf32, #tpu.memory_space<hbm>>
        %dma_start3A_67 = arith.constant 0 : i32
        %dma_start3A_68 = arith.constant 0 : i32
        %dma_start3A_69 = tpu.memref_slice %arg12[%dma_start3A_67, %dma_start3A_68] : memref<128x128xf32, #tpu.memory_space<vmem>> -> memref<128x128xf32, #tpu.memory_space<vmem>>
        tpu.enqueue_dma source(%dma_start3A_69 : memref<128x128xf32, #tpu.memory_space<vmem>>) target(%dma_start3A_66 : memref<128x128xf32, #tpu.memory_space<hbm>>) target_semaphore(%run_scoped3A : memref<!tpu.dma_semaphore, #tpu.memory_space<semaphore_mem>>)
        %dma_wait3A = arith.constant 0 : i32
        %dma_wait3A_70 = arith.constant 0 : i32
        %dma_wait3A_71 = tpu.memref_slice %arg12[%dma_wait3A, %dma_wait3A_70] : memref<128x128xf32, #tpu.memory_space<vmem>> -> memref<128x128xf32, #tpu.memory_space<vmem>>
        %dma_wait3A_72 = arith.constant 0 : i32
        %dma_wait3A_73 = tpu.memref_slice %arg8[%add3A_48, %dma_wait3A_72] : memref<10240x128xf32, #tpu.memory_space<hbm>> -> memref<128x128xf32, #tpu.memory_space<hbm>>
        %dma_wait3A_74 = arith.constant 0 : i32
        %dma_wait3A_75 = tpu.memref_slice %arg8[%add3A_48, %dma_wait3A_74] : memref<10240x128xf32, #tpu.memory_space<hbm>> -> memref<128x128xf32, #tpu.memory_space<hbm>>
        %dma_wait3A_76 = arith.constant 0 : i32
        %dma_wait3A_77 = arith.constant 0 : i32
        %dma_wait3A_78 = tpu.memref_slice %arg12[%dma_wait3A_76, %dma_wait3A_77] : memref<128x128xf32, #tpu.memory_space<vmem>> -> memref<128x128xf32, #tpu.memory_space<vmem>>
        tpu.wait_dma2 semaphore(%run_scoped3A : memref<!tpu.dma_semaphore, #tpu.memory_space<semaphore_mem>>) src(%dma_wait3A_78 : memref<128x128xf32, #tpu.memory_space<vmem>>) dst(%dma_wait3A_75 : memref<128x128xf32, #tpu.memory_space<hbm>>)
        tpu.yield
      }) : () -> ()
      %mul3A_49 = arith.constant 640 : i32
      %mul3A_50 = arith.muli %arg1, %mul3A_49 : i32
      %add3A_51 = arith.constant 256 : i32
      %add3A_52 = arith.addi %mul3A_50, %add3A_51 : i32
      "tpu.region"() ({
        %run_scoped3A = tpu.sem_alloc : memref<!tpu.dma_semaphore, #tpu.memory_space<semaphore_mem>>
        %dma_start3A = arith.constant 0 : i32
        %dma_start3A_61 = arith.constant 0 : i32
        %dma_start3A_62 = tpu.memref_slice %arg12[%dma_start3A, %dma_start3A_61] : memref<128x128xf32, #tpu.memory_space<vmem>> -> memref<128x128xf32, #tpu.memory_space<vmem>>
        %dma_start3A_63 = arith.constant 0 : i32
        %dma_start3A_64 = tpu.memref_slice %arg13[%add3A_52, %dma_start3A_63] : memref<10240x128xf32, #tpu.memory_space<vmem_shared>> -> memref<128x128xf32, #tpu.memory_space<vmem_shared>>
        %dma_start3A_65 = arith.constant 0 : i32
        %dma_start3A_66 = arith.constant 0 : i32
        %dma_start3A_67 = tpu.memref_slice %arg12[%dma_start3A_65, %dma_start3A_66] : memref<128x128xf32, #tpu.memory_space<vmem>> -> memref<128x128xf32, #tpu.memory_space<vmem>>
        %dma_start3A_68 = arith.constant 0 : i32
        %dma_start3A_69 = tpu.memref_slice %arg13[%add3A_52, %dma_start3A_68] : memref<10240x128xf32, #tpu.memory_space<vmem_shared>> -> memref<128x128xf32, #tpu.memory_space<vmem_shared>>
        tpu.enqueue_dma source(%dma_start3A_69 : memref<128x128xf32, #tpu.memory_space<vmem_shared>>) target(%dma_start3A_67 : memref<128x128xf32, #tpu.memory_space<vmem>>) target_semaphore(%run_scoped3A : memref<!tpu.dma_semaphore, #tpu.memory_space<semaphore_mem>>)
        %dma_wait3A = arith.constant 0 : i32
        %dma_wait3A_70 = arith.constant 0 : i32
        %dma_wait3A_71 = tpu.memref_slice %arg12[%dma_wait3A, %dma_wait3A_70] : memref<128x128xf32, #tpu.memory_space<vmem>> -> memref<128x128xf32, #tpu.memory_space<vmem>>
        %dma_wait3A_72 = arith.constant 0 : i32
        %dma_wait3A_73 = tpu.memref_slice %arg13[%add3A_52, %dma_wait3A_72] : memref<10240x128xf32, #tpu.memory_space<vmem_shared>> -> memref<128x128xf32, #tpu.memory_space<vmem_shared>>
        %dma_wait3A_74 = arith.constant 0 : i32
        %dma_wait3A_75 = arith.constant 0 : i32
        %dma_wait3A_76 = tpu.memref_slice %arg12[%dma_wait3A_74, %dma_wait3A_75] : memref<128x128xf32, #tpu.memory_space<vmem>> -> memref<128x128xf32, #tpu.memory_space<vmem>>
        %dma_wait3A_77 = arith.constant 0 : i32
        %dma_wait3A_78 = tpu.memref_slice %arg13[%add3A_52, %dma_wait3A_77] : memref<10240x128xf32, #tpu.memory_space<vmem_shared>> -> memref<128x128xf32, #tpu.memory_space<vmem_shared>>
        tpu.wait_dma2 semaphore(%run_scoped3A : memref<!tpu.dma_semaphore, #tpu.memory_space<semaphore_mem>>) src(%dma_wait3A_78 : memref<128x128xf32, #tpu.memory_space<vmem_shared>>) dst(%dma_wait3A_76 : memref<128x128xf32, #tpu.memory_space<vmem>>)
        tpu.yield
      }) : () -> ()
      "tpu.region"() ({
        %run_scoped3A = tpu.sem_alloc : memref<!tpu.dma_semaphore, #tpu.memory_space<semaphore_mem>>
        %dma_start3A = arith.constant 0 : i32
        %dma_start3A_61 = arith.constant 0 : i32
        %dma_start3A_62 = tpu.memref_slice %arg12[%dma_start3A, %dma_start3A_61] : memref<128x128xf32, #tpu.memory_space<vmem>> -> memref<128x128xf32, #tpu.memory_space<vmem>>
        %dma_start3A_63 = arith.constant 0 : i32
        %dma_start3A_64 = tpu.memref_slice %arg8[%add3A_52, %dma_start3A_63] : memref<10240x128xf32, #tpu.memory_space<hbm>> -> memref<128x128xf32, #tpu.memory_space<hbm>>
        %dma_start3A_65 = arith.constant 0 : i32
        %dma_start3A_66 = tpu.memref_slice %arg8[%add3A_52, %dma_start3A_65] : memref<10240x128xf32, #tpu.memory_space<hbm>> -> memref<128x128xf32, #tpu.memory_space<hbm>>
        %dma_start3A_67 = arith.constant 0 : i32
        %dma_start3A_68 = arith.constant 0 : i32
        %dma_start3A_69 = tpu.memref_slice %arg12[%dma_start3A_67, %dma_start3A_68] : memref<128x128xf32, #tpu.memory_space<vmem>> -> memref<128x128xf32, #tpu.memory_space<vmem>>
        tpu.enqueue_dma source(%dma_start3A_69 : memref<128x128xf32, #tpu.memory_space<vmem>>) target(%dma_start3A_66 : memref<128x128xf32, #tpu.memory_space<hbm>>) target_semaphore(%run_scoped3A : memref<!tpu.dma_semaphore, #tpu.memory_space<semaphore_mem>>)
        %dma_wait3A = arith.constant 0 : i32
        %dma_wait3A_70 = arith.constant 0 : i32
        %dma_wait3A_71 = tpu.memref_slice %arg12[%dma_wait3A, %dma_wait3A_70] : memref<128x128xf32, #tpu.memory_space<vmem>> -> memref<128x128xf32, #tpu.memory_space<vmem>>
        %dma_wait3A_72 = arith.constant 0 : i32
        %dma_wait3A_73 = tpu.memref_slice %arg8[%add3A_52, %dma_wait3A_72] : memref<10240x128xf32, #tpu.memory_space<hbm>> -> memref<128x128xf32, #tpu.memory_space<hbm>>
        %dma_wait3A_74 = arith.constant 0 : i32
        %dma_wait3A_75 = tpu.memref_slice %arg8[%add3A_52, %dma_wait3A_74] : memref<10240x128xf32, #tpu.memory_space<hbm>> -> memref<128x128xf32, #tpu.memory_space<hbm>>
        %dma_wait3A_76 = arith.constant 0 : i32
        %dma_wait3A_77 = arith.constant 0 : i32
        %dma_wait3A_78 = tpu.memref_slice %arg12[%dma_wait3A_76, %dma_wait3A_77] : memref<128x128xf32, #tpu.memory_space<vmem>> -> memref<128x128xf32, #tpu.memory_space<vmem>>
        tpu.wait_dma2 semaphore(%run_scoped3A : memref<!tpu.dma_semaphore, #tpu.memory_space<semaphore_mem>>) src(%dma_wait3A_78 : memref<128x128xf32, #tpu.memory_space<vmem>>) dst(%dma_wait3A_75 : memref<128x128xf32, #tpu.memory_space<hbm>>)
        tpu.yield
      }) : () -> ()
      %mul3A_53 = arith.constant 640 : i32
      %mul3A_54 = arith.muli %arg1, %mul3A_53 : i32
      %add3A_55 = arith.constant 384 : i32
      %add3A_56 = arith.addi %mul3A_54, %add3A_55 : i32
      "tpu.region"() ({
        %run_scoped3A = tpu.sem_alloc : memref<!tpu.dma_semaphore, #tpu.memory_space<semaphore_mem>>
        %dma_start3A = arith.constant 0 : i32
        %dma_start3A_61 = arith.constant 0 : i32
        %dma_start3A_62 = tpu.memref_slice %arg12[%dma_start3A, %dma_start3A_61] : memref<128x128xf32, #tpu.memory_space<vmem>> -> memref<128x128xf32, #tpu.memory_space<vmem>>
        %dma_start3A_63 = arith.constant 0 : i32
        %dma_start3A_64 = tpu.memref_slice %arg13[%add3A_56, %dma_start3A_63] : memref<10240x128xf32, #tpu.memory_space<vmem_shared>> -> memref<128x128xf32, #tpu.memory_space<vmem_shared>>
        %dma_start3A_65 = arith.constant 0 : i32
        %dma_start3A_66 = arith.constant 0 : i32
        %dma_start3A_67 = tpu.memref_slice %arg12[%dma_start3A_65, %dma_start3A_66] : memref<128x128xf32, #tpu.memory_space<vmem>> -> memref<128x128xf32, #tpu.memory_space<vmem>>
        %dma_start3A_68 = arith.constant 0 : i32
        %dma_start3A_69 = tpu.memref_slice %arg13[%add3A_56, %dma_start3A_68] : memref<10240x128xf32, #tpu.memory_space<vmem_shared>> -> memref<128x128xf32, #tpu.memory_space<vmem_shared>>
        tpu.enqueue_dma source(%dma_start3A_69 : memref<128x128xf32, #tpu.memory_space<vmem_shared>>) target(%dma_start3A_67 : memref<128x128xf32, #tpu.memory_space<vmem>>) target_semaphore(%run_scoped3A : memref<!tpu.dma_semaphore, #tpu.memory_space<semaphore_mem>>)
        %dma_wait3A = arith.constant 0 : i32
        %dma_wait3A_70 = arith.constant 0 : i32
        %dma_wait3A_71 = tpu.memref_slice %arg12[%dma_wait3A, %dma_wait3A_70] : memref<128x128xf32, #tpu.memory_space<vmem>> -> memref<128x128xf32, #tpu.memory_space<vmem>>
        %dma_wait3A_72 = arith.constant 0 : i32
        %dma_wait3A_73 = tpu.memref_slice %arg13[%add3A_56, %dma_wait3A_72] : memref<10240x128xf32, #tpu.memory_space<vmem_shared>> -> memref<128x128xf32, #tpu.memory_space<vmem_shared>>
        %dma_wait3A_74 = arith.constant 0 : i32
        %dma_wait3A_75 = arith.constant 0 : i32
        %dma_wait3A_76 = tpu.memref_slice %arg12[%dma_wait3A_74, %dma_wait3A_75] : memref<128x128xf32, #tpu.memory_space<vmem>> -> memref<128x128xf32, #tpu.memory_space<vmem>>
        %dma_wait3A_77 = arith.constant 0 : i32
        %dma_wait3A_78 = tpu.memref_slice %arg13[%add3A_56, %dma_wait3A_77] : memref<10240x128xf32, #tpu.memory_space<vmem_shared>> -> memref<128x128xf32, #tpu.memory_space<vmem_shared>>
        tpu.wait_dma2 semaphore(%run_scoped3A : memref<!tpu.dma_semaphore, #tpu.memory_space<semaphore_mem>>) src(%dma_wait3A_78 : memref<128x128xf32, #tpu.memory_space<vmem_shared>>) dst(%dma_wait3A_76 : memref<128x128xf32, #tpu.memory_space<vmem>>)
        tpu.yield
      }) : () -> ()
      "tpu.region"() ({
        %run_scoped3A = tpu.sem_alloc : memref<!tpu.dma_semaphore, #tpu.memory_space<semaphore_mem>>
        %dma_start3A = arith.constant 0 : i32
        %dma_start3A_61 = arith.constant 0 : i32
        %dma_start3A_62 = tpu.memref_slice %arg12[%dma_start3A, %dma_start3A_61] : memref<128x128xf32, #tpu.memory_space<vmem>> -> memref<128x128xf32, #tpu.memory_space<vmem>>
        %dma_start3A_63 = arith.constant 0 : i32
        %dma_start3A_64 = tpu.memref_slice %arg8[%add3A_56, %dma_start3A_63] : memref<10240x128xf32, #tpu.memory_space<hbm>> -> memref<128x128xf32, #tpu.memory_space<hbm>>
        %dma_start3A_65 = arith.constant 0 : i32
        %dma_start3A_66 = tpu.memref_slice %arg8[%add3A_56, %dma_start3A_65] : memref<10240x128xf32, #tpu.memory_space<hbm>> -> memref<128x128xf32, #tpu.memory_space<hbm>>
        %dma_start3A_67 = arith.constant 0 : i32
        %dma_start3A_68 = arith.constant 0 : i32
        %dma_start3A_69 = tpu.memref_slice %arg12[%dma_start3A_67, %dma_start3A_68] : memref<128x128xf32, #tpu.memory_space<vmem>> -> memref<128x128xf32, #tpu.memory_space<vmem>>
        tpu.enqueue_dma source(%dma_start3A_69 : memref<128x128xf32, #tpu.memory_space<vmem>>) target(%dma_start3A_66 : memref<128x128xf32, #tpu.memory_space<hbm>>) target_semaphore(%run_scoped3A : memref<!tpu.dma_semaphore, #tpu.memory_space<semaphore_mem>>)
        %dma_wait3A = arith.constant 0 : i32
        %dma_wait3A_70 = arith.constant 0 : i32
        %dma_wait3A_71 = tpu.memref_slice %arg12[%dma_wait3A, %dma_wait3A_70] : memref<128x128xf32, #tpu.memory_space<vmem>> -> memref<128x128xf32, #tpu.memory_space<vmem>>
        %dma_wait3A_72 = arith.constant 0 : i32
        %dma_wait3A_73 = tpu.memref_slice %arg8[%add3A_56, %dma_wait3A_72] : memref<10240x128xf32, #tpu.memory_space<hbm>> -> memref<128x128xf32, #tpu.memory_space<hbm>>
        %dma_wait3A_74 = arith.constant 0 : i32
        %dma_wait3A_75 = tpu.memref_slice %arg8[%add3A_56, %dma_wait3A_74] : memref<10240x128xf32, #tpu.memory_space<hbm>> -> memref<128x128xf32, #tpu.memory_space<hbm>>
        %dma_wait3A_76 = arith.constant 0 : i32
        %dma_wait3A_77 = arith.constant 0 : i32
        %dma_wait3A_78 = tpu.memref_slice %arg12[%dma_wait3A_76, %dma_wait3A_77] : memref<128x128xf32, #tpu.memory_space<vmem>> -> memref<128x128xf32, #tpu.memory_space<vmem>>
        tpu.wait_dma2 semaphore(%run_scoped3A : memref<!tpu.dma_semaphore, #tpu.memory_space<semaphore_mem>>) src(%dma_wait3A_78 : memref<128x128xf32, #tpu.memory_space<vmem>>) dst(%dma_wait3A_75 : memref<128x128xf32, #tpu.memory_space<hbm>>)
        tpu.yield
      }) : () -> ()
      %mul3A_57 = arith.constant 640 : i32
      %mul3A_58 = arith.muli %arg1, %mul3A_57 : i32
      %add3A_59 = arith.constant 512 : i32
      %add3A_60 = arith.addi %mul3A_58, %add3A_59 : i32
      "tpu.region"() ({
        %run_scoped3A = tpu.sem_alloc : memref<!tpu.dma_semaphore, #tpu.memory_space<semaphore_mem>>
        %dma_start3A = arith.constant 0 : i32
        %dma_start3A_61 = arith.constant 0 : i32
        %dma_start3A_62 = tpu.memref_slice %arg12[%dma_start3A, %dma_start3A_61] : memref<128x128xf32, #tpu.memory_space<vmem>> -> memref<128x128xf32, #tpu.memory_space<vmem>>
        %dma_start3A_63 = arith.constant 0 : i32
        %dma_start3A_64 = tpu.memref_slice %arg13[%add3A_60, %dma_start3A_63] : memref<10240x128xf32, #tpu.memory_space<vmem_shared>> -> memref<128x128xf32, #tpu.memory_space<vmem_shared>>
        %dma_start3A_65 = arith.constant 0 : i32
        %dma_start3A_66 = arith.constant 0 : i32
        %dma_start3A_67 = tpu.memref_slice %arg12[%dma_start3A_65, %dma_start3A_66] : memref<128x128xf32, #tpu.memory_space<vmem>> -> memref<128x128xf32, #tpu.memory_space<vmem>>
        %dma_start3A_68 = arith.constant 0 : i32
        %dma_start3A_69 = tpu.memref_slice %arg13[%add3A_60, %dma_start3A_68] : memref<10240x128xf32, #tpu.memory_space<vmem_shared>> -> memref<128x128xf32, #tpu.memory_space<vmem_shared>>
        tpu.enqueue_dma source(%dma_start3A_69 : memref<128x128xf32, #tpu.memory_space<vmem_shared>>) target(%dma_start3A_67 : memref<128x128xf32, #tpu.memory_space<vmem>>) target_semaphore(%run_scoped3A : memref<!tpu.dma_semaphore, #tpu.memory_space<semaphore_mem>>)
        %dma_wait3A = arith.constant 0 : i32
        %dma_wait3A_70 = arith.constant 0 : i32
        %dma_wait3A_71 = tpu.memref_slice %arg12[%dma_wait3A, %dma_wait3A_70] : memref<128x128xf32, #tpu.memory_space<vmem>> -> memref<128x128xf32, #tpu.memory_space<vmem>>
        %dma_wait3A_72 = arith.constant 0 : i32
        %dma_wait3A_73 = tpu.memref_slice %arg13[%add3A_60, %dma_wait3A_72] : memref<10240x128xf32, #tpu.memory_space<vmem_shared>> -> memref<128x128xf32, #tpu.memory_space<vmem_shared>>
        %dma_wait3A_74 = arith.constant 0 : i32
        %dma_wait3A_75 = arith.constant 0 : i32
        %dma_wait3A_76 = tpu.memref_slice %arg12[%dma_wait3A_74, %dma_wait3A_75] : memref<128x128xf32, #tpu.memory_space<vmem>> -> memref<128x128xf32, #tpu.memory_space<vmem>>
        %dma_wait3A_77 = arith.constant 0 : i32
        %dma_wait3A_78 = tpu.memref_slice %arg13[%add3A_60, %dma_wait3A_77] : memref<10240x128xf32, #tpu.memory_space<vmem_shared>> -> memref<128x128xf32, #tpu.memory_space<vmem_shared>>
        tpu.wait_dma2 semaphore(%run_scoped3A : memref<!tpu.dma_semaphore, #tpu.memory_space<semaphore_mem>>) src(%dma_wait3A_78 : memref<128x128xf32, #tpu.memory_space<vmem_shared>>) dst(%dma_wait3A_76 : memref<128x128xf32, #tpu.memory_space<vmem>>)
        tpu.yield
      }) : () -> ()
      "tpu.region"() ({
        %run_scoped3A = tpu.sem_alloc : memref<!tpu.dma_semaphore, #tpu.memory_space<semaphore_mem>>
        %dma_start3A = arith.constant 0 : i32
        %dma_start3A_61 = arith.constant 0 : i32
        %dma_start3A_62 = tpu.memref_slice %arg12[%dma_start3A, %dma_start3A_61] : memref<128x128xf32, #tpu.memory_space<vmem>> -> memref<128x128xf32, #tpu.memory_space<vmem>>
        %dma_start3A_63 = arith.constant 0 : i32
        %dma_start3A_64 = tpu.memref_slice %arg8[%add3A_60, %dma_start3A_63] : memref<10240x128xf32, #tpu.memory_space<hbm>> -> memref<128x128xf32, #tpu.memory_space<hbm>>
        %dma_start3A_65 = arith.constant 0 : i32
        %dma_start3A_66 = tpu.memref_slice %arg8[%add3A_60, %dma_start3A_65] : memref<10240x128xf32, #tpu.memory_space<hbm>> -> memref<128x128xf32, #tpu.memory_space<hbm>>
        %dma_start3A_67 = arith.constant 0 : i32
        %dma_start3A_68 = arith.constant 0 : i32
        %dma_start3A_69 = tpu.memref_slice %arg12[%dma_start3A_67, %dma_start3A_68] : memref<128x128xf32, #tpu.memory_space<vmem>> -> memref<128x128xf32, #tpu.memory_space<vmem>>
        tpu.enqueue_dma source(%dma_start3A_69 : memref<128x128xf32, #tpu.memory_space<vmem>>) target(%dma_start3A_66 : memref<128x128xf32, #tpu.memory_space<hbm>>) target_semaphore(%run_scoped3A : memref<!tpu.dma_semaphore, #tpu.memory_space<semaphore_mem>>)
        %dma_wait3A = arith.constant 0 : i32
        %dma_wait3A_70 = arith.constant 0 : i32
        %dma_wait3A_71 = tpu.memref_slice %arg12[%dma_wait3A, %dma_wait3A_70] : memref<128x128xf32, #tpu.memory_space<vmem>> -> memref<128x128xf32, #tpu.memory_space<vmem>>
        %dma_wait3A_72 = arith.constant 0 : i32
        %dma_wait3A_73 = tpu.memref_slice %arg8[%add3A_60, %dma_wait3A_72] : memref<10240x128xf32, #tpu.memory_space<hbm>> -> memref<128x128xf32, #tpu.memory_space<hbm>>
        %dma_wait3A_74 = arith.constant 0 : i32
        %dma_wait3A_75 = tpu.memref_slice %arg8[%add3A_60, %dma_wait3A_74] : memref<10240x128xf32, #tpu.memory_space<hbm>> -> memref<128x128xf32, #tpu.memory_space<hbm>>
        %dma_wait3A_76 = arith.constant 0 : i32
        %dma_wait3A_77 = arith.constant 0 : i32
        %dma_wait3A_78 = tpu.memref_slice %arg12[%dma_wait3A_76, %dma_wait3A_77] : memref<128x128xf32, #tpu.memory_space<vmem>> -> memref<128x128xf32, #tpu.memory_space<vmem>>
        tpu.wait_dma2 semaphore(%run_scoped3A : memref<!tpu.dma_semaphore, #tpu.memory_space<semaphore_mem>>) src(%dma_wait3A_78 : memref<128x128xf32, #tpu.memory_space<vmem>>) dst(%dma_wait3A_75 : memref<128x128xf32, #tpu.memory_space<hbm>>)
        tpu.yield
      }) : () -> ()
    } else {
    }
    return
  }
}

module attributes {stable_mosaic.version = 14 : i64} {
  func.func @_mm_body(%arg0: i32, %arg1: memref<1000x256xf32, #tpu.memory_space<vmem>>, %arg2: memref<256x256xf32, #tpu.memory_space<vmem>>, %arg3: memref<1000x128xf32, #tpu.memory_space<vmem>>, %arg4: memref<1000x128xf32, #tpu.memory_space<vmem>>) attributes {dimension_semantics = [#tpu.dimension_semantics<arbitrary>], iteration_bounds = array<i64: 10>, scalar_prefetch = 0 : i64, scratch_operands = 0 : i64, tpu.core_type = #tpu.core_type<tc>, window_params = [{transform_indices = @transform_0, window_bounds = array<i64: 1000, 256>}, {pipeline_mode = #tpu.pipeline_mode<synchronous>, transform_indices = @transform_1, window_bounds = array<i64: 256, 256>}, {transform_indices = @transform_2, window_bounds = array<i64: 1000, 128>}, {transform_indices = @transform_3, window_bounds = array<i64: 1000, 128>}]} {
    %get3A = arith.constant 0 : index
    %get3A_0 = arith.constant 0 : index
    %get3A_1 = vector.load %arg1[%get3A, %get3A_0] : memref<1000x256xf32, #tpu.memory_space<vmem>>, vector<1000x256xf32>
    %get3A_2 = arith.constant 0 : index
    %get3A_3 = arith.constant 0 : index
    %get3A_4 = vector.load %arg2[%get3A_2, %get3A_3] : memref<256x256xf32, #tpu.memory_space<vmem>>, vector<256x256xf32>
    %dot_general3A = arith.constant dense<0.000000e+00> : vector<1000x256xf32>
    %dot_general3A_5 = tpu.matmul %get3A_1, %get3A_4, %dot_general3A {dimension_numbers = #tpu.dot_dimension_numbers<[1], [0], [0], [1], [0, 0, 1, 1], [], []>, transpose_lhs_hint = false} : vector<1000x256xf32>, vector<256x256xf32>, vector<1000x256xf32> -> vector<1000x256xf32>
    %slice3A = vector.extract_strided_slice %dot_general3A_5 {offsets = [0, 0], sizes = [1000, 128], strides = [1, 1]} : vector<1000x256xf32> to vector<1000x128xf32>
    %swap3A = arith.constant 0 : index
    %swap3A_6 = arith.constant 0 : index
    %swap3A_7 = vector.load %arg3[%swap3A, %swap3A_6] : memref<1000x128xf32, #tpu.memory_space<vmem>>, vector<1000x128xf32>
    tpu.vector_store %arg3[%swap3A, %swap3A_6], %slice3A {strides = array<i32>} : memref<1000x128xf32, #tpu.memory_space<vmem>>, vector<1000x128xf32>,
    %slice3A_8 = vector.extract_strided_slice %dot_general3A_5 {offsets = [0, 128], sizes = [1000, 128], strides = [1, 1]} : vector<1000x256xf32> to vector<1000x128xf32>
    %swap3A_9 = arith.constant 0 : index
    %swap3A_10 = arith.constant 0 : index
    %swap3A_11 = vector.load %arg4[%swap3A_9, %swap3A_10] : memref<1000x128xf32, #tpu.memory_space<vmem>>, vector<1000x128xf32>
    tpu.vector_store %arg4[%swap3A_9, %swap3A_10], %slice3A_8 {strides = array<i32>} : memref<1000x128xf32, #tpu.memory_space<vmem>>, vector<1000x128xf32>,
    return
  }
  func.func @transform_0(%arg0: i32) -> (i32, i32) {
    %c0_i32 = arith.constant 0 : i32
    %c0_i32_0 = arith.constant 0 : i32
    return %arg0, %c0_i32 : i32, i32
  }
  func.func @transform_1(%arg0: i32) -> (i32, i32) {
    %c0_i32 = arith.constant 0 : i32
    %c0_i32_0 = arith.constant 0 : i32
    %c0_i32_1 = arith.constant 0 : i32
    return %c0_i32, %c0_i32_0 : i32, i32
  }
  func.func @transform_2(%arg0: i32) -> (i32, i32) {
    %c0_i32 = arith.constant 0 : i32
    %c0_i32_0 = arith.constant 0 : i32
    return %arg0, %c0_i32 : i32, i32
  }
  func.func @transform_3(%arg0: i32) -> (i32, i32) {
    %c0_i32 = arith.constant 0 : i32
    %c0_i32_0 = arith.constant 0 : i32
    return %arg0, %c0_i32 : i32, i32
  }
}

</mosaic_0001>

<sc_bundles>
// kernel: kernel.4.cloned.1.call-start
scs
__scs_entry_jumppad:
0x0: {  	(pc) =	sbr.rel $0x88, $3  }
0x1: {  	(tag) =	ssettag $0x0;
	lr =	simm.s32 $0x1  }
0x2: {  	[smem:$0x3F9C] =	sst lr;
	_ =	strace $0xD0000000  }
0x3: {  	_ = 	snop  }
0x4: {  	_ = 	snop  }
0x5: {  	_ = 	snop  }
0x6: {  	_ = 	snop  }
0x7: {  	_ = 	snop  }
__scs_overlays_trampoline_lowered:
0x8: {  	[smem:$0x3FAB] =	sst s0  }
0x9: {  	[smem:$0x3FAC] =	sst s1  }
0xa: {  	[smem:$0x3FAD] =	sst s2  }
0xb: {  	[smem:$0x3FAE] =	sst s3  }
0xc: {  	[smem:$0x3FAF] =	sst s4  }
0xd: {  	[smem:$0x3FB0] =	sst s5  }
0xe: {  	[smem:$0x3FB1] =	sst s6  }
0xf: {  	[smem:$0x3FB2] =	sst s7  }
0x10: {  	[smem:$0x3FB3] =	sst s8  }
0x11: {  	[smem:$0x3FB4] =	sst s9;
	s0 =	simm.s32 @!p0 $0x0  }
0x12: {  	s1 =	sld [smem:$0x3F9A];
	s0 =	simm.s32 @p0 $0x1  }
0x13: {  	[smem:$0x3FB5] =	sst s0;
	s0 =	simm.s32 @!p1 $0x0  }
0x14: {  	s2 =	sld [smem:$0x3F99];
	s0 =	simm.s32 @p1 $0x1  }
0x15: {  	[smem:$0x3FB6] =	sst s0;
	s0 =	simm.s32 @!p2 $0x0  }
0x16: {  	s3 =	sld [smem:$0x3FDB];
	s0 =	simm.s32 @p2 $0x1  }
0x17: {  	s4 =	simm.s32 $0x1BF5;
	[smem:$0x3FB8] =	sst s0  }
0x18: {  	s0 =	sld [smem:$0x3F9B];
	_ =	swait.ge [sflag:s4], $0x0  }
0x19: {  	s7 =	sld [smem:$0x3F9C]  }
0x1a: {  	s8 =	sadd.s32 $0xFFFFE003, lr  }
0x1b: {  	s9 =	sadd.s32 $0xFFFFFEF7, lr;
	s5 =	simm.s32 $0xFFFFFFFF;
	p2 =	slt.u32 s8, $0xFFFFF086  }
0x1c: {  	p1 =	slt.u32 s9, $0xF7A;
	s5 =	simm.s32 @!p2 $0x0  }
0x1d: {  	s5 =	simm.s32 @p1 $0x1;
	p0 =	seq.s32 s7, s2  }
0x1e: {  	s7 =	smul.u32 @!p0 $0xF7A, s2;
	p2 =	seq.s32 @!p0 s5, $0x0  }
0x1f: {  	s9 =	smul.u32 $0xF7A, s1;
	s8 =	simm.s32 @!p0 $0x1BF5;
	p2 =	por !p2, p0  }
0x20: {  	[sflag:s8] =	ssyncset.s32 @!p0 $0xFFFFF086;
	s6 =	sadd.s32 @!p0 s3, s7;
	s7 =	simm.s32 @!p0 $0x108  }
0x21: {  	s3 =	sadd.s32 s3, s9;
	s6 =	sadd.s32 @!p0 $0x88, s6;
	s7 =	simm.s32 @p2 $0x1082  }
0x22: {  	[simem:s7], [sflag:s8] =	dma.local @!p0 [hbm:s6], $0xF7A  }
0x23: {  	s9 =	sor.u32 $0xD0000000, s2;
	s6 =	simm.s32 $0x108;
	_ =	swait.ge @!p0 [sflag:s8], $0x0  }
0x24: {  	s3 =	sadd.s32 $0x88, s3;
	s6 =	simm.s32 @!p1 $0x1082;
	[sflag:s4] =	ssyncset.s32 $0xFFFFF086  }
0x25: {  	[simem:s6], [sflag:s4] =	dma.local [hbm:s3], $0xF7A  }
0x26: {  	[smem:$0x3F9C] =	sst s1;
	(tag) =	ssettag s2;
	_ =	strace s9  }
0x27: {  	s1 =	sld [smem:$0x3FAC]  }
0x28: {  	s2 =	sld [smem:$0x3FAD]  }
0x29: {  	s4 =	sld [smem:$0x3FAF]  }
0x2a: {  	p0 =	seq.s32 s5, $0x0;
	s5 =	sld [smem:$0x3FB0]  }
0x2b: {  	s6 =	sld [smem:$0x3FB1]  }
0x2c: {  	s7 =	sld [smem:$0x3FB2]  }
0x2d: {  	s3 =	simm.s32 $0x108;
	s8 =	sld [smem:$0x3FB3]  }
0x2e: {  	s3 =	simm.s32 @!p0 $0x1082;
	s9 =	sld [smem:$0x3FB4]  }
0x2f: {  	lr =	sadd.s32 s0, s3;
	s0 =	sld [smem:$0x3FAB]  }
0x30: {  	s3 =	sld [smem:$0x3FAE]  }
0x31: {  	[smem:$0x3FB7] =	sst s10  }
0x32: {  	s10 =	sld [smem:$0x3FB5];
	_ =	sdelay $0x3  }
0x33: {  	p0 =	seq.s32 s10, $0x1;
	s10 =	sld [smem:$0x3FB7];
	_ =	sdelay $0x3  }
0x34: {  	[smem:$0x3FB7] =	sst s10  }
0x35: {  	s10 =	sld [smem:$0x3FB6];
	_ =	sdelay $0x3  }
0x36: {  	p1 =	seq.s32 s10, $0x1;
	s10 =	sld [smem:$0x3FB7];
	_ =	sdelay $0x3  }
0x37: {  	[smem:$0x3FB7] =	sst s10  }
0x38: {  	s10 =	sld [smem:$0x3FB8]  }
0x39: {  	_ = 	snop;
	(pc) =	sbr.ind lr, $3  }
0x3a: {  	_ = 	snop  }
0x3b: {  	_ = 	snop  }
0x3c: {  	p2 =	seq.s32 s10, $0x1;
	s10 =	sld [smem:$0x3FB7]  }
0x3d: {  	_ =	shalt  }
0x3e: {  	_ =	shalt  }
0x3f: {  	_ =	shalt  }
0x40: {  	_ =	shalt  }
0x41: {  	_ =	shalt  }
0x42: {  	_ =	shalt  }
0x43: {  	_ =	shalt  }
0x44: {  	_ =	shalt  }
0x45: {  	_ =	shalt  }
0x46: {  	_ =	shalt  }
0x47: {  	_ =	shalt  }
0x48: {  	_ =	shalt  }
0x49: {  	_ =	shalt  }
0x4a: {  	_ =	shalt  }
0x4b: {  	_ =	shalt  }
0x4c: {  	_ =	shalt  }
0x4d: {  	_ =	shalt  }
0x4e: {  	_ =	shalt  }
0x4f: {  	_ =	shalt  }
0x50: {  	_ =	shalt  }
0x51: {  	_ =	shalt  }
0x52: {  	_ =	shalt  }
0x53: {  	_ =	shalt  }
0x54: {  	_ =	shalt  }
0x55: {  	_ =	shalt  }
0x56: {  	_ =	shalt  }
0x57: {  	_ =	shalt  }
0x58: {  	_ =	shalt  }
0x59: {  	_ =	shalt  }
0x5a: {  	_ =	shalt  }
0x5b: {  	_ =	shalt  }
0x5c: {  	_ =	shalt  }
0x5d: {  	_ =	shalt  }
0x5e: {  	_ =	shalt  }
0x5f: {  	_ =	shalt  }
0x60: {  	_ =	shalt  }
0x61: {  	_ =	shalt  }
0x62: {  	_ =	shalt  }
0x63: {  	_ =	shalt  }
0x64: {  	_ =	shalt  }
0x65: {  	_ =	shalt  }
0x66: {  	_ =	shalt  }
0x67: {  	_ =	shalt  }
0x68: {  	_ =	shalt  }
0x69: {  	_ =	shalt  }
0x6a: {  	_ =	shalt  }
0x6b: {  	_ =	shalt  }
0x6c: {  	_ =	shalt  }
0x6d: {  	_ =	shalt  }
0x6e: {  	_ =	shalt  }
0x6f: {  	_ =	shalt  }
0x70: {  	_ =	shalt  }
0x71: {  	_ =	shalt  }
0x72: {  	_ =	shalt  }
0x73: {  	_ =	shalt  }
0x74: {  	_ =	shalt  }
0x75: {  	_ =	shalt  }
0x76: {  	_ =	shalt  }
0x77: {  	_ =	shalt  }
0x78: {  	_ =	shalt  }
0x79: {  	_ =	shalt  }
0x7a: {  	_ =	shalt  }
0x7b: {  	_ =	shalt  }
0x7c: {  	_ =	shalt  }
0x7d: {  	_ =	shalt  }
0x7e: {  	_ =	shalt  }
0x7f: {  	_ =	shalt  }
0x80: {  	_ =	shalt  }
0x81: {  	_ =	shalt  }
0x82: {  	_ =	shalt  }
0x83: {  	_ =	shalt  }
0x84: {  	_ =	shalt  }
0x85: {  	_ =	shalt  }
0x86: {  	_ =	shalt  }
0x87: {  	_ =	shalt  }
.Lfunc_end0:
.L_simem_size_0:
called_computation_lowered:
.L_overlay_start_0:
0x88: {  	s2 =	sld [smem:$0x3FD9]  }
0x89: {  	s3 =	sld [smem:$0x3FFE];
	_ =	sdelay $0x1  }
0x8a: {  	s1 =	srdreg.scid  }
0x8b: {  	s0 =	sand.u32 $0x1, s1  }
0x8c: {  	s17 =	sshll.u32 s0, $0xA;
	s2 =	sadd.s32 s3, s2  }
0x8d: {  	s2 =	sadd.s32 s2, s17  }
0x8e: {  	[smem:$0x3FC3] =	sst s2  }
0x8f: {  	_ = 	snop  }
0x90: {  	s2 =	sld [smem:$0x3FD0];
	(tm) =	ssettm $0x1  }
0x91: {  	s18 =	sld [smem:$0x3FFB];
	_ =	sdelay $0x3  }
0x92: {  	_ =	strace s18  }
0x93: {  	s3 =	sld [smem:$0x3FFC];
	_ =	sdelay $0x3  }
0x94: {  	_ =	strace s3  }
0x95: {  	s3 =	sld [smem:$0x3FFD];
	_ =	sdelay $0x3  }
0x96: {  	_ =	strace s3  }
0x97: {  	_ =	strace $0x8FFFFFFF  }
0x98: {  	s19 =	sld [smem:$0x3FDB];
	_ =	sdelay $0x1  }
0x99: {  	s4 =	simm.s32 $_scs_section_size  }
0x9a: {  	s5 =	simm.s32 $_size__tile_overlayer_lowered;
	s6 =	simm.s32 $_tile_overlayer_lowered  }
0x9b: {  	s22 =	simm.s32 $0x1BFF;
	s21 =	sshll.u32 s6, $0x1;
	s3 =	sadd.s32 s4, s19  }
0x9c: {  	s7 =	simm.s32 $0x0;
	s20 =	sshll.u32 s5, $0x1;
	s5 =	sadd.s32 s21, s3  }
0x9d: {  	[timem:s7], [sflag:s22] =	dma.local [hbm:s5], s20  }
0x9e: {  	_ =	swait.ge [sflag:s22], s20  }
0x9f: {  	s4 =	ssub.s32 $0x0, s20;
	[sflag:s22] =	ssyncset.done $0x0  }
0xa0: {  	[sflag:s22] =	ssyncadd.s32 s4;
	_ =	sdelay $0x1  }
0xa1: {  	s23 =	simm.s32 $0x1B8B  }
0xa2: {  	_ =	swait.ge [sflag:s23], $0x1  }
0xa3: {  	[sflag:s23] =	ssyncset.done $0x0  }
0xa4: {  	s25 =	simm.s32 $0x1B8E;
	s24 =	sld [smem:$0x3FFE];
	[sflag:s23] =	ssyncadd.s32 $0xFFFFFFFF  }
0xa5: {  	s26 =	simm.s32 $execute0_lowered;
	[smem:$0x3FD2] =	sst s25  }
0xa6: {  	s5 =	sshll.u32 s26, $0x1;
	_ =	strace $0x80000046;
	[dreg:$0x1] =	wrdreg $0xFFFFFFFF  }
0xa7: {  	s28 =	simm.s32 $_size_execute0_lowered;
	s3 =	sadd.s32 s3, s5;
	[dreg:$0x0] =	wrdreg $0x0  }
0xa8: {  	s5 =	sshll.u32 s28, $0x1;
	[dreg:$0x2] =	wrdreg s3  }
0xa9: {  	[dreg:$0x3] =	wrdreg s5  }
0xaa: {  	[dreg:$0x4] =	wrdreg $0xC0  }
0xab: {  	_ =	task [dreg:s7], $0x5FFFF  }
0xac: {  	[dreg:$0x1] =	wrdreg $0xFFFFFFFF  }
0xad: {  	[dreg:$0x0] =	wrdreg $0x60  }
0xae: {  	[dreg:$0x2] =	wrdreg s24  }
0xaf: {  	[dreg:$0x3] =	wrdreg s2  }
0xb0: {  	[dreg:$0x4] =	wrdreg $0xB8000  }
0xb1: {  	[dreg:$0x5] =	wrdreg $0x9  }
0xb2: {  	_ =	task.clear_ibuf [dreg:s7], $0x6FFFF;
	_ =	strace $0x90000046  }
0xb3: {  	s29 =	simm.s32 $0x9;
	_ =	strace $0x80000048  }
0xb4: {  	_ =	swait.ge [sflag:s29], $0x1  }
0xb5: {  	[sflag:s29] =	ssyncadd.s32 $0xFFFFFFFF  }
0xb6: {  	_ =	strace $0x90000048  }
0xb7: {  	_ =	sfence  }
0xb8: {  	s30 =	sld [smem:$0x0];
	_ =	sdelay $0x2  }
0xb9: {  	s31 =	sshll.u32 s1, $0xD;
	s1 =	sshrl.u32 s1, $0x2  }
0xba: {  	s3 =	sand.u32 $0x4000, s31;
	s1 =	sadd.s32 s1, s30  }
0xbb: {  	s0 =	sor.u32 s3, s0;
	s1 =	sshll.u32 s1, $0x11  }
0xbc: {  	s0 =	sor.u32 s1, s0  }
0xbd: {  	s0 =	sadd.s32 $0x8F2B, s0  }
0xbe: {  	[sflag:s0] =	ssyncadd.remote.s32 $0x1  }
0xbf: {  	_ =	sfence.sel $0xFFFF  }
0xc0: {  	[dreg:$0x0] =	wrdreg $0xFFFFFFFF;
	(pc) =	sbr.abs _section_cstart, $3  }
0xc1: {  	[dreg:$0x1] =	wrdreg $0xFFFFFFFF  }
0xc2: {  	_ =	task.clear_ibuf [dreg:s7], $0x2FFFF;
	_ =	strace $0x9FFFFFFF  }
0xc3: {  	(tm) =	ssettm $0x7FFFFFFF  }
tec
execute0_lowered:
.L_overlay_start_1:
0x0: {  	(tag) =	ssettag $0x1  }
0x1: {  	s0 =	rddreg [dreg:$0x0]  }
0x2: {  	s3 =	rddreg [dreg:$0x2]  }
0x3: {  	s2 =	stileid.u32;
	s4 =	simm.s32 $0x0;
	s5 =	srdreg.scid  }
0x4: {  	s22 =	simm.s32 $0x2;
	s23 =	simm.s32 $0x2800;
	s28 =	simm.s32 $0x1  }
0x5: {  	s29 =	simm.s32 $0x0;
	s1 =	smul.u32 $0x500, s2;
	[smem:$0x7FF] =	sst s4  }
0x6: {  	s25 =	sand.u32 $0x1, s5;
	s5 =	sadd.s32 $0x10400, s0;
	s13 =	smul.u32 $0x280, s2  }
0x7: {  	s6 =	sadd.s32 $0x37600, s0;
	s10 =	smul.u32 $0x50000, s2;
	s7 =	sadd.s32 $0x5E800, s0  }
0x8: {  	s16 =	smul.u32 $0x2800, s2;
	_ =	strace $0x80000047;
	s8 =	ssub.s32 $0x2, s25  }
0x9: {  	p0 =	sne.s32 s25, $0x0;
	s25 =	simm.s32 $0x7800;
	s1 =	sadd.s32 s1, s0  }
0xa: {  	s9 =	sshrl.u32 s8, $0x1;
	s11 =	sshrl.u32 s10, $0x2;
	s17 =	sadd.s32 $0x80, s13  }
0xb: {  	s30 =	sadd.s32 $0x100, s13;
	s19 =	sadd.s32 $0x180, s13;
	s20 =	sadd.s32 $0x200, s13  }
0xc: {  	s24 =	ssub.s32 s8, s9;
	s8 =	sadd.s32 $0x6400, s1;
	s9 =	sadd.s32 $0xB400, s1  }
0xd: {  	s10 =	sadd.s32 $0x1400, s1;
	s11 =	sadd.s32 s11, s3;
	s26 =	sshll.u32 s17, $0x7  }
.Ltmp0:
0xe: {  	s14 =	sshll.u32 s30, $0x7;
	s15 =	sshll.u32 s19, $0x7;
	(pc) =	sbr.rel .LBB2_1-.Ltmp0, $4  }
0xf: {  	s31 =	sshll.u32 s20, $0x7;
	s17 =	sshll.u32 s17, $0x4;
	s18 =	sshll.u32 s30, $0x4  }
0x10: {  	s19 =	sshll.u32 s19, $0x4;
	s20 =	sshll.u32 s20, $0x4;
	s12 =	sadd.s32 s26, s3  }
0x11: {  	s13 =	sadd.s32 s14, s3;
	s14 =	sadd.s32 s15, s3;
	s15 =	sadd.s32 s31, s3  }
0x12: {  	v0 =	vimm.f32 $0.0e+00;
	s21 =	smax.u32 s24, $0x1;
	s24 =	simm.s32 $0x5000;
	s26 =	simm.s32 $0x80  }
.LBB2_12:
0x13: {  	[bflag:$0x0] =	sbarrier.arrive $0xFFFF  }
0x14: {  	[tilespmem:s25], [sflag:$0x2] =	stream.linear.gather [spmem:s11], $0x4000, $0x38;
	[tilespmem:$0x1F800] =	vst v63  }
0x15: {  	_ =	swait.ge [sflag:s22], $0x4000  }
0x16: {  	[sflag:s22] =	ssyncset.done $0x0  }
0x17: {  	s1 =	sadd.s32 s0, s16;
	[sflag:s22] =	ssyncadd.s32 $0xFFFFC000  }
0x18: {  	[hbm4b:s1+s4] =	stream.linear.scatter [tilespmem:s25], [sflag:$0x2], $0x4000, $0x38;
	[tilespmem:$0x1F800] =	vst v63  }
0x19: {  	_ =	swait.ge [sflag:s22], $0x4000  }
0x1a: {  	[sflag:s22] =	ssyncset.done $0x0  }
0x1b: {  	[sflag:s22] =	ssyncadd.s32 $0xFFFFC000  }
0x1c: {  	[tilespmem:s25], [sflag:$0x2] =	stream.linear.gather [spmem:s12], $0x4000, $0x38;
	[tilespmem:$0x1F800] =	vst v63  }
0x1d: {  	_ =	swait.ge [sflag:s22], $0x4000  }
0x1e: {  	[sflag:s22] =	ssyncset.done $0x0  }
0x1f: {  	s31 =	sadd.s32 s0, s17;
	[sflag:s22] =	ssyncadd.s32 $0xFFFFC000  }
0x20: {  	[hbm4b:s31+s4] =	stream.linear.scatter [tilespmem:s25], [sflag:$0x2], $0x4000, $0x38;
	[tilespmem:$0x1F800] =	vst v63  }
0x21: {  	_ =	swait.ge [sflag:s22], $0x4000  }
0x22: {  	[sflag:s22] =	ssyncset.done $0x0  }
0x23: {  	[sflag:s22] =	ssyncadd.s32 $0xFFFFC000  }
0x24: {  	[tilespmem:s25], [sflag:$0x2] =	stream.linear.gather [spmem:s13], $0x4000, $0x38;
	[tilespmem:$0x1F800] =	vst v63  }
0x25: {  	_ =	swait.ge [sflag:s22], $0x4000  }
0x26: {  	[sflag:s22] =	ssyncset.done $0x0  }
0x27: {  	s2 =	sadd.s32 s0, s18;
	[sflag:s22] =	ssyncadd.s32 $0xFFFFC000  }
0x28: {  	[hbm4b:s2+s4] =	stream.linear.scatter [tilespmem:s25], [sflag:$0x2], $0x4000, $0x38;
	[tilespmem:$0x1F800] =	vst v63  }
0x29: {  	_ =	swait.ge [sflag:s22], $0x4000  }
0x2a: {  	[sflag:s22] =	ssyncset.done $0x0  }
0x2b: {  	[sflag:s22] =	ssyncadd.s32 $0xFFFFC000  }
0x2c: {  	[tilespmem:s25], [sflag:$0x2] =	stream.linear.gather [spmem:s14], $0x4000, $0x38;
	[tilespmem:$0x1F800] =	vst v63  }
0x2d: {  	_ =	swait.ge [sflag:s22], $0x4000  }
0x2e: {  	[sflag:s22] =	ssyncset.done $0x0  }
0x2f: {  	s30 =	sadd.s32 s0, s19;
	[sflag:s22] =	ssyncadd.s32 $0xFFFFC000  }
0x30: {  	[hbm4b:s30+s4] =	stream.linear.scatter [tilespmem:s25], [sflag:$0x2], $0x4000, $0x38;
	[tilespmem:$0x1F800] =	vst v63  }
0x31: {  	_ =	swait.ge [sflag:s22], $0x4000  }
0x32: {  	[sflag:s22] =	ssyncset.done $0x0  }
0x33: {  	[sflag:s22] =	ssyncadd.s32 $0xFFFFC000  }
0x34: {  	[tilespmem:s25], [sflag:$0x2] =	stream.linear.gather [spmem:s15], $0x4000, $0x38;
	[tilespmem:$0x1F800] =	vst v63  }
0x35: {  	s29 =	sadd.s32 $0x1, s29;
	_ =	swait.ge [sflag:s22], $0x4000  }
0x36: {  	p1 =	sne.s32 s29, s21;
	[sflag:s22] =	ssyncset.done $0x0  }
.Ltmp1:
0x37: {  	s31 =	sadd.s32 s0, s20;
	[sflag:s22] =	ssyncadd.s32 $0xFFFFC000;
	(pc) =	sbr.rel @!p1 .LBB2_13-.Ltmp1, $4  }
0x38: {  	[hbm4b:s31+s4] =	stream.linear.scatter [tilespmem:s25], [sflag:$0x2], $0x4000, $0x38;
	[tilespmem:$0x1F800] =	vst v63  }
0x39: {  	_ =	swait.ge [sflag:s22], $0x4000  }
0x3a: {  	[sflag:s22] =	ssyncset.done $0x0  }
0x3b: {  	[sflag:s22] =	ssyncadd.s32 $0xFFFFC000  }
.LBB2_1:
0x3c: {  	[tilespmem:s4], [sflag:$0x2] =	stream.linear.gather [hbm4b:s8+s4], $0x2780, $0x38;
	[tilespmem:$0x1F800] =	vst v63  }
0x3d: {  	_ =	swait.ge [sflag:s22], $0x2780  }
0x3e: {  	[sflag:s22] =	ssyncset.done $0x0  }
0x3f: {  	[sflag:s22] =	ssyncadd.s32 $0xFFFFD880  }
0x40: {  	[tilespmem:s23], [sflag:$0x2] =	stream.linear.gather [hbm4b:s9+s4], $0x2780, $0x38;
	[tilespmem:$0x1F800] =	vst v63  }
0x41: {  	_ =	swait.ge [sflag:s22], $0x2780  }
0x42: {  	[sflag:s22] =	ssyncset.done $0x0  }
0x43: {  	[sflag:s22] =	ssyncadd.s32 $0xFFFFD880  }
0x44: {  	[tilespmem:s24], [sflag:$0x2] =	stream.linear.gather [hbm4b:s10+s4], $0x2780, $0x38;
	[tilespmem:$0x1F800] =	vst v63  }
0x45: {  	_ =	swait.ge [sflag:s22], $0x2780  }
0x46: {  	[sflag:s22] =	ssyncset.done $0x0  }
0x47: {  	s0 =	simm.s32 $0x0;
	s1 =	simm.s32 $0x200;
	[sflag:s22] =	ssyncadd.s32 $0xFFFFD880  }
.LBB2_2:
0x48: {  	p1 =	sne.s32 s1, $0xFE00;
	[tilespmem:s0+$0x7870] =	vst v0  }
0x49: {  	[tilespmem:s0+$0x7800] =	vst v0  }
0x4a: {  	[tilespmem:s0+$0x7810] =	vst v0  }
.Ltmp2:
0x4b: {  	[tilespmem:s0+$0x7820] =	vst v0;
	(pc) =	sbr.rel @p1 .LBB2_2-.Ltmp2, $4  }
0x4c: {  	[tilespmem:s0+$0x7830] =	vst v0  }
0x4d: {  	[tilespmem:s0+$0x7840] =	vst v0  }
0x4e: {  	[tilespmem:s0+$0x7850] =	vst v0  }
0x4f: {  	[tilespmem:s0+$0x7860] =	vst v0;
	s0 =	sshra.s32 s1, $0x2;
	s1 =	sadd.s32 $0x200, s1  }
0x50: {  	[tilespmem:s0+$0x7870] =	vst v0  }
0x51: {  	[tilespmem:s0+$0x7800] =	vst v0  }
0x52: {  	[tilespmem:s0+$0x7810] =	vst v0  }
0x53: {  	[tilespmem:s0+$0x7820] =	vst v0  }
0x54: {  	[tilespmem:s0+$0x7830] =	vst v0  }
0x55: {  	[tilespmem:s0+$0x7840] =	vst v0  }
0x56: {  	[tilespmem:s0+$0x7850] =	vst v0  }
0x57: {  	[tilespmem:s0+$0x7860] =	vst v0  }
0x58: {  	[spmem:s11] =	stream.linear.scatter [tilespmem:s25], [sflag:$0x2], $0x4000, $0x38;
	[tilespmem:$0x1F800] =	vst v63  }
0x59: {  	_ =	swait.ge [sflag:s22], $0x4000  }
0x5a: {  	[sflag:s22] =	ssyncset.done $0x0  }
0x5b: {  	[sflag:s22] =	ssyncadd.s32 $0xFFFFC000  }
0x5c: {  	[spmem:s12] =	stream.linear.scatter [tilespmem:s25], [sflag:$0x2], $0x4000, $0x38;
	[tilespmem:$0x1F800] =	vst v63  }
0x5d: {  	_ =	swait.ge [sflag:s22], $0x4000  }
0x5e: {  	[sflag:s22] =	ssyncset.done $0x0  }
0x5f: {  	[sflag:s22] =	ssyncadd.s32 $0xFFFFC000  }
0x60: {  	[spmem:s13] =	stream.linear.scatter [tilespmem:s25], [sflag:$0x2], $0x4000, $0x38;
	[tilespmem:$0x1F800] =	vst v63  }
0x61: {  	_ =	swait.ge [sflag:s22], $0x4000  }
0x62: {  	[sflag:s22] =	ssyncset.done $0x0  }
0x63: {  	[sflag:s22] =	ssyncadd.s32 $0xFFFFC000  }
0x64: {  	[spmem:s14] =	stream.linear.scatter [tilespmem:s25], [sflag:$0x2], $0x4000, $0x38;
	[tilespmem:$0x1F800] =	vst v63  }
0x65: {  	_ =	swait.ge [sflag:s22], $0x4000  }
0x66: {  	[sflag:s22] =	ssyncset.done $0x0  }
0x67: {  	[sflag:s22] =	ssyncadd.s32 $0xFFFFC000  }
0x68: {  	[spmem:s15] =	stream.linear.scatter [tilespmem:s25], [sflag:$0x2], $0x4000, $0x38;
	[tilespmem:$0x1F800] =	vst v63  }
.Ltmp3:
0x69: {  	_ =	swait.ge [sflag:s22], $0x4000;
	(pc) =	sbr.rel @p0 .LBB2_8-.Ltmp3, $4  }
0x6a: {  	[sflag:s22] =	ssyncset.done $0x0  }
0x6b: {  	[sflag:s22] =	ssyncadd.s32 $0xFFFFC000  }
0x6c: {  	[bflag:$0x0] =	sbarrier.arrive $0xFFFF  }
0x6d: {  	s30 =	simm.s32 $0x0  }
.LBB2_4:
0x6e: {  	s31 =	sshll.u32 s30, $0x7  }
0x6f: {  	s0 =	sadd.s32 $0x5000, s31  }
0x70: {  	v1 =	vmov s0  }
0x71: {  	[tilespmem:s25], [sflag:$0x1] =	stream.indirect.gather [hbm4b:s5+s26], $0x80, s31, s26, $0xb8;
	[tilespmem:$0x1F800] =	vst v63  }
0x72: {  	_ =	swait.ge [sflag:s28], $0x4000  }
0x73: {  	s2 =	simm.s32 $0x0;
	[sflag:s28] =	ssyncset.done $0x0  }
0x74: {  	s1 =	simm.s32 $0x0;
	s0 =	sand.u32 $0x3FFFFFF0, s2;
	[sflag:s28] =	ssyncadd.s32 $0xFFFFC000  }
0x75: {  	v2 =	vld.idx.msk [tilespmem:v1+s0+$0x0 ss:$0x1], $0xffff;
	s0 =	sand.u32 $0x3FFFF800, s1  }
0x76: {  	v8 =	vld [tilespmem:s0+$0x78C0]  }
0x77: {  	v4 =	vld [tilespmem:s0+$0x7820]  }
0x78: {  	v5 =	vld [tilespmem:s0+$0x7830]  }
0x79: {  	v11 =	vld [tilespmem:s0+$0x7860]  }
0x7a: {  	v12 =	vld [tilespmem:s0+$0x7870];
	v3 =	vbroadcast v2, $0x0  }
0x7b: {  	v13 =	vld [tilespmem:s0+$0x7880]  }
0x7c: {  	v14 =	vld [tilespmem:s0+$0x7890];
	v4 =	vmul.f32 v4, v3  }
0x7d: {  	v15 =	vld [tilespmem:s0+$0x78A0];
	v5 =	vmul.f32 v5, v3  }
0x7e: {  	v10 =	vld [tilespmem:s0+$0x78B0];
	v21 =	vbroadcast v2, $0x1;
	v20 =	vmul.f32 v11, v3;
	[tilespmem:s0+$0x7820] =	vst v4  }
0x7f: {  	v9 =	vld [tilespmem:s0+$0x78D0];
	v12 =	vmul.f32 v12, v3;
	[tilespmem:s0+$0x7830] =	vst v5  }
0x80: {  	v7 =	vld [tilespmem:s0+$0x7D70];
	v13 =	vmul.f32 v13, v21;
	[tilespmem:s0+$0x7860] =	vst v20  }
0x81: {  	v23 =	vld [tilespmem:s0+$0x78F0];
	v14 =	vmul.f32 v14, v21;
	[tilespmem:s0+$0x7870] =	vst v12  }
0x82: {  	v24 =	vld [tilespmem:s0+$0x7900];
	v15 =	vmul.f32 v15, v21;
	[tilespmem:s0+$0x7880] =	vst v13  }
0x83: {  	v25 =	vld [tilespmem:s0+$0x7910];
	v10 =	vmul.f32 v10, v21;
	[tilespmem:s0+$0x7890] =	vst v14  }
0x84: {  	v22 =	vld [tilespmem:s0+$0x78E0];
	v8 =	vmul.f32 v8, v21;
	[tilespmem:s0+$0x78A0] =	vst v15  }
0x85: {  	v26 =	vld [tilespmem:s0+$0x7920];
	v16 =	vbroadcast v2, $0x2;
	v9 =	vmul.f32 v9, v21;
	[tilespmem:s0+$0x78B0] =	vst v10  }
0x86: {  	v27 =	vld [tilespmem:s0+$0x7930];
	v11 =	vmul.f32 v23, v21;
	[tilespmem:s0+$0x78C0] =	vst v8  }
0x87: {  	v28 =	vld [tilespmem:s0+$0x7940];
	v6 =	vbroadcast v2, $0xA;
	v30 =	vmul.f32 v24, v16;
	[tilespmem:s0+$0x78D0] =	vst v9  }
0x88: {  	v29 =	vld [tilespmem:s0+$0x7950];
	v32 =	vmul.f32 v25, v16;
	[tilespmem:s0+$0x78F0] =	vst v11  }
0x89: {  	v31 =	vld [tilespmem:s0+$0x7960];
	v4 =	vmul.f32 v7, v6;
	[tilespmem:s0+$0x7900] =	vst v30  }
0x8a: {  	v33 =	vld [tilespmem:s0+$0x7970];
	v12 =	vmul.f32 v22, v21;
	[tilespmem:s0+$0x7910] =	vst v32  }
0x8b: {  	v34 =	vld [tilespmem:s0+$0x7980];
	v10 =	vmul.f32 v26, v16;
	[tilespmem:s0+$0x7D70] =	vst v4  }
0x8c: {  	v35 =	vld [tilespmem:s0+$0x7990];
	v8 =	vmul.f32 v27, v16;
	[tilespmem:s0+$0x78E0] =	vst v12  }
0x8d: {  	v36 =	vld [tilespmem:s0+$0x79A0];
	v9 =	vmul.f32 v28, v16;
	[tilespmem:s0+$0x7920] =	vst v10  }
0x8e: {  	v37 =	vld [tilespmem:s0+$0x79B0];
	v39 =	vbroadcast v2, $0x3;
	v11 =	vmul.f32 v31, v16;
	[tilespmem:s0+$0x7930] =	vst v8  }
0x8f: {  	v38 =	vld [tilespmem:s0+$0x79C0];
	v13 =	vmul.f32 v33, v16;
	[tilespmem:s0+$0x7940] =	vst v9  }
0x90: {  	v40 =	vld [tilespmem:s0+$0x79D0];
	v14 =	vmul.f32 v34, v39;
	[tilespmem:s0+$0x7960] =	vst v11  }
0x91: {  	v41 =	vld [tilespmem:s0+$0x79E0];
	v12 =	vmul.f32 v29, v16;
	[tilespmem:s0+$0x7970] =	vst v13  }
0x92: {  	v42 =	vld [tilespmem:s0+$0x79F0];
	v10 =	vmul.f32 v35, v39;
	[tilespmem:s0+$0x7980] =	vst v14  }
0x93: {  	v43 =	vld [tilespmem:s0+$0x7A00];
	v8 =	vmul.f32 v36, v39;
	[tilespmem:s0+$0x7950] =	vst v12  }
0x94: {  	v44 =	vld [tilespmem:s0+$0x7A10];
	v9 =	vmul.f32 v37, v39;
	[tilespmem:s0+$0x7990] =	vst v10  }
0x95: {  	v45 =	vld [tilespmem:s0+$0x7A20];
	v11 =	vmul.f32 v40, v39;
	[tilespmem:s0+$0x79A0] =	vst v8  }
0x96: {  	v46 =	vld [tilespmem:s0+$0x7A30];
	v13 =	vmul.f32 v41, v39;
	[tilespmem:s0+$0x79B0] =	vst v9  }
0x97: {  	v47 =	vld [tilespmem:s0+$0x7A40];
	v48 =	vbroadcast v2, $0x4;
	v14 =	vmul.f32 v42, v39;
	[tilespmem:s0+$0x79D0] =	vst v11  }
0x98: {  	v49 =	vld [tilespmem:s0+$0x7A50];
	v12 =	vmul.f32 v38, v39;
	[tilespmem:s0+$0x79E0] =	vst v13  }
0x99: {  	v50 =	vld [tilespmem:s0+$0x7A60];
	v10 =	vmul.f32 v43, v48;
	[tilespmem:s0+$0x79F0] =	vst v14  }
0x9a: {  	v51 =	vld [tilespmem:s0+$0x7A70];
	v8 =	vmul.f32 v44, v48;
	[tilespmem:s0+$0x79C0] =	vst v12  }
0x9b: {  	v52 =	vld [tilespmem:s0+$0x7A80];
	v9 =	vmul.f32 v45, v48;
	[tilespmem:s0+$0x7A00] =	vst v10  }
0x9c: {  	v53 =	vld [tilespmem:s0+$0x7A90];
	v11 =	vmul.f32 v47, v48;
	[tilespmem:s0+$0x7A10] =	vst v8  }
0x9d: {  	v54 =	vld [tilespmem:s0+$0x7AA0];
	v13 =	vmul.f32 v49, v48;
	[tilespmem:s0+$0x7A20] =	vst v9  }
0x9e: {  	v55 =	vld [tilespmem:s0+$0x7AB0];
	v14 =	vmul.f32 v50, v48;
	[tilespmem:s0+$0x7A40] =	vst v11  }
0x9f: {  	v56 =	vld [tilespmem:s0+$0x7AC0];
	v57 =	vbroadcast v2, $0x5;
	v12 =	vmul.f32 v46, v48;
	[tilespmem:s0+$0x7A50] =	vst v13  }
0xa0: {  	v58 =	vld [tilespmem:s0+$0x7AD0];
	v10 =	vmul.f32 v51, v48;
	[tilespmem:s0+$0x7A60] =	vst v14  }
0xa1: {  	v59 =	vld [tilespmem:s0+$0x7AE0];
	v8 =	vmul.f32 v52, v57;
	[tilespmem:s0+$0x7A30] =	vst v12  }
0xa2: {  	v60 =	vld [tilespmem:s0+$0x7AF0];
	v9 =	vmul.f32 v53, v57;
	[tilespmem:s0+$0x7A70] =	vst v10  }
0xa3: {  	v61 =	vld [tilespmem:s0+$0x7B00];
	v11 =	vmul.f32 v55, v57;
	[tilespmem:s0+$0x7A80] =	vst v8  }
0xa4: {  	v62 =	vld [tilespmem:s0+$0x7B10];
	v13 =	vmul.f32 v56, v57;
	[tilespmem:s0+$0x7A90] =	vst v9  }
0xa5: {  	v63 =	vld [tilespmem:s0+$0x7B20];
	v14 =	vmul.f32 v58, v57;
	[tilespmem:s0+$0x7AB0] =	vst v11  }
0xa6: {  	v20 =	vld [tilespmem:s0+$0x7B30];
	v12 =	vmul.f32 v54, v57;
	[tilespmem:s0+$0x7AC0] =	vst v13  }
0xa7: {  	v21 =	vld [tilespmem:s0+$0x7B40];
	v22 =	vbroadcast v2, $0x6;
	v10 =	vmul.f32 v59, v57;
	[tilespmem:s0+$0x7AD0] =	vst v14  }
0xa8: {  	v23 =	vld [tilespmem:s0+$0x7B50];
	v8 =	vmul.f32 v60, v57;
	[tilespmem:s0+$0x7AA0] =	vst v12  }
0xa9: {  	v24 =	vld [tilespmem:s0+$0x7B60];
	v9 =	vmul.f32 v61, v22;
	[tilespmem:s0+$0x7AE0] =	vst v10  }
0xaa: {  	v25 =	vld [tilespmem:s0+$0x7B70];
	v11 =	vmul.f32 v63, v22;
	[tilespmem:s0+$0x7AF0] =	vst v8  }
0xab: {  	v5 =	vld [tilespmem:s0+$0x7D80];
	v13 =	vmul.f32 v20, v22;
	[tilespmem:s0+$0x7B00] =	vst v9  }
0xac: {  	v27 =	vld [tilespmem:s0+$0x7B90];
	v14 =	vmul.f32 v21, v22;
	[tilespmem:s0+$0x7B20] =	vst v11  }
0xad: {  	v28 =	vld [tilespmem:s0+$0x7BA0];
	v12 =	vmul.f32 v62, v22;
	[tilespmem:s0+$0x7B30] =	vst v13  }
0xae: {  	v29 =	vld [tilespmem:s0+$0x7BB0];
	v10 =	vmul.f32 v23, v22;
	[tilespmem:s0+$0x7B40] =	vst v14  }
0xaf: {  	v31 =	vbroadcast v2, $0x7;
	v53 =	vld [tilespmem:s0+$0x7D00];
	v8 =	vmul.f32 v24, v22;
	[tilespmem:s0+$0x7B10] =	vst v12  }
0xb0: {  	v58 =	vld [tilespmem:s0+$0x7D50];
	v9 =	vmul.f32 v25, v22;
	[tilespmem:s0+$0x7B50] =	vst v10  }
0xb1: {  	v26 =	vld [tilespmem:s0+$0x7B80];
	v11 =	vmul.f32 v27, v31;
	[tilespmem:s0+$0x7B60] =	vst v8  }
0xb2: {  	v30 =	vld [tilespmem:s0+$0x7BC0];
	v13 =	vmul.f32 v28, v31;
	[tilespmem:s0+$0x7B70] =	vst v9  }
0xb3: {  	v32 =	vld [tilespmem:s0+$0x7BD0];
	v14 =	vmul.f32 v29, v31;
	[tilespmem:s0+$0x7B90] =	vst v11  }
0xb4: {  	v33 =	vld [tilespmem:s0+$0x7BE0];
	v59 =	vmul.f32 v53, v6;
	[tilespmem:s0+$0x7BA0] =	vst v13  }
0xb5: {  	v35 =	vld [tilespmem:s0+$0x7C00];
	v21 =	vmul.f32 v58, v6;
	[tilespmem:s0+$0x7BB0] =	vst v14  }
0xb6: {  	v36 =	vld [tilespmem:s0+$0x7C10];
	v12 =	vmul.f32 v26, v31;
	[tilespmem:s0+$0x7D00] =	vst v59  }
0xb7: {  	v37 =	vld [tilespmem:s0+$0x7C20];
	v10 =	vmul.f32 v30, v31;
	[tilespmem:s0+$0x7D50] =	vst v21  }
0xb8: {  	v7 =	vld [tilespmem:s0+$0x7D90];
	v40 =	vbroadcast v2, $0x8;
	v8 =	vmul.f32 v32, v31;
	[tilespmem:s0+$0x7B80] =	vst v12  }
0xb9: {  	v34 =	vld [tilespmem:s0+$0x7BF0];
	v9 =	vmul.f32 v33, v31;
	[tilespmem:s0+$0x7BC0] =	vst v10  }
0xba: {  	v57 =	vld [tilespmem:s0+$0x7D40];
	v11 =	vmul.f32 v35, v40;
	[tilespmem:s0+$0x7BD0] =	vst v8  }
0xbb: {  	v61 =	vld [tilespmem:s0+$0x7800];
	v24 =	vbroadcast v2, $0xB;
	v13 =	vmul.f32 v36, v40;
	[tilespmem:s0+$0x7BE0] =	vst v9  }
0xbc: {  	v4 =	vld [tilespmem:s0+$0x7FD0];
	v14 =	vmul.f32 v37, v40;
	[tilespmem:s0+$0x7C00] =	vst v11  }
0xbd: {  	v38 =	vld [tilespmem:s0+$0x7C30];
	v5 =	vmul.f32 v5, v24;
	[tilespmem:s0+$0x7C10] =	vst v13  }
0xbe: {  	v39 =	vld [tilespmem:s0+$0x7C40];
	v7 =	vmul.f32 v7, v24;
	[tilespmem:s0+$0x7C20] =	vst v14  }
0xbf: {  	v41 =	vld [tilespmem:s0+$0x7C50];
	v19 =	vmul.f32 v57, v6;
	[tilespmem:s0+$0x7D80] =	vst v5  }
0xc0: {  	v43 =	vld [tilespmem:s0+$0x7C70];
	v25 =	vmul.f32 v3, v61;
	[tilespmem:s0+$0x7D90] =	vst v7  }
0xc1: {  	v44 =	vld [tilespmem:s0+$0x7C80];
	v12 =	vmul.f32 v34, v31;
	[tilespmem:s0+$0x7D40] =	vst v19  }
0xc2: {  	v45 =	vld [tilespmem:s0+$0x7C90];
	v10 =	vmul.f32 v38, v40;
	[tilespmem:s0+$0x7800] =	vst v25  }
0xc3: {  	v27 =	vld [tilespmem:s0+$0x7DD0];
	v8 =	vmul.f32 v39, v40;
	[tilespmem:s0+$0x7BF0] =	vst v12  }
0xc4: {  	v49 =	vbroadcast v2, $0x9;
	v29 =	vld [tilespmem:s0+$0x7DF0];
	v9 =	vmul.f32 v41, v40;
	[tilespmem:s0+$0x7C30] =	vst v10  }
0xc5: {  	v42 =	vld [tilespmem:s0+$0x7C60];
	v11 =	vmul.f32 v43, v40;
	[tilespmem:s0+$0x7C40] =	vst v8  }
0xc6: {  	v46 =	vld [tilespmem:s0+$0x7CA0];
	v13 =	vmul.f32 v44, v49;
	[tilespmem:s0+$0x7C50] =	vst v9  }
0xc7: {  	v47 =	vld [tilespmem:s0+$0x7CB0];
	v14 =	vmul.f32 v45, v49;
	[tilespmem:s0+$0x7C70] =	vst v11  }
0xc8: {  	v48 =	vld [tilespmem:s0+$0x7CC0];
	v32 =	vmul.f32 v27, v24;
	[tilespmem:s0+$0x7C80] =	vst v13  }
0xc9: {  	v51 =	vld [tilespmem:s0+$0x7CE0];
	v7 =	vmul.f32 v29, v24;
	[tilespmem:s0+$0x7C90] =	vst v14  }
0xca: {  	v52 =	vld [tilespmem:s0+$0x7CF0];
	v12 =	vmul.f32 v42, v40;
	[tilespmem:s0+$0x7DD0] =	vst v32  }
0xcb: {  	v10 =	vmul.f32 v46, v49;
	[tilespmem:s0+$0x7DF0] =	vst v7  }
0xcc: {  	v28 =	vld [tilespmem:s0+$0x7DE0];
	v8 =	vmul.f32 v47, v49;
	[tilespmem:s0+$0x7C60] =	vst v12  }
0xcd: {  	v30 =	vld [tilespmem:s0+$0x7E00];
	v9 =	vmul.f32 v48, v49;
	[tilespmem:s0+$0x7CA0] =	vst v10  }
0xce: {  	v50 =	vld [tilespmem:s0+$0x7CD0];
	v5 =	vbroadcast v2, $0xF;
	v11 =	vmul.f32 v51, v49;
	[tilespmem:s0+$0x7CB0] =	vst v8  }
0xcf: {  	v54 =	vld [tilespmem:s0+$0x7D10];
	v13 =	vmul.f32 v52, v49;
	[tilespmem:s0+$0x7CC0] =	vst v9  }
0xd0: {  	v55 =	vld [tilespmem:s0+$0x7D20];
	v35 =	vbroadcast v2, $0xC;
	v4 =	vmul.f32 v4, v5;
	[tilespmem:s0+$0x7CE0] =	vst v11  }
0xd1: {  	v56 =	vld [tilespmem:s0+$0x7D30];
	v40 =	vmul.f32 v28, v24;
	[tilespmem:s0+$0x7CF0] =	vst v13  }
0xd2: {  	v60 =	vld [tilespmem:s0+$0x7D60];
	v16 =	vmul.f32 v30, v35;
	[tilespmem:s0+$0x7FD0] =	vst v4  }
0xd3: {  	v62 =	vld [tilespmem:s0+$0x7810];
	v12 =	vmul.f32 v50, v49;
	[tilespmem:s0+$0x7DE0] =	vst v40  }
0xd4: {  	v63 =	vld [tilespmem:s0+$0x7840];
	v10 =	vmul.f32 v54, v6;
	[tilespmem:s0+$0x7E00] =	vst v16  }
0xd5: {  	v20 =	vld [tilespmem:s0+$0x7850];
	v8 =	vmul.f32 v55, v6;
	[tilespmem:s0+$0x7CD0] =	vst v12  }
0xd6: {  	v33 =	vld [tilespmem:s0+$0x7E30];
	v9 =	vmul.f32 v56, v6;
	[tilespmem:s0+$0x7D10] =	vst v10  }
0xd7: {  	v61 =	vld [tilespmem:s0+$0x7FF0];
	v6 =	vmul.f32 v60, v6;
	[tilespmem:s0+$0x7D20] =	vst v8  }
0xd8: {  	v38 =	vld [tilespmem:s0+$0x7E70];
	v13 =	vmul.f32 v62, v3;
	[tilespmem:s0+$0x7D30] =	vst v9  }
0xd9: {  	v22 =	vld [tilespmem:s0+$0x7DA0];
	v4 =	vmul.f32 v63, v3;
	[tilespmem:s0+$0x7D60] =	vst v6  }
0xda: {  	v23 =	vld [tilespmem:s0+$0x7DB0];
	v3 =	vmul.f32 v20, v3;
	[tilespmem:s0+$0x7810] =	vst v13  }
0xdb: {  	v26 =	vld [tilespmem:s0+$0x7DC0];
	v62 =	vmul.f32 v33, v35;
	[tilespmem:s0+$0x7840] =	vst v4  }
0xdc: {  	v31 =	vld [tilespmem:s0+$0x7E10];
	v63 =	vmul.f32 v61, v5;
	[tilespmem:s0+$0x7850] =	vst v3  }
0xdd: {  	v34 =	vld [tilespmem:s0+$0x7E40];
	v16 =	vmul.f32 v38, v35;
	[tilespmem:s0+$0x7E30] =	vst v62  }
0xde: {  	v41 =	vld [tilespmem:s0+$0x7EA0];
	v8 =	vmul.f32 v22, v24;
	[tilespmem:s0+$0x7FF0] =	vst v63  }
0xdf: {  	v46 =	vld [tilespmem:s0+$0x7EE0];
	v9 =	vmul.f32 v23, v24;
	[tilespmem:s0+$0x7E70] =	vst v16  }
0xe0: {  	v6 =	vmul.f32 v26, v24;
	v3 =	vld [tilespmem:s0+$0x7E90];
	[tilespmem:s0+$0x7DA0] =	vst v8  }
0xe1: {  	v36 =	vld [tilespmem:s0+$0x7E50];
	v44 =	vbroadcast v2, $0xD;
	v10 =	vmul.f32 v31, v35;
	[tilespmem:s0+$0x7DB0] =	vst v9  }
0xe2: {  	v37 =	vld [tilespmem:s0+$0x7E60];
	v13 =	vmul.f32 v34, v35;
	[tilespmem:s0+$0x7DC0] =	vst v6  }
0xe3: {  	v39 =	vld [tilespmem:s0+$0x7E80];
	v12 =	vmul.f32 v41, v44;
	[tilespmem:s0+$0x7E10] =	vst v10  }
0xe4: {  	v42 =	vld [tilespmem:s0+$0x7EB0];
	v51 =	vmul.f32 v46, v44;
	[tilespmem:s0+$0x7E40] =	vst v13  }
0xe5: {  	v48 =	vld [tilespmem:s0+$0x7F10];
	[tilespmem:s0+$0x7EA0] =	vst v12;
	v3 =	vmul.f32 v3, v44  }
0xe6: {  	v49 =	vld [tilespmem:s0+$0x7F20];
	v9 =	vmul.f32 v36, v35;
	[tilespmem:s0+$0x7EE0] =	vst v51  }
0xe7: {  	v6 =	vmul.f32 v37, v35;
	[tilespmem:s0+$0x7E90] =	vst v3;
	v3 =	vld [tilespmem:s0+$0x7F00]  }
0xe8: {  	v2 =	vbroadcast v2, $0xE;
	v50 =	vld [tilespmem:s0+$0x7F30];
	v10 =	vmul.f32 v39, v44;
	[tilespmem:s0+$0x7E50] =	vst v9  }
0xe9: {  	v45 =	vld [tilespmem:s0+$0x7ED0];
	v13 =	vmul.f32 v42, v44;
	[tilespmem:s0+$0x7E60] =	vst v6  }
0xea: {  	v47 =	vld [tilespmem:s0+$0x7EF0];
	v12 =	vmul.f32 v48, v2;
	[tilespmem:s0+$0x7E80] =	vst v10  }
0xeb: {  	v43 =	vld [tilespmem:s0+$0x7EC0];
	v11 =	vmul.f32 v49, v2;
	[tilespmem:s0+$0x7EB0] =	vst v13  }
0xec: {  	v55 =	vld [tilespmem:s0+$0x7F80];
	[tilespmem:s0+$0x7F10] =	vst v12;
	v3 =	vmul.f32 v3, v2  }
0xed: {  	v57 =	vld [tilespmem:s0+$0x7FA0];
	v7 =	vmul.f32 v50, v2;
	[tilespmem:s0+$0x7F20] =	vst v11  }
0xee: {  	v6 =	vmul.f32 v45, v44;
	[tilespmem:s0+$0x7F00] =	vst v3;
	v3 =	vld [tilespmem:s0+$0x7F70]  }
0xef: {  	v52 =	vld [tilespmem:s0+$0x7F40];
	v10 =	vmul.f32 v47, v44;
	[tilespmem:s0+$0x7F30] =	vst v7  }
0xf0: {  	v56 =	vld [tilespmem:s0+$0x7F90];
	v9 =	vmul.f32 v43, v44;
	[tilespmem:s0+$0x7ED0] =	vst v6  }
0xf1: {  	v54 =	vld [tilespmem:s0+$0x7F60];
	v12 =	vmul.f32 v55, v5;
	[tilespmem:s0+$0x7EF0] =	vst v10  }
0xf2: {  	v58 =	vld [tilespmem:s0+$0x7FB0];
	v7 =	vmul.f32 v57, v5;
	[tilespmem:s0+$0x7EC0] =	vst v9  }
0xf3: {  	v53 =	vld [tilespmem:s0+$0x7F50];
	[tilespmem:s0+$0x7F80] =	vst v12;
	v3 =	vmul.f32 v3, v2  }
0xf4: {  	v59 =	vld [tilespmem:s0+$0x7FC0];
	v6 =	vmul.f32 v52, v2;
	[tilespmem:s0+$0x7FA0] =	vst v7  }
0xf5: {  	v60 =	vld [tilespmem:s0+$0x7FE0];
	[tilespmem:s0+$0x7F70] =	vst v3;
	v3 =	vmul.f32 v56, v5  }
0xf6: {  	v10 =	vmul.f32 v54, v2;
	[tilespmem:s0+$0x7F40] =	vst v6  }
0xf7: {  	v4 =	vld [tilespmem:s0+$0x7E20];
	[tilespmem:s0+$0x7F90] =	vst v3;
	v3 =	vmul.f32 v58, v5  }
0xf8: {  	[tilespmem:s0+$0x7F60] =	vst v10;
	v2 =	vmul.f32 v53, v2  }
0xf9: {  	[tilespmem:s0+$0x7FB0] =	vst v3;
	v3 =	vmul.f32 v59, v5  }
0xfa: {  	[tilespmem:s0+$0x7F50] =	vst v2;
	v5 =	vmul.f32 v60, v5  }
0xfb: {  	[tilespmem:s0+$0x7FC0] =	vst v3  }
0xfc: {  	s1 =	simm.s32 $0x1;
	v3 =	vmul.f32 v4, v35;
	[tilespmem:s0+$0x7FE0] =	vst v5  }
.LBB2_5:
0xfd: {  	s2 =	sshll.u32 s1, $0x4  }
0xfe: {  	p1 =	sne.s32 s1, $0x7;
	[tilespmem:s0+$0x7E20] =	vst v3;
	s0 =	smov.u32 s1;
	s1 =	sadd.s32 $0x1, s1  }
0xff: {  	s2 =	sand.u32 $0x3FFFFFF0, s2  }
0x100: {  	v2 =	vld.idx.msk [tilespmem:v1+s2+$0x0 ss:$0x1], $0xffff  }
0x101: {  	s0 =	sshll.u32 s0, $0xB  }
0x102: {  	s0 =	sand.u32 $0x3FFFF800, s0  }
0x103: {  	v9 =	vld [tilespmem:s0+$0x78C0]  }
0x104: {  	v10 =	vld [tilespmem:s0+$0x78D0]  }
0x105: {  	v11 =	vld [tilespmem:s0+$0x78B0]  }
0x106: {  	v3 =	vbroadcast v2, $0x0;
	v8 =	vbroadcast v2, $0x4;
	v4 =	vld [tilespmem:s0+$0x7820]  }
0x107: {  	v6 =	vld [tilespmem:s0+$0x7830]  }
0x108: {  	v7 =	vld [tilespmem:s0+$0x7D70]  }
0x109: {  	v12 =	vld [tilespmem:s0+$0x7860]  }
0x10a: {  	v13 =	vld [tilespmem:s0+$0x7870]  }
0x10b: {  	v5 =	vbroadcast v2, $0xA;
	v4 =	vmul.f32 v4, v3;
	v14 =	vld [tilespmem:s0+$0x7880]  }
0x10c: {  	v6 =	vmul.f32 v6, v3;
	v15 =	vld [tilespmem:s0+$0x7890]  }
0x10d: {  	[tilespmem:s0+$0x7820] =	vst v4;
	v16 =	vld [tilespmem:s0+$0x78A0];
	v4 =	vmul.f32 v7, v5  }
0x10e: {  	[tilespmem:s0+$0x7830] =	vst v6;
	v7 =	vmul.f32 v12, v3;
	v12 =	vbroadcast v2, $0x1;
	v6 =	vld [tilespmem:s0+$0x7D80]  }
0x10f: {  	v13 =	vmul.f32 v13, v3;
	[tilespmem:s0+$0x7D70] =	vst v4;
	v4 =	vld [tilespmem:s0+$0x7FD0]  }
0x110: {  	[tilespmem:s0+$0x7860] =	vst v7;
	v14 =	vmul.f32 v14, v12;
	v7 =	vld [tilespmem:s0+$0x7D90]  }
0x111: {  	[tilespmem:s0+$0x7870] =	vst v13;
	v13 =	vmul.f32 v15, v12;
	v15 =	vld [tilespmem:s0+$0x78E0]  }
0x112: {  	[tilespmem:s0+$0x7880] =	vst v14;
	v14 =	vmul.f32 v16, v12;
	v16 =	vld [tilespmem:s0+$0x78F0]  }
0x113: {  	v11 =	vmul.f32 v11, v12;
	[tilespmem:s0+$0x7890] =	vst v13;
	v13 =	vld [tilespmem:s0+$0x7900]  }
0x114: {  	v9 =	vmul.f32 v9, v12;
	[tilespmem:s0+$0x78A0] =	vst v14;
	v14 =	vld [tilespmem:s0+$0x7910]  }
0x115: {  	v10 =	vmul.f32 v10, v12;
	[tilespmem:s0+$0x78B0] =	vst v11;
	v11 =	vld [tilespmem:s0+$0x7920]  }
0x116: {  	[tilespmem:s0+$0x78C0] =	vst v9;
	v9 =	vmul.f32 v15, v12;
	v15 =	vbroadcast v2, $0x2;
	v17 =	vld [tilespmem:s0+$0x7930]  }
0x117: {  	[tilespmem:s0+$0x78D0] =	vst v10;
	v10 =	vmul.f32 v16, v12;
	v12 =	vld [tilespmem:s0+$0x7940]  }
0x118: {  	[tilespmem:s0+$0x78E0] =	vst v9;
	v9 =	vmul.f32 v13, v15;
	v13 =	vld [tilespmem:s0+$0x7950]  }
0x119: {  	[tilespmem:s0+$0x78F0] =	vst v10;
	v10 =	vmul.f32 v14, v15;
	v14 =	vld [tilespmem:s0+$0x7960]  }
0x11a: {  	[tilespmem:s0+$0x7900] =	vst v9;
	v9 =	vmul.f32 v11, v15;
	v11 =	vld [tilespmem:s0+$0x7970]  }
0x11b: {  	[tilespmem:s0+$0x7910] =	vst v10;
	v10 =	vmul.f32 v17, v15;
	v16 =	vld [tilespmem:s0+$0x7980]  }
0x11c: {  	[tilespmem:s0+$0x7920] =	vst v9;
	v9 =	vmul.f32 v12, v15;
	v12 =	vld [tilespmem:s0+$0x7990]  }
0x11d: {  	[tilespmem:s0+$0x7930] =	vst v10;
	v10 =	vmul.f32 v13, v15;
	v13 =	vld [tilespmem:s0+$0x79A0]  }
0x11e: {  	[tilespmem:s0+$0x7940] =	vst v9;
	v9 =	vmul.f32 v14, v15;
	v14 =	vbroadcast v2, $0x3;
	v17 =	vld [tilespmem:s0+$0x79B0]  }
0x11f: {  	[tilespmem:s0+$0x7950] =	vst v10;
	v10 =	vmul.f32 v11, v15;
	v11 =	vld [tilespmem:s0+$0x79C0]  }
0x120: {  	[tilespmem:s0+$0x7960] =	vst v9;
	v9 =	vmul.f32 v16, v14;
	v15 =	vld [tilespmem:s0+$0x79D0]  }
0x121: {  	[tilespmem:s0+$0x7970] =	vst v10;
	v10 =	vmul.f32 v12, v14;
	v12 =	vld [tilespmem:s0+$0x79E0]  }
0x122: {  	[tilespmem:s0+$0x7980] =	vst v9;
	v9 =	vmul.f32 v13, v14;
	v13 =	vld [tilespmem:s0+$0x79F0]  }
0x123: {  	[tilespmem:s0+$0x7990] =	vst v10;
	v10 =	vmul.f32 v17, v14;
	v16 =	vld [tilespmem:s0+$0x7A00]  }
0x124: {  	[tilespmem:s0+$0x79A0] =	vst v9;
	v9 =	vmul.f32 v11, v14;
	v11 =	vld [tilespmem:s0+$0x7A10]  }
0x125: {  	[tilespmem:s0+$0x79B0] =	vst v10;
	v10 =	vmul.f32 v15, v14;
	v15 =	vld [tilespmem:s0+$0x7A20]  }
0x126: {  	[tilespmem:s0+$0x79C0] =	vst v9;
	v9 =	vmul.f32 v12, v14;
	v12 =	vld [tilespmem:s0+$0x7A30]  }
0x127: {  	[tilespmem:s0+$0x79D0] =	vst v10;
	v10 =	vmul.f32 v13, v14;
	v13 =	vld [tilespmem:s0+$0x7A40]  }
0x128: {  	[tilespmem:s0+$0x79E0] =	vst v9;
	v9 =	vmul.f32 v16, v8;
	v14 =	vld [tilespmem:s0+$0x7A50]  }
0x129: {  	[tilespmem:s0+$0x79F0] =	vst v10;
	v10 =	vmul.f32 v11, v8;
	v11 =	vld [tilespmem:s0+$0x7A60]  }
0x12a: {  	[tilespmem:s0+$0x7A00] =	vst v9;
	v9 =	vmul.f32 v15, v8;
	v15 =	vld [tilespmem:s0+$0x7A70]  }
0x12b: {  	[tilespmem:s0+$0x7A10] =	vst v10;
	v10 =	vmul.f32 v12, v8;
	v12 =	vld [tilespmem:s0+$0x7A80]  }
0x12c: {  	[tilespmem:s0+$0x7A20] =	vst v9;
	v9 =	vmul.f32 v13, v8;
	v13 =	vld [tilespmem:s0+$0x7A90]  }
0x12d: {  	[tilespmem:s0+$0x7A30] =	vst v10;
	v10 =	vmul.f32 v14, v8;
	v14 =	vld [tilespmem:s0+$0x7AA0]  }
0x12e: {  	[tilespmem:s0+$0x7A40] =	vst v9;
	v9 =	vmul.f32 v11, v8;
	v11 =	vbroadcast v2, $0x5;
	v16 =	vld [tilespmem:s0+$0x7AB0]  }
0x12f: {  	[tilespmem:s0+$0x7A50] =	vst v10;
	v8 =	vmul.f32 v15, v8;
	v10 =	vld [tilespmem:s0+$0x7AC0]  }
0x130: {  	[tilespmem:s0+$0x7A60] =	vst v9;
	v9 =	vmul.f32 v12, v11;
	v12 =	vld [tilespmem:s0+$0x7AD0]  }
0x131: {  	[tilespmem:s0+$0x7A70] =	vst v8;
	v8 =	vmul.f32 v13, v11;
	v13 =	vld [tilespmem:s0+$0x7AE0]  }
0x132: {  	[tilespmem:s0+$0x7A80] =	vst v9;
	v9 =	vmul.f32 v14, v11;
	v14 =	vld [tilespmem:s0+$0x7AF0]  }
0x133: {  	[tilespmem:s0+$0x7A90] =	vst v8;
	v8 =	vmul.f32 v16, v11;
	v15 =	vld [tilespmem:s0+$0x7B00]  }
0x134: {  	[tilespmem:s0+$0x7AA0] =	vst v9;
	v9 =	vmul.f32 v10, v11;
	v10 =	vld [tilespmem:s0+$0x7B10]  }
0x135: {  	[tilespmem:s0+$0x7AB0] =	vst v8;
	v8 =	vmul.f32 v12, v11;
	v12 =	vld [tilespmem:s0+$0x7B20]  }
0x136: {  	[tilespmem:s0+$0x7AC0] =	vst v9;
	v9 =	vmul.f32 v13, v11;
	v13 =	vbroadcast v2, $0x6;
	v16 =	vld [tilespmem:s0+$0x7B30]  }
0x137: {  	[tilespmem:s0+$0x7AD0] =	vst v8;
	v8 =	vmul.f32 v14, v11;
	v11 =	vld [tilespmem:s0+$0x7B40]  }
0x138: {  	[tilespmem:s0+$0x7AE0] =	vst v9;
	v9 =	vmul.f32 v15, v13;
	v14 =	vld [tilespmem:s0+$0x7B50]  }
0x139: {  	[tilespmem:s0+$0x7AF0] =	vst v8;
	v8 =	vmul.f32 v10, v13;
	v10 =	vld [tilespmem:s0+$0x7B60]  }
0x13a: {  	[tilespmem:s0+$0x7B00] =	vst v9;
	v9 =	vmul.f32 v12, v13;
	v12 =	vld [tilespmem:s0+$0x7B70]  }
0x13b: {  	[tilespmem:s0+$0x7B10] =	vst v8;
	v8 =	vmul.f32 v16, v13;
	v15 =	vld [tilespmem:s0+$0x7B80]  }
0x13c: {  	[tilespmem:s0+$0x7B20] =	vst v9;
	v9 =	vmul.f32 v11, v13;
	v11 =	vld [tilespmem:s0+$0x7B90]  }
0x13d: {  	[tilespmem:s0+$0x7B30] =	vst v8;
	v8 =	vmul.f32 v14, v13;
	v14 =	vld [tilespmem:s0+$0x7BA0]  }
0x13e: {  	[tilespmem:s0+$0x7B40] =	vst v9;
	v9 =	vmul.f32 v10, v13;
	v10 =	vbroadcast v2, $0x7;
	v16 =	vld [tilespmem:s0+$0x7BB0]  }
0x13f: {  	[tilespmem:s0+$0x7B50] =	vst v8;
	v8 =	vmul.f32 v12, v13;
	v12 =	vld [tilespmem:s0+$0x7BC0]  }
0x140: {  	[tilespmem:s0+$0x7B60] =	vst v9;
	v9 =	vmul.f32 v15, v10;
	v13 =	vld [tilespmem:s0+$0x7BD0]  }
0x141: {  	[tilespmem:s0+$0x7B70] =	vst v8;
	v8 =	vmul.f32 v11, v10;
	v11 =	vld [tilespmem:s0+$0x7BE0]  }
0x142: {  	[tilespmem:s0+$0x7B80] =	vst v9;
	v9 =	vmul.f32 v14, v10;
	v14 =	vld [tilespmem:s0+$0x7BF0]  }
0x143: {  	[tilespmem:s0+$0x7B90] =	vst v8;
	v8 =	vmul.f32 v16, v10;
	v15 =	vld [tilespmem:s0+$0x7C00]  }
0x144: {  	[tilespmem:s0+$0x7BA0] =	vst v9;
	v9 =	vmul.f32 v12, v10;
	v12 =	vld [tilespmem:s0+$0x7C10]  }
0x145: {  	[tilespmem:s0+$0x7BB0] =	vst v8;
	v8 =	vmul.f32 v13, v10;
	v13 =	vld [tilespmem:s0+$0x7C20]  }
0x146: {  	[tilespmem:s0+$0x7BC0] =	vst v9;
	v9 =	vmul.f32 v11, v10;
	v11 =	vbroadcast v2, $0x8;
	v16 =	vld [tilespmem:s0+$0x7C30]  }
0x147: {  	[tilespmem:s0+$0x7BD0] =	vst v8;
	v8 =	vmul.f32 v14, v10;
	v10 =	vld [tilespmem:s0+$0x7C40]  }
0x148: {  	[tilespmem:s0+$0x7BE0] =	vst v9;
	v9 =	vmul.f32 v15, v11;
	v14 =	vld [tilespmem:s0+$0x7C50]  }
0x149: {  	[tilespmem:s0+$0x7BF0] =	vst v8;
	v8 =	vmul.f32 v12, v11;
	v12 =	vld [tilespmem:s0+$0x7C60]  }
0x14a: {  	[tilespmem:s0+$0x7C00] =	vst v9;
	v9 =	vmul.f32 v13, v11;
	v13 =	vld [tilespmem:s0+$0x7C70]  }
0x14b: {  	[tilespmem:s0+$0x7C10] =	vst v8;
	v8 =	vmul.f32 v16, v11;
	v15 =	vld [tilespmem:s0+$0x7C80]  }
0x14c: {  	[tilespmem:s0+$0x7C20] =	vst v9;
	v9 =	vmul.f32 v10, v11;
	v10 =	vld [tilespmem:s0+$0x7C90]  }
0x14d: {  	[tilespmem:s0+$0x7C30] =	vst v8;
	v8 =	vmul.f32 v14, v11;
	v14 =	vld [tilespmem:s0+$0x7CA0]  }
0x14e: {  	[tilespmem:s0+$0x7C40] =	vst v9;
	v9 =	vmul.f32 v12, v11;
	v12 =	vbroadcast v2, $0x9;
	v16 =	vld [tilespmem:s0+$0x7CB0]  }
0x14f: {  	[tilespmem:s0+$0x7C50] =	vst v8;
	v8 =	vmul.f32 v13, v11;
	v11 =	vld [tilespmem:s0+$0x7CC0]  }
0x150: {  	[tilespmem:s0+$0x7C60] =	vst v9;
	v9 =	vmul.f32 v15, v12;
	v13 =	vld [tilespmem:s0+$0x7CD0]  }
0x151: {  	[tilespmem:s0+$0x7C70] =	vst v8;
	v8 =	vmul.f32 v10, v12;
	v10 =	vld [tilespmem:s0+$0x7CE0]  }
0x152: {  	[tilespmem:s0+$0x7C80] =	vst v9;
	v9 =	vmul.f32 v14, v12;
	v14 =	vld [tilespmem:s0+$0x7CF0]  }
0x153: {  	[tilespmem:s0+$0x7C90] =	vst v8;
	v8 =	vmul.f32 v16, v12;
	v15 =	vld [tilespmem:s0+$0x7D00]  }
0x154: {  	[tilespmem:s0+$0x7CA0] =	vst v9;
	v9 =	vmul.f32 v11, v12;
	v11 =	vld [tilespmem:s0+$0x7D10]  }
0x155: {  	[tilespmem:s0+$0x7CB0] =	vst v8;
	v8 =	vmul.f32 v13, v12;
	v13 =	vld [tilespmem:s0+$0x7D20]  }
0x156: {  	[tilespmem:s0+$0x7CC0] =	vst v9;
	v9 =	vmul.f32 v10, v12;
	v10 =	vld [tilespmem:s0+$0x7D30]  }
0x157: {  	[tilespmem:s0+$0x7CD0] =	vst v8;
	v8 =	vmul.f32 v14, v12;
	v12 =	vld [tilespmem:s0+$0x7D40]  }
0x158: {  	[tilespmem:s0+$0x7CE0] =	vst v9;
	v9 =	vmul.f32 v15, v5;
	v14 =	vld [tilespmem:s0+$0x7D50]  }
0x159: {  	[tilespmem:s0+$0x7CF0] =	vst v8;
	v8 =	vmul.f32 v11, v5;
	v11 =	vld [tilespmem:s0+$0x7D60]  }
0x15a: {  	v15 =	vld [tilespmem:s0+$0x7800];
	[tilespmem:s0+$0x7D00] =	vst v9;
	v9 =	vmul.f32 v13, v5  }
0x15b: {  	v13 =	vld [tilespmem:s0+$0x7810];
	[tilespmem:s0+$0x7D10] =	vst v8;
	v8 =	vmul.f32 v10, v5  }
0x15c: {  	v10 =	vld [tilespmem:s0+$0x7840];
	[tilespmem:s0+$0x7D20] =	vst v9;
	v9 =	vmul.f32 v12, v5  }
0x15d: {  	v12 =	vld [tilespmem:s0+$0x7850];
	[tilespmem:s0+$0x7D30] =	vst v8;
	v8 =	vmul.f32 v14, v5  }
0x15e: {  	[tilespmem:s0+$0x7D40] =	vst v9;
	v9 =	vmul.f32 v11, v5;
	v11 =	vbroadcast v2, $0xB;
	v14 =	vld [tilespmem:s0+$0x7DA0]  }
0x15f: {  	v5 =	vbroadcast v2, $0xF;
	v15 =	vmul.f32 v3, v15;
	[tilespmem:s0+$0x7D50] =	vst v8;
	v8 =	vld [tilespmem:s0+$0x7DB0]  }
0x160: {  	v13 =	vmul.f32 v13, v3;
	[tilespmem:s0+$0x7D60] =	vst v9;
	v6 =	vmul.f32 v6, v11;
	v9 =	vld [tilespmem:s0+$0x7DC0]  }
0x161: {  	v7 =	vmul.f32 v7, v11;
	[tilespmem:s0+$0x7800] =	vst v15;
	v10 =	vmul.f32 v10, v3;
	v15 =	vld [tilespmem:s0+$0x7DD0]  }
0x162: {  	v4 =	vmul.f32 v4, v5;
	v12 =	vmul.f32 v12, v3;
	[tilespmem:s0+$0x7D80] =	vst v6;
	v3 =	vld [tilespmem:s0+$0x7DE0]  }
0x163: {  	[tilespmem:s0+$0x7D90] =	vst v7;
	v6 =	vmul.f32 v14, v11;
	v7 =	vld [tilespmem:s0+$0x7DF0]  }
0x164: {  	v8 =	vmul.f32 v8, v11;
	v14 =	vld [tilespmem:s0+$0x7E00];
	[tilespmem:s0+$0x7FD0] =	vst v4  }
0x165: {  	[tilespmem:s0+$0x7810] =	vst v13;
	v4 =	vmul.f32 v9, v11;
	v9 =	vld [tilespmem:s0+$0x7E10]  }
0x166: {  	[tilespmem:s0+$0x7840] =	vst v10;
	v10 =	vmul.f32 v15, v11;
	v13 =	vld [tilespmem:s0+$0x7E20]  }
0x167: {  	v15 =	vbroadcast v2, $0xC;
	[tilespmem:s0+$0x7DA0] =	vst v6;
	v6 =	vmul.f32 v3, v11;
	v16 =	vld [tilespmem:s0+$0x7E30]  }
0x168: {  	[tilespmem:s0+$0x7DD0] =	vst v10;
	v7 =	vmul.f32 v7, v11;
	v10 =	vld [tilespmem:s0+$0x7E40]  }
0x169: {  	[tilespmem:s0+$0x7DB0] =	vst v8;
	v3 =	vmul.f32 v14, v15;
	v8 =	vld [tilespmem:s0+$0x7E50]  }
0x16a: {  	[tilespmem:s0+$0x7DC0] =	vst v4;
	v4 =	vmul.f32 v9, v15;
	v9 =	vld [tilespmem:s0+$0x7E60]  }
0x16b: {  	[tilespmem:s0+$0x7E00] =	vst v3;
	v3 =	vmul.f32 v13, v15;
	v11 =	vld [tilespmem:s0+$0x7E70]  }
0x16c: {  	[tilespmem:s0+$0x7E10] =	vst v4;
	v4 =	vld [tilespmem:s0+$0x7E80]  }
0x16d: {  	[tilespmem:s0+$0x7850] =	vst v12;
	v10 =	vmul.f32 v10, v15;
	v12 =	vld [tilespmem:s0+$0x7E90]  }
0x16e: {  	[tilespmem:s0+$0x7DE0] =	vst v6;
	v6 =	vmul.f32 v8, v15;
	v8 =	vld [tilespmem:s0+$0x7EA0]  }
0x16f: {  	[tilespmem:s0+$0x7E40] =	vst v10;
	v9 =	vmul.f32 v9, v15;
	v10 =	vbroadcast v2, $0xD;
	v13 =	vld [tilespmem:s0+$0x7EB0]  }
0x170: {  	[tilespmem:s0+$0x7E50] =	vst v6;
	v6 =	vmul.f32 v11, v15;
	v11 =	vld [tilespmem:s0+$0x7EC0]  }
0x171: {  	[tilespmem:s0+$0x7E60] =	vst v9;
	v4 =	vmul.f32 v4, v10;
	v9 =	vld [tilespmem:s0+$0x7ED0]  }
0x172: {  	[tilespmem:s0+$0x7E70] =	vst v6;
	v6 =	vmul.f32 v12, v10;
	v12 =	vld [tilespmem:s0+$0x7EE0]  }
0x173: {  	[tilespmem:s0+$0x7E80] =	vst v4;
	v4 =	vmul.f32 v8, v10;
	v8 =	vld [tilespmem:s0+$0x7EF0]  }
0x174: {  	[tilespmem:s0+$0x7E90] =	vst v6;
	v6 =	vmul.f32 v13, v10;
	v13 =	vld [tilespmem:s0+$0x7F00]  }
0x175: {  	[tilespmem:s0+$0x7EA0] =	vst v4;
	v4 =	vmul.f32 v11, v10;
	v11 =	vld [tilespmem:s0+$0x7F10]  }
0x176: {  	[tilespmem:s0+$0x7EB0] =	vst v6;
	v6 =	vmul.f32 v9, v10;
	v9 =	vld [tilespmem:s0+$0x7F20]  }
0x177: {  	v2 =	vbroadcast v2, $0xE;
	[tilespmem:s0+$0x7DF0] =	vst v7;
	v7 =	vmul.f32 v12, v10;
	v12 =	vld [tilespmem:s0+$0x7F30]  }
0x178: {  	[tilespmem:s0+$0x7ED0] =	vst v6;
	v6 =	vmul.f32 v8, v10;
	v8 =	vld [tilespmem:s0+$0x7F40]  }
0x179: {  	[tilespmem:s0+$0x7EE0] =	vst v7;
	v7 =	vmul.f32 v13, v2;
	v10 =	vld [tilespmem:s0+$0x7F50]  }
0x17a: {  	[tilespmem:s0+$0x7EF0] =	vst v6;
	v6 =	vmul.f32 v11, v2;
	v11 =	vld [tilespmem:s0+$0x7F60]  }
0x17b: {  	[tilespmem:s0+$0x7F00] =	vst v7;
	v7 =	vmul.f32 v9, v2;
	v9 =	vld [tilespmem:s0+$0x7F70]  }
0x17c: {  	[tilespmem:s0+$0x7F10] =	vst v6;
	v6 =	vmul.f32 v12, v2;
	v12 =	vld [tilespmem:s0+$0x7F80]  }
0x17d: {  	[tilespmem:s0+$0x7F20] =	vst v7;
	v7 =	vmul.f32 v8, v2;
	v8 =	vld [tilespmem:s0+$0x7F90]  }
0x17e: {  	[tilespmem:s0+$0x7F30] =	vst v6;
	v6 =	vmul.f32 v10, v2;
	v10 =	vld [tilespmem:s0+$0x7FA0]  }
0x17f: {  	[tilespmem:s0+$0x7F40] =	vst v7;
	v7 =	vmul.f32 v11, v2;
	v11 =	vld [tilespmem:s0+$0x7FB0]  }
0x180: {  	[tilespmem:s0+$0x7EC0] =	vst v4;
	v2 =	vmul.f32 v9, v2;
	v4 =	vld [tilespmem:s0+$0x7FC0]  }
0x181: {  	[tilespmem:s0+$0x7F60] =	vst v7;
	v7 =	vmul.f32 v12, v5;
	v9 =	vld [tilespmem:s0+$0x7FE0]  }
0x182: {  	[tilespmem:s0+$0x7F70] =	vst v2;
	v2 =	vmul.f32 v8, v5;
	v8 =	vld [tilespmem:s0+$0x7FF0]  }
0x183: {  	[tilespmem:s0+$0x7F80] =	vst v7;
	v7 =	vmul.f32 v10, v5  }
0x184: {  	[tilespmem:s0+$0x7F90] =	vst v2;
	v2 =	vmul.f32 v11, v5  }
0x185: {  	v10 =	vmul.f32 v16, v15;
	[tilespmem:s0+$0x7FA0] =	vst v7  }
0x186: {  	[tilespmem:s0+$0x7FB0] =	vst v2;
	v2 =	vmul.f32 v4, v5  }
.Ltmp4:
0x187: {  	[tilespmem:s0+$0x7E30] =	vst v10;
	v4 =	vmul.f32 v8, v5;
	(pc) =	sbr.rel @p1 .LBB2_5-.Ltmp4, $4  }
0x188: {  	[tilespmem:s0+$0x7FC0] =	vst v2  }
0x189: {  	v2 =	vmul.f32 v9, v5;
	[tilespmem:s0+$0x7FF0] =	vst v4  }
0x18a: {  	[tilespmem:s0+$0x7F50] =	vst v6  }
0x18b: {  	[tilespmem:s0+$0x7FE0] =	vst v2  }
0x18c: {  	s30 =	sadd.s32 $0x1, s30  }
0x18d: {  	p1 =	seq.s32 s30, $0x4F  }
.Ltmp5:
0x18e: {  	[tilespmem:s0+$0x7E20] =	vst v3;
	s31 =	sadd.s32 $0x2800, s31;
	(pc) =	sbr.rel @!p1 .LBB2_4-.Ltmp5, $4  }
0x18f: {  	[spmem:s3] =	stream.indirect.scatter.add.f32 [tilespmem:s25], [sflag:$0x2], $0x80, s31, s26, $0xb8;
	[tilespmem:$0x1F800] =	vst v63  }
0x190: {  	_ =	swait.ge [sflag:s22], $0x4000  }
0x191: {  	[sflag:s22] =	ssyncset.done $0x0  }
0x192: {  	[sflag:s22] =	ssyncadd.s32 $0xFFFFC000  }
.Ltmp6:
0x193: {  	(pc) =	sbr.rel .LBB2_12-.Ltmp6, $2  }
0x194: {  	_ =	sdelay $0x2  }
0x195: {  	s0 =	rddreg [dreg:$0x1]  }
.LBB2_8:
0x196: {  	s31 =	sshll.u32 s30, $0x7  }
0x197: {  	s0 =	sadd.s32 $0x5000, s31  }
0x198: {  	v1 =	vmov s0  }
0x199: {  	[tilespmem:s25], [sflag:$0x1] =	stream.indirect.gather [hbm4b:s6+s26], $0x80, s31, s26, $0xb8;
	[tilespmem:$0x1F800] =	vst v63  }
0x19a: {  	_ =	swait.ge [sflag:s28], $0x4000  }
0x19b: {  	s2 =	simm.s32 $0x0;
	[sflag:s28] =	ssyncset.done $0x0  }
0x19c: {  	s1 =	simm.s32 $0x0;
	s0 =	sand.u32 $0x3FFFFFF0, s2;
	[sflag:s28] =	ssyncadd.s32 $0xFFFFC000  }
0x19d: {  	v2 =	vld.idx.msk [tilespmem:v1+s0+$0x0 ss:$0x1], $0xffff;
	s0 =	sand.u32 $0x3FFFF800, s1  }
0x19e: {  	v8 =	vld [tilespmem:s0+$0x78C0]  }
0x19f: {  	v4 =	vld [tilespmem:s0+$0x7820]  }
0x1a0: {  	v5 =	vld [tilespmem:s0+$0x7830]  }
0x1a1: {  	v11 =	vld [tilespmem:s0+$0x7860]  }
0x1a2: {  	v12 =	vld [tilespmem:s0+$0x7870];
	v3 =	vbroadcast v2, $0x0  }
0x1a3: {  	v13 =	vld [tilespmem:s0+$0x7880]  }
0x1a4: {  	v14 =	vld [tilespmem:s0+$0x7890];
	v4 =	vmul.f32 v4, v3  }
0x1a5: {  	v15 =	vld [tilespmem:s0+$0x78A0];
	v5 =	vmul.f32 v5, v3  }
0x1a6: {  	v10 =	vld [tilespmem:s0+$0x78B0];
	v21 =	vbroadcast v2, $0x1;
	v20 =	vmul.f32 v11, v3;
	[tilespmem:s0+$0x7820] =	vst v4  }
0x1a7: {  	v9 =	vld [tilespmem:s0+$0x78D0];
	v12 =	vmul.f32 v12, v3;
	[tilespmem:s0+$0x7830] =	vst v5  }
0x1a8: {  	v7 =	vld [tilespmem:s0+$0x7D70];
	v13 =	vmul.f32 v13, v21;
	[tilespmem:s0+$0x7860] =	vst v20  }
0x1a9: {  	v23 =	vld [tilespmem:s0+$0x78F0];
	v14 =	vmul.f32 v14, v21;
	[tilespmem:s0+$0x7870] =	vst v12  }
0x1aa: {  	v24 =	vld [tilespmem:s0+$0x7900];
	v15 =	vmul.f32 v15, v21;
	[tilespmem:s0+$0x7880] =	vst v13  }
0x1ab: {  	v25 =	vld [tilespmem:s0+$0x7910];
	v10 =	vmul.f32 v10, v21;
	[tilespmem:s0+$0x7890] =	vst v14  }
0x1ac: {  	v22 =	vld [tilespmem:s0+$0x78E0];
	v8 =	vmul.f32 v8, v21;
	[tilespmem:s0+$0x78A0] =	vst v15  }
0x1ad: {  	v26 =	vld [tilespmem:s0+$0x7920];
	v16 =	vbroadcast v2, $0x2;
	v9 =	vmul.f32 v9, v21;
	[tilespmem:s0+$0x78B0] =	vst v10  }
0x1ae: {  	v27 =	vld [tilespmem:s0+$0x7930];
	v11 =	vmul.f32 v23, v21;
	[tilespmem:s0+$0x78C0] =	vst v8  }
0x1af: {  	v28 =	vld [tilespmem:s0+$0x7940];
	v6 =	vbroadcast v2, $0xA;
	v30 =	vmul.f32 v24, v16;
	[tilespmem:s0+$0x78D0] =	vst v9  }
0x1b0: {  	v29 =	vld [tilespmem:s0+$0x7950];
	v32 =	vmul.f32 v25, v16;
	[tilespmem:s0+$0x78F0] =	vst v11  }
0x1b1: {  	v31 =	vld [tilespmem:s0+$0x7960];
	v4 =	vmul.f32 v7, v6;
	[tilespmem:s0+$0x7900] =	vst v30  }
0x1b2: {  	v33 =	vld [tilespmem:s0+$0x7970];
	v12 =	vmul.f32 v22, v21;
	[tilespmem:s0+$0x7910] =	vst v32  }
0x1b3: {  	v34 =	vld [tilespmem:s0+$0x7980];
	v10 =	vmul.f32 v26, v16;
	[tilespmem:s0+$0x7D70] =	vst v4  }
0x1b4: {  	v35 =	vld [tilespmem:s0+$0x7990];
	v8 =	vmul.f32 v27, v16;
	[tilespmem:s0+$0x78E0] =	vst v12  }
0x1b5: {  	v36 =	vld [tilespmem:s0+$0x79A0];
	v9 =	vmul.f32 v28, v16;
	[tilespmem:s0+$0x7920] =	vst v10  }
0x1b6: {  	v37 =	vld [tilespmem:s0+$0x79B0];
	v39 =	vbroadcast v2, $0x3;
	v11 =	vmul.f32 v31, v16;
	[tilespmem:s0+$0x7930] =	vst v8  }
0x1b7: {  	v38 =	vld [tilespmem:s0+$0x79C0];
	v13 =	vmul.f32 v33, v16;
	[tilespmem:s0+$0x7940] =	vst v9  }
0x1b8: {  	v40 =	vld [tilespmem:s0+$0x79D0];
	v14 =	vmul.f32 v34, v39;
	[tilespmem:s0+$0x7960] =	vst v11  }
0x1b9: {  	v41 =	vld [tilespmem:s0+$0x79E0];
	v12 =	vmul.f32 v29, v16;
	[tilespmem:s0+$0x7970] =	vst v13  }
0x1ba: {  	v42 =	vld [tilespmem:s0+$0x79F0];
	v10 =	vmul.f32 v35, v39;
	[tilespmem:s0+$0x7980] =	vst v14  }
0x1bb: {  	v43 =	vld [tilespmem:s0+$0x7A00];
	v8 =	vmul.f32 v36, v39;
	[tilespmem:s0+$0x7950] =	vst v12  }
0x1bc: {  	v44 =	vld [tilespmem:s0+$0x7A10];
	v9 =	vmul.f32 v37, v39;
	[tilespmem:s0+$0x7990] =	vst v10  }
0x1bd: {  	v45 =	vld [tilespmem:s0+$0x7A20];
	v11 =	vmul.f32 v40, v39;
	[tilespmem:s0+$0x79A0] =	vst v8  }
0x1be: {  	v46 =	vld [tilespmem:s0+$0x7A30];
	v13 =	vmul.f32 v41, v39;
	[tilespmem:s0+$0x79B0] =	vst v9  }
0x1bf: {  	v47 =	vld [tilespmem:s0+$0x7A40];
	v48 =	vbroadcast v2, $0x4;
	v14 =	vmul.f32 v42, v39;
	[tilespmem:s0+$0x79D0] =	vst v11  }
0x1c0: {  	v49 =	vld [tilespmem:s0+$0x7A50];
	v12 =	vmul.f32 v38, v39;
	[tilespmem:s0+$0x79E0] =	vst v13  }
0x1c1: {  	v50 =	vld [tilespmem:s0+$0x7A60];
	v10 =	vmul.f32 v43, v48;
	[tilespmem:s0+$0x79F0] =	vst v14  }
0x1c2: {  	v51 =	vld [tilespmem:s0+$0x7A70];
	v8 =	vmul.f32 v44, v48;
	[tilespmem:s0+$0x79C0] =	vst v12  }
0x1c3: {  	v52 =	vld [tilespmem:s0+$0x7A80];
	v9 =	vmul.f32 v45, v48;
	[tilespmem:s0+$0x7A00] =	vst v10  }
0x1c4: {  	v53 =	vld [tilespmem:s0+$0x7A90];
	v11 =	vmul.f32 v47, v48;
	[tilespmem:s0+$0x7A10] =	vst v8  }
0x1c5: {  	v54 =	vld [tilespmem:s0+$0x7AA0];
	v13 =	vmul.f32 v49, v48;
	[tilespmem:s0+$0x7A20] =	vst v9  }
0x1c6: {  	v55 =	vld [tilespmem:s0+$0x7AB0];
	v14 =	vmul.f32 v50, v48;
	[tilespmem:s0+$0x7A40] =	vst v11  }
0x1c7: {  	v56 =	vld [tilespmem:s0+$0x7AC0];
	v57 =	vbroadcast v2, $0x5;
	v12 =	vmul.f32 v46, v48;
	[tilespmem:s0+$0x7A50] =	vst v13  }
0x1c8: {  	v58 =	vld [tilespmem:s0+$0x7AD0];
	v10 =	vmul.f32 v51, v48;
	[tilespmem:s0+$0x7A60] =	vst v14  }
0x1c9: {  	v59 =	vld [tilespmem:s0+$0x7AE0];
	v8 =	vmul.f32 v52, v57;
	[tilespmem:s0+$0x7A30] =	vst v12  }
0x1ca: {  	v60 =	vld [tilespmem:s0+$0x7AF0];
	v9 =	vmul.f32 v53, v57;
	[tilespmem:s0+$0x7A70] =	vst v10  }
0x1cb: {  	v61 =	vld [tilespmem:s0+$0x7B00];
	v11 =	vmul.f32 v55, v57;
	[tilespmem:s0+$0x7A80] =	vst v8  }
0x1cc: {  	v62 =	vld [tilespmem:s0+$0x7B10];
	v13 =	vmul.f32 v56, v57;
	[tilespmem:s0+$0x7A90] =	vst v9  }
0x1cd: {  	v63 =	vld [tilespmem:s0+$0x7B20];
	v14 =	vmul.f32 v58, v57;
	[tilespmem:s0+$0x7AB0] =	vst v11  }
0x1ce: {  	v20 =	vld [tilespmem:s0+$0x7B30];
	v12 =	vmul.f32 v54, v57;
	[tilespmem:s0+$0x7AC0] =	vst v13  }
0x1cf: {  	v21 =	vld [tilespmem:s0+$0x7B40];
	v22 =	vbroadcast v2, $0x6;
	v10 =	vmul.f32 v59, v57;
	[tilespmem:s0+$0x7AD0] =	vst v14  }
0x1d0: {  	v23 =	vld [tilespmem:s0+$0x7B50];
	v8 =	vmul.f32 v60, v57;
	[tilespmem:s0+$0x7AA0] =	vst v12  }
0x1d1: {  	v24 =	vld [tilespmem:s0+$0x7B60];
	v9 =	vmul.f32 v61, v22;
	[tilespmem:s0+$0x7AE0] =	vst v10  }
0x1d2: {  	v25 =	vld [tilespmem:s0+$0x7B70];
	v11 =	vmul.f32 v63, v22;
	[tilespmem:s0+$0x7AF0] =	vst v8  }
0x1d3: {  	v5 =	vld [tilespmem:s0+$0x7D80];
	v13 =	vmul.f32 v20, v22;
	[tilespmem:s0+$0x7B00] =	vst v9  }
0x1d4: {  	v27 =	vld [tilespmem:s0+$0x7B90];
	v14 =	vmul.f32 v21, v22;
	[tilespmem:s0+$0x7B20] =	vst v11  }
0x1d5: {  	v28 =	vld [tilespmem:s0+$0x7BA0];
	v12 =	vmul.f32 v62, v22;
	[tilespmem:s0+$0x7B30] =	vst v13  }
0x1d6: {  	v29 =	vld [tilespmem:s0+$0x7BB0];
	v10 =	vmul.f32 v23, v22;
	[tilespmem:s0+$0x7B40] =	vst v14  }
0x1d7: {  	v31 =	vbroadcast v2, $0x7;
	v53 =	vld [tilespmem:s0+$0x7D00];
	v8 =	vmul.f32 v24, v22;
	[tilespmem:s0+$0x7B10] =	vst v12  }
0x1d8: {  	v58 =	vld [tilespmem:s0+$0x7D50];
	v9 =	vmul.f32 v25, v22;
	[tilespmem:s0+$0x7B50] =	vst v10  }
0x1d9: {  	v26 =	vld [tilespmem:s0+$0x7B80];
	v11 =	vmul.f32 v27, v31;
	[tilespmem:s0+$0x7B60] =	vst v8  }
0x1da: {  	v30 =	vld [tilespmem:s0+$0x7BC0];
	v13 =	vmul.f32 v28, v31;
	[tilespmem:s0+$0x7B70] =	vst v9  }
0x1db: {  	v32 =	vld [tilespmem:s0+$0x7BD0];
	v14 =	vmul.f32 v29, v31;
	[tilespmem:s0+$0x7B90] =	vst v11  }
0x1dc: {  	v33 =	vld [tilespmem:s0+$0x7BE0];
	v59 =	vmul.f32 v53, v6;
	[tilespmem:s0+$0x7BA0] =	vst v13  }
0x1dd: {  	v35 =	vld [tilespmem:s0+$0x7C00];
	v21 =	vmul.f32 v58, v6;
	[tilespmem:s0+$0x7BB0] =	vst v14  }
0x1de: {  	v36 =	vld [tilespmem:s0+$0x7C10];
	v12 =	vmul.f32 v26, v31;
	[tilespmem:s0+$0x7D00] =	vst v59  }
0x1df: {  	v37 =	vld [tilespmem:s0+$0x7C20];
	v10 =	vmul.f32 v30, v31;
	[tilespmem:s0+$0x7D50] =	vst v21  }
0x1e0: {  	v7 =	vld [tilespmem:s0+$0x7D90];
	v40 =	vbroadcast v2, $0x8;
	v8 =	vmul.f32 v32, v31;
	[tilespmem:s0+$0x7B80] =	vst v12  }
0x1e1: {  	v34 =	vld [tilespmem:s0+$0x7BF0];
	v9 =	vmul.f32 v33, v31;
	[tilespmem:s0+$0x7BC0] =	vst v10  }
0x1e2: {  	v57 =	vld [tilespmem:s0+$0x7D40];
	v11 =	vmul.f32 v35, v40;
	[tilespmem:s0+$0x7BD0] =	vst v8  }
0x1e3: {  	v61 =	vld [tilespmem:s0+$0x7800];
	v24 =	vbroadcast v2, $0xB;
	v13 =	vmul.f32 v36, v40;
	[tilespmem:s0+$0x7BE0] =	vst v9  }
0x1e4: {  	v4 =	vld [tilespmem:s0+$0x7FD0];
	v14 =	vmul.f32 v37, v40;
	[tilespmem:s0+$0x7C00] =	vst v11  }
0x1e5: {  	v38 =	vld [tilespmem:s0+$0x7C30];
	v5 =	vmul.f32 v5, v24;
	[tilespmem:s0+$0x7C10] =	vst v13  }
0x1e6: {  	v39 =	vld [tilespmem:s0+$0x7C40];
	v7 =	vmul.f32 v7, v24;
	[tilespmem:s0+$0x7C20] =	vst v14  }
0x1e7: {  	v41 =	vld [tilespmem:s0+$0x7C50];
	v19 =	vmul.f32 v57, v6;
	[tilespmem:s0+$0x7D80] =	vst v5  }
0x1e8: {  	v43 =	vld [tilespmem:s0+$0x7C70];
	v25 =	vmul.f32 v3, v61;
	[tilespmem:s0+$0x7D90] =	vst v7  }
0x1e9: {  	v44 =	vld [tilespmem:s0+$0x7C80];
	v12 =	vmul.f32 v34, v31;
	[tilespmem:s0+$0x7D40] =	vst v19  }
0x1ea: {  	v45 =	vld [tilespmem:s0+$0x7C90];
	v10 =	vmul.f32 v38, v40;
	[tilespmem:s0+$0x7800] =	vst v25  }
0x1eb: {  	v27 =	vld [tilespmem:s0+$0x7DD0];
	v8 =	vmul.f32 v39, v40;
	[tilespmem:s0+$0x7BF0] =	vst v12  }
0x1ec: {  	v49 =	vbroadcast v2, $0x9;
	v29 =	vld [tilespmem:s0+$0x7DF0];
	v9 =	vmul.f32 v41, v40;
	[tilespmem:s0+$0x7C30] =	vst v10  }
0x1ed: {  	v42 =	vld [tilespmem:s0+$0x7C60];
	v11 =	vmul.f32 v43, v40;
	[tilespmem:s0+$0x7C40] =	vst v8  }
0x1ee: {  	v46 =	vld [tilespmem:s0+$0x7CA0];
	v13 =	vmul.f32 v44, v49;
	[tilespmem:s0+$0x7C50] =	vst v9  }
0x1ef: {  	v47 =	vld [tilespmem:s0+$0x7CB0];
	v14 =	vmul.f32 v45, v49;
	[tilespmem:s0+$0x7C70] =	vst v11  }
0x1f0: {  	v48 =	vld [tilespmem:s0+$0x7CC0];
	v32 =	vmul.f32 v27, v24;
	[tilespmem:s0+$0x7C80] =	vst v13  }
0x1f1: {  	v51 =	vld [tilespmem:s0+$0x7CE0];
	v7 =	vmul.f32 v29, v24;
	[tilespmem:s0+$0x7C90] =	vst v14  }
0x1f2: {  	v52 =	vld [tilespmem:s0+$0x7CF0];
	v12 =	vmul.f32 v42, v40;
	[tilespmem:s0+$0x7DD0] =	vst v32  }
0x1f3: {  	v10 =	vmul.f32 v46, v49;
	[tilespmem:s0+$0x7DF0] =	vst v7  }
0x1f4: {  	v28 =	vld [tilespmem:s0+$0x7DE0];
	v8 =	vmul.f32 v47, v49;
	[tilespmem:s0+$0x7C60] =	vst v12  }
0x1f5: {  	v30 =	vld [tilespmem:s0+$0x7E00];
	v9 =	vmul.f32 v48, v49;
	[tilespmem:s0+$0x7CA0] =	vst v10  }
0x1f6: {  	v50 =	vld [tilespmem:s0+$0x7CD0];
	v5 =	vbroadcast v2, $0xF;
	v11 =	vmul.f32 v51, v49;
	[tilespmem:s0+$0x7CB0] =	vst v8  }
0x1f7: {  	v54 =	vld [tilespmem:s0+$0x7D10];
	v13 =	vmul.f32 v52, v49;
	[tilespmem:s0+$0x7CC0] =	vst v9  }
0x1f8: {  	v55 =	vld [tilespmem:s0+$0x7D20];
	v35 =	vbroadcast v2, $0xC;
	v4 =	vmul.f32 v4, v5;
	[tilespmem:s0+$0x7CE0] =	vst v11  }
0x1f9: {  	v56 =	vld [tilespmem:s0+$0x7D30];
	v40 =	vmul.f32 v28, v24;
	[tilespmem:s0+$0x7CF0] =	vst v13  }
0x1fa: {  	v60 =	vld [tilespmem:s0+$0x7D60];
	v16 =	vmul.f32 v30, v35;
	[tilespmem:s0+$0x7FD0] =	vst v4  }
0x1fb: {  	v62 =	vld [tilespmem:s0+$0x7810];
	v12 =	vmul.f32 v50, v49;
	[tilespmem:s0+$0x7DE0] =	vst v40  }
0x1fc: {  	v63 =	vld [tilespmem:s0+$0x7840];
	v10 =	vmul.f32 v54, v6;
	[tilespmem:s0+$0x7E00] =	vst v16  }
0x1fd: {  	v20 =	vld [tilespmem:s0+$0x7850];
	v8 =	vmul.f32 v55, v6;
	[tilespmem:s0+$0x7CD0] =	vst v12  }
0x1fe: {  	v33 =	vld [tilespmem:s0+$0x7E30];
	v9 =	vmul.f32 v56, v6;
	[tilespmem:s0+$0x7D10] =	vst v10  }
0x1ff: {  	v61 =	vld [tilespmem:s0+$0x7FF0];
	v6 =	vmul.f32 v60, v6;
	[tilespmem:s0+$0x7D20] =	vst v8  }
0x200: {  	v38 =	vld [tilespmem:s0+$0x7E70];
	v13 =	vmul.f32 v62, v3;
	[tilespmem:s0+$0x7D30] =	vst v9  }
0x201: {  	v22 =	vld [tilespmem:s0+$0x7DA0];
	v4 =	vmul.f32 v63, v3;
	[tilespmem:s0+$0x7D60] =	vst v6  }
0x202: {  	v23 =	vld [tilespmem:s0+$0x7DB0];
	v3 =	vmul.f32 v20, v3;
	[tilespmem:s0+$0x7810] =	vst v13  }
0x203: {  	v26 =	vld [tilespmem:s0+$0x7DC0];
	v62 =	vmul.f32 v33, v35;
	[tilespmem:s0+$0x7840] =	vst v4  }
0x204: {  	v31 =	vld [tilespmem:s0+$0x7E10];
	v63 =	vmul.f32 v61, v5;
	[tilespmem:s0+$0x7850] =	vst v3  }
0x205: {  	v34 =	vld [tilespmem:s0+$0x7E40];
	v16 =	vmul.f32 v38, v35;
	[tilespmem:s0+$0x7E30] =	vst v62  }
0x206: {  	v41 =	vld [tilespmem:s0+$0x7EA0];
	v8 =	vmul.f32 v22, v24;
	[tilespmem:s0+$0x7FF0] =	vst v63  }
0x207: {  	v46 =	vld [tilespmem:s0+$0x7EE0];
	v9 =	vmul.f32 v23, v24;
	[tilespmem:s0+$0x7E70] =	vst v16  }
0x208: {  	v6 =	vmul.f32 v26, v24;
	v3 =	vld [tilespmem:s0+$0x7E90];
	[tilespmem:s0+$0x7DA0] =	vst v8  }
0x209: {  	v36 =	vld [tilespmem:s0+$0x7E50];
	v44 =	vbroadcast v2, $0xD;
	v10 =	vmul.f32 v31, v35;
	[tilespmem:s0+$0x7DB0] =	vst v9  }
0x20a: {  	v37 =	vld [tilespmem:s0+$0x7E60];
	v13 =	vmul.f32 v34, v35;
	[tilespmem:s0+$0x7DC0] =	vst v6  }
0x20b: {  	v39 =	vld [tilespmem:s0+$0x7E80];
	v12 =	vmul.f32 v41, v44;
	[tilespmem:s0+$0x7E10] =	vst v10  }
0x20c: {  	v42 =	vld [tilespmem:s0+$0x7EB0];
	v51 =	vmul.f32 v46, v44;
	[tilespmem:s0+$0x7E40] =	vst v13  }
0x20d: {  	v48 =	vld [tilespmem:s0+$0x7F10];
	[tilespmem:s0+$0x7EA0] =	vst v12;
	v3 =	vmul.f32 v3, v44  }
0x20e: {  	v49 =	vld [tilespmem:s0+$0x7F20];
	v9 =	vmul.f32 v36, v35;
	[tilespmem:s0+$0x7EE0] =	vst v51  }
0x20f: {  	v6 =	vmul.f32 v37, v35;
	[tilespmem:s0+$0x7E90] =	vst v3;
	v3 =	vld [tilespmem:s0+$0x7F00]  }
0x210: {  	v2 =	vbroadcast v2, $0xE;
	v50 =	vld [tilespmem:s0+$0x7F30];
	v10 =	vmul.f32 v39, v44;
	[tilespmem:s0+$0x7E50] =	vst v9  }
0x211: {  	v45 =	vld [tilespmem:s0+$0x7ED0];
	v13 =	vmul.f32 v42, v44;
	[tilespmem:s0+$0x7E60] =	vst v6  }
0x212: {  	v47 =	vld [tilespmem:s0+$0x7EF0];
	v12 =	vmul.f32 v48, v2;
	[tilespmem:s0+$0x7E80] =	vst v10  }
0x213: {  	v43 =	vld [tilespmem:s0+$0x7EC0];
	v11 =	vmul.f32 v49, v2;
	[tilespmem:s0+$0x7EB0] =	vst v13  }
0x214: {  	v55 =	vld [tilespmem:s0+$0x7F80];
	[tilespmem:s0+$0x7F10] =	vst v12;
	v3 =	vmul.f32 v3, v2  }
0x215: {  	v57 =	vld [tilespmem:s0+$0x7FA0];
	v7 =	vmul.f32 v50, v2;
	[tilespmem:s0+$0x7F20] =	vst v11  }
0x216: {  	v6 =	vmul.f32 v45, v44;
	[tilespmem:s0+$0x7F00] =	vst v3;
	v3 =	vld [tilespmem:s0+$0x7F70]  }
0x217: {  	v52 =	vld [tilespmem:s0+$0x7F40];
	v10 =	vmul.f32 v47, v44;
	[tilespmem:s0+$0x7F30] =	vst v7  }
0x218: {  	v56 =	vld [tilespmem:s0+$0x7F90];
	v9 =	vmul.f32 v43, v44;
	[tilespmem:s0+$0x7ED0] =	vst v6  }
0x219: {  	v54 =	vld [tilespmem:s0+$0x7F60];
	v12 =	vmul.f32 v55, v5;
	[tilespmem:s0+$0x7EF0] =	vst v10  }
0x21a: {  	v58 =	vld [tilespmem:s0+$0x7FB0];
	v7 =	vmul.f32 v57, v5;
	[tilespmem:s0+$0x7EC0] =	vst v9  }
0x21b: {  	v53 =	vld [tilespmem:s0+$0x7F50];
	[tilespmem:s0+$0x7F80] =	vst v12;
	v3 =	vmul.f32 v3, v2  }
0x21c: {  	v59 =	vld [tilespmem:s0+$0x7FC0];
	v6 =	vmul.f32 v52, v2;
	[tilespmem:s0+$0x7FA0] =	vst v7  }
0x21d: {  	v60 =	vld [tilespmem:s0+$0x7FE0];
	[tilespmem:s0+$0x7F70] =	vst v3;
	v3 =	vmul.f32 v56, v5  }
0x21e: {  	v10 =	vmul.f32 v54, v2;
	[tilespmem:s0+$0x7F40] =	vst v6  }
0x21f: {  	v4 =	vld [tilespmem:s0+$0x7E20];
	[tilespmem:s0+$0x7F90] =	vst v3;
	v3 =	vmul.f32 v58, v5  }
0x220: {  	[tilespmem:s0+$0x7F60] =	vst v10;
	v2 =	vmul.f32 v53, v2  }
0x221: {  	[tilespmem:s0+$0x7FB0] =	vst v3;
	v3 =	vmul.f32 v59, v5  }
0x222: {  	[tilespmem:s0+$0x7F50] =	vst v2;
	v5 =	vmul.f32 v60, v5  }
0x223: {  	[tilespmem:s0+$0x7FC0] =	vst v3  }
0x224: {  	s1 =	simm.s32 $0x1;
	v3 =	vmul.f32 v4, v35;
	[tilespmem:s0+$0x7FE0] =	vst v5  }
.LBB2_9:
0x225: {  	s2 =	sshll.u32 s1, $0x4  }
0x226: {  	p1 =	sne.s32 s1, $0x7;
	[tilespmem:s0+$0x7E20] =	vst v3;
	s0 =	smov.u32 s1;
	s1 =	sadd.s32 $0x1, s1  }
0x227: {  	s2 =	sand.u32 $0x3FFFFFF0, s2  }
0x228: {  	v2 =	vld.idx.msk [tilespmem:v1+s2+$0x0 ss:$0x1], $0xffff  }
0x229: {  	s0 =	sshll.u32 s0, $0xB  }
0x22a: {  	s0 =	sand.u32 $0x3FFFF800, s0  }
0x22b: {  	v9 =	vld [tilespmem:s0+$0x78C0]  }
0x22c: {  	v10 =	vld [tilespmem:s0+$0x78D0]  }
0x22d: {  	v11 =	vld [tilespmem:s0+$0x78B0]  }
0x22e: {  	v3 =	vbroadcast v2, $0x0;
	v8 =	vbroadcast v2, $0x4;
	v4 =	vld [tilespmem:s0+$0x7820]  }
0x22f: {  	v6 =	vld [tilespmem:s0+$0x7830]  }
0x230: {  	v7 =	vld [tilespmem:s0+$0x7D70]  }
0x231: {  	v12 =	vld [tilespmem:s0+$0x7860]  }
0x232: {  	v13 =	vld [tilespmem:s0+$0x7870]  }
0x233: {  	v5 =	vbroadcast v2, $0xA;
	v4 =	vmul.f32 v4, v3;
	v14 =	vld [tilespmem:s0+$0x7880]  }
0x234: {  	v6 =	vmul.f32 v6, v3;
	v15 =	vld [tilespmem:s0+$0x7890]  }
0x235: {  	[tilespmem:s0+$0x7820] =	vst v4;
	v16 =	vld [tilespmem:s0+$0x78A0];
	v4 =	vmul.f32 v7, v5  }
0x236: {  	[tilespmem:s0+$0x7830] =	vst v6;
	v7 =	vmul.f32 v12, v3;
	v12 =	vbroadcast v2, $0x1;
	v6 =	vld [tilespmem:s0+$0x7D80]  }
0x237: {  	v13 =	vmul.f32 v13, v3;
	[tilespmem:s0+$0x7D70] =	vst v4;
	v4 =	vld [tilespmem:s0+$0x7FD0]  }
0x238: {  	[tilespmem:s0+$0x7860] =	vst v7;
	v14 =	vmul.f32 v14, v12;
	v7 =	vld [tilespmem:s0+$0x7D90]  }
0x239: {  	[tilespmem:s0+$0x7870] =	vst v13;
	v13 =	vmul.f32 v15, v12;
	v15 =	vld [tilespmem:s0+$0x78E0]  }
0x23a: {  	[tilespmem:s0+$0x7880] =	vst v14;
	v14 =	vmul.f32 v16, v12;
	v16 =	vld [tilespmem:s0+$0x78F0]  }
0x23b: {  	v11 =	vmul.f32 v11, v12;
	[tilespmem:s0+$0x7890] =	vst v13;
	v13 =	vld [tilespmem:s0+$0x7900]  }
0x23c: {  	v9 =	vmul.f32 v9, v12;
	[tilespmem:s0+$0x78A0] =	vst v14;
	v14 =	vld [tilespmem:s0+$0x7910]  }
0x23d: {  	v10 =	vmul.f32 v10, v12;
	[tilespmem:s0+$0x78B0] =	vst v11;
	v11 =	vld [tilespmem:s0+$0x7920]  }
0x23e: {  	[tilespmem:s0+$0x78C0] =	vst v9;
	v9 =	vmul.f32 v15, v12;
	v15 =	vbroadcast v2, $0x2;
	v17 =	vld [tilespmem:s0+$0x7930]  }
0x23f: {  	[tilespmem:s0+$0x78D0] =	vst v10;
	v10 =	vmul.f32 v16, v12;
	v12 =	vld [tilespmem:s0+$0x7940]  }
0x240: {  	[tilespmem:s0+$0x78E0] =	vst v9;
	v9 =	vmul.f32 v13, v15;
	v13 =	vld [tilespmem:s0+$0x7950]  }
0x241: {  	[tilespmem:s0+$0x78F0] =	vst v10;
	v10 =	vmul.f32 v14, v15;
	v14 =	vld [tilespmem:s0+$0x7960]  }
0x242: {  	[tilespmem:s0+$0x7900] =	vst v9;
	v9 =	vmul.f32 v11, v15;
	v11 =	vld [tilespmem:s0+$0x7970]  }
0x243: {  	[tilespmem:s0+$0x7910] =	vst v10;
	v10 =	vmul.f32 v17, v15;
	v16 =	vld [tilespmem:s0+$0x7980]  }
0x244: {  	[tilespmem:s0+$0x7920] =	vst v9;
	v9 =	vmul.f32 v12, v15;
	v12 =	vld [tilespmem:s0+$0x7990]  }
0x245: {  	[tilespmem:s0+$0x7930] =	vst v10;
	v10 =	vmul.f32 v13, v15;
	v13 =	vld [tilespmem:s0+$0x79A0]  }
0x246: {  	[tilespmem:s0+$0x7940] =	vst v9;
	v9 =	vmul.f32 v14, v15;
	v14 =	vbroadcast v2, $0x3;
	v17 =	vld [tilespmem:s0+$0x79B0]  }
0x247: {  	[tilespmem:s0+$0x7950] =	vst v10;
	v10 =	vmul.f32 v11, v15;
	v11 =	vld [tilespmem:s0+$0x79C0]  }
0x248: {  	[tilespmem:s0+$0x7960] =	vst v9;
	v9 =	vmul.f32 v16, v14;
	v15 =	vld [tilespmem:s0+$0x79D0]  }
0x249: {  	[tilespmem:s0+$0x7970] =	vst v10;
	v10 =	vmul.f32 v12, v14;
	v12 =	vld [tilespmem:s0+$0x79E0]  }
0x24a: {  	[tilespmem:s0+$0x7980] =	vst v9;
	v9 =	vmul.f32 v13, v14;
	v13 =	vld [tilespmem:s0+$0x79F0]  }
0x24b: {  	[tilespmem:s0+$0x7990] =	vst v10;
	v10 =	vmul.f32 v17, v14;
	v16 =	vld [tilespmem:s0+$0x7A00]  }
0x24c: {  	[tilespmem:s0+$0x79A0] =	vst v9;
	v9 =	vmul.f32 v11, v14;
	v11 =	vld [tilespmem:s0+$0x7A10]  }
0x24d: {  	[tilespmem:s0+$0x79B0] =	vst v10;
	v10 =	vmul.f32 v15, v14;
	v15 =	vld [tilespmem:s0+$0x7A20]  }
0x24e: {  	[tilespmem:s0+$0x79C0] =	vst v9;
	v9 =	vmul.f32 v12, v14;
	v12 =	vld [tilespmem:s0+$0x7A30]  }
0x24f: {  	[tilespmem:s0+$0x79D0] =	vst v10;
	v10 =	vmul.f32 v13, v14;
	v13 =	vld [tilespmem:s0+$0x7A40]  }
0x250: {  	[tilespmem:s0+$0x79E0] =	vst v9;
	v9 =	vmul.f32 v16, v8;
	v14 =	vld [tilespmem:s0+$0x7A50]  }
0x251: {  	[tilespmem:s0+$0x79F0] =	vst v10;
	v10 =	vmul.f32 v11, v8;
	v11 =	vld [tilespmem:s0+$0x7A60]  }
0x252: {  	[tilespmem:s0+$0x7A00] =	vst v9;
	v9 =	vmul.f32 v15, v8;
	v15 =	vld [tilespmem:s0+$0x7A70]  }
0x253: {  	[tilespmem:s0+$0x7A10] =	vst v10;
	v10 =	vmul.f32 v12, v8;
	v12 =	vld [tilespmem:s0+$0x7A80]  }
0x254: {  	[tilespmem:s0+$0x7A20] =	vst v9;
	v9 =	vmul.f32 v13, v8;
	v13 =	vld [tilespmem:s0+$0x7A90]  }
0x255: {  	[tilespmem:s0+$0x7A30] =	vst v10;
	v10 =	vmul.f32 v14, v8;
	v14 =	vld [tilespmem:s0+$0x7AA0]  }
0x256: {  	[tilespmem:s0+$0x7A40] =	vst v9;
	v9 =	vmul.f32 v11, v8;
	v11 =	vbroadcast v2, $0x5;
	v16 =	vld [tilespmem:s0+$0x7AB0]  }
0x257: {  	[tilespmem:s0+$0x7A50] =	vst v10;
	v8 =	vmul.f32 v15, v8;
	v10 =	vld [tilespmem:s0+$0x7AC0]  }
0x258: {  	[tilespmem:s0+$0x7A60] =	vst v9;
	v9 =	vmul.f32 v12, v11;
	v12 =	vld [tilespmem:s0+$0x7AD0]  }
0x259: {  	[tilespmem:s0+$0x7A70] =	vst v8;
	v8 =	vmul.f32 v13, v11;
	v13 =	vld [tilespmem:s0+$0x7AE0]  }
0x25a: {  	[tilespmem:s0+$0x7A80] =	vst v9;
	v9 =	vmul.f32 v14, v11;
	v14 =	vld [tilespmem:s0+$0x7AF0]  }
0x25b: {  	[tilespmem:s0+$0x7A90] =	vst v8;
	v8 =	vmul.f32 v16, v11;
	v15 =	vld [tilespmem:s0+$0x7B00]  }
0x25c: {  	[tilespmem:s0+$0x7AA0] =	vst v9;
	v9 =	vmul.f32 v10, v11;
	v10 =	vld [tilespmem:s0+$0x7B10]  }
0x25d: {  	[tilespmem:s0+$0x7AB0] =	vst v8;
	v8 =	vmul.f32 v12, v11;
	v12 =	vld [tilespmem:s0+$0x7B20]  }
0x25e: {  	[tilespmem:s0+$0x7AC0] =	vst v9;
	v9 =	vmul.f32 v13, v11;
	v13 =	vbroadcast v2, $0x6;
	v16 =	vld [tilespmem:s0+$0x7B30]  }
0x25f: {  	[tilespmem:s0+$0x7AD0] =	vst v8;
	v8 =	vmul.f32 v14, v11;
	v11 =	vld [tilespmem:s0+$0x7B40]  }
0x260: {  	[tilespmem:s0+$0x7AE0] =	vst v9;
	v9 =	vmul.f32 v15, v13;
	v14 =	vld [tilespmem:s0+$0x7B50]  }
0x261: {  	[tilespmem:s0+$0x7AF0] =	vst v8;
	v8 =	vmul.f32 v10, v13;
	v10 =	vld [tilespmem:s0+$0x7B60]  }
0x262: {  	[tilespmem:s0+$0x7B00] =	vst v9;
	v9 =	vmul.f32 v12, v13;
	v12 =	vld [tilespmem:s0+$0x7B70]  }
0x263: {  	[tilespmem:s0+$0x7B10] =	vst v8;
	v8 =	vmul.f32 v16, v13;
	v15 =	vld [tilespmem:s0+$0x7B80]  }
0x264: {  	[tilespmem:s0+$0x7B20] =	vst v9;
	v9 =	vmul.f32 v11, v13;
	v11 =	vld [tilespmem:s0+$0x7B90]  }
0x265: {  	[tilespmem:s0+$0x7B30] =	vst v8;
	v8 =	vmul.f32 v14, v13;
	v14 =	vld [tilespmem:s0+$0x7BA0]  }
0x266: {  	[tilespmem:s0+$0x7B40] =	vst v9;
	v9 =	vmul.f32 v10, v13;
	v10 =	vbroadcast v2, $0x7;
	v16 =	vld [tilespmem:s0+$0x7BB0]  }
0x267: {  	[tilespmem:s0+$0x7B50] =	vst v8;
	v8 =	vmul.f32 v12, v13;
	v12 =	vld [tilespmem:s0+$0x7BC0]  }
0x268: {  	[tilespmem:s0+$0x7B60] =	vst v9;
	v9 =	vmul.f32 v15, v10;
	v13 =	vld [tilespmem:s0+$0x7BD0]  }
0x269: {  	[tilespmem:s0+$0x7B70] =	vst v8;
	v8 =	vmul.f32 v11, v10;
	v11 =	vld [tilespmem:s0+$0x7BE0]  }
0x26a: {  	[tilespmem:s0+$0x7B80] =	vst v9;
	v9 =	vmul.f32 v14, v10;
	v14 =	vld [tilespmem:s0+$0x7BF0]  }
0x26b: {  	[tilespmem:s0+$0x7B90] =	vst v8;
	v8 =	vmul.f32 v16, v10;
	v15 =	vld [tilespmem:s0+$0x7C00]  }
0x26c: {  	[tilespmem:s0+$0x7BA0] =	vst v9;
	v9 =	vmul.f32 v12, v10;
	v12 =	vld [tilespmem:s0+$0x7C10]  }
0x26d: {  	[tilespmem:s0+$0x7BB0] =	vst v8;
	v8 =	vmul.f32 v13, v10;
	v13 =	vld [tilespmem:s0+$0x7C20]  }
0x26e: {  	[tilespmem:s0+$0x7BC0] =	vst v9;
	v9 =	vmul.f32 v11, v10;
	v11 =	vbroadcast v2, $0x8;
	v16 =	vld [tilespmem:s0+$0x7C30]  }
0x26f: {  	[tilespmem:s0+$0x7BD0] =	vst v8;
	v8 =	vmul.f32 v14, v10;
	v10 =	vld [tilespmem:s0+$0x7C40]  }
0x270: {  	[tilespmem:s0+$0x7BE0] =	vst v9;
	v9 =	vmul.f32 v15, v11;
	v14 =	vld [tilespmem:s0+$0x7C50]  }
0x271: {  	[tilespmem:s0+$0x7BF0] =	vst v8;
	v8 =	vmul.f32 v12, v11;
	v12 =	vld [tilespmem:s0+$0x7C60]  }
0x272: {  	[tilespmem:s0+$0x7C00] =	vst v9;
	v9 =	vmul.f32 v13, v11;
	v13 =	vld [tilespmem:s0+$0x7C70]  }
0x273: {  	[tilespmem:s0+$0x7C10] =	vst v8;
	v8 =	vmul.f32 v16, v11;
	v15 =	vld [tilespmem:s0+$0x7C80]  }
0x274: {  	[tilespmem:s0+$0x7C20] =	vst v9;
	v9 =	vmul.f32 v10, v11;
	v10 =	vld [tilespmem:s0+$0x7C90]  }
0x275: {  	[tilespmem:s0+$0x7C30] =	vst v8;
	v8 =	vmul.f32 v14, v11;
	v14 =	vld [tilespmem:s0+$0x7CA0]  }
0x276: {  	[tilespmem:s0+$0x7C40] =	vst v9;
	v9 =	vmul.f32 v12, v11;
	v12 =	vbroadcast v2, $0x9;
	v16 =	vld [tilespmem:s0+$0x7CB0]  }
0x277: {  	[tilespmem:s0+$0x7C50] =	vst v8;
	v8 =	vmul.f32 v13, v11;
	v11 =	vld [tilespmem:s0+$0x7CC0]  }
0x278: {  	[tilespmem:s0+$0x7C60] =	vst v9;
	v9 =	vmul.f32 v15, v12;
	v13 =	vld [tilespmem:s0+$0x7CD0]  }
0x279: {  	[tilespmem:s0+$0x7C70] =	vst v8;
	v8 =	vmul.f32 v10, v12;
	v10 =	vld [tilespmem:s0+$0x7CE0]  }
0x27a: {  	[tilespmem:s0+$0x7C80] =	vst v9;
	v9 =	vmul.f32 v14, v12;
	v14 =	vld [tilespmem:s0+$0x7CF0]  }
0x27b: {  	[tilespmem:s0+$0x7C90] =	vst v8;
	v8 =	vmul.f32 v16, v12;
	v15 =	vld [tilespmem:s0+$0x7D00]  }
0x27c: {  	[tilespmem:s0+$0x7CA0] =	vst v9;
	v9 =	vmul.f32 v11, v12;
	v11 =	vld [tilespmem:s0+$0x7D10]  }
0x27d: {  	[tilespmem:s0+$0x7CB0] =	vst v8;
	v8 =	vmul.f32 v13, v12;
	v13 =	vld [tilespmem:s0+$0x7D20]  }
0x27e: {  	[tilespmem:s0+$0x7CC0] =	vst v9;
	v9 =	vmul.f32 v10, v12;
	v10 =	vld [tilespmem:s0+$0x7D30]  }
0x27f: {  	[tilespmem:s0+$0x7CD0] =	vst v8;
	v8 =	vmul.f32 v14, v12;
	v12 =	vld [tilespmem:s0+$0x7D40]  }
0x280: {  	[tilespmem:s0+$0x7CE0] =	vst v9;
	v9 =	vmul.f32 v15, v5;
	v14 =	vld [tilespmem:s0+$0x7D50]  }
0x281: {  	[tilespmem:s0+$0x7CF0] =	vst v8;
	v8 =	vmul.f32 v11, v5;
	v11 =	vld [tilespmem:s0+$0x7D60]  }
0x282: {  	v15 =	vld [tilespmem:s0+$0x7800];
	[tilespmem:s0+$0x7D00] =	vst v9;
	v9 =	vmul.f32 v13, v5  }
0x283: {  	v13 =	vld [tilespmem:s0+$0x7810];
	[tilespmem:s0+$0x7D10] =	vst v8;
	v8 =	vmul.f32 v10, v5  }
0x284: {  	v10 =	vld [tilespmem:s0+$0x7840];
	[tilespmem:s0+$0x7D20] =	vst v9;
	v9 =	vmul.f32 v12, v5  }
0x285: {  	v12 =	vld [tilespmem:s0+$0x7850];
	[tilespmem:s0+$0x7D30] =	vst v8;
	v8 =	vmul.f32 v14, v5  }
0x286: {  	[tilespmem:s0+$0x7D40] =	vst v9;
	v9 =	vmul.f32 v11, v5;
	v11 =	vbroadcast v2, $0xB;
	v14 =	vld [tilespmem:s0+$0x7DA0]  }
0x287: {  	v5 =	vbroadcast v2, $0xF;
	v15 =	vmul.f32 v3, v15;
	[tilespmem:s0+$0x7D50] =	vst v8;
	v8 =	vld [tilespmem:s0+$0x7DB0]  }
0x288: {  	v13 =	vmul.f32 v13, v3;
	[tilespmem:s0+$0x7D60] =	vst v9;
	v6 =	vmul.f32 v6, v11;
	v9 =	vld [tilespmem:s0+$0x7DC0]  }
0x289: {  	v7 =	vmul.f32 v7, v11;
	[tilespmem:s0+$0x7800] =	vst v15;
	v10 =	vmul.f32 v10, v3;
	v15 =	vld [tilespmem:s0+$0x7DD0]  }
0x28a: {  	v4 =	vmul.f32 v4, v5;
	v12 =	vmul.f32 v12, v3;
	[tilespmem:s0+$0x7D80] =	vst v6;
	v3 =	vld [tilespmem:s0+$0x7DE0]  }
0x28b: {  	[tilespmem:s0+$0x7D90] =	vst v7;
	v6 =	vmul.f32 v14, v11;
	v7 =	vld [tilespmem:s0+$0x7DF0]  }
0x28c: {  	v8 =	vmul.f32 v8, v11;
	v14 =	vld [tilespmem:s0+$0x7E00];
	[tilespmem:s0+$0x7FD0] =	vst v4  }
0x28d: {  	[tilespmem:s0+$0x7810] =	vst v13;
	v4 =	vmul.f32 v9, v11;
	v9 =	vld [tilespmem:s0+$0x7E10]  }
0x28e: {  	[tilespmem:s0+$0x7840] =	vst v10;
	v10 =	vmul.f32 v15, v11;
	v13 =	vld [tilespmem:s0+$0x7E20]  }
0x28f: {  	v15 =	vbroadcast v2, $0xC;
	[tilespmem:s0+$0x7DA0] =	vst v6;
	v6 =	vmul.f32 v3, v11;
	v16 =	vld [tilespmem:s0+$0x7E30]  }
0x290: {  	[tilespmem:s0+$0x7DD0] =	vst v10;
	v7 =	vmul.f32 v7, v11;
	v10 =	vld [tilespmem:s0+$0x7E40]  }
0x291: {  	[tilespmem:s0+$0x7DB0] =	vst v8;
	v3 =	vmul.f32 v14, v15;
	v8 =	vld [tilespmem:s0+$0x7E50]  }
0x292: {  	[tilespmem:s0+$0x7DC0] =	vst v4;
	v4 =	vmul.f32 v9, v15;
	v9 =	vld [tilespmem:s0+$0x7E60]  }
0x293: {  	[tilespmem:s0+$0x7E00] =	vst v3;
	v3 =	vmul.f32 v13, v15;
	v11 =	vld [tilespmem:s0+$0x7E70]  }
0x294: {  	[tilespmem:s0+$0x7E10] =	vst v4;
	v4 =	vld [tilespmem:s0+$0x7E80]  }
0x295: {  	[tilespmem:s0+$0x7850] =	vst v12;
	v10 =	vmul.f32 v10, v15;
	v12 =	vld [tilespmem:s0+$0x7E90]  }
0x296: {  	[tilespmem:s0+$0x7DE0] =	vst v6;
	v6 =	vmul.f32 v8, v15;
	v8 =	vld [tilespmem:s0+$0x7EA0]  }
0x297: {  	[tilespmem:s0+$0x7E40] =	vst v10;
	v9 =	vmul.f32 v9, v15;
	v10 =	vbroadcast v2, $0xD;
	v13 =	vld [tilespmem:s0+$0x7EB0]  }
0x298: {  	[tilespmem:s0+$0x7E50] =	vst v6;
	v6 =	vmul.f32 v11, v15;
	v11 =	vld [tilespmem:s0+$0x7EC0]  }
0x299: {  	[tilespmem:s0+$0x7E60] =	vst v9;
	v4 =	vmul.f32 v4, v10;
	v9 =	vld [tilespmem:s0+$0x7ED0]  }
0x29a: {  	[tilespmem:s0+$0x7E70] =	vst v6;
	v6 =	vmul.f32 v12, v10;
	v12 =	vld [tilespmem:s0+$0x7EE0]  }
0x29b: {  	[tilespmem:s0+$0x7E80] =	vst v4;
	v4 =	vmul.f32 v8, v10;
	v8 =	vld [tilespmem:s0+$0x7EF0]  }
0x29c: {  	[tilespmem:s0+$0x7E90] =	vst v6;
	v6 =	vmul.f32 v13, v10;
	v13 =	vld [tilespmem:s0+$0x7F00]  }
0x29d: {  	[tilespmem:s0+$0x7EA0] =	vst v4;
	v4 =	vmul.f32 v11, v10;
	v11 =	vld [tilespmem:s0+$0x7F10]  }
0x29e: {  	[tilespmem:s0+$0x7EB0] =	vst v6;
	v6 =	vmul.f32 v9, v10;
	v9 =	vld [tilespmem:s0+$0x7F20]  }
0x29f: {  	v2 =	vbroadcast v2, $0xE;
	[tilespmem:s0+$0x7DF0] =	vst v7;
	v7 =	vmul.f32 v12, v10;
	v12 =	vld [tilespmem:s0+$0x7F30]  }
0x2a0: {  	[tilespmem:s0+$0x7ED0] =	vst v6;
	v6 =	vmul.f32 v8, v10;
	v8 =	vld [tilespmem:s0+$0x7F40]  }
0x2a1: {  	[tilespmem:s0+$0x7EE0] =	vst v7;
	v7 =	vmul.f32 v13, v2;
	v10 =	vld [tilespmem:s0+$0x7F50]  }
0x2a2: {  	[tilespmem:s0+$0x7EF0] =	vst v6;
	v6 =	vmul.f32 v11, v2;
	v11 =	vld [tilespmem:s0+$0x7F60]  }
0x2a3: {  	[tilespmem:s0+$0x7F00] =	vst v7;
	v7 =	vmul.f32 v9, v2;
	v9 =	vld [tilespmem:s0+$0x7F70]  }
0x2a4: {  	[tilespmem:s0+$0x7F10] =	vst v6;
	v6 =	vmul.f32 v12, v2;
	v12 =	vld [tilespmem:s0+$0x7F80]  }
0x2a5: {  	[tilespmem:s0+$0x7F20] =	vst v7;
	v7 =	vmul.f32 v8, v2;
	v8 =	vld [tilespmem:s0+$0x7F90]  }
0x2a6: {  	[tilespmem:s0+$0x7F30] =	vst v6;
	v6 =	vmul.f32 v10, v2;
	v10 =	vld [tilespmem:s0+$0x7FA0]  }
0x2a7: {  	[tilespmem:s0+$0x7F40] =	vst v7;
	v7 =	vmul.f32 v11, v2;
	v11 =	vld [tilespmem:s0+$0x7FB0]  }
0x2a8: {  	[tilespmem:s0+$0x7EC0] =	vst v4;
	v2 =	vmul.f32 v9, v2;
	v4 =	vld [tilespmem:s0+$0x7FC0]  }
0x2a9: {  	[tilespmem:s0+$0x7F60] =	vst v7;
	v7 =	vmul.f32 v12, v5;
	v9 =	vld [tilespmem:s0+$0x7FE0]  }
0x2aa: {  	[tilespmem:s0+$0x7F70] =	vst v2;
	v2 =	vmul.f32 v8, v5;
	v8 =	vld [tilespmem:s0+$0x7FF0]  }
0x2ab: {  	[tilespmem:s0+$0x7F80] =	vst v7;
	v7 =	vmul.f32 v10, v5  }
0x2ac: {  	[tilespmem:s0+$0x7F90] =	vst v2;
	v2 =	vmul.f32 v11, v5  }
0x2ad: {  	v10 =	vmul.f32 v16, v15;
	[tilespmem:s0+$0x7FA0] =	vst v7  }
0x2ae: {  	[tilespmem:s0+$0x7FB0] =	vst v2;
	v2 =	vmul.f32 v4, v5  }
.Ltmp7:
0x2af: {  	[tilespmem:s0+$0x7E30] =	vst v10;
	v4 =	vmul.f32 v8, v5;
	(pc) =	sbr.rel @p1 .LBB2_9-.Ltmp7, $4  }
0x2b0: {  	[tilespmem:s0+$0x7FC0] =	vst v2  }
0x2b1: {  	v2 =	vmul.f32 v9, v5;
	[tilespmem:s0+$0x7FF0] =	vst v4  }
0x2b2: {  	[tilespmem:s0+$0x7F50] =	vst v6  }
0x2b3: {  	[tilespmem:s0+$0x7FE0] =	vst v2  }
0x2b4: {  	s30 =	sadd.s32 $0x1, s30  }
0x2b5: {  	p1 =	sne.s32 s30, $0x4F  }
.Ltmp8:
0x2b6: {  	[tilespmem:s0+$0x7E20] =	vst v3;
	s31 =	sadd.s32 $0x2800, s31;
	(pc) =	sbr.rel @p1 .LBB2_8-.Ltmp8, $4  }
0x2b7: {  	[spmem:s3] =	stream.indirect.scatter.add.f32 [tilespmem:s25], [sflag:$0x2], $0x80, s31, s26, $0xb8;
	[tilespmem:$0x1F800] =	vst v63  }
0x2b8: {  	_ =	swait.ge [sflag:s22], $0x4000  }
0x2b9: {  	[sflag:s22] =	ssyncset.done $0x0  }
0x2ba: {  	[sflag:s22] =	ssyncadd.s32 $0xFFFFC000  }
.Ltmp9:
0x2bb: {  	(pc) =	sbr.rel .LBB2_12-.Ltmp9, $2  }
0x2bc: {  	_ =	sdelay $0x2  }
0x2bd: {  	s0 =	smov.u32 s7  }
.LBB2_13:
0x2be: {  	_ =	sfence.sel $0x180000  }
0x2bf: {  	[bflag:$0x0] =	sbarrier.arrive $0xFFFF  }
0x2c0: {  	_ =	strace $0x90000047  }
0x2c1: {  	s0 =	stileid.u32;
	[bflag:$0x2] =	sbarrier.arrive $0xFFFF  }
0x2c2: {  	p0 =	sne.s32 s0, $0x0;
	s0 =	rddreg [dreg:$0x3]  }
0x2c3: {  	s0 =	sadd.s32 @!p0 $0x100000, s0  }
0x2c4: {  	[sflag:s0] =	ssyncadd.tile.s32 @!p0 $0x1;
	_ =	shalt  }
.Lfunc_end2:
_tile_overlayer_lowered:
.L_overlay_start_2:
0x2c5: {  	(tag) =	ssettag $0x2  }
0x2c6: {  	s0 =	rddreg [dreg:$0x0];
	s2 =	stileid.u32  }
0x2c7: {  	s1 =	rddreg [dreg:$0x1];
	p0 =	sne.s32 s2, $0x0  }
0x2c8: {  	s3 =	rddreg [dreg:$0x2];
	[bflag:$0x3] =	sbarrier.arrive $0xFFFF;
	s2 =	simm.s32 @!p0 $0x1C02  }
0x2c9: {  	[timem:s3], [sflag:s2] =	dma.local @!p0 [hbm:s0], s1  }
0x2ca: {  	s0 =	simm.s32 @!p0 $0x2  }
0x2cb: {  	_ =	swait.ge @!p0 [sflag:s0], s1  }
0x2cc: {  	s1 =	ssub.s32 @!p0 $0x0, s1;
	[sflag:s0] =	ssyncset.done @!p0 $0x0  }
0x2cd: {  	[sflag:s0] =	ssyncadd.s32 @!p0 s1  }
0x2ce: {  	[bflag:$0x3] =	sbarrier.arrive $0xFFFF  }
0x2cf: {  	_ =	shalt  }

</sc_bundles>
